<compile_context>
chip_gen: v7x
topology: tpu7x:2x2x1
jax: 0.10.2.dev20260603
libtpu: 0.0.44.dev20260713+nightly
codegen_flags: <defaults>
</compile_context>

<pallas_src>
import dataclasses
import functools

import jax
import jax.numpy as jnp
from jax import lax
from jax.experimental import pallas as pl
from jax.experimental.pallas import tpu as pltpu
from jax.experimental.pallas import tpu_sc as plsc

C = 2048
E = 131072
D = 32
H = 32
K = 2
MSG_H = 64
MSG_O = 32
TAU = 0.1


_NC, _NS, _L = 2, 16, 16
_NW = _NC * _NS
_REG = 65536
_NREG = (C * C) // _REG
_ROUNDS = _NREG // _NW
_CH = 2048
_NCH = E // _CH


def _sc_compiler_params():
    cp = pltpu.CompilerParams()
    if "needs_layout_passes" in pltpu.CompilerParams.__dataclass_fields__:
        cp = dataclasses.replace(cp, needs_layout_passes=False)
    return cp


def _scatter_graphs(lin2d, v0, v1):
    mesh = plsc.VectorSubcoreMesh(core_axis_name="c", subcore_axis_name="s")

    @functools.partial(
        pl.kernel,
        out_type=jax.ShapeDtypeStruct((K, C * C), jnp.float32),
        mesh=mesh,
        scratch_types=[pltpu.VMEM((_REG,), jnp.float32)],
        compiler_params=_sc_compiler_params(),
    )
    def k(lin_hbm, v0_hbm, v1_hbm, out_hbm, reg):
        wid = lax.axis_index("s") * _NC + lax.axis_index("c")
        for kk in range(K):
            v_hbm = v0_hbm if kk == 0 else v1_hbm
            for rnd in range(_ROUNDS):
                base = (rnd * _NW + wid) * _REG

                @pl.loop(0, _REG // _L)
                def _(i):
                    reg[pl.ds(i * _L, _L)] = jnp.zeros((_L,), jnp.float32)

                def body(lin_v, val_v, base=base):
                    @pl.loop(0, _CH // _L)
                    def _(j):
                        idx = lin_v[0, pl.ds(j * _L, _L)]
                        off = idx - base
                        msk = (off >= 0) & (off < _REG)
                        offc = jnp.where(msk, off, 0)
                        val = val_v[0, pl.ds(j * _L, _L)]
                        plsc.store_scatter(reg, [offc], val, mask=msk)

                pltpu.emit_pipeline(
                    body,
                    grid=(_NCH,),
                    in_specs=[
                        pl.BlockSpec((1, _CH), lambda i: (i, 0)),
                        pl.BlockSpec((1, _CH), lambda i: (i, 0)),
                    ],
                )(lin_hbm, v_hbm)
                pltpu.sync_copy(reg, out_hbm.at[kk, pl.ds(base, _REG)])

    return k(lin2d, v0, v1)


def _mlp_body(x_ref, w1_ref, b1_ref, w2_ref, b2_ref, g_ref, be_ref, o_ref):
    x = x_ref[...]
    x = jnp.maximum(x @ w1_ref[...] + b1_ref[...], 0.0)
    x = jnp.maximum(x @ w2_ref[...] + b2_ref[...], 0.0)
    mean = jnp.mean(x, axis=0, keepdims=True)
    var = jnp.mean((x - mean) ** 2, axis=0, keepdims=True)
    x = (x - mean) * jax.lax.rsqrt(var + 1e-5)
    o_ref[...] = x * g_ref[...] + be_ref[...]


def _pallas_mlp(x, p, name):
    din = x.shape[1]
    dh = p[name + '_w1'].shape[1]
    dout = p[name + '_w2'].shape[1]
    return pl.pallas_call(
        _mlp_body,
        out_shape=jax.ShapeDtypeStruct((x.shape[0], dout), jnp.float32),
    )(x, p[name + '_w1'], p[name + '_b1'].reshape(1, dh),
      p[name + '_w2'], p[name + '_b2'].reshape(1, dout),
      p[name + '_g'].reshape(1, dout), p[name + '_be'].reshape(1, dout))


def _node2edge(x, send_idx, rec_idx):
    senders = jnp.take(x, send_idx, axis=0)
    receivers = jnp.take(x, rec_idx, axis=0)
    return jnp.concatenate([senders, receivers], axis=-1)


def kernel(data, params, send_idx, rec_idx):
    p = params
    def _xla_mlp(x, name):
        x = jax.nn.relu(x @ p[name + '_w1'] + p[name + '_b1'])
        x = jax.nn.relu(x @ p[name + '_w2'] + p[name + '_b2'])
        mean = jnp.mean(x, axis=0, keepdims=True)
        var = jnp.var(x, axis=0, keepdims=True)
        x = (x - mean) / jnp.sqrt(var + 1e-5)
        return x * p[name + '_g'] + p[name + '_be']

    x = _pallas_mlp(data, p, 'enc1')
    x = _node2edge(x, send_idx, rec_idx)
    x = _xla_mlp(x, 'enc2')
    x_skip = x
    x = jax.ops.segment_sum(x, rec_idx, num_segments=C) / C
    x = _pallas_mlp(x, p, 'enc3')
    x = _node2edge(x, send_idx, rec_idx)
    x = jnp.concatenate([x, x_skip], axis=-1)
    x = _xla_mlp(x, 'enc4')
    logits = x @ p['fc_out_w'] + p['fc_out_b']
    u = jax.random.uniform(jax.random.key(42), logits.shape, minval=1e-6, maxval=1.0 - 1e-6)
    g = -jnp.log(-jnp.log(u))
    edges = jax.nn.softmax((logits + g) / TAU, axis=-1)
    prob = jax.nn.softmax(logits, axis=-1)
    pre_msg = _node2edge(data, send_idx, rec_idx)
    all_msgs = jnp.zeros((pre_msg.shape[0], MSG_O), jnp.float32)
    for i in range(K):
        m = jax.nn.relu(pre_msg @ p['msg1_%d_w' % i] + p['msg1_%d_b' % i])
        m = jax.nn.relu(m @ p['msg2_%d_w' % i] + p['msg2_%d_b' % i])
        all_msgs = all_msgs + m * edges[:, i:i + 1]
    agg = jax.ops.segment_sum(all_msgs, rec_idx, num_segments=C) / C
    pred = jax.nn.relu(agg @ p['out1_w'] + p['out1_b'])
    output = pred @ p['out2_w'] + p['out2_b']
    lin2d = (send_idx * C + rec_idx).reshape(_NCH, _CH)
    v0 = edges[:, 0].reshape(_NCH, _CH)
    v1 = edges[:, 1].reshape(_NCH, _CH)
    graphs = _scatter_graphs(lin2d, v0, v1).reshape(K, C, C)
    return graphs, output, prob

# --- scband reference (transcript-rebuilt; emitter-appended) ---
"""Pipeline reference for scband-vae-20770461844056 (READ-ONLY COPY).

The authoritative reference and input builder live on the scoring server;
editing this copy changes nothing except your own understanding.
"""

import jax, jax.numpy as jnp
import numpy as np

C = 2048
E = 131072
D = 32
H = 32
K = 2
MSG_H = 64
MSG_O = 32
TAU = 0.1


def _lin(key, fan_in, fan_out):
    k1, k2 = jax.random.split(key)
    bound = 1.0 / np.sqrt(fan_in)
    w = jax.random.uniform(k1, (fan_in, fan_out), minval=-bound, maxval=bound, dtype=jnp.float32)
    b = jax.random.uniform(k2, (fan_out,), minval=-bound, maxval=bound, dtype=jnp.float32)
    return w, b


def setup_inputs(seed: int = 0):
    key = jax.random.key(seed)
    ks = iter(jax.random.split(key, 64))
    data = jax.random.normal(next(ks), (C, D), dtype=jnp.float32)
    send_idx = jax.random.randint(next(ks), (E,), 0, C, dtype=jnp.int32)
    rec_idx = jax.random.randint(next(ks), (E,), 0, C, dtype=jnp.int32)
    p = {}
    def add_mlp(name, din, dh, dout):
        p[name + '_w1'], p[name + '_b1'] = _lin(next(ks), din, dh)
        p[name + '_w2'], p[name + '_b2'] = _lin(next(ks), dh, dout)
        p[name + '_g'] = jnp.ones((dout,), jnp.float32)
        p[name + '_be'] = jnp.zeros((dout,), jnp.float32)
    add_mlp('enc1', D, H, H)
    add_mlp('enc2', 2 * H, H, H)
    add_mlp('enc3', H, H, H)
    add_mlp('enc4', 3 * H, H, H)
    p['fc_out_w'], p['fc_out_b'] = _lin(next(ks), H, K)
    for i in range(K):
        p['msg1_%d_w' % i], p['msg1_%d_b' % i] = _lin(next(ks), 2 * D, MSG_H)
        p['msg2_%d_w' % i], p['msg2_%d_b' % i] = _lin(next(ks), MSG_H, MSG_O)
    p['out1_w'], p['out1_b'] = _lin(next(ks), MSG_O, H)
    p['out2_w'], p['out2_b'] = _lin(next(ks), H, D)
    return {"data": data, "params": p, "send_idx": send_idx, "rec_idx": rec_idx}


def _mlp(x, p, name):
    # two-layer relu MLP + batch norm (train-mode batch stats, gamma/beta learned)
    x = jax.nn.relu(x @ p[name + '_w1'] + p[name + '_b1'])
    x = jax.nn.relu(x @ p[name + '_w2'] + p[name + '_b2'])
    mean = jnp.mean(x, axis=0, keepdims=True)
    var = jnp.var(x, axis=0, keepdims=True)
    x = (x - mean) / jnp.sqrt(var + 1e-5)
    return x * p[name + '_g'] + p[name + '_be']


def _node2edge(x, send_idx, rec_idx):
    # sp_send @ x and sp_rec @ x (one-hot sparse matmuls) == row gathers
    senders = jnp.take(x, send_idx, axis=0)
    receivers = jnp.take(x, rec_idx, axis=0)
    return jnp.concatenate([senders, receivers], axis=-1)


def _forward(data, p, send_idx, rec_idx):
    # --- MLPEncoder (NRI factor-graph encoder) ---
    x = _mlp(data, p, 'enc1')
    x = _node2edge(x, send_idx, rec_idx)
    x = _mlp(x, p, 'enc2')
    x_skip = x
    # edge2node: sp_rec_t @ x / concept_num == segment_sum over receiver / C
    x = jax.ops.segment_sum(x, rec_idx, num_segments=C) / C
    x = _mlp(x, p, 'enc3')
    x = _node2edge(x, send_idx, rec_idx)
    x = jnp.concatenate([x, x_skip], axis=-1)
    x = _mlp(x, p, 'enc4')
    logits = x @ p['fc_out_w'] + p['fc_out_b']  # [E, K]
    # gumbel-softmax sample (fixed noise key for determinism)
    u = jax.random.uniform(jax.random.key(42), logits.shape, minval=1e-6, maxval=1.0 - 1e-6)
    g = -jnp.log(-jnp.log(u))
    edges = jax.nn.softmax((logits + g) / TAU, axis=-1)
    prob = jax.nn.softmax(logits, axis=-1)
    # --- MLPDecoder ---
    pre_msg = _node2edge(data, send_idx, rec_idx)  # [E, 2D]
    all_msgs = jnp.zeros((pre_msg.shape[0], MSG_O), jnp.float32)
    for i in range(K):
        m = jax.nn.relu(pre_msg @ p['msg1_%d_w' % i] + p['msg1_%d_b' % i])
        m = jax.nn.relu(m @ p['msg2_%d_w' % i] + p['msg2_%d_b' % i])
        all_msgs = all_msgs + m * edges[:, i:i + 1]
    agg = jax.ops.segment_sum(all_msgs, rec_idx, num_segments=C) / C
    pred = jax.nn.relu(agg @ p['out1_w'] + p['out1_b'])
    output = pred @ p['out2_w'] + p['out2_b']  # [C, D]
    # --- _get_graph: index_put (scatter-overwrite) edge weights into dense [K,C,C] memory ---
    graphs = jnp.zeros((K, C, C), jnp.float32)
    for k in range(K):
        graphs = graphs.at[k, send_idx, rec_idx].set(edges[:, k])
    return graphs, output, prob


def reference(data, params, send_idx, rec_idx):
    return _forward(data, params, send_idx, rec_idx)

if __name__ == "__main__":
    import jax
    _d = setup_inputs()
    print(jax.jit(kernel)(*tuple(_d.values())))

</pallas_src>

<mosaic_0001>
#map = affine_map<(d0, d1) -> (0, 0)>
module attributes {stable_mosaic.version = 14 : i64} {
  func.func @k(%arg0: i32, %arg1: i32, %arg2: memref<64x2048xi32, #tpu.memory_space<hbm>>, %arg3: memref<64x2048xf32, #tpu.memory_space<hbm>>, %arg4: memref<64x2048xf32, #tpu.memory_space<hbm>>, %arg5: memref<2x4194304xf32, #tpu.memory_space<hbm>>, %arg6: memref<65536xf32, #tpu.memory_space<vmem>>) attributes {dimension_semantics = [#tpu.dimension_semantics<core_parallel>, #tpu.dimension_semantics<subcore_parallel>], iteration_bounds = array<i64: 2, 16>, scalar_prefetch = 0 : i64, scratch_operands = 1 : i64, tpu.core_type = #tpu.core_type<sc_vector_subcore>, window_params = [{transform_indices = #map}, {transform_indices = #map}, {transform_indices = #map}, {transform_indices = #map}]} {
    %mul3A = arith.constant 2 : i32
    %mul3A_0 = arith.muli %arg1, %mul3A : i32
    %add3A = arith.addi %mul3A_0, %arg0 : i32
    %add3A_1 = arith.constant 0 : i32
    %add3A_2 = arith.addi %add3A_1, %add3A : i32
    %mul3A_3 = arith.constant 65536 : i32
    %mul3A_4 = arith.muli %add3A_2, %mul3A_3 : i32
    %scan3A = arith.constant 0 : i32
    %scan3A_5 = arith.constant 4096 : i32
    %scan3A_6 = arith.addi %scan3A, %scan3A_5 : i32
    %scan3A_7 = arith.constant 1 : i32
    scf.for %scan3A_39 = %scan3A to %scan3A_6 step %scan3A_7  : i32 {
      %mul3A_40 = arith.constant 1 : i32
      %mul3A_41 = arith.muli %scan3A_39, %mul3A_40 : i32
      %add3A_42 = arith.constant 0 : i32
      %add3A_43 = arith.addi %add3A_42, %mul3A_41 : i32
      %broadcast_in_dim3A = arith.constant 0.000000e+00 : f32
      %broadcast_in_dim3A_44 = vector.broadcast %broadcast_in_dim3A : f32 to vector<16xf32>
      %mul3A_45 = arith.constant 16 : i32
      %mul3A_46 = arith.muli %add3A_43, %mul3A_45 : i32
      %swap3A = arith.index_cast %mul3A_46 : i32 to index
      %swap3A_47 = tpu.vector_load %arg6[%swap3A] {strides = array<i32>} : memref<65536xf32, #tpu.memory_space<vmem>>, vector<16xf32>,
      tpu.vector_store %arg6[%swap3A], %broadcast_in_dim3A_44 {strides = array<i32>} : memref<65536xf32, #tpu.memory_space<vmem>>, vector<16xf32>,
    }
    %scan3A_8 = arith.constant 4096 : i32
    "tpu.region"() ({
      %run_scoped3A_39 = memref.alloca() : memref<2x1x2048xi32, #tpu.memory_space<vmem>>
      %run_scoped3A_40 = tpu.sem_alloc : memref<2x!tpu.dma_semaphore, #tpu.memory_space<semaphore_mem>>
      %run_scoped3A_41 = memref.alloca() : memref<2x1x2048xf32, #tpu.memory_space<vmem>>
      %run_scoped3A_42 = tpu.sem_alloc : memref<2x!tpu.dma_semaphore, #tpu.memory_space<semaphore_mem>>
      %select_n3A = arith.constant true
      %select_n3A_43 = arith.constant 0 : i32
      %select_n3A_44 = arith.constant -1 : i32
      %select_n3A_45 = arith.select %select_n3A, %select_n3A_44, %select_n3A_43 : i32
      %eq3A = arith.constant -1 : i32
      %eq3A_46 = arith.cmpi eq, %select_n3A_45, %eq3A : i32
      %select_n3A_47 = arith.constant 63 : i32
      %select_n3A_48 = arith.select %eq3A_46, %select_n3A_47, %select_n3A_45 : i32
      %add3A_49 = arith.constant 0 : i32
      %add3A_50 = arith.addi %select_n3A_48, %add3A_49 : i32
      %select_n3A_51 = arith.constant true
      %select_n3A_52 = arith.constant 0 : i32
      %select_n3A_53 = arith.constant 1 : i32
      %select_n3A_54 = arith.select %select_n3A_51, %select_n3A_53, %select_n3A_52 : i32
      %eq3A_55 = arith.constant 64 : i32
      %eq3A_56 = arith.cmpi eq, %select_n3A_54, %eq3A_55 : i32
      %select_n3A_57 = arith.constant 0 : i32
      %select_n3A_58 = arith.select %eq3A_56, %select_n3A_57, %select_n3A_54 : i32
      %add3A_59 = arith.constant 0 : i32
      %add3A_60 = arith.addi %select_n3A_58, %add3A_59 : i32
      %add3A_61 = arith.constant 1 : i32
      %add3A_62 = arith.addi %select_n3A_58, %add3A_61 : i32
      %select_n3A_63 = arith.constant true
      %select_n3A_64 = arith.select %select_n3A_63, %add3A_62, %select_n3A_58 : i32
      %eq3A_65 = arith.constant 64 : i32
      %eq3A_66 = arith.cmpi eq, %select_n3A_64, %eq3A_65 : i32
      %select_n3A_67 = arith.constant 0 : i32
      %select_n3A_68 = arith.select %eq3A_66, %select_n3A_67, %select_n3A_64 : i32
      %add3A_69 = arith.constant 0 : i32
      %add3A_70 = arith.addi %select_n3A_68, %add3A_69 : i32
      "tpu.trace_start"() <{level = 10 : i32, message = "ep_initialize_0"}> : () -> ()
      %rem3A = arith.constant 0 : i32
      %rem3A_71 = arith.constant 2 : i32
      %rem3A_72 = arith.remui %rem3A, %rem3A_71 : i32
      %dma_start3A = arith.constant 0 : i32
      %dma_start3A_73 = arith.constant 0 : i32
      %dma_start3A_74 = tpu.memref_slice %run_scoped3A_39[%rem3A_72, %dma_start3A, %dma_start3A_73] : memref<2x1x2048xi32, #tpu.memory_space<vmem>> -> memref<1x1x2048xi32, #tpu.memory_space<vmem>>
      %dma_start3A_75 = tpu.memref_squeeze %dma_start3A_74 : memref<1x1x2048xi32, #tpu.memory_space<vmem>> -> memref<1x2048xi32, #tpu.memory_space<vmem>>
      %dma_start3A_76 = arith.constant 0 : i32
      %dma_start3A_77 = arith.constant 0 : i32
      %dma_start3A_78 = tpu.memref_slice %arg2[%dma_start3A_76, %dma_start3A_77] : memref<64x2048xi32, #tpu.memory_space<hbm>> -> memref<1x2048xi32, #tpu.memory_space<hbm>>
      %dma_start3A_79 = tpu.memref_slice %run_scoped3A_40[%rem3A_72] : memref<2x!tpu.dma_semaphore, #tpu.memory_space<semaphore_mem>> -> memref<1x!tpu.dma_semaphore, #tpu.memory_space<semaphore_mem>>
      %dma_start3A_80 = tpu.memref_squeeze %dma_start3A_79 : memref<1x!tpu.dma_semaphore, #tpu.memory_space<semaphore_mem>> -> memref<!tpu.dma_semaphore, #tpu.memory_space<semaphore_mem>>
      %dma_start3A_81 = arith.constant 0 : i32
      %dma_start3A_82 = arith.constant 0 : i32
      %dma_start3A_83 = tpu.memref_slice %run_scoped3A_39[%rem3A_72, %dma_start3A_81, %dma_start3A_82] : memref<2x1x2048xi32, #tpu.memory_space<vmem>> -> memref<1x1x2048xi32, #tpu.memory_space<vmem>>
      %dma_start3A_84 = tpu.memref_squeeze %dma_start3A_83 : memref<1x1x2048xi32, #tpu.memory_space<vmem>> -> memref<1x2048xi32, #tpu.memory_space<vmem>>
      %dma_start3A_85 = arith.constant 0 : i32
      %dma_start3A_86 = arith.constant 0 : i32
      %dma_start3A_87 = tpu.memref_slice %arg2[%dma_start3A_85, %dma_start3A_86] : memref<64x2048xi32, #tpu.memory_space<hbm>> -> memref<1x2048xi32, #tpu.memory_space<hbm>>
      tpu.enqueue_dma source(%dma_start3A_87 : memref<1x2048xi32, #tpu.memory_space<hbm>>) target(%dma_start3A_84 : memref<1x2048xi32, #tpu.memory_space<vmem>>) target_semaphore(%dma_start3A_80 : memref<!tpu.dma_semaphore, #tpu.memory_space<semaphore_mem>>)
      %add3A_88 = arith.constant 0 : i32
      %add3A_89 = arith.constant 1 : i32
      %add3A_90 = arith.addi %add3A_88, %add3A_89 : i32
      %select_n3A_91 = arith.constant true
      %select_n3A_92 = arith.constant 0 : i32
      %select_n3A_93 = arith.select %select_n3A_91, %add3A_90, %select_n3A_92 : i32
      %rem3A_94 = arith.constant 0 : i32
      %rem3A_95 = arith.constant 2 : i32
      %rem3A_96 = arith.remui %rem3A_94, %rem3A_95 : i32
      %dma_start3A_97 = arith.constant 0 : i32
      %dma_start3A_98 = arith.constant 0 : i32
      %dma_start3A_99 = tpu.memref_slice %run_scoped3A_41[%rem3A_96, %dma_start3A_97, %dma_start3A_98] : memref<2x1x2048xf32, #tpu.memory_space<vmem>> -> memref<1x1x2048xf32, #tpu.memory_space<vmem>>
      %dma_start3A_100 = tpu.memref_squeeze %dma_start3A_99 : memref<1x1x2048xf32, #tpu.memory_space<vmem>> -> memref<1x2048xf32, #tpu.memory_space<vmem>>
      %dma_start3A_101 = arith.constant 0 : i32
      %dma_start3A_102 = arith.constant 0 : i32
      %dma_start3A_103 = tpu.memref_slice %arg3[%dma_start3A_101, %dma_start3A_102] : memref<64x2048xf32, #tpu.memory_space<hbm>> -> memref<1x2048xf32, #tpu.memory_space<hbm>>
      %dma_start3A_104 = tpu.memref_slice %run_scoped3A_42[%rem3A_96] : memref<2x!tpu.dma_semaphore, #tpu.memory_space<semaphore_mem>> -> memref<1x!tpu.dma_semaphore, #tpu.memory_space<semaphore_mem>>
      %dma_start3A_105 = tpu.memref_squeeze %dma_start3A_104 : memref<1x!tpu.dma_semaphore, #tpu.memory_space<semaphore_mem>> -> memref<!tpu.dma_semaphore, #tpu.memory_space<semaphore_mem>>
      %dma_start3A_106 = arith.constant 0 : i32
      %dma_start3A_107 = arith.constant 0 : i32
      %dma_start3A_108 = tpu.memref_slice %run_scoped3A_41[%rem3A_96, %dma_start3A_106, %dma_start3A_107] : memref<2x1x2048xf32, #tpu.memory_space<vmem>> -> memref<1x1x2048xf32, #tpu.memory_space<vmem>>
      %dma_start3A_109 = tpu.memref_squeeze %dma_start3A_108 : memref<1x1x2048xf32, #tpu.memory_space<vmem>> -> memref<1x2048xf32, #tpu.memory_space<vmem>>
      %dma_start3A_110 = arith.constant 0 : i32
      %dma_start3A_111 = arith.constant 0 : i32
      %dma_start3A_112 = tpu.memref_slice %arg3[%dma_start3A_110, %dma_start3A_111] : memref<64x2048xf32, #tpu.memory_space<hbm>> -> memref<1x2048xf32, #tpu.memory_space<hbm>>
      tpu.enqueue_dma source(%dma_start3A_112 : memref<1x2048xf32, #tpu.memory_space<hbm>>) target(%dma_start3A_109 : memref<1x2048xf32, #tpu.memory_space<vmem>>) target_semaphore(%dma_start3A_105 : memref<!tpu.dma_semaphore, #tpu.memory_space<semaphore_mem>>)
      %add3A_113 = arith.constant 0 : i32
      %add3A_114 = arith.constant 1 : i32
      %add3A_115 = arith.addi %add3A_113, %add3A_114 : i32
      %select_n3A_116 = arith.constant true
      %select_n3A_117 = arith.constant 0 : i32
      %select_n3A_118 = arith.select %select_n3A_116, %add3A_115, %select_n3A_117 : i32
      "tpu.trace_stop"() : () -> ()
      %scan3A_119 = arith.constant 0 : i32
      %scan3A_120 = arith.constant 0 : i32
      %scan3A_121 = arith.constant 0 : i32
      %scan3A_122 = arith.constant 0 : i32
      %scan3A_123 = arith.constant 64 : i32
      %scan3A_124 = arith.addi %scan3A_122, %scan3A_123 : i32
      %scan3A_125 = arith.constant 1 : i32
      %scan3A_126:5 = scf.for %scan3A_167 = %scan3A_122 to %scan3A_124 step %scan3A_125 iter_args(%scan3A_168 = %select_n3A_93, %scan3A_169 = %scan3A_119, %scan3A_170 = %select_n3A_118, %scan3A_171 = %scan3A_120, %scan3A_172 = %scan3A_121) -> (i32, i32, i32, i32, i32)  : i32 {
        %eq3A_173 = arith.constant 0 : i32
        %eq3A_174 = arith.cmpi eq, %scan3A_167, %eq3A_173 : i32
        %eq3A_175 = arith.constant 63 : i32
        %eq3A_176 = arith.cmpi eq, %scan3A_167, %eq3A_175 : i32
        %add3A_177 = arith.constant 0 : i32
        %add3A_178 = arith.addi %scan3A_172, %add3A_177 : i32
        %sub3A_179 = arith.constant 1 : i32
        %sub3A_180 = arith.subi %scan3A_172, %sub3A_179 : i32
        %select_n3A_181 = arith.constant true
        %select_n3A_182 = arith.select %select_n3A_181, %sub3A_180, %scan3A_172 : i32
        %eq3A_183 = arith.constant -1 : i32
        %eq3A_184 = arith.cmpi eq, %select_n3A_182, %eq3A_183 : i32
        %select_n3A_185 = arith.constant 63 : i32
        %select_n3A_186 = arith.select %eq3A_184, %select_n3A_185, %select_n3A_182 : i32
        %add3A_187 = arith.constant 0 : i32
        %add3A_188 = arith.addi %select_n3A_186, %add3A_187 : i32
        %add3A_189 = arith.constant 1 : i32
        %add3A_190 = arith.addi %scan3A_172, %add3A_189 : i32
        %select_n3A_191 = arith.constant true
        %select_n3A_192 = arith.select %select_n3A_191, %add3A_190, %scan3A_172 : i32
        %eq3A_193 = arith.constant 64 : i32
        %eq3A_194 = arith.cmpi eq, %select_n3A_192, %eq3A_193 : i32
        %select_n3A_195 = arith.constant 0 : i32
        %select_n3A_196 = arith.select %eq3A_194, %select_n3A_195, %select_n3A_192 : i32
        %add3A_197 = arith.constant 0 : i32
        %add3A_198 = arith.addi %select_n3A_196, %add3A_197 : i32
        %add3A_199 = arith.constant 1 : i32
        %add3A_200 = arith.addi %select_n3A_196, %add3A_199 : i32
        %select_n3A_201 = arith.constant true
        %select_n3A_202 = arith.select %select_n3A_201, %add3A_200, %select_n3A_196 : i32
        %eq3A_203 = arith.constant 64 : i32
        %eq3A_204 = arith.cmpi eq, %select_n3A_202, %eq3A_203 : i32
        %select_n3A_205 = arith.constant 0 : i32
        %select_n3A_206 = arith.select %eq3A_204, %select_n3A_205, %select_n3A_202 : i32
        %add3A_207 = arith.constant 0 : i32
        %add3A_208 = arith.addi %select_n3A_206, %add3A_207 : i32
        %ne3A = arith.cmpi ne, %add3A_178, %add3A_198 : i32
        %or3A = arith.constant false
        %or3A_209 = arith.ori %or3A, %ne3A : i1
        %or3A_210 = arith.constant false
        %or3A_211 = arith.ori %or3A_209, %or3A_210 : i1
        %ge3A = arith.constant 63 : i32
        %ge3A_212 = arith.cmpi sge, %scan3A_167, %ge3A : i32
        %not3A = arith.constant true
        %not3A_213 = arith.xori %ge3A_212, %not3A : i1
        %and3A = arith.andi %or3A_211, %not3A_213 : i1
        %convert_element_type3A = arith.extui %and3A : i1 to i32
        %cond3A = arith.constant 0 : i32
        %cond3A_214 = arith.cmpi ne, %convert_element_type3A, %cond3A : i32
        scf.if %cond3A_214 {
          "tpu.trace_start"() <{level = 10 : i32, message = "ep_copy_in"}> : () -> ()
          %rem3A_339 = arith.constant 2 : i32
          %rem3A_340 = arith.remui %scan3A_168, %rem3A_339 : i32
          %mul3A_341 = arith.constant 1 : i32
          %mul3A_342 = arith.muli %mul3A_341, %add3A_198 : i32
          %dma_start3A_343 = arith.constant 0 : i32
          %dma_start3A_344 = arith.constant 0 : i32
          %dma_start3A_345 = tpu.memref_slice %run_scoped3A_39[%rem3A_340, %dma_start3A_343, %dma_start3A_344] : memref<2x1x2048xi32, #tpu.memory_space<vmem>> -> memref<1x1x2048xi32, #tpu.memory_space<vmem>>
          %dma_start3A_346 = tpu.memref_squeeze %dma_start3A_345 : memref<1x1x2048xi32, #tpu.memory_space<vmem>> -> memref<1x2048xi32, #tpu.memory_space<vmem>>
          %dma_start3A_347 = arith.constant 0 : i32
          %dma_start3A_348 = tpu.memref_slice %arg2[%mul3A_342, %dma_start3A_347] : memref<64x2048xi32, #tpu.memory_space<hbm>> -> memref<1x2048xi32, #tpu.memory_space<hbm>>
          %dma_start3A_349 = tpu.memref_slice %run_scoped3A_40[%rem3A_340] : memref<2x!tpu.dma_semaphore, #tpu.memory_space<semaphore_mem>> -> memref<1x!tpu.dma_semaphore, #tpu.memory_space<semaphore_mem>>
          %dma_start3A_350 = tpu.memref_squeeze %dma_start3A_349 : memref<1x!tpu.dma_semaphore, #tpu.memory_space<semaphore_mem>> -> memref<!tpu.dma_semaphore, #tpu.memory_space<semaphore_mem>>
          %dma_start3A_351 = arith.constant 0 : i32
          %dma_start3A_352 = arith.constant 0 : i32
          %dma_start3A_353 = tpu.memref_slice %run_scoped3A_39[%rem3A_340, %dma_start3A_351, %dma_start3A_352] : memref<2x1x2048xi32, #tpu.memory_space<vmem>> -> memref<1x1x2048xi32, #tpu.memory_space<vmem>>
          %dma_start3A_354 = tpu.memref_squeeze %dma_start3A_353 : memref<1x1x2048xi32, #tpu.memory_space<vmem>> -> memref<1x2048xi32, #tpu.memory_space<vmem>>
          %dma_start3A_355 = arith.constant 0 : i32
          %dma_start3A_356 = tpu.memref_slice %arg2[%mul3A_342, %dma_start3A_355] : memref<64x2048xi32, #tpu.memory_space<hbm>> -> memref<1x2048xi32, #tpu.memory_space<hbm>>
          tpu.enqueue_dma source(%dma_start3A_356 : memref<1x2048xi32, #tpu.memory_space<hbm>>) target(%dma_start3A_354 : memref<1x2048xi32, #tpu.memory_space<vmem>>) target_semaphore(%dma_start3A_350 : memref<!tpu.dma_semaphore, #tpu.memory_space<semaphore_mem>>)
          "tpu.trace_stop"() : () -> ()
        } else {
        }
        %and3A_215 = arith.constant true
        %and3A_216 = arith.andi %and3A, %and3A_215 : i1
        %add3A_217 = arith.constant 1 : i32
        %add3A_218 = arith.addi %scan3A_168, %add3A_217 : i32
        %select_n3A_219 = arith.select %and3A_216, %add3A_218, %scan3A_168 : i32
        %ne3A_220 = arith.cmpi ne, %add3A_178, %add3A_198 : i32
        %or3A_221 = arith.constant false
        %or3A_222 = arith.ori %or3A_221, %ne3A_220 : i1
        %or3A_223 = arith.constant false
        %or3A_224 = arith.ori %or3A_222, %or3A_223 : i1
        %ge3A_225 = arith.constant 63 : i32
        %ge3A_226 = arith.cmpi sge, %scan3A_167, %ge3A_225 : i32
        %not3A_227 = arith.constant true
        %not3A_228 = arith.xori %ge3A_226, %not3A_227 : i1
        %and3A_229 = arith.andi %or3A_224, %not3A_228 : i1
        %convert_element_type3A_230 = arith.extui %and3A_229 : i1 to i32
        %cond3A_231 = arith.constant 0 : i32
        %cond3A_232 = arith.cmpi ne, %convert_element_type3A_230, %cond3A_231 : i32
        scf.if %cond3A_232 {
          "tpu.trace_start"() <{level = 10 : i32, message = "ep_copy_in"}> : () -> ()
          %rem3A_339 = arith.constant 2 : i32
          %rem3A_340 = arith.remui %scan3A_170, %rem3A_339 : i32
          %mul3A_341 = arith.constant 1 : i32
          %mul3A_342 = arith.muli %mul3A_341, %add3A_198 : i32
          %dma_start3A_343 = arith.constant 0 : i32
          %dma_start3A_344 = arith.constant 0 : i32
          %dma_start3A_345 = tpu.memref_slice %run_scoped3A_41[%rem3A_340, %dma_start3A_343, %dma_start3A_344] : memref<2x1x2048xf32, #tpu.memory_space<vmem>> -> memref<1x1x2048xf32, #tpu.memory_space<vmem>>
          %dma_start3A_346 = tpu.memref_squeeze %dma_start3A_345 : memref<1x1x2048xf32, #tpu.memory_space<vmem>> -> memref<1x2048xf32, #tpu.memory_space<vmem>>
          %dma_start3A_347 = arith.constant 0 : i32
          %dma_start3A_348 = tpu.memref_slice %arg3[%mul3A_342, %dma_start3A_347] : memref<64x2048xf32, #tpu.memory_space<hbm>> -> memref<1x2048xf32, #tpu.memory_space<hbm>>
          %dma_start3A_349 = tpu.memref_slice %run_scoped3A_42[%rem3A_340] : memref<2x!tpu.dma_semaphore, #tpu.memory_space<semaphore_mem>> -> memref<1x!tpu.dma_semaphore, #tpu.memory_space<semaphore_mem>>
          %dma_start3A_350 = tpu.memref_squeeze %dma_start3A_349 : memref<1x!tpu.dma_semaphore, #tpu.memory_space<semaphore_mem>> -> memref<!tpu.dma_semaphore, #tpu.memory_space<semaphore_mem>>
          %dma_start3A_351 = arith.constant 0 : i32
          %dma_start3A_352 = arith.constant 0 : i32
          %dma_start3A_353 = tpu.memref_slice %run_scoped3A_41[%rem3A_340, %dma_start3A_351, %dma_start3A_352] : memref<2x1x2048xf32, #tpu.memory_space<vmem>> -> memref<1x1x2048xf32, #tpu.memory_space<vmem>>
          %dma_start3A_354 = tpu.memref_squeeze %dma_start3A_353 : memref<1x1x2048xf32, #tpu.memory_space<vmem>> -> memref<1x2048xf32, #tpu.memory_space<vmem>>
          %dma_start3A_355 = arith.constant 0 : i32
          %dma_start3A_356 = tpu.memref_slice %arg3[%mul3A_342, %dma_start3A_355] : memref<64x2048xf32, #tpu.memory_space<hbm>> -> memref<1x2048xf32, #tpu.memory_space<hbm>>
          tpu.enqueue_dma source(%dma_start3A_356 : memref<1x2048xf32, #tpu.memory_space<hbm>>) target(%dma_start3A_354 : memref<1x2048xf32, #tpu.memory_space<vmem>>) target_semaphore(%dma_start3A_350 : memref<!tpu.dma_semaphore, #tpu.memory_space<semaphore_mem>>)
          "tpu.trace_stop"() : () -> ()
        } else {
        }
        %and3A_233 = arith.constant true
        %and3A_234 = arith.andi %and3A_229, %and3A_233 : i1
        %add3A_235 = arith.constant 1 : i32
        %add3A_236 = arith.addi %scan3A_170, %add3A_235 : i32
        %select_n3A_237 = arith.select %and3A_234, %add3A_236, %scan3A_170 : i32
        %ne3A_238 = arith.cmpi ne, %add3A_178, %add3A_188 : i32
        %or3A_239 = arith.constant false
        %or3A_240 = arith.ori %or3A_239, %ne3A_238 : i1
        %or3A_241 = arith.constant false
        %or3A_242 = arith.ori %or3A_240, %or3A_241 : i1
        %or3A_243 = arith.ori %or3A_242, %eq3A_174 : i1
        %convert_element_type3A_244 = arith.extui %or3A_243 : i1 to i32
        %cond3A_245 = arith.constant 0 : i32
        %cond3A_246 = arith.cmpi ne, %convert_element_type3A_244, %cond3A_245 : i32
        scf.if %cond3A_246 {
          "tpu.trace_start"() <{level = 10 : i32, message = "ep_wait_in"}> : () -> ()
          %mul3A_339 = arith.constant 1 : i32
          %mul3A_340 = arith.muli %mul3A_339, %add3A_178 : i32
          %rem3A_341 = arith.constant 2 : i32
          %rem3A_342 = arith.remui %scan3A_169, %rem3A_341 : i32
          %dma_wait3A = arith.constant 0 : i32
          %dma_wait3A_343 = arith.constant 0 : i32
          %dma_wait3A_344 = tpu.memref_slice %run_scoped3A_39[%rem3A_342, %dma_wait3A, %dma_wait3A_343] : memref<2x1x2048xi32, #tpu.memory_space<vmem>> -> memref<1x1x2048xi32, #tpu.memory_space<vmem>>
          %dma_wait3A_345 = tpu.memref_squeeze %dma_wait3A_344 : memref<1x1x2048xi32, #tpu.memory_space<vmem>> -> memref<1x2048xi32, #tpu.memory_space<vmem>>
          %dma_wait3A_346 = arith.constant 0 : i32
          %dma_wait3A_347 = tpu.memref_slice %arg2[%mul3A_340, %dma_wait3A_346] : memref<64x2048xi32, #tpu.memory_space<hbm>> -> memref<1x2048xi32, #tpu.memory_space<hbm>>
          %dma_wait3A_348 = tpu.memref_slice %run_scoped3A_40[%rem3A_342] : memref<2x!tpu.dma_semaphore, #tpu.memory_space<semaphore_mem>> -> memref<1x!tpu.dma_semaphore, #tpu.memory_space<semaphore_mem>>
          %dma_wait3A_349 = tpu.memref_squeeze %dma_wait3A_348 : memref<1x!tpu.dma_semaphore, #tpu.memory_space<semaphore_mem>> -> memref<!tpu.dma_semaphore, #tpu.memory_space<semaphore_mem>>
          %dma_wait3A_350 = arith.constant 0 : i32
          %dma_wait3A_351 = arith.constant 0 : i32
          %dma_wait3A_352 = tpu.memref_slice %run_scoped3A_39[%rem3A_342, %dma_wait3A_350, %dma_wait3A_351] : memref<2x1x2048xi32, #tpu.memory_space<vmem>> -> memref<1x1x2048xi32, #tpu.memory_space<vmem>>
          %dma_wait3A_353 = tpu.memref_squeeze %dma_wait3A_352 : memref<1x1x2048xi32, #tpu.memory_space<vmem>> -> memref<1x2048xi32, #tpu.memory_space<vmem>>
          %dma_wait3A_354 = arith.constant 0 : i32
          %dma_wait3A_355 = tpu.memref_slice %arg2[%mul3A_340, %dma_wait3A_354] : memref<64x2048xi32, #tpu.memory_space<hbm>> -> memref<1x2048xi32, #tpu.memory_space<hbm>>
          tpu.wait_dma2 semaphore(%dma_wait3A_349 : memref<!tpu.dma_semaphore, #tpu.memory_space<semaphore_mem>>) src(%dma_wait3A_355 : memref<1x2048xi32, #tpu.memory_space<hbm>>) dst(%dma_wait3A_353 : memref<1x2048xi32, #tpu.memory_space<vmem>>)
          "tpu.trace_stop"() : () -> ()
        } else {
        }
        %ne3A_247 = arith.cmpi ne, %add3A_178, %add3A_188 : i32
        %or3A_248 = arith.constant false
        %or3A_249 = arith.ori %or3A_248, %ne3A_247 : i1
        %or3A_250 = arith.constant false
        %or3A_251 = arith.ori %or3A_249, %or3A_250 : i1
        %or3A_252 = arith.ori %or3A_251, %eq3A_174 : i1
        %convert_element_type3A_253 = arith.extui %or3A_252 : i1 to i32
        %cond3A_254 = arith.constant 0 : i32
        %cond3A_255 = arith.cmpi ne, %convert_element_type3A_253, %cond3A_254 : i32
        scf.if %cond3A_255 {
          "tpu.trace_start"() <{level = 10 : i32, message = "ep_wait_in"}> : () -> ()
          %mul3A_339 = arith.constant 1 : i32
          %mul3A_340 = arith.muli %mul3A_339, %add3A_178 : i32
          %rem3A_341 = arith.constant 2 : i32
          %rem3A_342 = arith.remui %scan3A_171, %rem3A_341 : i32
          %dma_wait3A = arith.constant 0 : i32
          %dma_wait3A_343 = arith.constant 0 : i32
          %dma_wait3A_344 = tpu.memref_slice %run_scoped3A_41[%rem3A_342, %dma_wait3A, %dma_wait3A_343] : memref<2x1x2048xf32, #tpu.memory_space<vmem>> -> memref<1x1x2048xf32, #tpu.memory_space<vmem>>
          %dma_wait3A_345 = tpu.memref_squeeze %dma_wait3A_344 : memref<1x1x2048xf32, #tpu.memory_space<vmem>> -> memref<1x2048xf32, #tpu.memory_space<vmem>>
          %dma_wait3A_346 = arith.constant 0 : i32
          %dma_wait3A_347 = tpu.memref_slice %arg3[%mul3A_340, %dma_wait3A_346] : memref<64x2048xf32, #tpu.memory_space<hbm>> -> memref<1x2048xf32, #tpu.memory_space<hbm>>
          %dma_wait3A_348 = tpu.memref_slice %run_scoped3A_42[%rem3A_342] : memref<2x!tpu.dma_semaphore, #tpu.memory_space<semaphore_mem>> -> memref<1x!tpu.dma_semaphore, #tpu.memory_space<semaphore_mem>>
          %dma_wait3A_349 = tpu.memref_squeeze %dma_wait3A_348 : memref<1x!tpu.dma_semaphore, #tpu.memory_space<semaphore_mem>> -> memref<!tpu.dma_semaphore, #tpu.memory_space<semaphore_mem>>
          %dma_wait3A_350 = arith.constant 0 : i32
          %dma_wait3A_351 = arith.constant 0 : i32
          %dma_wait3A_352 = tpu.memref_slice %run_scoped3A_41[%rem3A_342, %dma_wait3A_350, %dma_wait3A_351] : memref<2x1x2048xf32, #tpu.memory_space<vmem>> -> memref<1x1x2048xf32, #tpu.memory_space<vmem>>
          %dma_wait3A_353 = tpu.memref_squeeze %dma_wait3A_352 : memref<1x1x2048xf32, #tpu.memory_space<vmem>> -> memref<1x2048xf32, #tpu.memory_space<vmem>>
          %dma_wait3A_354 = arith.constant 0 : i32
          %dma_wait3A_355 = tpu.memref_slice %arg3[%mul3A_340, %dma_wait3A_354] : memref<64x2048xf32, #tpu.memory_space<hbm>> -> memref<1x2048xf32, #tpu.memory_space<hbm>>
          tpu.wait_dma2 semaphore(%dma_wait3A_349 : memref<!tpu.dma_semaphore, #tpu.memory_space<semaphore_mem>>) src(%dma_wait3A_355 : memref<1x2048xf32, #tpu.memory_space<hbm>>) dst(%dma_wait3A_353 : memref<1x2048xf32, #tpu.memory_space<vmem>>)
          "tpu.trace_stop"() : () -> ()
        } else {
        }
        %rem3A_256 = arith.constant 2 : i32
        %rem3A_257 = arith.remui %scan3A_169, %rem3A_256 : i32
        %rem3A_258 = arith.constant 2 : i32
        %rem3A_259 = arith.remui %scan3A_171, %rem3A_258 : i32
        "tpu.trace_start"() <{level = 10 : i32, message = "ep_run_kernel"}> : () -> ()
        %scan3A_260 = arith.constant 0 : i32
        %scan3A_261 = arith.constant 128 : i32
        %scan3A_262 = arith.addi %scan3A_260, %scan3A_261 : i32
        %scan3A_263 = arith.constant 1 : i32
        scf.for %scan3A_339 = %scan3A_260 to %scan3A_262 step %scan3A_263  : i32 {
          %mul3A_340 = arith.constant 1 : i32
          %mul3A_341 = arith.muli %scan3A_339, %mul3A_340 : i32
          %add3A_342 = arith.constant 0 : i32
          %add3A_343 = arith.addi %add3A_342, %mul3A_341 : i32
          %mul3A_344 = arith.constant 16 : i32
          %mul3A_345 = arith.muli %add3A_343, %mul3A_344 : i32
          %get3A = arith.constant 0 : i32
          %get3A_346 = arith.constant 0 : i32
          %get3A_347 = arith.constant 0 : i32
          %get3A_348 = tpu.memref_slice %run_scoped3A_39[%rem3A_257, %get3A_346, %get3A_347] : memref<2x1x2048xi32, #tpu.memory_space<vmem>> -> memref<1x1x2048xi32, #tpu.memory_space<vmem>>
          %get3A_349 = tpu.memref_squeeze %get3A_348 : memref<1x1x2048xi32, #tpu.memory_space<vmem>> -> memref<1x2048xi32, #tpu.memory_space<vmem>>
          %get3A_350 = arith.index_cast %get3A : i32 to index
          %get3A_351 = arith.index_cast %mul3A_345 : i32 to index
          %get3A_352 = tpu.vector_load %get3A_349[%get3A_350, %get3A_351] {strides = array<i32>} : memref<1x2048xi32, #tpu.memory_space<vmem>>, vector<16xi32>,
          %sub3A_353 = vector.broadcast %mul3A_4 : i32 to vector<16xi32>
          %sub3A_354 = arith.subi %get3A_352, %sub3A_353 : vector<16xi32>
          %ge3A_355 = arith.constant 0 : i32
          %ge3A_356 = vector.broadcast %ge3A_355 : i32 to vector<16xi32>
          %ge3A_357 = arith.cmpi sge, %sub3A_354, %ge3A_356 : vector<16xi32>
          %lt3A = arith.constant 65536 : i32
          %lt3A_358 = vector.broadcast %lt3A : i32 to vector<16xi32>
          %lt3A_359 = arith.cmpi slt, %sub3A_354, %lt3A_358 : vector<16xi32>
          %and3A_360 = arith.andi %ge3A_357, %lt3A_359 : vector<16xi1>
          %jit3A = arith.constant 0 : i32
          %broadcast_in_dim3A = vector.broadcast %jit3A : i32 to vector<16xi32>
          %select_n3A_361 = arith.select %and3A_360, %sub3A_354, %broadcast_in_dim3A : vector<16xi1>, vector<16xi32>
          %mul3A_362 = arith.constant 16 : i32
          %mul3A_363 = arith.muli %add3A_343, %mul3A_362 : i32
          %get3A_364 = arith.constant 0 : i32
          %get3A_365 = arith.constant 0 : i32
          %get3A_366 = arith.constant 0 : i32
          %get3A_367 = tpu.memref_slice %run_scoped3A_41[%rem3A_259, %get3A_365, %get3A_366] : memref<2x1x2048xf32, #tpu.memory_space<vmem>> -> memref<1x1x2048xf32, #tpu.memory_space<vmem>>
          %get3A_368 = tpu.memref_squeeze %get3A_367 : memref<1x1x2048xf32, #tpu.memory_space<vmem>> -> memref<1x2048xf32, #tpu.memory_space<vmem>>
          %get3A_369 = arith.index_cast %get3A_364 : i32 to index
          %get3A_370 = arith.index_cast %mul3A_363 : i32 to index
          %get3A_371 = tpu.vector_load %get3A_368[%get3A_369, %get3A_370] {strides = array<i32>} : memref<1x2048xf32, #tpu.memory_space<vmem>>, vector<16xf32>,
          tpu.vector_store_idx %arg6[%select_n3A_361], %get3A_371 masked %and3A_360 : memref<65536xf32, #tpu.memory_space<vmem>>[vector<16xi32>], vector<16xf32>, vector<16xi1>
        }
        %scan3A_264 = arith.constant 128 : i32
        "tpu.trace_stop"() : () -> ()
        %ne3A_265 = arith.cmpi ne, %add3A_178, %add3A_198 : i32
        %or3A_266 = arith.constant false
        %or3A_267 = arith.ori %or3A_266, %ne3A_265 : i1
        %or3A_268 = arith.constant false
        %or3A_269 = arith.ori %or3A_267, %or3A_268 : i1
        %or3A_270 = arith.ori %or3A_269, %eq3A_176 : i1
        %convert_element_type3A_271 = arith.extui %or3A_270 : i1 to i32
        %cond3A_272 = arith.constant 0 : i32
        %cond3A_273 = arith.cmpi ne, %convert_element_type3A_271, %cond3A_272 : i32
        scf.if %cond3A_273 {
        } else {
        }
        %and3A_274 = arith.constant false
        %and3A_275 = arith.andi %or3A_270, %and3A_274 : i1
        %ne3A_276 = arith.cmpi ne, %add3A_178, %add3A_198 : i32
        %or3A_277 = arith.constant false
        %or3A_278 = arith.ori %or3A_277, %ne3A_276 : i1
        %or3A_279 = arith.constant false
        %or3A_280 = arith.ori %or3A_278, %or3A_279 : i1
        %or3A_281 = arith.ori %or3A_280, %eq3A_176 : i1
        %convert_element_type3A_282 = arith.extui %or3A_281 : i1 to i32
        %cond3A_283 = arith.constant 0 : i32
        %cond3A_284 = arith.cmpi ne, %convert_element_type3A_282, %cond3A_283 : i32
        scf.if %cond3A_284 {
        } else {
        }
        %and3A_285 = arith.constant false
        %and3A_286 = arith.andi %or3A_281, %and3A_285 : i1
        %ne3A_287 = arith.cmpi ne, %add3A_178, %add3A_188 : i32
        %or3A_288 = arith.constant false
        %or3A_289 = arith.ori %or3A_288, %ne3A_287 : i1
        %or3A_290 = arith.constant false
        %or3A_291 = arith.ori %or3A_289, %or3A_290 : i1
        %not3A_292 = arith.constant true
        %not3A_293 = arith.xori %eq3A_174, %not3A_292 : i1
        %and3A_294 = arith.andi %or3A_291, %not3A_293 : i1
        %convert_element_type3A_295 = arith.extui %and3A_294 : i1 to i32
        %cond3A_296 = arith.constant 0 : i32
        %cond3A_297 = arith.cmpi ne, %convert_element_type3A_295, %cond3A_296 : i32
        scf.if %cond3A_297 {
        } else {
        }
        %and3A_298 = arith.constant false
        %and3A_299 = arith.andi %and3A_294, %and3A_298 : i1
        %ne3A_300 = arith.cmpi ne, %add3A_178, %add3A_188 : i32
        %or3A_301 = arith.constant false
        %or3A_302 = arith.ori %or3A_301, %ne3A_300 : i1
        %or3A_303 = arith.constant false
        %or3A_304 = arith.ori %or3A_302, %or3A_303 : i1
        %not3A_305 = arith.constant true
        %not3A_306 = arith.xori %eq3A_174, %not3A_305 : i1
        %and3A_307 = arith.andi %or3A_304, %not3A_306 : i1
        %convert_element_type3A_308 = arith.extui %and3A_307 : i1 to i32
        %cond3A_309 = arith.constant 0 : i32
        %cond3A_310 = arith.cmpi ne, %convert_element_type3A_308, %cond3A_309 : i32
        scf.if %cond3A_310 {
        } else {
        }
        %and3A_311 = arith.constant false
        %and3A_312 = arith.andi %and3A_307, %and3A_311 : i1
        %ne3A_313 = arith.cmpi ne, %add3A_178, %add3A_198 : i32
        %or3A_314 = arith.constant false
        %or3A_315 = arith.ori %or3A_314, %ne3A_313 : i1
        %or3A_316 = arith.constant false
        %or3A_317 = arith.ori %or3A_315, %or3A_316 : i1
        %or3A_318 = arith.ori %or3A_317, %eq3A_176 : i1
        %add3A_319 = arith.constant 1 : i32
        %add3A_320 = arith.addi %scan3A_169, %add3A_319 : i32
        %select_n3A_321 = arith.select %or3A_318, %add3A_320, %scan3A_169 : i32
        %ne3A_322 = arith.cmpi ne, %add3A_178, %add3A_198 : i32
        %or3A_323 = arith.constant false
        %or3A_324 = arith.ori %or3A_323, %ne3A_322 : i1
        %or3A_325 = arith.constant false
        %or3A_326 = arith.ori %or3A_324, %or3A_325 : i1
        %or3A_327 = arith.ori %or3A_326, %eq3A_176 : i1
        %add3A_328 = arith.constant 1 : i32
        %add3A_329 = arith.addi %scan3A_171, %add3A_328 : i32
        %select_n3A_330 = arith.select %or3A_327, %add3A_329, %scan3A_171 : i32
        %add3A_331 = arith.constant 1 : i32
        %add3A_332 = arith.addi %scan3A_172, %add3A_331 : i32
        %select_n3A_333 = arith.constant true
        %select_n3A_334 = arith.select %select_n3A_333, %add3A_332, %scan3A_172 : i32
        %eq3A_335 = arith.constant 64 : i32
        %eq3A_336 = arith.cmpi eq, %select_n3A_334, %eq3A_335 : i32
        %select_n3A_337 = arith.constant 0 : i32
        %select_n3A_338 = arith.select %eq3A_336, %select_n3A_337, %select_n3A_334 : i32
        scf.yield %select_n3A_219, %select_n3A_321, %select_n3A_237, %select_n3A_330, %select_n3A_338 : i32, i32, i32, i32, i32
      }
      %scan3A_127 = arith.constant 64 : i32
      %sub3A = arith.constant 1 : i32
      %sub3A_128 = arith.subi %scan3A_126#4, %sub3A : i32
      %select_n3A_129 = arith.constant true
      %select_n3A_130 = arith.select %select_n3A_129, %sub3A_128, %scan3A_126#4 : i32
      %eq3A_131 = arith.constant -1 : i32
      %eq3A_132 = arith.cmpi eq, %select_n3A_130, %eq3A_131 : i32
      %select_n3A_133 = arith.constant 63 : i32
      %select_n3A_134 = arith.select %eq3A_132, %select_n3A_133, %select_n3A_130 : i32
      %add3A_135 = arith.constant 0 : i32
      %add3A_136 = arith.addi %select_n3A_134, %add3A_135 : i32
      %sub3A_137 = arith.constant 1 : i32
      %sub3A_138 = arith.subi %select_n3A_134, %sub3A_137 : i32
      %select_n3A_139 = arith.constant true
      %select_n3A_140 = arith.select %select_n3A_139, %sub3A_138, %select_n3A_134 : i32
      %eq3A_141 = arith.constant -1 : i32
      %eq3A_142 = arith.cmpi eq, %select_n3A_140, %eq3A_141 : i32
      %select_n3A_143 = arith.constant 63 : i32
      %select_n3A_144 = arith.select %eq3A_142, %select_n3A_143, %select_n3A_140 : i32
      %add3A_145 = arith.constant 0 : i32
      %add3A_146 = arith.addi %select_n3A_144, %add3A_145 : i32
      %add3A_147 = arith.constant 1 : i32
      %add3A_148 = arith.addi %select_n3A_134, %add3A_147 : i32
      %select_n3A_149 = arith.constant true
      %select_n3A_150 = arith.select %select_n3A_149, %add3A_148, %select_n3A_134 : i32
      %eq3A_151 = arith.constant 64 : i32
      %eq3A_152 = arith.cmpi eq, %select_n3A_150, %eq3A_151 : i32
      %select_n3A_153 = arith.constant 0 : i32
      %select_n3A_154 = arith.select %eq3A_152, %select_n3A_153, %select_n3A_150 : i32
      %add3A_155 = arith.constant 0 : i32
      %add3A_156 = arith.addi %select_n3A_154, %add3A_155 : i32
      %add3A_157 = arith.constant 1 : i32
      %add3A_158 = arith.addi %select_n3A_154, %add3A_157 : i32
      %select_n3A_159 = arith.constant true
      %select_n3A_160 = arith.select %select_n3A_159, %add3A_158, %select_n3A_154 : i32
      %eq3A_161 = arith.constant 64 : i32
      %eq3A_162 = arith.cmpi eq, %select_n3A_160, %eq3A_161 : i32
      %select_n3A_163 = arith.constant 0 : i32
      %select_n3A_164 = arith.select %eq3A_162, %select_n3A_163, %select_n3A_160 : i32
      %add3A_165 = arith.constant 0 : i32
      %add3A_166 = arith.addi %select_n3A_164, %add3A_165 : i32
      tpu.yield
    }) : () -> ()
    %run_scoped3A = arith.constant 0 : i32
    "tpu.region"() ({
      %run_scoped3A_39 = tpu.sem_alloc : memref<!tpu.dma_semaphore, #tpu.memory_space<semaphore_mem>>
      %dma_start3A = tpu.memref_slice %arg5[%run_scoped3A, %mul3A_4] : memref<2x4194304xf32, #tpu.memory_space<hbm>> -> memref<1x65536xf32, #tpu.memory_space<hbm>>
      %dma_start3A_40 = tpu.memref_squeeze %dma_start3A : memref<1x65536xf32, #tpu.memory_space<hbm>> -> memref<65536xf32, #tpu.memory_space<hbm>>
      %dma_start3A_41 = tpu.memref_slice %arg5[%run_scoped3A, %mul3A_4] : memref<2x4194304xf32, #tpu.memory_space<hbm>> -> memref<1x65536xf32, #tpu.memory_space<hbm>>
      %dma_start3A_42 = tpu.memref_squeeze %dma_start3A_41 : memref<1x65536xf32, #tpu.memory_space<hbm>> -> memref<65536xf32, #tpu.memory_space<hbm>>
      tpu.enqueue_dma source(%arg6 : memref<65536xf32, #tpu.memory_space<vmem>>) target(%dma_start3A_42 : memref<65536xf32, #tpu.memory_space<hbm>>) target_semaphore(%run_scoped3A_39 : memref<!tpu.dma_semaphore, #tpu.memory_space<semaphore_mem>>)
      %dma_wait3A = tpu.memref_slice %arg5[%run_scoped3A, %mul3A_4] : memref<2x4194304xf32, #tpu.memory_space<hbm>> -> memref<1x65536xf32, #tpu.memory_space<hbm>>
      %dma_wait3A_43 = tpu.memref_squeeze %dma_wait3A : memref<1x65536xf32, #tpu.memory_space<hbm>> -> memref<65536xf32, #tpu.memory_space<hbm>>
      %dma_wait3A_44 = tpu.memref_slice %arg5[%run_scoped3A, %mul3A_4] : memref<2x4194304xf32, #tpu.memory_space<hbm>> -> memref<1x65536xf32, #tpu.memory_space<hbm>>
      %dma_wait3A_45 = tpu.memref_squeeze %dma_wait3A_44 : memref<1x65536xf32, #tpu.memory_space<hbm>> -> memref<65536xf32, #tpu.memory_space<hbm>>
      tpu.wait_dma2 semaphore(%run_scoped3A_39 : memref<!tpu.dma_semaphore, #tpu.memory_space<semaphore_mem>>) src(%arg6 : memref<65536xf32, #tpu.memory_space<vmem>>) dst(%dma_wait3A_45 : memref<65536xf32, #tpu.memory_space<hbm>>)
      tpu.yield
    }) : () -> ()
    %add3A_9 = arith.constant 32 : i32
    %add3A_10 = arith.addi %add3A_9, %add3A : i32
    %mul3A_11 = arith.constant 65536 : i32
    %mul3A_12 = arith.muli %add3A_10, %mul3A_11 : i32
    %scan3A_13 = arith.constant 0 : i32
    %scan3A_14 = arith.constant 4096 : i32
    %scan3A_15 = arith.addi %scan3A_13, %scan3A_14 : i32
    %scan3A_16 = arith.constant 1 : i32
    scf.for %scan3A_39 = %scan3A_13 to %scan3A_15 step %scan3A_16  : i32 {
      %mul3A_40 = arith.constant 1 : i32
      %mul3A_41 = arith.muli %scan3A_39, %mul3A_40 : i32
      %add3A_42 = arith.constant 0 : i32
      %add3A_43 = arith.addi %add3A_42, %mul3A_41 : i32
      %broadcast_in_dim3A = arith.constant 0.000000e+00 : f32
      %broadcast_in_dim3A_44 = vector.broadcast %broadcast_in_dim3A : f32 to vector<16xf32>
      %mul3A_45 = arith.constant 16 : i32
      %mul3A_46 = arith.muli %add3A_43, %mul3A_45 : i32
      %swap3A = arith.index_cast %mul3A_46 : i32 to index
      %swap3A_47 = tpu.vector_load %arg6[%swap3A] {strides = array<i32>} : memref<65536xf32, #tpu.memory_space<vmem>>, vector<16xf32>,
      tpu.vector_store %arg6[%swap3A], %broadcast_in_dim3A_44 {strides = array<i32>} : memref<65536xf32, #tpu.memory_space<vmem>>, vector<16xf32>,
    }
    %scan3A_17 = arith.constant 4096 : i32
    "tpu.region"() ({
      %run_scoped3A_39 = memref.alloca() : memref<2x1x2048xi32, #tpu.memory_space<vmem>>
      %run_scoped3A_40 = tpu.sem_alloc : memref<2x!tpu.dma_semaphore, #tpu.memory_space<semaphore_mem>>
      %run_scoped3A_41 = memref.alloca() : memref<2x1x2048xf32, #tpu.memory_space<vmem>>
      %run_scoped3A_42 = tpu.sem_alloc : memref<2x!tpu.dma_semaphore, #tpu.memory_space<semaphore_mem>>
      %select_n3A = arith.constant true
      %select_n3A_43 = arith.constant 0 : i32
      %select_n3A_44 = arith.constant -1 : i32
      %select_n3A_45 = arith.select %select_n3A, %select_n3A_44, %select_n3A_43 : i32
      %eq3A = arith.constant -1 : i32
      %eq3A_46 = arith.cmpi eq, %select_n3A_45, %eq3A : i32
      %select_n3A_47 = arith.constant 63 : i32
      %select_n3A_48 = arith.select %eq3A_46, %select_n3A_47, %select_n3A_45 : i32
      %add3A_49 = arith.constant 0 : i32
      %add3A_50 = arith.addi %select_n3A_48, %add3A_49 : i32
      %select_n3A_51 = arith.constant true
      %select_n3A_52 = arith.constant 0 : i32
      %select_n3A_53 = arith.constant 1 : i32
      %select_n3A_54 = arith.select %select_n3A_51, %select_n3A_53, %select_n3A_52 : i32
      %eq3A_55 = arith.constant 64 : i32
      %eq3A_56 = arith.cmpi eq, %select_n3A_54, %eq3A_55 : i32
      %select_n3A_57 = arith.constant 0 : i32
      %select_n3A_58 = arith.select %eq3A_56, %select_n3A_57, %select_n3A_54 : i32
      %add3A_59 = arith.constant 0 : i32
      %add3A_60 = arith.addi %select_n3A_58, %add3A_59 : i32
      %add3A_61 = arith.constant 1 : i32
      %add3A_62 = arith.addi %select_n3A_58, %add3A_61 : i32
      %select_n3A_63 = arith.constant true
      %select_n3A_64 = arith.select %select_n3A_63, %add3A_62, %select_n3A_58 : i32
      %eq3A_65 = arith.constant 64 : i32
      %eq3A_66 = arith.cmpi eq, %select_n3A_64, %eq3A_65 : i32
      %select_n3A_67 = arith.constant 0 : i32
      %select_n3A_68 = arith.select %eq3A_66, %select_n3A_67, %select_n3A_64 : i32
      %add3A_69 = arith.constant 0 : i32
      %add3A_70 = arith.addi %select_n3A_68, %add3A_69 : i32
      "tpu.trace_start"() <{level = 10 : i32, message = "ep_initialize_0"}> : () -> ()
      %rem3A = arith.constant 0 : i32
      %rem3A_71 = arith.constant 2 : i32
      %rem3A_72 = arith.remui %rem3A, %rem3A_71 : i32
      %dma_start3A = arith.constant 0 : i32
      %dma_start3A_73 = arith.constant 0 : i32
      %dma_start3A_74 = tpu.memref_slice %run_scoped3A_39[%rem3A_72, %dma_start3A, %dma_start3A_73] : memref<2x1x2048xi32, #tpu.memory_space<vmem>> -> memref<1x1x2048xi32, #tpu.memory_space<vmem>>
      %dma_start3A_75 = tpu.memref_squeeze %dma_start3A_74 : memref<1x1x2048xi32, #tpu.memory_space<vmem>> -> memref<1x2048xi32, #tpu.memory_space<vmem>>
      %dma_start3A_76 = arith.constant 0 : i32
      %dma_start3A_77 = arith.constant 0 : i32
      %dma_start3A_78 = tpu.memref_slice %arg2[%dma_start3A_76, %dma_start3A_77] : memref<64x2048xi32, #tpu.memory_space<hbm>> -> memref<1x2048xi32, #tpu.memory_space<hbm>>
      %dma_start3A_79 = tpu.memref_slice %run_scoped3A_40[%rem3A_72] : memref<2x!tpu.dma_semaphore, #tpu.memory_space<semaphore_mem>> -> memref<1x!tpu.dma_semaphore, #tpu.memory_space<semaphore_mem>>
      %dma_start3A_80 = tpu.memref_squeeze %dma_start3A_79 : memref<1x!tpu.dma_semaphore, #tpu.memory_space<semaphore_mem>> -> memref<!tpu.dma_semaphore, #tpu.memory_space<semaphore_mem>>
      %dma_start3A_81 = arith.constant 0 : i32
      %dma_start3A_82 = arith.constant 0 : i32
      %dma_start3A_83 = tpu.memref_slice %run_scoped3A_39[%rem3A_72, %dma_start3A_81, %dma_start3A_82] : memref<2x1x2048xi32, #tpu.memory_space<vmem>> -> memref<1x1x2048xi32, #tpu.memory_space<vmem>>
      %dma_start3A_84 = tpu.memref_squeeze %dma_start3A_83 : memref<1x1x2048xi32, #tpu.memory_space<vmem>> -> memref<1x2048xi32, #tpu.memory_space<vmem>>
      %dma_start3A_85 = arith.constant 0 : i32
      %dma_start3A_86 = arith.constant 0 : i32
      %dma_start3A_87 = tpu.memref_slice %arg2[%dma_start3A_85, %dma_start3A_86] : memref<64x2048xi32, #tpu.memory_space<hbm>> -> memref<1x2048xi32, #tpu.memory_space<hbm>>
      tpu.enqueue_dma source(%dma_start3A_87 : memref<1x2048xi32, #tpu.memory_space<hbm>>) target(%dma_start3A_84 : memref<1x2048xi32, #tpu.memory_space<vmem>>) target_semaphore(%dma_start3A_80 : memref<!tpu.dma_semaphore, #tpu.memory_space<semaphore_mem>>)
      %add3A_88 = arith.constant 0 : i32
      %add3A_89 = arith.constant 1 : i32
      %add3A_90 = arith.addi %add3A_88, %add3A_89 : i32
      %select_n3A_91 = arith.constant true
      %select_n3A_92 = arith.constant 0 : i32
      %select_n3A_93 = arith.select %select_n3A_91, %add3A_90, %select_n3A_92 : i32
      %rem3A_94 = arith.constant 0 : i32
      %rem3A_95 = arith.constant 2 : i32
      %rem3A_96 = arith.remui %rem3A_94, %rem3A_95 : i32
      %dma_start3A_97 = arith.constant 0 : i32
      %dma_start3A_98 = arith.constant 0 : i32
      %dma_start3A_99 = tpu.memref_slice %run_scoped3A_41[%rem3A_96, %dma_start3A_97, %dma_start3A_98] : memref<2x1x2048xf32, #tpu.memory_space<vmem>> -> memref<1x1x2048xf32, #tpu.memory_space<vmem>>
      %dma_start3A_100 = tpu.memref_squeeze %dma_start3A_99 : memref<1x1x2048xf32, #tpu.memory_space<vmem>> -> memref<1x2048xf32, #tpu.memory_space<vmem>>
      %dma_start3A_101 = arith.constant 0 : i32
      %dma_start3A_102 = arith.constant 0 : i32
      %dma_start3A_103 = tpu.memref_slice %arg3[%dma_start3A_101, %dma_start3A_102] : memref<64x2048xf32, #tpu.memory_space<hbm>> -> memref<1x2048xf32, #tpu.memory_space<hbm>>
      %dma_start3A_104 = tpu.memref_slice %run_scoped3A_42[%rem3A_96] : memref<2x!tpu.dma_semaphore, #tpu.memory_space<semaphore_mem>> -> memref<1x!tpu.dma_semaphore, #tpu.memory_space<semaphore_mem>>
      %dma_start3A_105 = tpu.memref_squeeze %dma_start3A_104 : memref<1x!tpu.dma_semaphore, #tpu.memory_space<semaphore_mem>> -> memref<!tpu.dma_semaphore, #tpu.memory_space<semaphore_mem>>
      %dma_start3A_106 = arith.constant 0 : i32
      %dma_start3A_107 = arith.constant 0 : i32
      %dma_start3A_108 = tpu.memref_slice %run_scoped3A_41[%rem3A_96, %dma_start3A_106, %dma_start3A_107] : memref<2x1x2048xf32, #tpu.memory_space<vmem>> -> memref<1x1x2048xf32, #tpu.memory_space<vmem>>
      %dma_start3A_109 = tpu.memref_squeeze %dma_start3A_108 : memref<1x1x2048xf32, #tpu.memory_space<vmem>> -> memref<1x2048xf32, #tpu.memory_space<vmem>>
      %dma_start3A_110 = arith.constant 0 : i32
      %dma_start3A_111 = arith.constant 0 : i32
      %dma_start3A_112 = tpu.memref_slice %arg3[%dma_start3A_110, %dma_start3A_111] : memref<64x2048xf32, #tpu.memory_space<hbm>> -> memref<1x2048xf32, #tpu.memory_space<hbm>>
      tpu.enqueue_dma source(%dma_start3A_112 : memref<1x2048xf32, #tpu.memory_space<hbm>>) target(%dma_start3A_109 : memref<1x2048xf32, #tpu.memory_space<vmem>>) target_semaphore(%dma_start3A_105 : memref<!tpu.dma_semaphore, #tpu.memory_space<semaphore_mem>>)
      %add3A_113 = arith.constant 0 : i32
      %add3A_114 = arith.constant 1 : i32
      %add3A_115 = arith.addi %add3A_113, %add3A_114 : i32
      %select_n3A_116 = arith.constant true
      %select_n3A_117 = arith.constant 0 : i32
      %select_n3A_118 = arith.select %select_n3A_116, %add3A_115, %select_n3A_117 : i32
      "tpu.trace_stop"() : () -> ()
      %scan3A_119 = arith.constant 0 : i32
      %scan3A_120 = arith.constant 0 : i32
      %scan3A_121 = arith.constant 0 : i32
      %scan3A_122 = arith.constant 0 : i32
      %scan3A_123 = arith.constant 64 : i32
      %scan3A_124 = arith.addi %scan3A_122, %scan3A_123 : i32
      %scan3A_125 = arith.constant 1 : i32
      %scan3A_126:5 = scf.for %scan3A_167 = %scan3A_122 to %scan3A_124 step %scan3A_125 iter_args(%scan3A_168 = %select_n3A_93, %scan3A_169 = %scan3A_119, %scan3A_170 = %select_n3A_118, %scan3A_171 = %scan3A_120, %scan3A_172 = %scan3A_121) -> (i32, i32, i32, i32, i32)  : i32 {
        %eq3A_173 = arith.constant 0 : i32
        %eq3A_174 = arith.cmpi eq, %scan3A_167, %eq3A_173 : i32
        %eq3A_175 = arith.constant 63 : i32
        %eq3A_176 = arith.cmpi eq, %scan3A_167, %eq3A_175 : i32
        %add3A_177 = arith.constant 0 : i32
        %add3A_178 = arith.addi %scan3A_172, %add3A_177 : i32
        %sub3A_179 = arith.constant 1 : i32
        %sub3A_180 = arith.subi %scan3A_172, %sub3A_179 : i32
        %select_n3A_181 = arith.constant true
        %select_n3A_182 = arith.select %select_n3A_181, %sub3A_180, %scan3A_172 : i32
        %eq3A_183 = arith.constant -1 : i32
        %eq3A_184 = arith.cmpi eq, %select_n3A_182, %eq3A_183 : i32
        %select_n3A_185 = arith.constant 63 : i32
        %select_n3A_186 = arith.select %eq3A_184, %select_n3A_185, %select_n3A_182 : i32
        %add3A_187 = arith.constant 0 : i32
        %add3A_188 = arith.addi %select_n3A_186, %add3A_187 : i32
        %add3A_189 = arith.constant 1 : i32
        %add3A_190 = arith.addi %scan3A_172, %add3A_189 : i32
        %select_n3A_191 = arith.constant true
        %select_n3A_192 = arith.select %select_n3A_191, %add3A_190, %scan3A_172 : i32
        %eq3A_193 = arith.constant 64 : i32
        %eq3A_194 = arith.cmpi eq, %select_n3A_192, %eq3A_193 : i32
        %select_n3A_195 = arith.constant 0 : i32
        %select_n3A_196 = arith.select %eq3A_194, %select_n3A_195, %select_n3A_192 : i32
        %add3A_197 = arith.constant 0 : i32
        %add3A_198 = arith.addi %select_n3A_196, %add3A_197 : i32
        %add3A_199 = arith.constant 1 : i32
        %add3A_200 = arith.addi %select_n3A_196, %add3A_199 : i32
        %select_n3A_201 = arith.constant true
        %select_n3A_202 = arith.select %select_n3A_201, %add3A_200, %select_n3A_196 : i32
        %eq3A_203 = arith.constant 64 : i32
        %eq3A_204 = arith.cmpi eq, %select_n3A_202, %eq3A_203 : i32
        %select_n3A_205 = arith.constant 0 : i32
        %select_n3A_206 = arith.select %eq3A_204, %select_n3A_205, %select_n3A_202 : i32
        %add3A_207 = arith.constant 0 : i32
        %add3A_208 = arith.addi %select_n3A_206, %add3A_207 : i32
        %ne3A = arith.cmpi ne, %add3A_178, %add3A_198 : i32
        %or3A = arith.constant false
        %or3A_209 = arith.ori %or3A, %ne3A : i1
        %or3A_210 = arith.constant false
        %or3A_211 = arith.ori %or3A_209, %or3A_210 : i1
        %ge3A = arith.constant 63 : i32
        %ge3A_212 = arith.cmpi sge, %scan3A_167, %ge3A : i32
        %not3A = arith.constant true
        %not3A_213 = arith.xori %ge3A_212, %not3A : i1
        %and3A = arith.andi %or3A_211, %not3A_213 : i1
        %convert_element_type3A = arith.extui %and3A : i1 to i32
        %cond3A = arith.constant 0 : i32
        %cond3A_214 = arith.cmpi ne, %convert_element_type3A, %cond3A : i32
        scf.if %cond3A_214 {
          "tpu.trace_start"() <{level = 10 : i32, message = "ep_copy_in"}> : () -> ()
          %rem3A_339 = arith.constant 2 : i32
          %rem3A_340 = arith.remui %scan3A_168, %rem3A_339 : i32
          %mul3A_341 = arith.constant 1 : i32
          %mul3A_342 = arith.muli %mul3A_341, %add3A_198 : i32
          %dma_start3A_343 = arith.constant 0 : i32
          %dma_start3A_344 = arith.constant 0 : i32
          %dma_start3A_345 = tpu.memref_slice %run_scoped3A_39[%rem3A_340, %dma_start3A_343, %dma_start3A_344] : memref<2x1x2048xi32, #tpu.memory_space<vmem>> -> memref<1x1x2048xi32, #tpu.memory_space<vmem>>
          %dma_start3A_346 = tpu.memref_squeeze %dma_start3A_345 : memref<1x1x2048xi32, #tpu.memory_space<vmem>> -> memref<1x2048xi32, #tpu.memory_space<vmem>>
          %dma_start3A_347 = arith.constant 0 : i32
          %dma_start3A_348 = tpu.memref_slice %arg2[%mul3A_342, %dma_start3A_347] : memref<64x2048xi32, #tpu.memory_space<hbm>> -> memref<1x2048xi32, #tpu.memory_space<hbm>>
          %dma_start3A_349 = tpu.memref_slice %run_scoped3A_40[%rem3A_340] : memref<2x!tpu.dma_semaphore, #tpu.memory_space<semaphore_mem>> -> memref<1x!tpu.dma_semaphore, #tpu.memory_space<semaphore_mem>>
          %dma_start3A_350 = tpu.memref_squeeze %dma_start3A_349 : memref<1x!tpu.dma_semaphore, #tpu.memory_space<semaphore_mem>> -> memref<!tpu.dma_semaphore, #tpu.memory_space<semaphore_mem>>
          %dma_start3A_351 = arith.constant 0 : i32
          %dma_start3A_352 = arith.constant 0 : i32
          %dma_start3A_353 = tpu.memref_slice %run_scoped3A_39[%rem3A_340, %dma_start3A_351, %dma_start3A_352] : memref<2x1x2048xi32, #tpu.memory_space<vmem>> -> memref<1x1x2048xi32, #tpu.memory_space<vmem>>
          %dma_start3A_354 = tpu.memref_squeeze %dma_start3A_353 : memref<1x1x2048xi32, #tpu.memory_space<vmem>> -> memref<1x2048xi32, #tpu.memory_space<vmem>>
          %dma_start3A_355 = arith.constant 0 : i32
          %dma_start3A_356 = tpu.memref_slice %arg2[%mul3A_342, %dma_start3A_355] : memref<64x2048xi32, #tpu.memory_space<hbm>> -> memref<1x2048xi32, #tpu.memory_space<hbm>>
          tpu.enqueue_dma source(%dma_start3A_356 : memref<1x2048xi32, #tpu.memory_space<hbm>>) target(%dma_start3A_354 : memref<1x2048xi32, #tpu.memory_space<vmem>>) target_semaphore(%dma_start3A_350 : memref<!tpu.dma_semaphore, #tpu.memory_space<semaphore_mem>>)
          "tpu.trace_stop"() : () -> ()
        } else {
        }
        %and3A_215 = arith.constant true
        %and3A_216 = arith.andi %and3A, %and3A_215 : i1
        %add3A_217 = arith.constant 1 : i32
        %add3A_218 = arith.addi %scan3A_168, %add3A_217 : i32
        %select_n3A_219 = arith.select %and3A_216, %add3A_218, %scan3A_168 : i32
        %ne3A_220 = arith.cmpi ne, %add3A_178, %add3A_198 : i32
        %or3A_221 = arith.constant false
        %or3A_222 = arith.ori %or3A_221, %ne3A_220 : i1
        %or3A_223 = arith.constant false
        %or3A_224 = arith.ori %or3A_222, %or3A_223 : i1
        %ge3A_225 = arith.constant 63 : i32
        %ge3A_226 = arith.cmpi sge, %scan3A_167, %ge3A_225 : i32
        %not3A_227 = arith.constant true
        %not3A_228 = arith.xori %ge3A_226, %not3A_227 : i1
        %and3A_229 = arith.andi %or3A_224, %not3A_228 : i1
        %convert_element_type3A_230 = arith.extui %and3A_229 : i1 to i32
        %cond3A_231 = arith.constant 0 : i32
        %cond3A_232 = arith.cmpi ne, %convert_element_type3A_230, %cond3A_231 : i32
        scf.if %cond3A_232 {
          "tpu.trace_start"() <{level = 10 : i32, message = "ep_copy_in"}> : () -> ()
          %rem3A_339 = arith.constant 2 : i32
          %rem3A_340 = arith.remui %scan3A_170, %rem3A_339 : i32
          %mul3A_341 = arith.constant 1 : i32
          %mul3A_342 = arith.muli %mul3A_341, %add3A_198 : i32
          %dma_start3A_343 = arith.constant 0 : i32
          %dma_start3A_344 = arith.constant 0 : i32
          %dma_start3A_345 = tpu.memref_slice %run_scoped3A_41[%rem3A_340, %dma_start3A_343, %dma_start3A_344] : memref<2x1x2048xf32, #tpu.memory_space<vmem>> -> memref<1x1x2048xf32, #tpu.memory_space<vmem>>
          %dma_start3A_346 = tpu.memref_squeeze %dma_start3A_345 : memref<1x1x2048xf32, #tpu.memory_space<vmem>> -> memref<1x2048xf32, #tpu.memory_space<vmem>>
          %dma_start3A_347 = arith.constant 0 : i32
          %dma_start3A_348 = tpu.memref_slice %arg3[%mul3A_342, %dma_start3A_347] : memref<64x2048xf32, #tpu.memory_space<hbm>> -> memref<1x2048xf32, #tpu.memory_space<hbm>>
          %dma_start3A_349 = tpu.memref_slice %run_scoped3A_42[%rem3A_340] : memref<2x!tpu.dma_semaphore, #tpu.memory_space<semaphore_mem>> -> memref<1x!tpu.dma_semaphore, #tpu.memory_space<semaphore_mem>>
          %dma_start3A_350 = tpu.memref_squeeze %dma_start3A_349 : memref<1x!tpu.dma_semaphore, #tpu.memory_space<semaphore_mem>> -> memref<!tpu.dma_semaphore, #tpu.memory_space<semaphore_mem>>
          %dma_start3A_351 = arith.constant 0 : i32
          %dma_start3A_352 = arith.constant 0 : i32
          %dma_start3A_353 = tpu.memref_slice %run_scoped3A_41[%rem3A_340, %dma_start3A_351, %dma_start3A_352] : memref<2x1x2048xf32, #tpu.memory_space<vmem>> -> memref<1x1x2048xf32, #tpu.memory_space<vmem>>
          %dma_start3A_354 = tpu.memref_squeeze %dma_start3A_353 : memref<1x1x2048xf32, #tpu.memory_space<vmem>> -> memref<1x2048xf32, #tpu.memory_space<vmem>>
          %dma_start3A_355 = arith.constant 0 : i32
          %dma_start3A_356 = tpu.memref_slice %arg3[%mul3A_342, %dma_start3A_355] : memref<64x2048xf32, #tpu.memory_space<hbm>> -> memref<1x2048xf32, #tpu.memory_space<hbm>>
          tpu.enqueue_dma source(%dma_start3A_356 : memref<1x2048xf32, #tpu.memory_space<hbm>>) target(%dma_start3A_354 : memref<1x2048xf32, #tpu.memory_space<vmem>>) target_semaphore(%dma_start3A_350 : memref<!tpu.dma_semaphore, #tpu.memory_space<semaphore_mem>>)
          "tpu.trace_stop"() : () -> ()
        } else {
        }
        %and3A_233 = arith.constant true
        %and3A_234 = arith.andi %and3A_229, %and3A_233 : i1
        %add3A_235 = arith.constant 1 : i32
        %add3A_236 = arith.addi %scan3A_170, %add3A_235 : i32
        %select_n3A_237 = arith.select %and3A_234, %add3A_236, %scan3A_170 : i32
        %ne3A_238 = arith.cmpi ne, %add3A_178, %add3A_188 : i32
        %or3A_239 = arith.constant false
        %or3A_240 = arith.ori %or3A_239, %ne3A_238 : i1
        %or3A_241 = arith.constant false
        %or3A_242 = arith.ori %or3A_240, %or3A_241 : i1
        %or3A_243 = arith.ori %or3A_242, %eq3A_174 : i1
        %convert_element_type3A_244 = arith.extui %or3A_243 : i1 to i32
        %cond3A_245 = arith.constant 0 : i32
        %cond3A_246 = arith.cmpi ne, %convert_element_type3A_244, %cond3A_245 : i32
        scf.if %cond3A_246 {
          "tpu.trace_start"() <{level = 10 : i32, message = "ep_wait_in"}> : () -> ()
          %mul3A_339 = arith.constant 1 : i32
          %mul3A_340 = arith.muli %mul3A_339, %add3A_178 : i32
          %rem3A_341 = arith.constant 2 : i32
          %rem3A_342 = arith.remui %scan3A_169, %rem3A_341 : i32
          %dma_wait3A = arith.constant 0 : i32
          %dma_wait3A_343 = arith.constant 0 : i32
          %dma_wait3A_344 = tpu.memref_slice %run_scoped3A_39[%rem3A_342, %dma_wait3A, %dma_wait3A_343] : memref<2x1x2048xi32, #tpu.memory_space<vmem>> -> memref<1x1x2048xi32, #tpu.memory_space<vmem>>
          %dma_wait3A_345 = tpu.memref_squeeze %dma_wait3A_344 : memref<1x1x2048xi32, #tpu.memory_space<vmem>> -> memref<1x2048xi32, #tpu.memory_space<vmem>>
          %dma_wait3A_346 = arith.constant 0 : i32
          %dma_wait3A_347 = tpu.memref_slice %arg2[%mul3A_340, %dma_wait3A_346] : memref<64x2048xi32, #tpu.memory_space<hbm>> -> memref<1x2048xi32, #tpu.memory_space<hbm>>
          %dma_wait3A_348 = tpu.memref_slice %run_scoped3A_40[%rem3A_342] : memref<2x!tpu.dma_semaphore, #tpu.memory_space<semaphore_mem>> -> memref<1x!tpu.dma_semaphore, #tpu.memory_space<semaphore_mem>>
          %dma_wait3A_349 = tpu.memref_squeeze %dma_wait3A_348 : memref<1x!tpu.dma_semaphore, #tpu.memory_space<semaphore_mem>> -> memref<!tpu.dma_semaphore, #tpu.memory_space<semaphore_mem>>
          %dma_wait3A_350 = arith.constant 0 : i32
          %dma_wait3A_351 = arith.constant 0 : i32
          %dma_wait3A_352 = tpu.memref_slice %run_scoped3A_39[%rem3A_342, %dma_wait3A_350, %dma_wait3A_351] : memref<2x1x2048xi32, #tpu.memory_space<vmem>> -> memref<1x1x2048xi32, #tpu.memory_space<vmem>>
          %dma_wait3A_353 = tpu.memref_squeeze %dma_wait3A_352 : memref<1x1x2048xi32, #tpu.memory_space<vmem>> -> memref<1x2048xi32, #tpu.memory_space<vmem>>
          %dma_wait3A_354 = arith.constant 0 : i32
          %dma_wait3A_355 = tpu.memref_slice %arg2[%mul3A_340, %dma_wait3A_354] : memref<64x2048xi32, #tpu.memory_space<hbm>> -> memref<1x2048xi32, #tpu.memory_space<hbm>>
          tpu.wait_dma2 semaphore(%dma_wait3A_349 : memref<!tpu.dma_semaphore, #tpu.memory_space<semaphore_mem>>) src(%dma_wait3A_355 : memref<1x2048xi32, #tpu.memory_space<hbm>>) dst(%dma_wait3A_353 : memref<1x2048xi32, #tpu.memory_space<vmem>>)
          "tpu.trace_stop"() : () -> ()
        } else {
        }
        %ne3A_247 = arith.cmpi ne, %add3A_178, %add3A_188 : i32
        %or3A_248 = arith.constant false
        %or3A_249 = arith.ori %or3A_248, %ne3A_247 : i1
        %or3A_250 = arith.constant false
        %or3A_251 = arith.ori %or3A_249, %or3A_250 : i1
        %or3A_252 = arith.ori %or3A_251, %eq3A_174 : i1
        %convert_element_type3A_253 = arith.extui %or3A_252 : i1 to i32
        %cond3A_254 = arith.constant 0 : i32
        %cond3A_255 = arith.cmpi ne, %convert_element_type3A_253, %cond3A_254 : i32
        scf.if %cond3A_255 {
          "tpu.trace_start"() <{level = 10 : i32, message = "ep_wait_in"}> : () -> ()
          %mul3A_339 = arith.constant 1 : i32
          %mul3A_340 = arith.muli %mul3A_339, %add3A_178 : i32
          %rem3A_341 = arith.constant 2 : i32
          %rem3A_342 = arith.remui %scan3A_171, %rem3A_341 : i32
          %dma_wait3A = arith.constant 0 : i32
          %dma_wait3A_343 = arith.constant 0 : i32
          %dma_wait3A_344 = tpu.memref_slice %run_scoped3A_41[%rem3A_342, %dma_wait3A, %dma_wait3A_343] : memref<2x1x2048xf32, #tpu.memory_space<vmem>> -> memref<1x1x2048xf32, #tpu.memory_space<vmem>>
          %dma_wait3A_345 = tpu.memref_squeeze %dma_wait3A_344 : memref<1x1x2048xf32, #tpu.memory_space<vmem>> -> memref<1x2048xf32, #tpu.memory_space<vmem>>
          %dma_wait3A_346 = arith.constant 0 : i32
          %dma_wait3A_347 = tpu.memref_slice %arg3[%mul3A_340, %dma_wait3A_346] : memref<64x2048xf32, #tpu.memory_space<hbm>> -> memref<1x2048xf32, #tpu.memory_space<hbm>>
          %dma_wait3A_348 = tpu.memref_slice %run_scoped3A_42[%rem3A_342] : memref<2x!tpu.dma_semaphore, #tpu.memory_space<semaphore_mem>> -> memref<1x!tpu.dma_semaphore, #tpu.memory_space<semaphore_mem>>
          %dma_wait3A_349 = tpu.memref_squeeze %dma_wait3A_348 : memref<1x!tpu.dma_semaphore, #tpu.memory_space<semaphore_mem>> -> memref<!tpu.dma_semaphore, #tpu.memory_space<semaphore_mem>>
          %dma_wait3A_350 = arith.constant 0 : i32
          %dma_wait3A_351 = arith.constant 0 : i32
          %dma_wait3A_352 = tpu.memref_slice %run_scoped3A_41[%rem3A_342, %dma_wait3A_350, %dma_wait3A_351] : memref<2x1x2048xf32, #tpu.memory_space<vmem>> -> memref<1x1x2048xf32, #tpu.memory_space<vmem>>
          %dma_wait3A_353 = tpu.memref_squeeze %dma_wait3A_352 : memref<1x1x2048xf32, #tpu.memory_space<vmem>> -> memref<1x2048xf32, #tpu.memory_space<vmem>>
          %dma_wait3A_354 = arith.constant 0 : i32
          %dma_wait3A_355 = tpu.memref_slice %arg3[%mul3A_340, %dma_wait3A_354] : memref<64x2048xf32, #tpu.memory_space<hbm>> -> memref<1x2048xf32, #tpu.memory_space<hbm>>
          tpu.wait_dma2 semaphore(%dma_wait3A_349 : memref<!tpu.dma_semaphore, #tpu.memory_space<semaphore_mem>>) src(%dma_wait3A_355 : memref<1x2048xf32, #tpu.memory_space<hbm>>) dst(%dma_wait3A_353 : memref<1x2048xf32, #tpu.memory_space<vmem>>)
          "tpu.trace_stop"() : () -> ()
        } else {
        }
        %rem3A_256 = arith.constant 2 : i32
        %rem3A_257 = arith.remui %scan3A_169, %rem3A_256 : i32
        %rem3A_258 = arith.constant 2 : i32
        %rem3A_259 = arith.remui %scan3A_171, %rem3A_258 : i32
        "tpu.trace_start"() <{level = 10 : i32, message = "ep_run_kernel"}> : () -> ()
        %scan3A_260 = arith.constant 0 : i32
        %scan3A_261 = arith.constant 128 : i32
        %scan3A_262 = arith.addi %scan3A_260, %scan3A_261 : i32
        %scan3A_263 = arith.constant 1 : i32
        scf.for %scan3A_339 = %scan3A_260 to %scan3A_262 step %scan3A_263  : i32 {
          %mul3A_340 = arith.constant 1 : i32
          %mul3A_341 = arith.muli %scan3A_339, %mul3A_340 : i32
          %add3A_342 = arith.constant 0 : i32
          %add3A_343 = arith.addi %add3A_342, %mul3A_341 : i32
          %mul3A_344 = arith.constant 16 : i32
          %mul3A_345 = arith.muli %add3A_343, %mul3A_344 : i32
          %get3A = arith.constant 0 : i32
          %get3A_346 = arith.constant 0 : i32
          %get3A_347 = arith.constant 0 : i32
          %get3A_348 = tpu.memref_slice %run_scoped3A_39[%rem3A_257, %get3A_346, %get3A_347] : memref<2x1x2048xi32, #tpu.memory_space<vmem>> -> memref<1x1x2048xi32, #tpu.memory_space<vmem>>
          %get3A_349 = tpu.memref_squeeze %get3A_348 : memref<1x1x2048xi32, #tpu.memory_space<vmem>> -> memref<1x2048xi32, #tpu.memory_space<vmem>>
          %get3A_350 = arith.index_cast %get3A : i32 to index
          %get3A_351 = arith.index_cast %mul3A_345 : i32 to index
          %get3A_352 = tpu.vector_load %get3A_349[%get3A_350, %get3A_351] {strides = array<i32>} : memref<1x2048xi32, #tpu.memory_space<vmem>>, vector<16xi32>,
          %sub3A_353 = vector.broadcast %mul3A_12 : i32 to vector<16xi32>
          %sub3A_354 = arith.subi %get3A_352, %sub3A_353 : vector<16xi32>
          %ge3A_355 = arith.constant 0 : i32
          %ge3A_356 = vector.broadcast %ge3A_355 : i32 to vector<16xi32>
          %ge3A_357 = arith.cmpi sge, %sub3A_354, %ge3A_356 : vector<16xi32>
          %lt3A = arith.constant 65536 : i32
          %lt3A_358 = vector.broadcast %lt3A : i32 to vector<16xi32>
          %lt3A_359 = arith.cmpi slt, %sub3A_354, %lt3A_358 : vector<16xi32>
          %and3A_360 = arith.andi %ge3A_357, %lt3A_359 : vector<16xi1>
          %jit3A = arith.constant 0 : i32
          %broadcast_in_dim3A = vector.broadcast %jit3A : i32 to vector<16xi32>
          %select_n3A_361 = arith.select %and3A_360, %sub3A_354, %broadcast_in_dim3A : vector<16xi1>, vector<16xi32>
          %mul3A_362 = arith.constant 16 : i32
          %mul3A_363 = arith.muli %add3A_343, %mul3A_362 : i32
          %get3A_364 = arith.constant 0 : i32
          %get3A_365 = arith.constant 0 : i32
          %get3A_366 = arith.constant 0 : i32
          %get3A_367 = tpu.memref_slice %run_scoped3A_41[%rem3A_259, %get3A_365, %get3A_366] : memref<2x1x2048xf32, #tpu.memory_space<vmem>> -> memref<1x1x2048xf32, #tpu.memory_space<vmem>>
          %get3A_368 = tpu.memref_squeeze %get3A_367 : memref<1x1x2048xf32, #tpu.memory_space<vmem>> -> memref<1x2048xf32, #tpu.memory_space<vmem>>
          %get3A_369 = arith.index_cast %get3A_364 : i32 to index
          %get3A_370 = arith.index_cast %mul3A_363 : i32 to index
          %get3A_371 = tpu.vector_load %get3A_368[%get3A_369, %get3A_370] {strides = array<i32>} : memref<1x2048xf32, #tpu.memory_space<vmem>>, vector<16xf32>,
          tpu.vector_store_idx %arg6[%select_n3A_361], %get3A_371 masked %and3A_360 : memref<65536xf32, #tpu.memory_space<vmem>>[vector<16xi32>], vector<16xf32>, vector<16xi1>
        }
        %scan3A_264 = arith.constant 128 : i32
        "tpu.trace_stop"() : () -> ()
        %ne3A_265 = arith.cmpi ne, %add3A_178, %add3A_198 : i32
        %or3A_266 = arith.constant false
        %or3A_267 = arith.ori %or3A_266, %ne3A_265 : i1
        %or3A_268 = arith.constant false
        %or3A_269 = arith.ori %or3A_267, %or3A_268 : i1
        %or3A_270 = arith.ori %or3A_269, %eq3A_176 : i1
        %convert_element_type3A_271 = arith.extui %or3A_270 : i1 to i32
        %cond3A_272 = arith.constant 0 : i32
        %cond3A_273 = arith.cmpi ne, %convert_element_type3A_271, %cond3A_272 : i32
        scf.if %cond3A_273 {
        } else {
        }
        %and3A_274 = arith.constant false
        %and3A_275 = arith.andi %or3A_270, %and3A_274 : i1
        %ne3A_276 = arith.cmpi ne, %add3A_178, %add3A_198 : i32
        %or3A_277 = arith.constant false
        %or3A_278 = arith.ori %or3A_277, %ne3A_276 : i1
        %or3A_279 = arith.constant false
        %or3A_280 = arith.ori %or3A_278, %or3A_279 : i1
        %or3A_281 = arith.ori %or3A_280, %eq3A_176 : i1
        %convert_element_type3A_282 = arith.extui %or3A_281 : i1 to i32
        %cond3A_283 = arith.constant 0 : i32
        %cond3A_284 = arith.cmpi ne, %convert_element_type3A_282, %cond3A_283 : i32
        scf.if %cond3A_284 {
        } else {
        }
        %and3A_285 = arith.constant false
        %and3A_286 = arith.andi %or3A_281, %and3A_285 : i1
        %ne3A_287 = arith.cmpi ne, %add3A_178, %add3A_188 : i32
        %or3A_288 = arith.constant false
        %or3A_289 = arith.ori %or3A_288, %ne3A_287 : i1
        %or3A_290 = arith.constant false
        %or3A_291 = arith.ori %or3A_289, %or3A_290 : i1
        %not3A_292 = arith.constant true
        %not3A_293 = arith.xori %eq3A_174, %not3A_292 : i1
        %and3A_294 = arith.andi %or3A_291, %not3A_293 : i1
        %convert_element_type3A_295 = arith.extui %and3A_294 : i1 to i32
        %cond3A_296 = arith.constant 0 : i32
        %cond3A_297 = arith.cmpi ne, %convert_element_type3A_295, %cond3A_296 : i32
        scf.if %cond3A_297 {
        } else {
        }
        %and3A_298 = arith.constant false
        %and3A_299 = arith.andi %and3A_294, %and3A_298 : i1
        %ne3A_300 = arith.cmpi ne, %add3A_178, %add3A_188 : i32
        %or3A_301 = arith.constant false
        %or3A_302 = arith.ori %or3A_301, %ne3A_300 : i1
        %or3A_303 = arith.constant false
        %or3A_304 = arith.ori %or3A_302, %or3A_303 : i1
        %not3A_305 = arith.constant true
        %not3A_306 = arith.xori %eq3A_174, %not3A_305 : i1
        %and3A_307 = arith.andi %or3A_304, %not3A_306 : i1
        %convert_element_type3A_308 = arith.extui %and3A_307 : i1 to i32
        %cond3A_309 = arith.constant 0 : i32
        %cond3A_310 = arith.cmpi ne, %convert_element_type3A_308, %cond3A_309 : i32
        scf.if %cond3A_310 {
        } else {
        }
        %and3A_311 = arith.constant false
        %and3A_312 = arith.andi %and3A_307, %and3A_311 : i1
        %ne3A_313 = arith.cmpi ne, %add3A_178, %add3A_198 : i32
        %or3A_314 = arith.constant false
        %or3A_315 = arith.ori %or3A_314, %ne3A_313 : i1
        %or3A_316 = arith.constant false
        %or3A_317 = arith.ori %or3A_315, %or3A_316 : i1
        %or3A_318 = arith.ori %or3A_317, %eq3A_176 : i1
        %add3A_319 = arith.constant 1 : i32
        %add3A_320 = arith.addi %scan3A_169, %add3A_319 : i32
        %select_n3A_321 = arith.select %or3A_318, %add3A_320, %scan3A_169 : i32
        %ne3A_322 = arith.cmpi ne, %add3A_178, %add3A_198 : i32
        %or3A_323 = arith.constant false
        %or3A_324 = arith.ori %or3A_323, %ne3A_322 : i1
        %or3A_325 = arith.constant false
        %or3A_326 = arith.ori %or3A_324, %or3A_325 : i1
        %or3A_327 = arith.ori %or3A_326, %eq3A_176 : i1
        %add3A_328 = arith.constant 1 : i32
        %add3A_329 = arith.addi %scan3A_171, %add3A_328 : i32
        %select_n3A_330 = arith.select %or3A_327, %add3A_329, %scan3A_171 : i32
        %add3A_331 = arith.constant 1 : i32
        %add3A_332 = arith.addi %scan3A_172, %add3A_331 : i32
        %select_n3A_333 = arith.constant true
        %select_n3A_334 = arith.select %select_n3A_333, %add3A_332, %scan3A_172 : i32
        %eq3A_335 = arith.constant 64 : i32
        %eq3A_336 = arith.cmpi eq, %select_n3A_334, %eq3A_335 : i32
        %select_n3A_337 = arith.constant 0 : i32
        %select_n3A_338 = arith.select %eq3A_336, %select_n3A_337, %select_n3A_334 : i32
        scf.yield %select_n3A_219, %select_n3A_321, %select_n3A_237, %select_n3A_330, %select_n3A_338 : i32, i32, i32, i32, i32
      }
      %scan3A_127 = arith.constant 64 : i32
      %sub3A = arith.constant 1 : i32
      %sub3A_128 = arith.subi %scan3A_126#4, %sub3A : i32
      %select_n3A_129 = arith.constant true
      %select_n3A_130 = arith.select %select_n3A_129, %sub3A_128, %scan3A_126#4 : i32
      %eq3A_131 = arith.constant -1 : i32
      %eq3A_132 = arith.cmpi eq, %select_n3A_130, %eq3A_131 : i32
      %select_n3A_133 = arith.constant 63 : i32
      %select_n3A_134 = arith.select %eq3A_132, %select_n3A_133, %select_n3A_130 : i32
      %add3A_135 = arith.constant 0 : i32
      %add3A_136 = arith.addi %select_n3A_134, %add3A_135 : i32
      %sub3A_137 = arith.constant 1 : i32
      %sub3A_138 = arith.subi %select_n3A_134, %sub3A_137 : i32
      %select_n3A_139 = arith.constant true
      %select_n3A_140 = arith.select %select_n3A_139, %sub3A_138, %select_n3A_134 : i32
      %eq3A_141 = arith.constant -1 : i32
      %eq3A_142 = arith.cmpi eq, %select_n3A_140, %eq3A_141 : i32
      %select_n3A_143 = arith.constant 63 : i32
      %select_n3A_144 = arith.select %eq3A_142, %select_n3A_143, %select_n3A_140 : i32
      %add3A_145 = arith.constant 0 : i32
      %add3A_146 = arith.addi %select_n3A_144, %add3A_145 : i32
      %add3A_147 = arith.constant 1 : i32
      %add3A_148 = arith.addi %select_n3A_134, %add3A_147 : i32
      %select_n3A_149 = arith.constant true
      %select_n3A_150 = arith.select %select_n3A_149, %add3A_148, %select_n3A_134 : i32
      %eq3A_151 = arith.constant 64 : i32
      %eq3A_152 = arith.cmpi eq, %select_n3A_150, %eq3A_151 : i32
      %select_n3A_153 = arith.constant 0 : i32
      %select_n3A_154 = arith.select %eq3A_152, %select_n3A_153, %select_n3A_150 : i32
      %add3A_155 = arith.constant 0 : i32
      %add3A_156 = arith.addi %select_n3A_154, %add3A_155 : i32
      %add3A_157 = arith.constant 1 : i32
      %add3A_158 = arith.addi %select_n3A_154, %add3A_157 : i32
      %select_n3A_159 = arith.constant true
      %select_n3A_160 = arith.select %select_n3A_159, %add3A_158, %select_n3A_154 : i32
      %eq3A_161 = arith.constant 64 : i32
      %eq3A_162 = arith.cmpi eq, %select_n3A_160, %eq3A_161 : i32
      %select_n3A_163 = arith.constant 0 : i32
      %select_n3A_164 = arith.select %eq3A_162, %select_n3A_163, %select_n3A_160 : i32
      %add3A_165 = arith.constant 0 : i32
      %add3A_166 = arith.addi %select_n3A_164, %add3A_165 : i32
      tpu.yield
    }) : () -> ()
    %run_scoped3A_18 = arith.constant 0 : i32
    "tpu.region"() ({
      %run_scoped3A_39 = tpu.sem_alloc : memref<!tpu.dma_semaphore, #tpu.memory_space<semaphore_mem>>
      %dma_start3A = tpu.memref_slice %arg5[%run_scoped3A_18, %mul3A_12] : memref<2x4194304xf32, #tpu.memory_space<hbm>> -> memref<1x65536xf32, #tpu.memory_space<hbm>>
      %dma_start3A_40 = tpu.memref_squeeze %dma_start3A : memref<1x65536xf32, #tpu.memory_space<hbm>> -> memref<65536xf32, #tpu.memory_space<hbm>>
      %dma_start3A_41 = tpu.memref_slice %arg5[%run_scoped3A_18, %mul3A_12] : memref<2x4194304xf32, #tpu.memory_space<hbm>> -> memref<1x65536xf32, #tpu.memory_space<hbm>>
      %dma_start3A_42 = tpu.memref_squeeze %dma_start3A_41 : memref<1x65536xf32, #tpu.memory_space<hbm>> -> memref<65536xf32, #tpu.memory_space<hbm>>
      tpu.enqueue_dma source(%arg6 : memref<65536xf32, #tpu.memory_space<vmem>>) target(%dma_start3A_42 : memref<65536xf32, #tpu.memory_space<hbm>>) target_semaphore(%run_scoped3A_39 : memref<!tpu.dma_semaphore, #tpu.memory_space<semaphore_mem>>)
      %dma_wait3A = tpu.memref_slice %arg5[%run_scoped3A_18, %mul3A_12] : memref<2x4194304xf32, #tpu.memory_space<hbm>> -> memref<1x65536xf32, #tpu.memory_space<hbm>>
      %dma_wait3A_43 = tpu.memref_squeeze %dma_wait3A : memref<1x65536xf32, #tpu.memory_space<hbm>> -> memref<65536xf32, #tpu.memory_space<hbm>>
      %dma_wait3A_44 = tpu.memref_slice %arg5[%run_scoped3A_18, %mul3A_12] : memref<2x4194304xf32, #tpu.memory_space<hbm>> -> memref<1x65536xf32, #tpu.memory_space<hbm>>
      %dma_wait3A_45 = tpu.memref_squeeze %dma_wait3A_44 : memref<1x65536xf32, #tpu.memory_space<hbm>> -> memref<65536xf32, #tpu.memory_space<hbm>>
      tpu.wait_dma2 semaphore(%run_scoped3A_39 : memref<!tpu.dma_semaphore, #tpu.memory_space<semaphore_mem>>) src(%arg6 : memref<65536xf32, #tpu.memory_space<vmem>>) dst(%dma_wait3A_45 : memref<65536xf32, #tpu.memory_space<hbm>>)
      tpu.yield
    }) : () -> ()
    %add3A_19 = arith.constant 0 : i32
    %add3A_20 = arith.addi %add3A_19, %add3A : i32
    %mul3A_21 = arith.constant 65536 : i32
    %mul3A_22 = arith.muli %add3A_20, %mul3A_21 : i32
    %scan3A_23 = arith.constant 0 : i32
    %scan3A_24 = arith.constant 4096 : i32
    %scan3A_25 = arith.addi %scan3A_23, %scan3A_24 : i32
    %scan3A_26 = arith.constant 1 : i32
    scf.for %scan3A_39 = %scan3A_23 to %scan3A_25 step %scan3A_26  : i32 {
      %mul3A_40 = arith.constant 1 : i32
      %mul3A_41 = arith.muli %scan3A_39, %mul3A_40 : i32
      %add3A_42 = arith.constant 0 : i32
      %add3A_43 = arith.addi %add3A_42, %mul3A_41 : i32
      %broadcast_in_dim3A = arith.constant 0.000000e+00 : f32
      %broadcast_in_dim3A_44 = vector.broadcast %broadcast_in_dim3A : f32 to vector<16xf32>
      %mul3A_45 = arith.constant 16 : i32
      %mul3A_46 = arith.muli %add3A_43, %mul3A_45 : i32
      %swap3A = arith.index_cast %mul3A_46 : i32 to index
      %swap3A_47 = tpu.vector_load %arg6[%swap3A] {strides = array<i32>} : memref<65536xf32, #tpu.memory_space<vmem>>, vector<16xf32>,
      tpu.vector_store %arg6[%swap3A], %broadcast_in_dim3A_44 {strides = array<i32>} : memref<65536xf32, #tpu.memory_space<vmem>>, vector<16xf32>,
    }
    %scan3A_27 = arith.constant 4096 : i32
    "tpu.region"() ({
      %run_scoped3A_39 = memref.alloca() : memref<2x1x2048xi32, #tpu.memory_space<vmem>>
      %run_scoped3A_40 = tpu.sem_alloc : memref<2x!tpu.dma_semaphore, #tpu.memory_space<semaphore_mem>>
      %run_scoped3A_41 = memref.alloca() : memref<2x1x2048xf32, #tpu.memory_space<vmem>>
      %run_scoped3A_42 = tpu.sem_alloc : memref<2x!tpu.dma_semaphore, #tpu.memory_space<semaphore_mem>>
      %select_n3A = arith.constant true
      %select_n3A_43 = arith.constant 0 : i32
      %select_n3A_44 = arith.constant -1 : i32
      %select_n3A_45 = arith.select %select_n3A, %select_n3A_44, %select_n3A_43 : i32
      %eq3A = arith.constant -1 : i32
      %eq3A_46 = arith.cmpi eq, %select_n3A_45, %eq3A : i32
      %select_n3A_47 = arith.constant 63 : i32
      %select_n3A_48 = arith.select %eq3A_46, %select_n3A_47, %select_n3A_45 : i32
      %add3A_49 = arith.constant 0 : i32
      %add3A_50 = arith.addi %select_n3A_48, %add3A_49 : i32
      %select_n3A_51 = arith.constant true
      %select_n3A_52 = arith.constant 0 : i32
      %select_n3A_53 = arith.constant 1 : i32
      %select_n3A_54 = arith.select %select_n3A_51, %select_n3A_53, %select_n3A_52 : i32
      %eq3A_55 = arith.constant 64 : i32
      %eq3A_56 = arith.cmpi eq, %select_n3A_54, %eq3A_55 : i32
      %select_n3A_57 = arith.constant 0 : i32
      %select_n3A_58 = arith.select %eq3A_56, %select_n3A_57, %select_n3A_54 : i32
      %add3A_59 = arith.constant 0 : i32
      %add3A_60 = arith.addi %select_n3A_58, %add3A_59 : i32
      %add3A_61 = arith.constant 1 : i32
      %add3A_62 = arith.addi %select_n3A_58, %add3A_61 : i32
      %select_n3A_63 = arith.constant true
      %select_n3A_64 = arith.select %select_n3A_63, %add3A_62, %select_n3A_58 : i32
      %eq3A_65 = arith.constant 64 : i32
      %eq3A_66 = arith.cmpi eq, %select_n3A_64, %eq3A_65 : i32
      %select_n3A_67 = arith.constant 0 : i32
      %select_n3A_68 = arith.select %eq3A_66, %select_n3A_67, %select_n3A_64 : i32
      %add3A_69 = arith.constant 0 : i32
      %add3A_70 = arith.addi %select_n3A_68, %add3A_69 : i32
      "tpu.trace_start"() <{level = 10 : i32, message = "ep_initialize_0"}> : () -> ()
      %rem3A = arith.constant 0 : i32
      %rem3A_71 = arith.constant 2 : i32
      %rem3A_72 = arith.remui %rem3A, %rem3A_71 : i32
      %dma_start3A = arith.constant 0 : i32
      %dma_start3A_73 = arith.constant 0 : i32
      %dma_start3A_74 = tpu.memref_slice %run_scoped3A_39[%rem3A_72, %dma_start3A, %dma_start3A_73] : memref<2x1x2048xi32, #tpu.memory_space<vmem>> -> memref<1x1x2048xi32, #tpu.memory_space<vmem>>
      %dma_start3A_75 = tpu.memref_squeeze %dma_start3A_74 : memref<1x1x2048xi32, #tpu.memory_space<vmem>> -> memref<1x2048xi32, #tpu.memory_space<vmem>>
      %dma_start3A_76 = arith.constant 0 : i32
      %dma_start3A_77 = arith.constant 0 : i32
      %dma_start3A_78 = tpu.memref_slice %arg2[%dma_start3A_76, %dma_start3A_77] : memref<64x2048xi32, #tpu.memory_space<hbm>> -> memref<1x2048xi32, #tpu.memory_space<hbm>>
      %dma_start3A_79 = tpu.memref_slice %run_scoped3A_40[%rem3A_72] : memref<2x!tpu.dma_semaphore, #tpu.memory_space<semaphore_mem>> -> memref<1x!tpu.dma_semaphore, #tpu.memory_space<semaphore_mem>>
      %dma_start3A_80 = tpu.memref_squeeze %dma_start3A_79 : memref<1x!tpu.dma_semaphore, #tpu.memory_space<semaphore_mem>> -> memref<!tpu.dma_semaphore, #tpu.memory_space<semaphore_mem>>
      %dma_start3A_81 = arith.constant 0 : i32
      %dma_start3A_82 = arith.constant 0 : i32
      %dma_start3A_83 = tpu.memref_slice %run_scoped3A_39[%rem3A_72, %dma_start3A_81, %dma_start3A_82] : memref<2x1x2048xi32, #tpu.memory_space<vmem>> -> memref<1x1x2048xi32, #tpu.memory_space<vmem>>
      %dma_start3A_84 = tpu.memref_squeeze %dma_start3A_83 : memref<1x1x2048xi32, #tpu.memory_space<vmem>> -> memref<1x2048xi32, #tpu.memory_space<vmem>>
      %dma_start3A_85 = arith.constant 0 : i32
      %dma_start3A_86 = arith.constant 0 : i32
      %dma_start3A_87 = tpu.memref_slice %arg2[%dma_start3A_85, %dma_start3A_86] : memref<64x2048xi32, #tpu.memory_space<hbm>> -> memref<1x2048xi32, #tpu.memory_space<hbm>>
      tpu.enqueue_dma source(%dma_start3A_87 : memref<1x2048xi32, #tpu.memory_space<hbm>>) target(%dma_start3A_84 : memref<1x2048xi32, #tpu.memory_space<vmem>>) target_semaphore(%dma_start3A_80 : memref<!tpu.dma_semaphore, #tpu.memory_space<semaphore_mem>>)
      %add3A_88 = arith.constant 0 : i32
      %add3A_89 = arith.constant 1 : i32
      %add3A_90 = arith.addi %add3A_88, %add3A_89 : i32
      %select_n3A_91 = arith.constant true
      %select_n3A_92 = arith.constant 0 : i32
      %select_n3A_93 = arith.select %select_n3A_91, %add3A_90, %select_n3A_92 : i32
      %rem3A_94 = arith.constant 0 : i32
      %rem3A_95 = arith.constant 2 : i32
      %rem3A_96 = arith.remui %rem3A_94, %rem3A_95 : i32
      %dma_start3A_97 = arith.constant 0 : i32
      %dma_start3A_98 = arith.constant 0 : i32
      %dma_start3A_99 = tpu.memref_slice %run_scoped3A_41[%rem3A_96, %dma_start3A_97, %dma_start3A_98] : memref<2x1x2048xf32, #tpu.memory_space<vmem>> -> memref<1x1x2048xf32, #tpu.memory_space<vmem>>
      %dma_start3A_100 = tpu.memref_squeeze %dma_start3A_99 : memref<1x1x2048xf32, #tpu.memory_space<vmem>> -> memref<1x2048xf32, #tpu.memory_space<vmem>>
      %dma_start3A_101 = arith.constant 0 : i32
      %dma_start3A_102 = arith.constant 0 : i32
      %dma_start3A_103 = tpu.memref_slice %arg4[%dma_start3A_101, %dma_start3A_102] : memref<64x2048xf32, #tpu.memory_space<hbm>> -> memref<1x2048xf32, #tpu.memory_space<hbm>>
      %dma_start3A_104 = tpu.memref_slice %run_scoped3A_42[%rem3A_96] : memref<2x!tpu.dma_semaphore, #tpu.memory_space<semaphore_mem>> -> memref<1x!tpu.dma_semaphore, #tpu.memory_space<semaphore_mem>>
      %dma_start3A_105 = tpu.memref_squeeze %dma_start3A_104 : memref<1x!tpu.dma_semaphore, #tpu.memory_space<semaphore_mem>> -> memref<!tpu.dma_semaphore, #tpu.memory_space<semaphore_mem>>
      %dma_start3A_106 = arith.constant 0 : i32
      %dma_start3A_107 = arith.constant 0 : i32
      %dma_start3A_108 = tpu.memref_slice %run_scoped3A_41[%rem3A_96, %dma_start3A_106, %dma_start3A_107] : memref<2x1x2048xf32, #tpu.memory_space<vmem>> -> memref<1x1x2048xf32, #tpu.memory_space<vmem>>
      %dma_start3A_109 = tpu.memref_squeeze %dma_start3A_108 : memref<1x1x2048xf32, #tpu.memory_space<vmem>> -> memref<1x2048xf32, #tpu.memory_space<vmem>>
      %dma_start3A_110 = arith.constant 0 : i32
      %dma_start3A_111 = arith.constant 0 : i32
      %dma_start3A_112 = tpu.memref_slice %arg4[%dma_start3A_110, %dma_start3A_111] : memref<64x2048xf32, #tpu.memory_space<hbm>> -> memref<1x2048xf32, #tpu.memory_space<hbm>>
      tpu.enqueue_dma source(%dma_start3A_112 : memref<1x2048xf32, #tpu.memory_space<hbm>>) target(%dma_start3A_109 : memref<1x2048xf32, #tpu.memory_space<vmem>>) target_semaphore(%dma_start3A_105 : memref<!tpu.dma_semaphore, #tpu.memory_space<semaphore_mem>>)
      %add3A_113 = arith.constant 0 : i32
      %add3A_114 = arith.constant 1 : i32
      %add3A_115 = arith.addi %add3A_113, %add3A_114 : i32
      %select_n3A_116 = arith.constant true
      %select_n3A_117 = arith.constant 0 : i32
      %select_n3A_118 = arith.select %select_n3A_116, %add3A_115, %select_n3A_117 : i32
      "tpu.trace_stop"() : () -> ()
      %scan3A_119 = arith.constant 0 : i32
      %scan3A_120 = arith.constant 0 : i32
      %scan3A_121 = arith.constant 0 : i32
      %scan3A_122 = arith.constant 0 : i32
      %scan3A_123 = arith.constant 64 : i32
      %scan3A_124 = arith.addi %scan3A_122, %scan3A_123 : i32
      %scan3A_125 = arith.constant 1 : i32
      %scan3A_126:5 = scf.for %scan3A_167 = %scan3A_122 to %scan3A_124 step %scan3A_125 iter_args(%scan3A_168 = %select_n3A_93, %scan3A_169 = %scan3A_119, %scan3A_170 = %select_n3A_118, %scan3A_171 = %scan3A_120, %scan3A_172 = %scan3A_121) -> (i32, i32, i32, i32, i32)  : i32 {
        %eq3A_173 = arith.constant 0 : i32
        %eq3A_174 = arith.cmpi eq, %scan3A_167, %eq3A_173 : i32
        %eq3A_175 = arith.constant 63 : i32
        %eq3A_176 = arith.cmpi eq, %scan3A_167, %eq3A_175 : i32
        %add3A_177 = arith.constant 0 : i32
        %add3A_178 = arith.addi %scan3A_172, %add3A_177 : i32
        %sub3A_179 = arith.constant 1 : i32
        %sub3A_180 = arith.subi %scan3A_172, %sub3A_179 : i32
        %select_n3A_181 = arith.constant true
        %select_n3A_182 = arith.select %select_n3A_181, %sub3A_180, %scan3A_172 : i32
        %eq3A_183 = arith.constant -1 : i32
        %eq3A_184 = arith.cmpi eq, %select_n3A_182, %eq3A_183 : i32
        %select_n3A_185 = arith.constant 63 : i32
        %select_n3A_186 = arith.select %eq3A_184, %select_n3A_185, %select_n3A_182 : i32
        %add3A_187 = arith.constant 0 : i32
        %add3A_188 = arith.addi %select_n3A_186, %add3A_187 : i32
        %add3A_189 = arith.constant 1 : i32
        %add3A_190 = arith.addi %scan3A_172, %add3A_189 : i32
        %select_n3A_191 = arith.constant true
        %select_n3A_192 = arith.select %select_n3A_191, %add3A_190, %scan3A_172 : i32
        %eq3A_193 = arith.constant 64 : i32
        %eq3A_194 = arith.cmpi eq, %select_n3A_192, %eq3A_193 : i32
        %select_n3A_195 = arith.constant 0 : i32
        %select_n3A_196 = arith.select %eq3A_194, %select_n3A_195, %select_n3A_192 : i32
        %add3A_197 = arith.constant 0 : i32
        %add3A_198 = arith.addi %select_n3A_196, %add3A_197 : i32
        %add3A_199 = arith.constant 1 : i32
        %add3A_200 = arith.addi %select_n3A_196, %add3A_199 : i32
        %select_n3A_201 = arith.constant true
        %select_n3A_202 = arith.select %select_n3A_201, %add3A_200, %select_n3A_196 : i32
        %eq3A_203 = arith.constant 64 : i32
        %eq3A_204 = arith.cmpi eq, %select_n3A_202, %eq3A_203 : i32
        %select_n3A_205 = arith.constant 0 : i32
        %select_n3A_206 = arith.select %eq3A_204, %select_n3A_205, %select_n3A_202 : i32
        %add3A_207 = arith.constant 0 : i32
        %add3A_208 = arith.addi %select_n3A_206, %add3A_207 : i32
        %ne3A = arith.cmpi ne, %add3A_178, %add3A_198 : i32
        %or3A = arith.constant false
        %or3A_209 = arith.ori %or3A, %ne3A : i1
        %or3A_210 = arith.constant false
        %or3A_211 = arith.ori %or3A_209, %or3A_210 : i1
        %ge3A = arith.constant 63 : i32
        %ge3A_212 = arith.cmpi sge, %scan3A_167, %ge3A : i32
        %not3A = arith.constant true
        %not3A_213 = arith.xori %ge3A_212, %not3A : i1
        %and3A = arith.andi %or3A_211, %not3A_213 : i1
        %convert_element_type3A = arith.extui %and3A : i1 to i32
        %cond3A = arith.constant 0 : i32
        %cond3A_214 = arith.cmpi ne, %convert_element_type3A, %cond3A : i32
        scf.if %cond3A_214 {
          "tpu.trace_start"() <{level = 10 : i32, message = "ep_copy_in"}> : () -> ()
          %rem3A_339 = arith.constant 2 : i32
          %rem3A_340 = arith.remui %scan3A_168, %rem3A_339 : i32
          %mul3A_341 = arith.constant 1 : i32
          %mul3A_342 = arith.muli %mul3A_341, %add3A_198 : i32
          %dma_start3A_343 = arith.constant 0 : i32
          %dma_start3A_344 = arith.constant 0 : i32
          %dma_start3A_345 = tpu.memref_slice %run_scoped3A_39[%rem3A_340, %dma_start3A_343, %dma_start3A_344] : memref<2x1x2048xi32, #tpu.memory_space<vmem>> -> memref<1x1x2048xi32, #tpu.memory_space<vmem>>
          %dma_start3A_346 = tpu.memref_squeeze %dma_start3A_345 : memref<1x1x2048xi32, #tpu.memory_space<vmem>> -> memref<1x2048xi32, #tpu.memory_space<vmem>>
          %dma_start3A_347 = arith.constant 0 : i32
          %dma_start3A_348 = tpu.memref_slice %arg2[%mul3A_342, %dma_start3A_347] : memref<64x2048xi32, #tpu.memory_space<hbm>> -> memref<1x2048xi32, #tpu.memory_space<hbm>>
          %dma_start3A_349 = tpu.memref_slice %run_scoped3A_40[%rem3A_340] : memref<2x!tpu.dma_semaphore, #tpu.memory_space<semaphore_mem>> -> memref<1x!tpu.dma_semaphore, #tpu.memory_space<semaphore_mem>>
          %dma_start3A_350 = tpu.memref_squeeze %dma_start3A_349 : memref<1x!tpu.dma_semaphore, #tpu.memory_space<semaphore_mem>> -> memref<!tpu.dma_semaphore, #tpu.memory_space<semaphore_mem>>
          %dma_start3A_351 = arith.constant 0 : i32
          %dma_start3A_352 = arith.constant 0 : i32
          %dma_start3A_353 = tpu.memref_slice %run_scoped3A_39[%rem3A_340, %dma_start3A_351, %dma_start3A_352] : memref<2x1x2048xi32, #tpu.memory_space<vmem>> -> memref<1x1x2048xi32, #tpu.memory_space<vmem>>
          %dma_start3A_354 = tpu.memref_squeeze %dma_start3A_353 : memref<1x1x2048xi32, #tpu.memory_space<vmem>> -> memref<1x2048xi32, #tpu.memory_space<vmem>>
          %dma_start3A_355 = arith.constant 0 : i32
          %dma_start3A_356 = tpu.memref_slice %arg2[%mul3A_342, %dma_start3A_355] : memref<64x2048xi32, #tpu.memory_space<hbm>> -> memref<1x2048xi32, #tpu.memory_space<hbm>>
          tpu.enqueue_dma source(%dma_start3A_356 : memref<1x2048xi32, #tpu.memory_space<hbm>>) target(%dma_start3A_354 : memref<1x2048xi32, #tpu.memory_space<vmem>>) target_semaphore(%dma_start3A_350 : memref<!tpu.dma_semaphore, #tpu.memory_space<semaphore_mem>>)
          "tpu.trace_stop"() : () -> ()
        } else {
        }
        %and3A_215 = arith.constant true
        %and3A_216 = arith.andi %and3A, %and3A_215 : i1
        %add3A_217 = arith.constant 1 : i32
        %add3A_218 = arith.addi %scan3A_168, %add3A_217 : i32
        %select_n3A_219 = arith.select %and3A_216, %add3A_218, %scan3A_168 : i32
        %ne3A_220 = arith.cmpi ne, %add3A_178, %add3A_198 : i32
        %or3A_221 = arith.constant false
        %or3A_222 = arith.ori %or3A_221, %ne3A_220 : i1
        %or3A_223 = arith.constant false
        %or3A_224 = arith.ori %or3A_222, %or3A_223 : i1
        %ge3A_225 = arith.constant 63 : i32
        %ge3A_226 = arith.cmpi sge, %scan3A_167, %ge3A_225 : i32
        %not3A_227 = arith.constant true
        %not3A_228 = arith.xori %ge3A_226, %not3A_227 : i1
        %and3A_229 = arith.andi %or3A_224, %not3A_228 : i1
        %convert_element_type3A_230 = arith.extui %and3A_229 : i1 to i32
        %cond3A_231 = arith.constant 0 : i32
        %cond3A_232 = arith.cmpi ne, %convert_element_type3A_230, %cond3A_231 : i32
        scf.if %cond3A_232 {
          "tpu.trace_start"() <{level = 10 : i32, message = "ep_copy_in"}> : () -> ()
          %rem3A_339 = arith.constant 2 : i32
          %rem3A_340 = arith.remui %scan3A_170, %rem3A_339 : i32
          %mul3A_341 = arith.constant 1 : i32
          %mul3A_342 = arith.muli %mul3A_341, %add3A_198 : i32
          %dma_start3A_343 = arith.constant 0 : i32
          %dma_start3A_344 = arith.constant 0 : i32
          %dma_start3A_345 = tpu.memref_slice %run_scoped3A_41[%rem3A_340, %dma_start3A_343, %dma_start3A_344] : memref<2x1x2048xf32, #tpu.memory_space<vmem>> -> memref<1x1x2048xf32, #tpu.memory_space<vmem>>
          %dma_start3A_346 = tpu.memref_squeeze %dma_start3A_345 : memref<1x1x2048xf32, #tpu.memory_space<vmem>> -> memref<1x2048xf32, #tpu.memory_space<vmem>>
          %dma_start3A_347 = arith.constant 0 : i32
          %dma_start3A_348 = tpu.memref_slice %arg4[%mul3A_342, %dma_start3A_347] : memref<64x2048xf32, #tpu.memory_space<hbm>> -> memref<1x2048xf32, #tpu.memory_space<hbm>>
          %dma_start3A_349 = tpu.memref_slice %run_scoped3A_42[%rem3A_340] : memref<2x!tpu.dma_semaphore, #tpu.memory_space<semaphore_mem>> -> memref<1x!tpu.dma_semaphore, #tpu.memory_space<semaphore_mem>>
          %dma_start3A_350 = tpu.memref_squeeze %dma_start3A_349 : memref<1x!tpu.dma_semaphore, #tpu.memory_space<semaphore_mem>> -> memref<!tpu.dma_semaphore, #tpu.memory_space<semaphore_mem>>
          %dma_start3A_351 = arith.constant 0 : i32
          %dma_start3A_352 = arith.constant 0 : i32
          %dma_start3A_353 = tpu.memref_slice %run_scoped3A_41[%rem3A_340, %dma_start3A_351, %dma_start3A_352] : memref<2x1x2048xf32, #tpu.memory_space<vmem>> -> memref<1x1x2048xf32, #tpu.memory_space<vmem>>
          %dma_start3A_354 = tpu.memref_squeeze %dma_start3A_353 : memref<1x1x2048xf32, #tpu.memory_space<vmem>> -> memref<1x2048xf32, #tpu.memory_space<vmem>>
          %dma_start3A_355 = arith.constant 0 : i32
          %dma_start3A_356 = tpu.memref_slice %arg4[%mul3A_342, %dma_start3A_355] : memref<64x2048xf32, #tpu.memory_space<hbm>> -> memref<1x2048xf32, #tpu.memory_space<hbm>>
          tpu.enqueue_dma source(%dma_start3A_356 : memref<1x2048xf32, #tpu.memory_space<hbm>>) target(%dma_start3A_354 : memref<1x2048xf32, #tpu.memory_space<vmem>>) target_semaphore(%dma_start3A_350 : memref<!tpu.dma_semaphore, #tpu.memory_space<semaphore_mem>>)
          "tpu.trace_stop"() : () -> ()
        } else {
        }
        %and3A_233 = arith.constant true
        %and3A_234 = arith.andi %and3A_229, %and3A_233 : i1
        %add3A_235 = arith.constant 1 : i32
        %add3A_236 = arith.addi %scan3A_170, %add3A_235 : i32
        %select_n3A_237 = arith.select %and3A_234, %add3A_236, %scan3A_170 : i32
        %ne3A_238 = arith.cmpi ne, %add3A_178, %add3A_188 : i32
        %or3A_239 = arith.constant false
        %or3A_240 = arith.ori %or3A_239, %ne3A_238 : i1
        %or3A_241 = arith.constant false
        %or3A_242 = arith.ori %or3A_240, %or3A_241 : i1
        %or3A_243 = arith.ori %or3A_242, %eq3A_174 : i1
        %convert_element_type3A_244 = arith.extui %or3A_243 : i1 to i32
        %cond3A_245 = arith.constant 0 : i32
        %cond3A_246 = arith.cmpi ne, %convert_element_type3A_244, %cond3A_245 : i32
        scf.if %cond3A_246 {
          "tpu.trace_start"() <{level = 10 : i32, message = "ep_wait_in"}> : () -> ()
          %mul3A_339 = arith.constant 1 : i32
          %mul3A_340 = arith.muli %mul3A_339, %add3A_178 : i32
          %rem3A_341 = arith.constant 2 : i32
          %rem3A_342 = arith.remui %scan3A_169, %rem3A_341 : i32
          %dma_wait3A = arith.constant 0 : i32
          %dma_wait3A_343 = arith.constant 0 : i32
          %dma_wait3A_344 = tpu.memref_slice %run_scoped3A_39[%rem3A_342, %dma_wait3A, %dma_wait3A_343] : memref<2x1x2048xi32, #tpu.memory_space<vmem>> -> memref<1x1x2048xi32, #tpu.memory_space<vmem>>
          %dma_wait3A_345 = tpu.memref_squeeze %dma_wait3A_344 : memref<1x1x2048xi32, #tpu.memory_space<vmem>> -> memref<1x2048xi32, #tpu.memory_space<vmem>>
          %dma_wait3A_346 = arith.constant 0 : i32
          %dma_wait3A_347 = tpu.memref_slice %arg2[%mul3A_340, %dma_wait3A_346] : memref<64x2048xi32, #tpu.memory_space<hbm>> -> memref<1x2048xi32, #tpu.memory_space<hbm>>
          %dma_wait3A_348 = tpu.memref_slice %run_scoped3A_40[%rem3A_342] : memref<2x!tpu.dma_semaphore, #tpu.memory_space<semaphore_mem>> -> memref<1x!tpu.dma_semaphore, #tpu.memory_space<semaphore_mem>>
          %dma_wait3A_349 = tpu.memref_squeeze %dma_wait3A_348 : memref<1x!tpu.dma_semaphore, #tpu.memory_space<semaphore_mem>> -> memref<!tpu.dma_semaphore, #tpu.memory_space<semaphore_mem>>
          %dma_wait3A_350 = arith.constant 0 : i32
          %dma_wait3A_351 = arith.constant 0 : i32
          %dma_wait3A_352 = tpu.memref_slice %run_scoped3A_39[%rem3A_342, %dma_wait3A_350, %dma_wait3A_351] : memref<2x1x2048xi32, #tpu.memory_space<vmem>> -> memref<1x1x2048xi32, #tpu.memory_space<vmem>>
          %dma_wait3A_353 = tpu.memref_squeeze %dma_wait3A_352 : memref<1x1x2048xi32, #tpu.memory_space<vmem>> -> memref<1x2048xi32, #tpu.memory_space<vmem>>
          %dma_wait3A_354 = arith.constant 0 : i32
          %dma_wait3A_355 = tpu.memref_slice %arg2[%mul3A_340, %dma_wait3A_354] : memref<64x2048xi32, #tpu.memory_space<hbm>> -> memref<1x2048xi32, #tpu.memory_space<hbm>>
          tpu.wait_dma2 semaphore(%dma_wait3A_349 : memref<!tpu.dma_semaphore, #tpu.memory_space<semaphore_mem>>) src(%dma_wait3A_355 : memref<1x2048xi32, #tpu.memory_space<hbm>>) dst(%dma_wait3A_353 : memref<1x2048xi32, #tpu.memory_space<vmem>>)
          "tpu.trace_stop"() : () -> ()
        } else {
        }
        %ne3A_247 = arith.cmpi ne, %add3A_178, %add3A_188 : i32
        %or3A_248 = arith.constant false
        %or3A_249 = arith.ori %or3A_248, %ne3A_247 : i1
        %or3A_250 = arith.constant false
        %or3A_251 = arith.ori %or3A_249, %or3A_250 : i1
        %or3A_252 = arith.ori %or3A_251, %eq3A_174 : i1
        %convert_element_type3A_253 = arith.extui %or3A_252 : i1 to i32
        %cond3A_254 = arith.constant 0 : i32
        %cond3A_255 = arith.cmpi ne, %convert_element_type3A_253, %cond3A_254 : i32
        scf.if %cond3A_255 {
          "tpu.trace_start"() <{level = 10 : i32, message = "ep_wait_in"}> : () -> ()
          %mul3A_339 = arith.constant 1 : i32
          %mul3A_340 = arith.muli %mul3A_339, %add3A_178 : i32
          %rem3A_341 = arith.constant 2 : i32
          %rem3A_342 = arith.remui %scan3A_171, %rem3A_341 : i32
          %dma_wait3A = arith.constant 0 : i32
          %dma_wait3A_343 = arith.constant 0 : i32
          %dma_wait3A_344 = tpu.memref_slice %run_scoped3A_41[%rem3A_342, %dma_wait3A, %dma_wait3A_343] : memref<2x1x2048xf32, #tpu.memory_space<vmem>> -> memref<1x1x2048xf32, #tpu.memory_space<vmem>>
          %dma_wait3A_345 = tpu.memref_squeeze %dma_wait3A_344 : memref<1x1x2048xf32, #tpu.memory_space<vmem>> -> memref<1x2048xf32, #tpu.memory_space<vmem>>
          %dma_wait3A_346 = arith.constant 0 : i32
          %dma_wait3A_347 = tpu.memref_slice %arg4[%mul3A_340, %dma_wait3A_346] : memref<64x2048xf32, #tpu.memory_space<hbm>> -> memref<1x2048xf32, #tpu.memory_space<hbm>>
          %dma_wait3A_348 = tpu.memref_slice %run_scoped3A_42[%rem3A_342] : memref<2x!tpu.dma_semaphore, #tpu.memory_space<semaphore_mem>> -> memref<1x!tpu.dma_semaphore, #tpu.memory_space<semaphore_mem>>
          %dma_wait3A_349 = tpu.memref_squeeze %dma_wait3A_348 : memref<1x!tpu.dma_semaphore, #tpu.memory_space<semaphore_mem>> -> memref<!tpu.dma_semaphore, #tpu.memory_space<semaphore_mem>>
          %dma_wait3A_350 = arith.constant 0 : i32
          %dma_wait3A_351 = arith.constant 0 : i32
          %dma_wait3A_352 = tpu.memref_slice %run_scoped3A_41[%rem3A_342, %dma_wait3A_350, %dma_wait3A_351] : memref<2x1x2048xf32, #tpu.memory_space<vmem>> -> memref<1x1x2048xf32, #tpu.memory_space<vmem>>
          %dma_wait3A_353 = tpu.memref_squeeze %dma_wait3A_352 : memref<1x1x2048xf32, #tpu.memory_space<vmem>> -> memref<1x2048xf32, #tpu.memory_space<vmem>>
          %dma_wait3A_354 = arith.constant 0 : i32
          %dma_wait3A_355 = tpu.memref_slice %arg4[%mul3A_340, %dma_wait3A_354] : memref<64x2048xf32, #tpu.memory_space<hbm>> -> memref<1x2048xf32, #tpu.memory_space<hbm>>
          tpu.wait_dma2 semaphore(%dma_wait3A_349 : memref<!tpu.dma_semaphore, #tpu.memory_space<semaphore_mem>>) src(%dma_wait3A_355 : memref<1x2048xf32, #tpu.memory_space<hbm>>) dst(%dma_wait3A_353 : memref<1x2048xf32, #tpu.memory_space<vmem>>)
          "tpu.trace_stop"() : () -> ()
        } else {
        }
        %rem3A_256 = arith.constant 2 : i32
        %rem3A_257 = arith.remui %scan3A_169, %rem3A_256 : i32
        %rem3A_258 = arith.constant 2 : i32
        %rem3A_259 = arith.remui %scan3A_171, %rem3A_258 : i32
        "tpu.trace_start"() <{level = 10 : i32, message = "ep_run_kernel"}> : () -> ()
        %scan3A_260 = arith.constant 0 : i32
        %scan3A_261 = arith.constant 128 : i32
        %scan3A_262 = arith.addi %scan3A_260, %scan3A_261 : i32
        %scan3A_263 = arith.constant 1 : i32
        scf.for %scan3A_339 = %scan3A_260 to %scan3A_262 step %scan3A_263  : i32 {
          %mul3A_340 = arith.constant 1 : i32
          %mul3A_341 = arith.muli %scan3A_339, %mul3A_340 : i32
          %add3A_342 = arith.constant 0 : i32
          %add3A_343 = arith.addi %add3A_342, %mul3A_341 : i32
          %mul3A_344 = arith.constant 16 : i32
          %mul3A_345 = arith.muli %add3A_343, %mul3A_344 : i32
          %get3A = arith.constant 0 : i32
          %get3A_346 = arith.constant 0 : i32
          %get3A_347 = arith.constant 0 : i32
          %get3A_348 = tpu.memref_slice %run_scoped3A_39[%rem3A_257, %get3A_346, %get3A_347] : memref<2x1x2048xi32, #tpu.memory_space<vmem>> -> memref<1x1x2048xi32, #tpu.memory_space<vmem>>
          %get3A_349 = tpu.memref_squeeze %get3A_348 : memref<1x1x2048xi32, #tpu.memory_space<vmem>> -> memref<1x2048xi32, #tpu.memory_space<vmem>>
          %get3A_350 = arith.index_cast %get3A : i32 to index
          %get3A_351 = arith.index_cast %mul3A_345 : i32 to index
          %get3A_352 = tpu.vector_load %get3A_349[%get3A_350, %get3A_351] {strides = array<i32>} : memref<1x2048xi32, #tpu.memory_space<vmem>>, vector<16xi32>,
          %sub3A_353 = vector.broadcast %mul3A_22 : i32 to vector<16xi32>
          %sub3A_354 = arith.subi %get3A_352, %sub3A_353 : vector<16xi32>
          %ge3A_355 = arith.constant 0 : i32
          %ge3A_356 = vector.broadcast %ge3A_355 : i32 to vector<16xi32>
          %ge3A_357 = arith.cmpi sge, %sub3A_354, %ge3A_356 : vector<16xi32>
          %lt3A = arith.constant 65536 : i32
          %lt3A_358 = vector.broadcast %lt3A : i32 to vector<16xi32>
          %lt3A_359 = arith.cmpi slt, %sub3A_354, %lt3A_358 : vector<16xi32>
          %and3A_360 = arith.andi %ge3A_357, %lt3A_359 : vector<16xi1>
          %jit3A = arith.constant 0 : i32
          %broadcast_in_dim3A = vector.broadcast %jit3A : i32 to vector<16xi32>
          %select_n3A_361 = arith.select %and3A_360, %sub3A_354, %broadcast_in_dim3A : vector<16xi1>, vector<16xi32>
          %mul3A_362 = arith.constant 16 : i32
          %mul3A_363 = arith.muli %add3A_343, %mul3A_362 : i32
          %get3A_364 = arith.constant 0 : i32
          %get3A_365 = arith.constant 0 : i32
          %get3A_366 = arith.constant 0 : i32
          %get3A_367 = tpu.memref_slice %run_scoped3A_41[%rem3A_259, %get3A_365, %get3A_366] : memref<2x1x2048xf32, #tpu.memory_space<vmem>> -> memref<1x1x2048xf32, #tpu.memory_space<vmem>>
          %get3A_368 = tpu.memref_squeeze %get3A_367 : memref<1x1x2048xf32, #tpu.memory_space<vmem>> -> memref<1x2048xf32, #tpu.memory_space<vmem>>
          %get3A_369 = arith.index_cast %get3A_364 : i32 to index
          %get3A_370 = arith.index_cast %mul3A_363 : i32 to index
          %get3A_371 = tpu.vector_load %get3A_368[%get3A_369, %get3A_370] {strides = array<i32>} : memref<1x2048xf32, #tpu.memory_space<vmem>>, vector<16xf32>,
          tpu.vector_store_idx %arg6[%select_n3A_361], %get3A_371 masked %and3A_360 : memref<65536xf32, #tpu.memory_space<vmem>>[vector<16xi32>], vector<16xf32>, vector<16xi1>
        }
        %scan3A_264 = arith.constant 128 : i32
        "tpu.trace_stop"() : () -> ()
        %ne3A_265 = arith.cmpi ne, %add3A_178, %add3A_198 : i32
        %or3A_266 = arith.constant false
        %or3A_267 = arith.ori %or3A_266, %ne3A_265 : i1
        %or3A_268 = arith.constant false
        %or3A_269 = arith.ori %or3A_267, %or3A_268 : i1
        %or3A_270 = arith.ori %or3A_269, %eq3A_176 : i1
        %convert_element_type3A_271 = arith.extui %or3A_270 : i1 to i32
        %cond3A_272 = arith.constant 0 : i32
        %cond3A_273 = arith.cmpi ne, %convert_element_type3A_271, %cond3A_272 : i32
        scf.if %cond3A_273 {
        } else {
        }
        %and3A_274 = arith.constant false
        %and3A_275 = arith.andi %or3A_270, %and3A_274 : i1
        %ne3A_276 = arith.cmpi ne, %add3A_178, %add3A_198 : i32
        %or3A_277 = arith.constant false
        %or3A_278 = arith.ori %or3A_277, %ne3A_276 : i1
        %or3A_279 = arith.constant false
        %or3A_280 = arith.ori %or3A_278, %or3A_279 : i1
        %or3A_281 = arith.ori %or3A_280, %eq3A_176 : i1
        %convert_element_type3A_282 = arith.extui %or3A_281 : i1 to i32
        %cond3A_283 = arith.constant 0 : i32
        %cond3A_284 = arith.cmpi ne, %convert_element_type3A_282, %cond3A_283 : i32
        scf.if %cond3A_284 {
        } else {
        }
        %and3A_285 = arith.constant false
        %and3A_286 = arith.andi %or3A_281, %and3A_285 : i1
        %ne3A_287 = arith.cmpi ne, %add3A_178, %add3A_188 : i32
        %or3A_288 = arith.constant false
        %or3A_289 = arith.ori %or3A_288, %ne3A_287 : i1
        %or3A_290 = arith.constant false
        %or3A_291 = arith.ori %or3A_289, %or3A_290 : i1
        %not3A_292 = arith.constant true
        %not3A_293 = arith.xori %eq3A_174, %not3A_292 : i1
        %and3A_294 = arith.andi %or3A_291, %not3A_293 : i1
        %convert_element_type3A_295 = arith.extui %and3A_294 : i1 to i32
        %cond3A_296 = arith.constant 0 : i32
        %cond3A_297 = arith.cmpi ne, %convert_element_type3A_295, %cond3A_296 : i32
        scf.if %cond3A_297 {
        } else {
        }
        %and3A_298 = arith.constant false
        %and3A_299 = arith.andi %and3A_294, %and3A_298 : i1
        %ne3A_300 = arith.cmpi ne, %add3A_178, %add3A_188 : i32
        %or3A_301 = arith.constant false
        %or3A_302 = arith.ori %or3A_301, %ne3A_300 : i1
        %or3A_303 = arith.constant false
        %or3A_304 = arith.ori %or3A_302, %or3A_303 : i1
        %not3A_305 = arith.constant true
        %not3A_306 = arith.xori %eq3A_174, %not3A_305 : i1
        %and3A_307 = arith.andi %or3A_304, %not3A_306 : i1
        %convert_element_type3A_308 = arith.extui %and3A_307 : i1 to i32
        %cond3A_309 = arith.constant 0 : i32
        %cond3A_310 = arith.cmpi ne, %convert_element_type3A_308, %cond3A_309 : i32
        scf.if %cond3A_310 {
        } else {
        }
        %and3A_311 = arith.constant false
        %and3A_312 = arith.andi %and3A_307, %and3A_311 : i1
        %ne3A_313 = arith.cmpi ne, %add3A_178, %add3A_198 : i32
        %or3A_314 = arith.constant false
        %or3A_315 = arith.ori %or3A_314, %ne3A_313 : i1
        %or3A_316 = arith.constant false
        %or3A_317 = arith.ori %or3A_315, %or3A_316 : i1
        %or3A_318 = arith.ori %or3A_317, %eq3A_176 : i1
        %add3A_319 = arith.constant 1 : i32
        %add3A_320 = arith.addi %scan3A_169, %add3A_319 : i32
        %select_n3A_321 = arith.select %or3A_318, %add3A_320, %scan3A_169 : i32
        %ne3A_322 = arith.cmpi ne, %add3A_178, %add3A_198 : i32
        %or3A_323 = arith.constant false
        %or3A_324 = arith.ori %or3A_323, %ne3A_322 : i1
        %or3A_325 = arith.constant false
        %or3A_326 = arith.ori %or3A_324, %or3A_325 : i1
        %or3A_327 = arith.ori %or3A_326, %eq3A_176 : i1
        %add3A_328 = arith.constant 1 : i32
        %add3A_329 = arith.addi %scan3A_171, %add3A_328 : i32
        %select_n3A_330 = arith.select %or3A_327, %add3A_329, %scan3A_171 : i32
        %add3A_331 = arith.constant 1 : i32
        %add3A_332 = arith.addi %scan3A_172, %add3A_331 : i32
        %select_n3A_333 = arith.constant true
        %select_n3A_334 = arith.select %select_n3A_333, %add3A_332, %scan3A_172 : i32
        %eq3A_335 = arith.constant 64 : i32
        %eq3A_336 = arith.cmpi eq, %select_n3A_334, %eq3A_335 : i32
        %select_n3A_337 = arith.constant 0 : i32
        %select_n3A_338 = arith.select %eq3A_336, %select_n3A_337, %select_n3A_334 : i32
        scf.yield %select_n3A_219, %select_n3A_321, %select_n3A_237, %select_n3A_330, %select_n3A_338 : i32, i32, i32, i32, i32
      }
      %scan3A_127 = arith.constant 64 : i32
      %sub3A = arith.constant 1 : i32
      %sub3A_128 = arith.subi %scan3A_126#4, %sub3A : i32
      %select_n3A_129 = arith.constant true
      %select_n3A_130 = arith.select %select_n3A_129, %sub3A_128, %scan3A_126#4 : i32
      %eq3A_131 = arith.constant -1 : i32
      %eq3A_132 = arith.cmpi eq, %select_n3A_130, %eq3A_131 : i32
      %select_n3A_133 = arith.constant 63 : i32
      %select_n3A_134 = arith.select %eq3A_132, %select_n3A_133, %select_n3A_130 : i32
      %add3A_135 = arith.constant 0 : i32
      %add3A_136 = arith.addi %select_n3A_134, %add3A_135 : i32
      %sub3A_137 = arith.constant 1 : i32
      %sub3A_138 = arith.subi %select_n3A_134, %sub3A_137 : i32
      %select_n3A_139 = arith.constant true
      %select_n3A_140 = arith.select %select_n3A_139, %sub3A_138, %select_n3A_134 : i32
      %eq3A_141 = arith.constant -1 : i32
      %eq3A_142 = arith.cmpi eq, %select_n3A_140, %eq3A_141 : i32
      %select_n3A_143 = arith.constant 63 : i32
      %select_n3A_144 = arith.select %eq3A_142, %select_n3A_143, %select_n3A_140 : i32
      %add3A_145 = arith.constant 0 : i32
      %add3A_146 = arith.addi %select_n3A_144, %add3A_145 : i32
      %add3A_147 = arith.constant 1 : i32
      %add3A_148 = arith.addi %select_n3A_134, %add3A_147 : i32
      %select_n3A_149 = arith.constant true
      %select_n3A_150 = arith.select %select_n3A_149, %add3A_148, %select_n3A_134 : i32
      %eq3A_151 = arith.constant 64 : i32
      %eq3A_152 = arith.cmpi eq, %select_n3A_150, %eq3A_151 : i32
      %select_n3A_153 = arith.constant 0 : i32
      %select_n3A_154 = arith.select %eq3A_152, %select_n3A_153, %select_n3A_150 : i32
      %add3A_155 = arith.constant 0 : i32
      %add3A_156 = arith.addi %select_n3A_154, %add3A_155 : i32
      %add3A_157 = arith.constant 1 : i32
      %add3A_158 = arith.addi %select_n3A_154, %add3A_157 : i32
      %select_n3A_159 = arith.constant true
      %select_n3A_160 = arith.select %select_n3A_159, %add3A_158, %select_n3A_154 : i32
      %eq3A_161 = arith.constant 64 : i32
      %eq3A_162 = arith.cmpi eq, %select_n3A_160, %eq3A_161 : i32
      %select_n3A_163 = arith.constant 0 : i32
      %select_n3A_164 = arith.select %eq3A_162, %select_n3A_163, %select_n3A_160 : i32
      %add3A_165 = arith.constant 0 : i32
      %add3A_166 = arith.addi %select_n3A_164, %add3A_165 : i32
      tpu.yield
    }) : () -> ()
    %run_scoped3A_28 = arith.constant 1 : i32
    "tpu.region"() ({
      %run_scoped3A_39 = tpu.sem_alloc : memref<!tpu.dma_semaphore, #tpu.memory_space<semaphore_mem>>
      %dma_start3A = tpu.memref_slice %arg5[%run_scoped3A_28, %mul3A_22] : memref<2x4194304xf32, #tpu.memory_space<hbm>> -> memref<1x65536xf32, #tpu.memory_space<hbm>>
      %dma_start3A_40 = tpu.memref_squeeze %dma_start3A : memref<1x65536xf32, #tpu.memory_space<hbm>> -> memref<65536xf32, #tpu.memory_space<hbm>>
      %dma_start3A_41 = tpu.memref_slice %arg5[%run_scoped3A_28, %mul3A_22] : memref<2x4194304xf32, #tpu.memory_space<hbm>> -> memref<1x65536xf32, #tpu.memory_space<hbm>>
      %dma_start3A_42 = tpu.memref_squeeze %dma_start3A_41 : memref<1x65536xf32, #tpu.memory_space<hbm>> -> memref<65536xf32, #tpu.memory_space<hbm>>
      tpu.enqueue_dma source(%arg6 : memref<65536xf32, #tpu.memory_space<vmem>>) target(%dma_start3A_42 : memref<65536xf32, #tpu.memory_space<hbm>>) target_semaphore(%run_scoped3A_39 : memref<!tpu.dma_semaphore, #tpu.memory_space<semaphore_mem>>)
      %dma_wait3A = tpu.memref_slice %arg5[%run_scoped3A_28, %mul3A_22] : memref<2x4194304xf32, #tpu.memory_space<hbm>> -> memref<1x65536xf32, #tpu.memory_space<hbm>>
      %dma_wait3A_43 = tpu.memref_squeeze %dma_wait3A : memref<1x65536xf32, #tpu.memory_space<hbm>> -> memref<65536xf32, #tpu.memory_space<hbm>>
      %dma_wait3A_44 = tpu.memref_slice %arg5[%run_scoped3A_28, %mul3A_22] : memref<2x4194304xf32, #tpu.memory_space<hbm>> -> memref<1x65536xf32, #tpu.memory_space<hbm>>
      %dma_wait3A_45 = tpu.memref_squeeze %dma_wait3A_44 : memref<1x65536xf32, #tpu.memory_space<hbm>> -> memref<65536xf32, #tpu.memory_space<hbm>>
      tpu.wait_dma2 semaphore(%run_scoped3A_39 : memref<!tpu.dma_semaphore, #tpu.memory_space<semaphore_mem>>) src(%arg6 : memref<65536xf32, #tpu.memory_space<vmem>>) dst(%dma_wait3A_45 : memref<65536xf32, #tpu.memory_space<hbm>>)
      tpu.yield
    }) : () -> ()
    %add3A_29 = arith.constant 32 : i32
    %add3A_30 = arith.addi %add3A_29, %add3A : i32
    %mul3A_31 = arith.constant 65536 : i32
    %mul3A_32 = arith.muli %add3A_30, %mul3A_31 : i32
    %scan3A_33 = arith.constant 0 : i32
    %scan3A_34 = arith.constant 4096 : i32
    %scan3A_35 = arith.addi %scan3A_33, %scan3A_34 : i32
    %scan3A_36 = arith.constant 1 : i32
    scf.for %scan3A_39 = %scan3A_33 to %scan3A_35 step %scan3A_36  : i32 {
      %mul3A_40 = arith.constant 1 : i32
      %mul3A_41 = arith.muli %scan3A_39, %mul3A_40 : i32
      %add3A_42 = arith.constant 0 : i32
      %add3A_43 = arith.addi %add3A_42, %mul3A_41 : i32
      %broadcast_in_dim3A = arith.constant 0.000000e+00 : f32
      %broadcast_in_dim3A_44 = vector.broadcast %broadcast_in_dim3A : f32 to vector<16xf32>
      %mul3A_45 = arith.constant 16 : i32
      %mul3A_46 = arith.muli %add3A_43, %mul3A_45 : i32
      %swap3A = arith.index_cast %mul3A_46 : i32 to index
      %swap3A_47 = tpu.vector_load %arg6[%swap3A] {strides = array<i32>} : memref<65536xf32, #tpu.memory_space<vmem>>, vector<16xf32>,
      tpu.vector_store %arg6[%swap3A], %broadcast_in_dim3A_44 {strides = array<i32>} : memref<65536xf32, #tpu.memory_space<vmem>>, vector<16xf32>,
    }
    %scan3A_37 = arith.constant 4096 : i32
    "tpu.region"() ({
      %run_scoped3A_39 = memref.alloca() : memref<2x1x2048xi32, #tpu.memory_space<vmem>>
      %run_scoped3A_40 = tpu.sem_alloc : memref<2x!tpu.dma_semaphore, #tpu.memory_space<semaphore_mem>>
      %run_scoped3A_41 = memref.alloca() : memref<2x1x2048xf32, #tpu.memory_space<vmem>>
      %run_scoped3A_42 = tpu.sem_alloc : memref<2x!tpu.dma_semaphore, #tpu.memory_space<semaphore_mem>>
      %select_n3A = arith.constant true
      %select_n3A_43 = arith.constant 0 : i32
      %select_n3A_44 = arith.constant -1 : i32
      %select_n3A_45 = arith.select %select_n3A, %select_n3A_44, %select_n3A_43 : i32
      %eq3A = arith.constant -1 : i32
      %eq3A_46 = arith.cmpi eq, %select_n3A_45, %eq3A : i32
      %select_n3A_47 = arith.constant 63 : i32
      %select_n3A_48 = arith.select %eq3A_46, %select_n3A_47, %select_n3A_45 : i32
      %add3A_49 = arith.constant 0 : i32
      %add3A_50 = arith.addi %select_n3A_48, %add3A_49 : i32
      %select_n3A_51 = arith.constant true
      %select_n3A_52 = arith.constant 0 : i32
      %select_n3A_53 = arith.constant 1 : i32
      %select_n3A_54 = arith.select %select_n3A_51, %select_n3A_53, %select_n3A_52 : i32
      %eq3A_55 = arith.constant 64 : i32
      %eq3A_56 = arith.cmpi eq, %select_n3A_54, %eq3A_55 : i32
      %select_n3A_57 = arith.constant 0 : i32
      %select_n3A_58 = arith.select %eq3A_56, %select_n3A_57, %select_n3A_54 : i32
      %add3A_59 = arith.constant 0 : i32
      %add3A_60 = arith.addi %select_n3A_58, %add3A_59 : i32
      %add3A_61 = arith.constant 1 : i32
      %add3A_62 = arith.addi %select_n3A_58, %add3A_61 : i32
      %select_n3A_63 = arith.constant true
      %select_n3A_64 = arith.select %select_n3A_63, %add3A_62, %select_n3A_58 : i32
      %eq3A_65 = arith.constant 64 : i32
      %eq3A_66 = arith.cmpi eq, %select_n3A_64, %eq3A_65 : i32
      %select_n3A_67 = arith.constant 0 : i32
      %select_n3A_68 = arith.select %eq3A_66, %select_n3A_67, %select_n3A_64 : i32
      %add3A_69 = arith.constant 0 : i32
      %add3A_70 = arith.addi %select_n3A_68, %add3A_69 : i32
      "tpu.trace_start"() <{level = 10 : i32, message = "ep_initialize_0"}> : () -> ()
      %rem3A = arith.constant 0 : i32
      %rem3A_71 = arith.constant 2 : i32
      %rem3A_72 = arith.remui %rem3A, %rem3A_71 : i32
      %dma_start3A = arith.constant 0 : i32
      %dma_start3A_73 = arith.constant 0 : i32
      %dma_start3A_74 = tpu.memref_slice %run_scoped3A_39[%rem3A_72, %dma_start3A, %dma_start3A_73] : memref<2x1x2048xi32, #tpu.memory_space<vmem>> -> memref<1x1x2048xi32, #tpu.memory_space<vmem>>
      %dma_start3A_75 = tpu.memref_squeeze %dma_start3A_74 : memref<1x1x2048xi32, #tpu.memory_space<vmem>> -> memref<1x2048xi32, #tpu.memory_space<vmem>>
      %dma_start3A_76 = arith.constant 0 : i32
      %dma_start3A_77 = arith.constant 0 : i32
      %dma_start3A_78 = tpu.memref_slice %arg2[%dma_start3A_76, %dma_start3A_77] : memref<64x2048xi32, #tpu.memory_space<hbm>> -> memref<1x2048xi32, #tpu.memory_space<hbm>>
      %dma_start3A_79 = tpu.memref_slice %run_scoped3A_40[%rem3A_72] : memref<2x!tpu.dma_semaphore, #tpu.memory_space<semaphore_mem>> -> memref<1x!tpu.dma_semaphore, #tpu.memory_space<semaphore_mem>>
      %dma_start3A_80 = tpu.memref_squeeze %dma_start3A_79 : memref<1x!tpu.dma_semaphore, #tpu.memory_space<semaphore_mem>> -> memref<!tpu.dma_semaphore, #tpu.memory_space<semaphore_mem>>
      %dma_start3A_81 = arith.constant 0 : i32
      %dma_start3A_82 = arith.constant 0 : i32
      %dma_start3A_83 = tpu.memref_slice %run_scoped3A_39[%rem3A_72, %dma_start3A_81, %dma_start3A_82] : memref<2x1x2048xi32, #tpu.memory_space<vmem>> -> memref<1x1x2048xi32, #tpu.memory_space<vmem>>
      %dma_start3A_84 = tpu.memref_squeeze %dma_start3A_83 : memref<1x1x2048xi32, #tpu.memory_space<vmem>> -> memref<1x2048xi32, #tpu.memory_space<vmem>>
      %dma_start3A_85 = arith.constant 0 : i32
      %dma_start3A_86 = arith.constant 0 : i32
      %dma_start3A_87 = tpu.memref_slice %arg2[%dma_start3A_85, %dma_start3A_86] : memref<64x2048xi32, #tpu.memory_space<hbm>> -> memref<1x2048xi32, #tpu.memory_space<hbm>>
      tpu.enqueue_dma source(%dma_start3A_87 : memref<1x2048xi32, #tpu.memory_space<hbm>>) target(%dma_start3A_84 : memref<1x2048xi32, #tpu.memory_space<vmem>>) target_semaphore(%dma_start3A_80 : memref<!tpu.dma_semaphore, #tpu.memory_space<semaphore_mem>>)
      %add3A_88 = arith.constant 0 : i32
      %add3A_89 = arith.constant 1 : i32
      %add3A_90 = arith.addi %add3A_88, %add3A_89 : i32
      %select_n3A_91 = arith.constant true
      %select_n3A_92 = arith.constant 0 : i32
      %select_n3A_93 = arith.select %select_n3A_91, %add3A_90, %select_n3A_92 : i32
      %rem3A_94 = arith.constant 0 : i32
      %rem3A_95 = arith.constant 2 : i32
      %rem3A_96 = arith.remui %rem3A_94, %rem3A_95 : i32
      %dma_start3A_97 = arith.constant 0 : i32
      %dma_start3A_98 = arith.constant 0 : i32
      %dma_start3A_99 = tpu.memref_slice %run_scoped3A_41[%rem3A_96, %dma_start3A_97, %dma_start3A_98] : memref<2x1x2048xf32, #tpu.memory_space<vmem>> -> memref<1x1x2048xf32, #tpu.memory_space<vmem>>
      %dma_start3A_100 = tpu.memref_squeeze %dma_start3A_99 : memref<1x1x2048xf32, #tpu.memory_space<vmem>> -> memref<1x2048xf32, #tpu.memory_space<vmem>>
      %dma_start3A_101 = arith.constant 0 : i32
      %dma_start3A_102 = arith.constant 0 : i32
      %dma_start3A_103 = tpu.memref_slice %arg4[%dma_start3A_101, %dma_start3A_102] : memref<64x2048xf32, #tpu.memory_space<hbm>> -> memref<1x2048xf32, #tpu.memory_space<hbm>>
      %dma_start3A_104 = tpu.memref_slice %run_scoped3A_42[%rem3A_96] : memref<2x!tpu.dma_semaphore, #tpu.memory_space<semaphore_mem>> -> memref<1x!tpu.dma_semaphore, #tpu.memory_space<semaphore_mem>>
      %dma_start3A_105 = tpu.memref_squeeze %dma_start3A_104 : memref<1x!tpu.dma_semaphore, #tpu.memory_space<semaphore_mem>> -> memref<!tpu.dma_semaphore, #tpu.memory_space<semaphore_mem>>
      %dma_start3A_106 = arith.constant 0 : i32
      %dma_start3A_107 = arith.constant 0 : i32
      %dma_start3A_108 = tpu.memref_slice %run_scoped3A_41[%rem3A_96, %dma_start3A_106, %dma_start3A_107] : memref<2x1x2048xf32, #tpu.memory_space<vmem>> -> memref<1x1x2048xf32, #tpu.memory_space<vmem>>
      %dma_start3A_109 = tpu.memref_squeeze %dma_start3A_108 : memref<1x1x2048xf32, #tpu.memory_space<vmem>> -> memref<1x2048xf32, #tpu.memory_space<vmem>>
      %dma_start3A_110 = arith.constant 0 : i32
      %dma_start3A_111 = arith.constant 0 : i32
      %dma_start3A_112 = tpu.memref_slice %arg4[%dma_start3A_110, %dma_start3A_111] : memref<64x2048xf32, #tpu.memory_space<hbm>> -> memref<1x2048xf32, #tpu.memory_space<hbm>>
      tpu.enqueue_dma source(%dma_start3A_112 : memref<1x2048xf32, #tpu.memory_space<hbm>>) target(%dma_start3A_109 : memref<1x2048xf32, #tpu.memory_space<vmem>>) target_semaphore(%dma_start3A_105 : memref<!tpu.dma_semaphore, #tpu.memory_space<semaphore_mem>>)
      %add3A_113 = arith.constant 0 : i32
      %add3A_114 = arith.constant 1 : i32
      %add3A_115 = arith.addi %add3A_113, %add3A_114 : i32
      %select_n3A_116 = arith.constant true
      %select_n3A_117 = arith.constant 0 : i32
      %select_n3A_118 = arith.select %select_n3A_116, %add3A_115, %select_n3A_117 : i32
      "tpu.trace_stop"() : () -> ()
      %scan3A_119 = arith.constant 0 : i32
      %scan3A_120 = arith.constant 0 : i32
      %scan3A_121 = arith.constant 0 : i32
      %scan3A_122 = arith.constant 0 : i32
      %scan3A_123 = arith.constant 64 : i32
      %scan3A_124 = arith.addi %scan3A_122, %scan3A_123 : i32
      %scan3A_125 = arith.constant 1 : i32
      %scan3A_126:5 = scf.for %scan3A_167 = %scan3A_122 to %scan3A_124 step %scan3A_125 iter_args(%scan3A_168 = %select_n3A_93, %scan3A_169 = %scan3A_119, %scan3A_170 = %select_n3A_118, %scan3A_171 = %scan3A_120, %scan3A_172 = %scan3A_121) -> (i32, i32, i32, i32, i32)  : i32 {
        %eq3A_173 = arith.constant 0 : i32
        %eq3A_174 = arith.cmpi eq, %scan3A_167, %eq3A_173 : i32
        %eq3A_175 = arith.constant 63 : i32
        %eq3A_176 = arith.cmpi eq, %scan3A_167, %eq3A_175 : i32
        %add3A_177 = arith.constant 0 : i32
        %add3A_178 = arith.addi %scan3A_172, %add3A_177 : i32
        %sub3A_179 = arith.constant 1 : i32
        %sub3A_180 = arith.subi %scan3A_172, %sub3A_179 : i32
        %select_n3A_181 = arith.constant true
        %select_n3A_182 = arith.select %select_n3A_181, %sub3A_180, %scan3A_172 : i32
        %eq3A_183 = arith.constant -1 : i32
        %eq3A_184 = arith.cmpi eq, %select_n3A_182, %eq3A_183 : i32
        %select_n3A_185 = arith.constant 63 : i32
        %select_n3A_186 = arith.select %eq3A_184, %select_n3A_185, %select_n3A_182 : i32
        %add3A_187 = arith.constant 0 : i32
        %add3A_188 = arith.addi %select_n3A_186, %add3A_187 : i32
        %add3A_189 = arith.constant 1 : i32
        %add3A_190 = arith.addi %scan3A_172, %add3A_189 : i32
        %select_n3A_191 = arith.constant true
        %select_n3A_192 = arith.select %select_n3A_191, %add3A_190, %scan3A_172 : i32
        %eq3A_193 = arith.constant 64 : i32
        %eq3A_194 = arith.cmpi eq, %select_n3A_192, %eq3A_193 : i32
        %select_n3A_195 = arith.constant 0 : i32
        %select_n3A_196 = arith.select %eq3A_194, %select_n3A_195, %select_n3A_192 : i32
        %add3A_197 = arith.constant 0 : i32
        %add3A_198 = arith.addi %select_n3A_196, %add3A_197 : i32
        %add3A_199 = arith.constant 1 : i32
        %add3A_200 = arith.addi %select_n3A_196, %add3A_199 : i32
        %select_n3A_201 = arith.constant true
        %select_n3A_202 = arith.select %select_n3A_201, %add3A_200, %select_n3A_196 : i32
        %eq3A_203 = arith.constant 64 : i32
        %eq3A_204 = arith.cmpi eq, %select_n3A_202, %eq3A_203 : i32
        %select_n3A_205 = arith.constant 0 : i32
        %select_n3A_206 = arith.select %eq3A_204, %select_n3A_205, %select_n3A_202 : i32
        %add3A_207 = arith.constant 0 : i32
        %add3A_208 = arith.addi %select_n3A_206, %add3A_207 : i32
        %ne3A = arith.cmpi ne, %add3A_178, %add3A_198 : i32
        %or3A = arith.constant false
        %or3A_209 = arith.ori %or3A, %ne3A : i1
        %or3A_210 = arith.constant false
        %or3A_211 = arith.ori %or3A_209, %or3A_210 : i1
        %ge3A = arith.constant 63 : i32
        %ge3A_212 = arith.cmpi sge, %scan3A_167, %ge3A : i32
        %not3A = arith.constant true
        %not3A_213 = arith.xori %ge3A_212, %not3A : i1
        %and3A = arith.andi %or3A_211, %not3A_213 : i1
        %convert_element_type3A = arith.extui %and3A : i1 to i32
        %cond3A = arith.constant 0 : i32
        %cond3A_214 = arith.cmpi ne, %convert_element_type3A, %cond3A : i32
        scf.if %cond3A_214 {
          "tpu.trace_start"() <{level = 10 : i32, message = "ep_copy_in"}> : () -> ()
          %rem3A_339 = arith.constant 2 : i32
          %rem3A_340 = arith.remui %scan3A_168, %rem3A_339 : i32
          %mul3A_341 = arith.constant 1 : i32
          %mul3A_342 = arith.muli %mul3A_341, %add3A_198 : i32
          %dma_start3A_343 = arith.constant 0 : i32
          %dma_start3A_344 = arith.constant 0 : i32
          %dma_start3A_345 = tpu.memref_slice %run_scoped3A_39[%rem3A_340, %dma_start3A_343, %dma_start3A_344] : memref<2x1x2048xi32, #tpu.memory_space<vmem>> -> memref<1x1x2048xi32, #tpu.memory_space<vmem>>
          %dma_start3A_346 = tpu.memref_squeeze %dma_start3A_345 : memref<1x1x2048xi32, #tpu.memory_space<vmem>> -> memref<1x2048xi32, #tpu.memory_space<vmem>>
          %dma_start3A_347 = arith.constant 0 : i32
          %dma_start3A_348 = tpu.memref_slice %arg2[%mul3A_342, %dma_start3A_347] : memref<64x2048xi32, #tpu.memory_space<hbm>> -> memref<1x2048xi32, #tpu.memory_space<hbm>>
          %dma_start3A_349 = tpu.memref_slice %run_scoped3A_40[%rem3A_340] : memref<2x!tpu.dma_semaphore, #tpu.memory_space<semaphore_mem>> -> memref<1x!tpu.dma_semaphore, #tpu.memory_space<semaphore_mem>>
          %dma_start3A_350 = tpu.memref_squeeze %dma_start3A_349 : memref<1x!tpu.dma_semaphore, #tpu.memory_space<semaphore_mem>> -> memref<!tpu.dma_semaphore, #tpu.memory_space<semaphore_mem>>
          %dma_start3A_351 = arith.constant 0 : i32
          %dma_start3A_352 = arith.constant 0 : i32
          %dma_start3A_353 = tpu.memref_slice %run_scoped3A_39[%rem3A_340, %dma_start3A_351, %dma_start3A_352] : memref<2x1x2048xi32, #tpu.memory_space<vmem>> -> memref<1x1x2048xi32, #tpu.memory_space<vmem>>
          %dma_start3A_354 = tpu.memref_squeeze %dma_start3A_353 : memref<1x1x2048xi32, #tpu.memory_space<vmem>> -> memref<1x2048xi32, #tpu.memory_space<vmem>>
          %dma_start3A_355 = arith.constant 0 : i32
          %dma_start3A_356 = tpu.memref_slice %arg2[%mul3A_342, %dma_start3A_355] : memref<64x2048xi32, #tpu.memory_space<hbm>> -> memref<1x2048xi32, #tpu.memory_space<hbm>>
          tpu.enqueue_dma source(%dma_start3A_356 : memref<1x2048xi32, #tpu.memory_space<hbm>>) target(%dma_start3A_354 : memref<1x2048xi32, #tpu.memory_space<vmem>>) target_semaphore(%dma_start3A_350 : memref<!tpu.dma_semaphore, #tpu.memory_space<semaphore_mem>>)
          "tpu.trace_stop"() : () -> ()
        } else {
        }
        %and3A_215 = arith.constant true
        %and3A_216 = arith.andi %and3A, %and3A_215 : i1
        %add3A_217 = arith.constant 1 : i32
        %add3A_218 = arith.addi %scan3A_168, %add3A_217 : i32
        %select_n3A_219 = arith.select %and3A_216, %add3A_218, %scan3A_168 : i32
        %ne3A_220 = arith.cmpi ne, %add3A_178, %add3A_198 : i32
        %or3A_221 = arith.constant false
        %or3A_222 = arith.ori %or3A_221, %ne3A_220 : i1
        %or3A_223 = arith.constant false
        %or3A_224 = arith.ori %or3A_222, %or3A_223 : i1
        %ge3A_225 = arith.constant 63 : i32
        %ge3A_226 = arith.cmpi sge, %scan3A_167, %ge3A_225 : i32
        %not3A_227 = arith.constant true
        %not3A_228 = arith.xori %ge3A_226, %not3A_227 : i1
        %and3A_229 = arith.andi %or3A_224, %not3A_228 : i1
        %convert_element_type3A_230 = arith.extui %and3A_229 : i1 to i32
        %cond3A_231 = arith.constant 0 : i32
        %cond3A_232 = arith.cmpi ne, %convert_element_type3A_230, %cond3A_231 : i32
        scf.if %cond3A_232 {
          "tpu.trace_start"() <{level = 10 : i32, message = "ep_copy_in"}> : () -> ()
          %rem3A_339 = arith.constant 2 : i32
          %rem3A_340 = arith.remui %scan3A_170, %rem3A_339 : i32
          %mul3A_341 = arith.constant 1 : i32
          %mul3A_342 = arith.muli %mul3A_341, %add3A_198 : i32
          %dma_start3A_343 = arith.constant 0 : i32
          %dma_start3A_344 = arith.constant 0 : i32
          %dma_start3A_345 = tpu.memref_slice %run_scoped3A_41[%rem3A_340, %dma_start3A_343, %dma_start3A_344] : memref<2x1x2048xf32, #tpu.memory_space<vmem>> -> memref<1x1x2048xf32, #tpu.memory_space<vmem>>
          %dma_start3A_346 = tpu.memref_squeeze %dma_start3A_345 : memref<1x1x2048xf32, #tpu.memory_space<vmem>> -> memref<1x2048xf32, #tpu.memory_space<vmem>>
          %dma_start3A_347 = arith.constant 0 : i32
          %dma_start3A_348 = tpu.memref_slice %arg4[%mul3A_342, %dma_start3A_347] : memref<64x2048xf32, #tpu.memory_space<hbm>> -> memref<1x2048xf32, #tpu.memory_space<hbm>>
          %dma_start3A_349 = tpu.memref_slice %run_scoped3A_42[%rem3A_340] : memref<2x!tpu.dma_semaphore, #tpu.memory_space<semaphore_mem>> -> memref<1x!tpu.dma_semaphore, #tpu.memory_space<semaphore_mem>>
          %dma_start3A_350 = tpu.memref_squeeze %dma_start3A_349 : memref<1x!tpu.dma_semaphore, #tpu.memory_space<semaphore_mem>> -> memref<!tpu.dma_semaphore, #tpu.memory_space<semaphore_mem>>
          %dma_start3A_351 = arith.constant 0 : i32
          %dma_start3A_352 = arith.constant 0 : i32
          %dma_start3A_353 = tpu.memref_slice %run_scoped3A_41[%rem3A_340, %dma_start3A_351, %dma_start3A_352] : memref<2x1x2048xf32, #tpu.memory_space<vmem>> -> memref<1x1x2048xf32, #tpu.memory_space<vmem>>
          %dma_start3A_354 = tpu.memref_squeeze %dma_start3A_353 : memref<1x1x2048xf32, #tpu.memory_space<vmem>> -> memref<1x2048xf32, #tpu.memory_space<vmem>>
          %dma_start3A_355 = arith.constant 0 : i32
          %dma_start3A_356 = tpu.memref_slice %arg4[%mul3A_342, %dma_start3A_355] : memref<64x2048xf32, #tpu.memory_space<hbm>> -> memref<1x2048xf32, #tpu.memory_space<hbm>>
          tpu.enqueue_dma source(%dma_start3A_356 : memref<1x2048xf32, #tpu.memory_space<hbm>>) target(%dma_start3A_354 : memref<1x2048xf32, #tpu.memory_space<vmem>>) target_semaphore(%dma_start3A_350 : memref<!tpu.dma_semaphore, #tpu.memory_space<semaphore_mem>>)
          "tpu.trace_stop"() : () -> ()
        } else {
        }
        %and3A_233 = arith.constant true
        %and3A_234 = arith.andi %and3A_229, %and3A_233 : i1
        %add3A_235 = arith.constant 1 : i32
        %add3A_236 = arith.addi %scan3A_170, %add3A_235 : i32
        %select_n3A_237 = arith.select %and3A_234, %add3A_236, %scan3A_170 : i32
        %ne3A_238 = arith.cmpi ne, %add3A_178, %add3A_188 : i32
        %or3A_239 = arith.constant false
        %or3A_240 = arith.ori %or3A_239, %ne3A_238 : i1
        %or3A_241 = arith.constant false
        %or3A_242 = arith.ori %or3A_240, %or3A_241 : i1
        %or3A_243 = arith.ori %or3A_242, %eq3A_174 : i1
        %convert_element_type3A_244 = arith.extui %or3A_243 : i1 to i32
        %cond3A_245 = arith.constant 0 : i32
        %cond3A_246 = arith.cmpi ne, %convert_element_type3A_244, %cond3A_245 : i32
        scf.if %cond3A_246 {
          "tpu.trace_start"() <{level = 10 : i32, message = "ep_wait_in"}> : () -> ()
          %mul3A_339 = arith.constant 1 : i32
          %mul3A_340 = arith.muli %mul3A_339, %add3A_178 : i32
          %rem3A_341 = arith.constant 2 : i32
          %rem3A_342 = arith.remui %scan3A_169, %rem3A_341 : i32
          %dma_wait3A = arith.constant 0 : i32
          %dma_wait3A_343 = arith.constant 0 : i32
          %dma_wait3A_344 = tpu.memref_slice %run_scoped3A_39[%rem3A_342, %dma_wait3A, %dma_wait3A_343] : memref<2x1x2048xi32, #tpu.memory_space<vmem>> -> memref<1x1x2048xi32, #tpu.memory_space<vmem>>
          %dma_wait3A_345 = tpu.memref_squeeze %dma_wait3A_344 : memref<1x1x2048xi32, #tpu.memory_space<vmem>> -> memref<1x2048xi32, #tpu.memory_space<vmem>>
          %dma_wait3A_346 = arith.constant 0 : i32
          %dma_wait3A_347 = tpu.memref_slice %arg2[%mul3A_340, %dma_wait3A_346] : memref<64x2048xi32, #tpu.memory_space<hbm>> -> memref<1x2048xi32, #tpu.memory_space<hbm>>
          %dma_wait3A_348 = tpu.memref_slice %run_scoped3A_40[%rem3A_342] : memref<2x!tpu.dma_semaphore, #tpu.memory_space<semaphore_mem>> -> memref<1x!tpu.dma_semaphore, #tpu.memory_space<semaphore_mem>>
          %dma_wait3A_349 = tpu.memref_squeeze %dma_wait3A_348 : memref<1x!tpu.dma_semaphore, #tpu.memory_space<semaphore_mem>> -> memref<!tpu.dma_semaphore, #tpu.memory_space<semaphore_mem>>
          %dma_wait3A_350 = arith.constant 0 : i32
          %dma_wait3A_351 = arith.constant 0 : i32
          %dma_wait3A_352 = tpu.memref_slice %run_scoped3A_39[%rem3A_342, %dma_wait3A_350, %dma_wait3A_351] : memref<2x1x2048xi32, #tpu.memory_space<vmem>> -> memref<1x1x2048xi32, #tpu.memory_space<vmem>>
          %dma_wait3A_353 = tpu.memref_squeeze %dma_wait3A_352 : memref<1x1x2048xi32, #tpu.memory_space<vmem>> -> memref<1x2048xi32, #tpu.memory_space<vmem>>
          %dma_wait3A_354 = arith.constant 0 : i32
          %dma_wait3A_355 = tpu.memref_slice %arg2[%mul3A_340, %dma_wait3A_354] : memref<64x2048xi32, #tpu.memory_space<hbm>> -> memref<1x2048xi32, #tpu.memory_space<hbm>>
          tpu.wait_dma2 semaphore(%dma_wait3A_349 : memref<!tpu.dma_semaphore, #tpu.memory_space<semaphore_mem>>) src(%dma_wait3A_355 : memref<1x2048xi32, #tpu.memory_space<hbm>>) dst(%dma_wait3A_353 : memref<1x2048xi32, #tpu.memory_space<vmem>>)
          "tpu.trace_stop"() : () -> ()
        } else {
        }
        %ne3A_247 = arith.cmpi ne, %add3A_178, %add3A_188 : i32
        %or3A_248 = arith.constant false
        %or3A_249 = arith.ori %or3A_248, %ne3A_247 : i1
        %or3A_250 = arith.constant false
        %or3A_251 = arith.ori %or3A_249, %or3A_250 : i1
        %or3A_252 = arith.ori %or3A_251, %eq3A_174 : i1
        %convert_element_type3A_253 = arith.extui %or3A_252 : i1 to i32
        %cond3A_254 = arith.constant 0 : i32
        %cond3A_255 = arith.cmpi ne, %convert_element_type3A_253, %cond3A_254 : i32
        scf.if %cond3A_255 {
          "tpu.trace_start"() <{level = 10 : i32, message = "ep_wait_in"}> : () -> ()
          %mul3A_339 = arith.constant 1 : i32
          %mul3A_340 = arith.muli %mul3A_339, %add3A_178 : i32
          %rem3A_341 = arith.constant 2 : i32
          %rem3A_342 = arith.remui %scan3A_171, %rem3A_341 : i32
          %dma_wait3A = arith.constant 0 : i32
          %dma_wait3A_343 = arith.constant 0 : i32
          %dma_wait3A_344 = tpu.memref_slice %run_scoped3A_41[%rem3A_342, %dma_wait3A, %dma_wait3A_343] : memref<2x1x2048xf32, #tpu.memory_space<vmem>> -> memref<1x1x2048xf32, #tpu.memory_space<vmem>>
          %dma_wait3A_345 = tpu.memref_squeeze %dma_wait3A_344 : memref<1x1x2048xf32, #tpu.memory_space<vmem>> -> memref<1x2048xf32, #tpu.memory_space<vmem>>
          %dma_wait3A_346 = arith.constant 0 : i32
          %dma_wait3A_347 = tpu.memref_slice %arg4[%mul3A_340, %dma_wait3A_346] : memref<64x2048xf32, #tpu.memory_space<hbm>> -> memref<1x2048xf32, #tpu.memory_space<hbm>>
          %dma_wait3A_348 = tpu.memref_slice %run_scoped3A_42[%rem3A_342] : memref<2x!tpu.dma_semaphore, #tpu.memory_space<semaphore_mem>> -> memref<1x!tpu.dma_semaphore, #tpu.memory_space<semaphore_mem>>
          %dma_wait3A_349 = tpu.memref_squeeze %dma_wait3A_348 : memref<1x!tpu.dma_semaphore, #tpu.memory_space<semaphore_mem>> -> memref<!tpu.dma_semaphore, #tpu.memory_space<semaphore_mem>>
          %dma_wait3A_350 = arith.constant 0 : i32
          %dma_wait3A_351 = arith.constant 0 : i32
          %dma_wait3A_352 = tpu.memref_slice %run_scoped3A_41[%rem3A_342, %dma_wait3A_350, %dma_wait3A_351] : memref<2x1x2048xf32, #tpu.memory_space<vmem>> -> memref<1x1x2048xf32, #tpu.memory_space<vmem>>
          %dma_wait3A_353 = tpu.memref_squeeze %dma_wait3A_352 : memref<1x1x2048xf32, #tpu.memory_space<vmem>> -> memref<1x2048xf32, #tpu.memory_space<vmem>>
          %dma_wait3A_354 = arith.constant 0 : i32
          %dma_wait3A_355 = tpu.memref_slice %arg4[%mul3A_340, %dma_wait3A_354] : memref<64x2048xf32, #tpu.memory_space<hbm>> -> memref<1x2048xf32, #tpu.memory_space<hbm>>
          tpu.wait_dma2 semaphore(%dma_wait3A_349 : memref<!tpu.dma_semaphore, #tpu.memory_space<semaphore_mem>>) src(%dma_wait3A_355 : memref<1x2048xf32, #tpu.memory_space<hbm>>) dst(%dma_wait3A_353 : memref<1x2048xf32, #tpu.memory_space<vmem>>)
          "tpu.trace_stop"() : () -> ()
        } else {
        }
        %rem3A_256 = arith.constant 2 : i32
        %rem3A_257 = arith.remui %scan3A_169, %rem3A_256 : i32
        %rem3A_258 = arith.constant 2 : i32
        %rem3A_259 = arith.remui %scan3A_171, %rem3A_258 : i32
        "tpu.trace_start"() <{level = 10 : i32, message = "ep_run_kernel"}> : () -> ()
        %scan3A_260 = arith.constant 0 : i32
        %scan3A_261 = arith.constant 128 : i32
        %scan3A_262 = arith.addi %scan3A_260, %scan3A_261 : i32
        %scan3A_263 = arith.constant 1 : i32
        scf.for %scan3A_339 = %scan3A_260 to %scan3A_262 step %scan3A_263  : i32 {
          %mul3A_340 = arith.constant 1 : i32
          %mul3A_341 = arith.muli %scan3A_339, %mul3A_340 : i32
          %add3A_342 = arith.constant 0 : i32
          %add3A_343 = arith.addi %add3A_342, %mul3A_341 : i32
          %mul3A_344 = arith.constant 16 : i32
          %mul3A_345 = arith.muli %add3A_343, %mul3A_344 : i32
          %get3A = arith.constant 0 : i32
          %get3A_346 = arith.constant 0 : i32
          %get3A_347 = arith.constant 0 : i32
          %get3A_348 = tpu.memref_slice %run_scoped3A_39[%rem3A_257, %get3A_346, %get3A_347] : memref<2x1x2048xi32, #tpu.memory_space<vmem>> -> memref<1x1x2048xi32, #tpu.memory_space<vmem>>
          %get3A_349 = tpu.memref_squeeze %get3A_348 : memref<1x1x2048xi32, #tpu.memory_space<vmem>> -> memref<1x2048xi32, #tpu.memory_space<vmem>>
          %get3A_350 = arith.index_cast %get3A : i32 to index
          %get3A_351 = arith.index_cast %mul3A_345 : i32 to index
          %get3A_352 = tpu.vector_load %get3A_349[%get3A_350, %get3A_351] {strides = array<i32>} : memref<1x2048xi32, #tpu.memory_space<vmem>>, vector<16xi32>,
          %sub3A_353 = vector.broadcast %mul3A_32 : i32 to vector<16xi32>
          %sub3A_354 = arith.subi %get3A_352, %sub3A_353 : vector<16xi32>
          %ge3A_355 = arith.constant 0 : i32
          %ge3A_356 = vector.broadcast %ge3A_355 : i32 to vector<16xi32>
          %ge3A_357 = arith.cmpi sge, %sub3A_354, %ge3A_356 : vector<16xi32>
          %lt3A = arith.constant 65536 : i32
          %lt3A_358 = vector.broadcast %lt3A : i32 to vector<16xi32>
          %lt3A_359 = arith.cmpi slt, %sub3A_354, %lt3A_358 : vector<16xi32>
          %and3A_360 = arith.andi %ge3A_357, %lt3A_359 : vector<16xi1>
          %jit3A = arith.constant 0 : i32
          %broadcast_in_dim3A = vector.broadcast %jit3A : i32 to vector<16xi32>
          %select_n3A_361 = arith.select %and3A_360, %sub3A_354, %broadcast_in_dim3A : vector<16xi1>, vector<16xi32>
          %mul3A_362 = arith.constant 16 : i32
          %mul3A_363 = arith.muli %add3A_343, %mul3A_362 : i32
          %get3A_364 = arith.constant 0 : i32
          %get3A_365 = arith.constant 0 : i32
          %get3A_366 = arith.constant 0 : i32
          %get3A_367 = tpu.memref_slice %run_scoped3A_41[%rem3A_259, %get3A_365, %get3A_366] : memref<2x1x2048xf32, #tpu.memory_space<vmem>> -> memref<1x1x2048xf32, #tpu.memory_space<vmem>>
          %get3A_368 = tpu.memref_squeeze %get3A_367 : memref<1x1x2048xf32, #tpu.memory_space<vmem>> -> memref<1x2048xf32, #tpu.memory_space<vmem>>
          %get3A_369 = arith.index_cast %get3A_364 : i32 to index
          %get3A_370 = arith.index_cast %mul3A_363 : i32 to index
          %get3A_371 = tpu.vector_load %get3A_368[%get3A_369, %get3A_370] {strides = array<i32>} : memref<1x2048xf32, #tpu.memory_space<vmem>>, vector<16xf32>,
          tpu.vector_store_idx %arg6[%select_n3A_361], %get3A_371 masked %and3A_360 : memref<65536xf32, #tpu.memory_space<vmem>>[vector<16xi32>], vector<16xf32>, vector<16xi1>
        }
        %scan3A_264 = arith.constant 128 : i32
        "tpu.trace_stop"() : () -> ()
        %ne3A_265 = arith.cmpi ne, %add3A_178, %add3A_198 : i32
        %or3A_266 = arith.constant false
        %or3A_267 = arith.ori %or3A_266, %ne3A_265 : i1
        %or3A_268 = arith.constant false
        %or3A_269 = arith.ori %or3A_267, %or3A_268 : i1
        %or3A_270 = arith.ori %or3A_269, %eq3A_176 : i1
        %convert_element_type3A_271 = arith.extui %or3A_270 : i1 to i32
        %cond3A_272 = arith.constant 0 : i32
        %cond3A_273 = arith.cmpi ne, %convert_element_type3A_271, %cond3A_272 : i32
        scf.if %cond3A_273 {
        } else {
        }
        %and3A_274 = arith.constant false
        %and3A_275 = arith.andi %or3A_270, %and3A_274 : i1
        %ne3A_276 = arith.cmpi ne, %add3A_178, %add3A_198 : i32
        %or3A_277 = arith.constant false
        %or3A_278 = arith.ori %or3A_277, %ne3A_276 : i1
        %or3A_279 = arith.constant false
        %or3A_280 = arith.ori %or3A_278, %or3A_279 : i1
        %or3A_281 = arith.ori %or3A_280, %eq3A_176 : i1
        %convert_element_type3A_282 = arith.extui %or3A_281 : i1 to i32
        %cond3A_283 = arith.constant 0 : i32
        %cond3A_284 = arith.cmpi ne, %convert_element_type3A_282, %cond3A_283 : i32
        scf.if %cond3A_284 {
        } else {
        }
        %and3A_285 = arith.constant false
        %and3A_286 = arith.andi %or3A_281, %and3A_285 : i1
        %ne3A_287 = arith.cmpi ne, %add3A_178, %add3A_188 : i32
        %or3A_288 = arith.constant false
        %or3A_289 = arith.ori %or3A_288, %ne3A_287 : i1
        %or3A_290 = arith.constant false
        %or3A_291 = arith.ori %or3A_289, %or3A_290 : i1
        %not3A_292 = arith.constant true
        %not3A_293 = arith.xori %eq3A_174, %not3A_292 : i1
        %and3A_294 = arith.andi %or3A_291, %not3A_293 : i1
        %convert_element_type3A_295 = arith.extui %and3A_294 : i1 to i32
        %cond3A_296 = arith.constant 0 : i32
        %cond3A_297 = arith.cmpi ne, %convert_element_type3A_295, %cond3A_296 : i32
        scf.if %cond3A_297 {
        } else {
        }
        %and3A_298 = arith.constant false
        %and3A_299 = arith.andi %and3A_294, %and3A_298 : i1
        %ne3A_300 = arith.cmpi ne, %add3A_178, %add3A_188 : i32
        %or3A_301 = arith.constant false
        %or3A_302 = arith.ori %or3A_301, %ne3A_300 : i1
        %or3A_303 = arith.constant false
        %or3A_304 = arith.ori %or3A_302, %or3A_303 : i1
        %not3A_305 = arith.constant true
        %not3A_306 = arith.xori %eq3A_174, %not3A_305 : i1
        %and3A_307 = arith.andi %or3A_304, %not3A_306 : i1
        %convert_element_type3A_308 = arith.extui %and3A_307 : i1 to i32
        %cond3A_309 = arith.constant 0 : i32
        %cond3A_310 = arith.cmpi ne, %convert_element_type3A_308, %cond3A_309 : i32
        scf.if %cond3A_310 {
        } else {
        }
        %and3A_311 = arith.constant false
        %and3A_312 = arith.andi %and3A_307, %and3A_311 : i1
        %ne3A_313 = arith.cmpi ne, %add3A_178, %add3A_198 : i32
        %or3A_314 = arith.constant false
        %or3A_315 = arith.ori %or3A_314, %ne3A_313 : i1
        %or3A_316 = arith.constant false
        %or3A_317 = arith.ori %or3A_315, %or3A_316 : i1
        %or3A_318 = arith.ori %or3A_317, %eq3A_176 : i1
        %add3A_319 = arith.constant 1 : i32
        %add3A_320 = arith.addi %scan3A_169, %add3A_319 : i32
        %select_n3A_321 = arith.select %or3A_318, %add3A_320, %scan3A_169 : i32
        %ne3A_322 = arith.cmpi ne, %add3A_178, %add3A_198 : i32
        %or3A_323 = arith.constant false
        %or3A_324 = arith.ori %or3A_323, %ne3A_322 : i1
        %or3A_325 = arith.constant false
        %or3A_326 = arith.ori %or3A_324, %or3A_325 : i1
        %or3A_327 = arith.ori %or3A_326, %eq3A_176 : i1
        %add3A_328 = arith.constant 1 : i32
        %add3A_329 = arith.addi %scan3A_171, %add3A_328 : i32
        %select_n3A_330 = arith.select %or3A_327, %add3A_329, %scan3A_171 : i32
        %add3A_331 = arith.constant 1 : i32
        %add3A_332 = arith.addi %scan3A_172, %add3A_331 : i32
        %select_n3A_333 = arith.constant true
        %select_n3A_334 = arith.select %select_n3A_333, %add3A_332, %scan3A_172 : i32
        %eq3A_335 = arith.constant 64 : i32
        %eq3A_336 = arith.cmpi eq, %select_n3A_334, %eq3A_335 : i32
        %select_n3A_337 = arith.constant 0 : i32
        %select_n3A_338 = arith.select %eq3A_336, %select_n3A_337, %select_n3A_334 : i32
        scf.yield %select_n3A_219, %select_n3A_321, %select_n3A_237, %select_n3A_330, %select_n3A_338 : i32, i32, i32, i32, i32
      }
      %scan3A_127 = arith.constant 64 : i32
      %sub3A = arith.constant 1 : i32
      %sub3A_128 = arith.subi %scan3A_126#4, %sub3A : i32
      %select_n3A_129 = arith.constant true
      %select_n3A_130 = arith.select %select_n3A_129, %sub3A_128, %scan3A_126#4 : i32
      %eq3A_131 = arith.constant -1 : i32
      %eq3A_132 = arith.cmpi eq, %select_n3A_130, %eq3A_131 : i32
      %select_n3A_133 = arith.constant 63 : i32
      %select_n3A_134 = arith.select %eq3A_132, %select_n3A_133, %select_n3A_130 : i32
      %add3A_135 = arith.constant 0 : i32
      %add3A_136 = arith.addi %select_n3A_134, %add3A_135 : i32
      %sub3A_137 = arith.constant 1 : i32
      %sub3A_138 = arith.subi %select_n3A_134, %sub3A_137 : i32
      %select_n3A_139 = arith.constant true
      %select_n3A_140 = arith.select %select_n3A_139, %sub3A_138, %select_n3A_134 : i32
      %eq3A_141 = arith.constant -1 : i32
      %eq3A_142 = arith.cmpi eq, %select_n3A_140, %eq3A_141 : i32
      %select_n3A_143 = arith.constant 63 : i32
      %select_n3A_144 = arith.select %eq3A_142, %select_n3A_143, %select_n3A_140 : i32
      %add3A_145 = arith.constant 0 : i32
      %add3A_146 = arith.addi %select_n3A_144, %add3A_145 : i32
      %add3A_147 = arith.constant 1 : i32
      %add3A_148 = arith.addi %select_n3A_134, %add3A_147 : i32
      %select_n3A_149 = arith.constant true
      %select_n3A_150 = arith.select %select_n3A_149, %add3A_148, %select_n3A_134 : i32
      %eq3A_151 = arith.constant 64 : i32
      %eq3A_152 = arith.cmpi eq, %select_n3A_150, %eq3A_151 : i32
      %select_n3A_153 = arith.constant 0 : i32
      %select_n3A_154 = arith.select %eq3A_152, %select_n3A_153, %select_n3A_150 : i32
      %add3A_155 = arith.constant 0 : i32
      %add3A_156 = arith.addi %select_n3A_154, %add3A_155 : i32
      %add3A_157 = arith.constant 1 : i32
      %add3A_158 = arith.addi %select_n3A_154, %add3A_157 : i32
      %select_n3A_159 = arith.constant true
      %select_n3A_160 = arith.select %select_n3A_159, %add3A_158, %select_n3A_154 : i32
      %eq3A_161 = arith.constant 64 : i32
      %eq3A_162 = arith.cmpi eq, %select_n3A_160, %eq3A_161 : i32
      %select_n3A_163 = arith.constant 0 : i32
      %select_n3A_164 = arith.select %eq3A_162, %select_n3A_163, %select_n3A_160 : i32
      %add3A_165 = arith.constant 0 : i32
      %add3A_166 = arith.addi %select_n3A_164, %add3A_165 : i32
      tpu.yield
    }) : () -> ()
    %run_scoped3A_38 = arith.constant 1 : i32
    "tpu.region"() ({
      %run_scoped3A_39 = tpu.sem_alloc : memref<!tpu.dma_semaphore, #tpu.memory_space<semaphore_mem>>
      %dma_start3A = tpu.memref_slice %arg5[%run_scoped3A_38, %mul3A_32] : memref<2x4194304xf32, #tpu.memory_space<hbm>> -> memref<1x65536xf32, #tpu.memory_space<hbm>>
      %dma_start3A_40 = tpu.memref_squeeze %dma_start3A : memref<1x65536xf32, #tpu.memory_space<hbm>> -> memref<65536xf32, #tpu.memory_space<hbm>>
      %dma_start3A_41 = tpu.memref_slice %arg5[%run_scoped3A_38, %mul3A_32] : memref<2x4194304xf32, #tpu.memory_space<hbm>> -> memref<1x65536xf32, #tpu.memory_space<hbm>>
      %dma_start3A_42 = tpu.memref_squeeze %dma_start3A_41 : memref<1x65536xf32, #tpu.memory_space<hbm>> -> memref<65536xf32, #tpu.memory_space<hbm>>
      tpu.enqueue_dma source(%arg6 : memref<65536xf32, #tpu.memory_space<vmem>>) target(%dma_start3A_42 : memref<65536xf32, #tpu.memory_space<hbm>>) target_semaphore(%run_scoped3A_39 : memref<!tpu.dma_semaphore, #tpu.memory_space<semaphore_mem>>)
      %dma_wait3A = tpu.memref_slice %arg5[%run_scoped3A_38, %mul3A_32] : memref<2x4194304xf32, #tpu.memory_space<hbm>> -> memref<1x65536xf32, #tpu.memory_space<hbm>>
      %dma_wait3A_43 = tpu.memref_squeeze %dma_wait3A : memref<1x65536xf32, #tpu.memory_space<hbm>> -> memref<65536xf32, #tpu.memory_space<hbm>>
      %dma_wait3A_44 = tpu.memref_slice %arg5[%run_scoped3A_38, %mul3A_32] : memref<2x4194304xf32, #tpu.memory_space<hbm>> -> memref<1x65536xf32, #tpu.memory_space<hbm>>
      %dma_wait3A_45 = tpu.memref_squeeze %dma_wait3A_44 : memref<1x65536xf32, #tpu.memory_space<hbm>> -> memref<65536xf32, #tpu.memory_space<hbm>>
      tpu.wait_dma2 semaphore(%run_scoped3A_39 : memref<!tpu.dma_semaphore, #tpu.memory_space<semaphore_mem>>) src(%arg6 : memref<65536xf32, #tpu.memory_space<vmem>>) dst(%dma_wait3A_45 : memref<65536xf32, #tpu.memory_space<hbm>>)
      tpu.yield
    }) : () -> ()
    return
  }
}

module attributes {stable_mosaic.version = 14 : i64} {
  func.func @_mlp_body(%arg0: memref<2048x32xf32, #tpu.memory_space<vmem>>, %arg1: memref<32x32xf32, #tpu.memory_space<vmem>>, %arg2: memref<1x32xf32, #tpu.memory_space<vmem>>, %arg3: memref<32x32xf32, #tpu.memory_space<vmem>>, %arg4: memref<1x32xf32, #tpu.memory_space<vmem>>, %arg5: memref<1x32xf32, #tpu.memory_space<vmem>>, %arg6: memref<1x32xf32, #tpu.memory_space<vmem>>, %arg7: memref<2048x32xf32, #tpu.memory_space<vmem>>) attributes {dimension_semantics = [], scalar_prefetch = 0 : i64, scratch_operands = 0 : i64, tpu.core_type = #tpu.core_type<tc>} {
    %get3A = arith.constant 0 : index
    %get3A_0 = arith.constant 0 : index
    %get3A_1 = vector.load %arg0[%get3A, %get3A_0] : memref<2048x32xf32, #tpu.memory_space<vmem>>, vector<2048x32xf32>
    %get3A_2 = arith.constant 0 : index
    %get3A_3 = arith.constant 0 : index
    %get3A_4 = vector.load %arg1[%get3A_2, %get3A_3] : memref<32x32xf32, #tpu.memory_space<vmem>>, vector<32x32xf32>
    %dot_general3A = arith.constant dense<0.000000e+00> : vector<2048x32xf32>
    %dot_general3A_5 = tpu.matmul %get3A_1, %get3A_4, %dot_general3A {dimension_numbers = #tpu.dot_dimension_numbers<[1], [0], [0], [1], [0, 0, 1, 1], [], []>, transpose_lhs_hint = false} : vector<2048x32xf32>, vector<32x32xf32>, vector<2048x32xf32> -> vector<2048x32xf32>
    %get3A_6 = arith.constant 0 : index
    %get3A_7 = arith.constant 0 : index
    %get3A_8 = vector.load %arg2[%get3A_6, %get3A_7] : memref<1x32xf32, #tpu.memory_space<vmem>>, vector<1x32xf32>
    %add3A = vector.broadcast %get3A_8 : vector<1x32xf32> to vector<2048x32xf32>
    %add3A_9 = arith.addf %dot_general3A_5, %add3A : vector<2048x32xf32>
    %max3A = arith.constant 0.000000e+00 : f32
    %max3A_10 = vector.broadcast %max3A : f32 to vector<2048x32xf32>
    %max3A_11 = arith.maximumf %add3A_9, %max3A_10 : vector<2048x32xf32>
    %get3A_12 = arith.constant 0 : index
    %get3A_13 = arith.constant 0 : index
    %get3A_14 = vector.load %arg3[%get3A_12, %get3A_13] : memref<32x32xf32, #tpu.memory_space<vmem>>, vector<32x32xf32>
    %dot_general3A_15 = arith.constant dense<0.000000e+00> : vector<2048x32xf32>
    %dot_general3A_16 = tpu.matmul %max3A_11, %get3A_14, %dot_general3A_15 {dimension_numbers = #tpu.dot_dimension_numbers<[1], [0], [0], [1], [0, 0, 1, 1], [], []>, transpose_lhs_hint = false} : vector<2048x32xf32>, vector<32x32xf32>, vector<2048x32xf32> -> vector<2048x32xf32>
    %get3A_17 = arith.constant 0 : index
    %get3A_18 = arith.constant 0 : index
    %get3A_19 = vector.load %arg4[%get3A_17, %get3A_18] : memref<1x32xf32, #tpu.memory_space<vmem>>, vector<1x32xf32>
    %add3A_20 = vector.broadcast %get3A_19 : vector<1x32xf32> to vector<2048x32xf32>
    %add3A_21 = arith.addf %dot_general3A_16, %add3A_20 : vector<2048x32xf32>
    %max3A_22 = arith.constant 0.000000e+00 : f32
    %max3A_23 = vector.broadcast %max3A_22 : f32 to vector<2048x32xf32>
    %max3A_24 = arith.maximumf %add3A_21, %max3A_23 : vector<2048x32xf32>
    %reduce_sum3A = arith.constant dense<0.000000e+00> : vector<32xf32>
    %reduce_sum3A_25 = vector.multi_reduction <add>, %max3A_24, %reduce_sum3A [0] : vector<2048x32xf32> to vector<32xf32>
    %broadcast_in_dim3A = vector.shape_cast %reduce_sum3A_25 : vector<32xf32> to vector<1x32xf32>
    %div3A = arith.constant 2.048000e+03 : f32
    %div3A_26 = vector.broadcast %div3A : f32 to vector<1x32xf32>
    %div3A_27 = arith.divf %broadcast_in_dim3A, %div3A_26 : vector<1x32xf32>
    %sub3A = vector.broadcast %div3A_27 : vector<1x32xf32> to vector<2048x32xf32>
    %sub3A_28 = arith.subf %max3A_24, %sub3A : vector<2048x32xf32>
    %integer_pow3A = arith.mulf %sub3A_28, %sub3A_28 : vector<2048x32xf32>
    %reduce_sum3A_29 = arith.constant dense<0.000000e+00> : vector<32xf32>
    %reduce_sum3A_30 = vector.multi_reduction <add>, %integer_pow3A, %reduce_sum3A_29 [0] : vector<2048x32xf32> to vector<32xf32>
    %broadcast_in_dim3A_31 = vector.shape_cast %reduce_sum3A_30 : vector<32xf32> to vector<1x32xf32>
    %div3A_32 = arith.constant 2.048000e+03 : f32
    %div3A_33 = vector.broadcast %div3A_32 : f32 to vector<1x32xf32>
    %div3A_34 = arith.divf %broadcast_in_dim3A_31, %div3A_33 : vector<1x32xf32>
    %sub3A_35 = vector.broadcast %div3A_27 : vector<1x32xf32> to vector<2048x32xf32>
    %sub3A_36 = arith.subf %max3A_24, %sub3A_35 : vector<2048x32xf32>
    %add3A_37 = arith.constant 9.99999974E-6 : f32
    %add3A_38 = vector.broadcast %add3A_37 : f32 to vector<1x32xf32>
    %add3A_39 = arith.addf %div3A_34, %add3A_38 : vector<1x32xf32>
    %rsqrt3A = math.rsqrt %add3A_39 : vector<1x32xf32>
    %mul3A = vector.broadcast %rsqrt3A : vector<1x32xf32> to vector<2048x32xf32>
    %mul3A_40 = arith.mulf %sub3A_36, %mul3A : vector<2048x32xf32>
    %get3A_41 = arith.constant 0 : index
    %get3A_42 = arith.constant 0 : index
    %get3A_43 = vector.load %arg5[%get3A_41, %get3A_42] : memref<1x32xf32, #tpu.memory_space<vmem>>, vector<1x32xf32>
    %mul3A_44 = vector.broadcast %get3A_43 : vector<1x32xf32> to vector<2048x32xf32>
    %mul3A_45 = arith.mulf %mul3A_40, %mul3A_44 : vector<2048x32xf32>
    %get3A_46 = arith.constant 0 : index
    %get3A_47 = arith.constant 0 : index
    %get3A_48 = vector.load %arg6[%get3A_46, %get3A_47] : memref<1x32xf32, #tpu.memory_space<vmem>>, vector<1x32xf32>
    %add3A_49 = vector.broadcast %get3A_48 : vector<1x32xf32> to vector<2048x32xf32>
    %add3A_50 = arith.addf %mul3A_45, %add3A_49 : vector<2048x32xf32>
    %swap3A = arith.constant 0 : index
    %swap3A_51 = arith.constant 0 : index
    %swap3A_52 = vector.load %arg7[%swap3A, %swap3A_51] : memref<2048x32xf32, #tpu.memory_space<vmem>>, vector<2048x32xf32>
    tpu.vector_store %arg7[%swap3A, %swap3A_51], %add3A_50 {strides = array<i32>} : memref<2048x32xf32, #tpu.memory_space<vmem>>, vector<2048x32xf32>,
    return
  }
}

</mosaic_0001>

<sc_bundles>
// kernel: kernel.5.cloned.1.call-start
scs
__scs_entry_jumppad:
0x0: {  	(pc) =	sbr.rel $0x88, $3  }
0x1: {  	(tag) =	ssettag $0x0;
	lr =	simm.s32 $0x1  }
0x2: {  	[smem:$0x3F78] =	sst lr;
	_ =	strace $0xD0000000  }
0x3: {  	_ = 	snop  }
0x4: {  	_ = 	snop  }
0x5: {  	_ = 	snop  }
0x6: {  	_ = 	snop  }
0x7: {  	_ = 	snop  }
__scs_overlays_trampoline_lowered:
0x8: {  	[smem:$0x3F87] =	sst s0  }
0x9: {  	[smem:$0x3F88] =	sst s1  }
0xa: {  	[smem:$0x3F89] =	sst s2  }
0xb: {  	[smem:$0x3F8A] =	sst s3  }
0xc: {  	[smem:$0x3F8B] =	sst s4  }
0xd: {  	[smem:$0x3F8C] =	sst s5  }
0xe: {  	[smem:$0x3F8D] =	sst s6  }
0xf: {  	[smem:$0x3F8E] =	sst s7  }
0x10: {  	[smem:$0x3F8F] =	sst s8  }
0x11: {  	[smem:$0x3F90] =	sst s9;
	s0 =	simm.s32 @!p0 $0x0  }
0x12: {  	s1 =	sld [smem:$0x3F76];
	s0 =	simm.s32 @p0 $0x1  }
0x13: {  	[smem:$0x3F91] =	sst s0;
	s0 =	simm.s32 @!p1 $0x0  }
0x14: {  	s2 =	sld [smem:$0x3F75];
	s0 =	simm.s32 @p1 $0x1  }
0x15: {  	[smem:$0x3F92] =	sst s0;
	s0 =	simm.s32 @!p2 $0x0  }
0x16: {  	s3 =	sld [smem:$0x3FDB];
	s0 =	simm.s32 @p2 $0x1  }
0x17: {  	s4 =	simm.s32 $0x1BF5;
	[smem:$0x3F94] =	sst s0  }
0x18: {  	s0 =	sld [smem:$0x3F77];
	_ =	swait.ge [sflag:s4], $0x0  }
0x19: {  	s7 =	sld [smem:$0x3F78]  }
0x1a: {  	s8 =	sadd.s32 $0xFFFFE003, lr  }
0x1b: {  	s9 =	sadd.s32 $0xFFFFFEF7, lr;
	s5 =	simm.s32 $0xFFFFFFFF;
	p2 =	slt.u32 s8, $0xFFFFF086  }
0x1c: {  	p1 =	slt.u32 s9, $0xF7A;
	s5 =	simm.s32 @!p2 $0x0  }
0x1d: {  	s5 =	simm.s32 @p1 $0x1;
	p0 =	seq.s32 s7, s2  }
0x1e: {  	s7 =	smul.u32 @!p0 $0xF7A, s2;
	p2 =	seq.s32 @!p0 s5, $0x0  }
0x1f: {  	s9 =	smul.u32 $0xF7A, s1;
	s8 =	simm.s32 @!p0 $0x1BF5;
	p2 =	por !p2, p0  }
0x20: {  	[sflag:s8] =	ssyncset.s32 @!p0 $0xFFFFF086;
	s6 =	sadd.s32 @!p0 s3, s7;
	s7 =	simm.s32 @!p0 $0x108  }
0x21: {  	s3 =	sadd.s32 s3, s9;
	s6 =	sadd.s32 @!p0 $0x88, s6;
	s7 =	simm.s32 @p2 $0x1082  }
0x22: {  	[simem:s7], [sflag:s8] =	dma.local @!p0 [hbm:s6], $0xF7A  }
0x23: {  	s9 =	sor.u32 $0xD0000000, s2;
	s6 =	simm.s32 $0x108;
	_ =	swait.ge @!p0 [sflag:s8], $0x0  }
0x24: {  	s3 =	sadd.s32 $0x88, s3;
	s6 =	simm.s32 @!p1 $0x1082;
	[sflag:s4] =	ssyncset.s32 $0xFFFFF086  }
0x25: {  	[simem:s6], [sflag:s4] =	dma.local [hbm:s3], $0xF7A  }
0x26: {  	[smem:$0x3F78] =	sst s1;
	(tag) =	ssettag s2;
	_ =	strace s9  }
0x27: {  	s1 =	sld [smem:$0x3F88]  }
0x28: {  	s2 =	sld [smem:$0x3F89]  }
0x29: {  	s4 =	sld [smem:$0x3F8B]  }
0x2a: {  	p0 =	seq.s32 s5, $0x0;
	s5 =	sld [smem:$0x3F8C]  }
0x2b: {  	s6 =	sld [smem:$0x3F8D]  }
0x2c: {  	s7 =	sld [smem:$0x3F8E]  }
0x2d: {  	s3 =	simm.s32 $0x108;
	s8 =	sld [smem:$0x3F8F]  }
0x2e: {  	s3 =	simm.s32 @!p0 $0x1082;
	s9 =	sld [smem:$0x3F90]  }
0x2f: {  	lr =	sadd.s32 s0, s3;
	s0 =	sld [smem:$0x3F87]  }
0x30: {  	s3 =	sld [smem:$0x3F8A]  }
0x31: {  	[smem:$0x3F93] =	sst s10  }
0x32: {  	s10 =	sld [smem:$0x3F91];
	_ =	sdelay $0x3  }
0x33: {  	p0 =	seq.s32 s10, $0x1;
	s10 =	sld [smem:$0x3F93];
	_ =	sdelay $0x3  }
0x34: {  	[smem:$0x3F93] =	sst s10  }
0x35: {  	s10 =	sld [smem:$0x3F92];
	_ =	sdelay $0x3  }
0x36: {  	p1 =	seq.s32 s10, $0x1;
	s10 =	sld [smem:$0x3F93];
	_ =	sdelay $0x3  }
0x37: {  	[smem:$0x3F93] =	sst s10  }
0x38: {  	s10 =	sld [smem:$0x3F94]  }
0x39: {  	_ = 	snop;
	(pc) =	sbr.ind lr, $3  }
0x3a: {  	_ = 	snop  }
0x3b: {  	_ = 	snop  }
0x3c: {  	p2 =	seq.s32 s10, $0x1;
	s10 =	sld [smem:$0x3F93]  }
0x3d: {  	_ =	shalt  }
0x3e: {  	_ =	shalt  }
0x3f: {  	_ =	shalt  }
0x40: {  	_ =	shalt  }
0x41: {  	_ =	shalt  }
0x42: {  	_ =	shalt  }
0x43: {  	_ =	shalt  }
0x44: {  	_ =	shalt  }
0x45: {  	_ =	shalt  }
0x46: {  	_ =	shalt  }
0x47: {  	_ =	shalt  }
0x48: {  	_ =	shalt  }
0x49: {  	_ =	shalt  }
0x4a: {  	_ =	shalt  }
0x4b: {  	_ =	shalt  }
0x4c: {  	_ =	shalt  }
0x4d: {  	_ =	shalt  }
0x4e: {  	_ =	shalt  }
0x4f: {  	_ =	shalt  }
0x50: {  	_ =	shalt  }
0x51: {  	_ =	shalt  }
0x52: {  	_ =	shalt  }
0x53: {  	_ =	shalt  }
0x54: {  	_ =	shalt  }
0x55: {  	_ =	shalt  }
0x56: {  	_ =	shalt  }
0x57: {  	_ =	shalt  }
0x58: {  	_ =	shalt  }
0x59: {  	_ =	shalt  }
0x5a: {  	_ =	shalt  }
0x5b: {  	_ =	shalt  }
0x5c: {  	_ =	shalt  }
0x5d: {  	_ =	shalt  }
0x5e: {  	_ =	shalt  }
0x5f: {  	_ =	shalt  }
0x60: {  	_ =	shalt  }
0x61: {  	_ =	shalt  }
0x62: {  	_ =	shalt  }
0x63: {  	_ =	shalt  }
0x64: {  	_ =	shalt  }
0x65: {  	_ =	shalt  }
0x66: {  	_ =	shalt  }
0x67: {  	_ =	shalt  }
0x68: {  	_ =	shalt  }
0x69: {  	_ =	shalt  }
0x6a: {  	_ =	shalt  }
0x6b: {  	_ =	shalt  }
0x6c: {  	_ =	shalt  }
0x6d: {  	_ =	shalt  }
0x6e: {  	_ =	shalt  }
0x6f: {  	_ =	shalt  }
0x70: {  	_ =	shalt  }
0x71: {  	_ =	shalt  }
0x72: {  	_ =	shalt  }
0x73: {  	_ =	shalt  }
0x74: {  	_ =	shalt  }
0x75: {  	_ =	shalt  }
0x76: {  	_ =	shalt  }
0x77: {  	_ =	shalt  }
0x78: {  	_ =	shalt  }
0x79: {  	_ =	shalt  }
0x7a: {  	_ =	shalt  }
0x7b: {  	_ =	shalt  }
0x7c: {  	_ =	shalt  }
0x7d: {  	_ =	shalt  }
0x7e: {  	_ =	shalt  }
0x7f: {  	_ =	shalt  }
0x80: {  	_ =	shalt  }
0x81: {  	_ =	shalt  }
0x82: {  	_ =	shalt  }
0x83: {  	_ =	shalt  }
0x84: {  	_ =	shalt  }
0x85: {  	_ =	shalt  }
0x86: {  	_ =	shalt  }
0x87: {  	_ =	shalt  }
.Lfunc_end0:
.L_simem_size_0:
called_computation.3_lowered:
.L_overlay_start_0:
0x88: {  	s2 =	sld [smem:$0x3FD9]  }
0x89: {  	s3 =	sld [smem:$0x3FFE];
	_ =	sdelay $0x1  }
0x8a: {  	s1 =	srdreg.scid  }
0x8b: {  	s0 =	sand.u32 $0x1, s1  }
0x8c: {  	s16 =	sshll.u32 s0, $0xA;
	s2 =	sadd.s32 s3, s2  }
0x8d: {  	s2 =	sadd.s32 s2, s16  }
0x8e: {  	[smem:$0x3F9F] =	sst s2  }
0x8f: {  	_ = 	snop  }
0x90: {  	(tm) =	ssettm $0x1  }
0x91: {  	s17 =	sld [smem:$0x3FFB];
	_ =	sdelay $0x3  }
0x92: {  	_ =	strace s17  }
0x93: {  	s2 =	sld [smem:$0x3FFC];
	_ =	sdelay $0x3  }
0x94: {  	_ =	strace s2  }
0x95: {  	s2 =	sld [smem:$0x3FFD];
	_ =	sdelay $0x3  }
0x96: {  	_ =	strace s2  }
0x97: {  	_ =	strace $0x8FFFFFFF  }
0x98: {  	s18 =	sld [smem:$0x3FDB];
	_ =	sdelay $0x1  }
0x99: {  	s19 =	simm.s32 $_scs_section_size  }
0x9a: {  	s4 =	simm.s32 $_size__tile_overlayer_lowered;
	s5 =	simm.s32 $_tile_overlayer_lowered  }
0x9b: {  	s22 =	simm.s32 $0x1BFF;
	s21 =	sshll.u32 s5, $0x1;
	s2 =	sadd.s32 s19, s18  }
0x9c: {  	s6 =	simm.s32 $0x0;
	s20 =	sshll.u32 s4, $0x1;
	s4 =	sadd.s32 s21, s2  }
0x9d: {  	[timem:s6], [sflag:s22] =	dma.local [hbm:s4], s20  }
0x9e: {  	_ =	swait.ge [sflag:s22], s20  }
0x9f: {  	s3 =	ssub.s32 $0x0, s20;
	[sflag:s22] =	ssyncset.done $0x0  }
0xa0: {  	[sflag:s22] =	ssyncadd.s32 s3;
	_ =	sdelay $0x1  }
0xa1: {  	s23 =	simm.s32 $0x1B8B  }
0xa2: {  	_ =	swait.ge [sflag:s23], $0x1  }
0xa3: {  	[sflag:s23] =	ssyncset.done $0x0  }
0xa4: {  	s25 =	simm.s32 $0x1B8E;
	s24 =	sld [smem:$0x3FFE];
	[sflag:s23] =	ssyncadd.s32 $0xFFFFFFFF  }
0xa5: {  	s26 =	simm.s32 $execute0_lowered;
	[smem:$0x3FD2] =	sst s25  }
0xa6: {  	s4 =	sshll.u32 s26, $0x1;
	_ =	strace $0x8000004C;
	[dreg:$0x1] =	wrdreg $0xFFFFFFFF  }
0xa7: {  	s28 =	simm.s32 $_size_execute0_lowered;
	s2 =	sadd.s32 s2, s4;
	[dreg:$0x0] =	wrdreg $0x0  }
0xa8: {  	s4 =	sshll.u32 s28, $0x1;
	[dreg:$0x2] =	wrdreg s2  }
0xa9: {  	[dreg:$0x3] =	wrdreg s4  }
0xaa: {  	[dreg:$0x4] =	wrdreg $0xC0  }
0xab: {  	_ =	task [dreg:s6], $0x5FFFF  }
0xac: {  	[dreg:$0x1] =	wrdreg $0xFFFFFFFF  }
0xad: {  	[dreg:$0x0] =	wrdreg $0x60  }
0xae: {  	[dreg:$0x2] =	wrdreg s24  }
0xaf: {  	[dreg:$0x3] =	wrdreg $0xA  }
0xb0: {  	_ =	task.clear_ibuf [dreg:s6], $0x4FFFF;
	_ =	strace $0x9000004C  }
0xb1: {  	s29 =	simm.s32 $0xA;
	_ =	strace $0x80000066  }
0xb2: {  	_ =	swait.ge [sflag:s29], $0x1  }
0xb3: {  	[sflag:s29] =	ssyncadd.s32 $0xFFFFFFFF  }
0xb4: {  	_ =	strace $0x90000066  }
0xb5: {  	_ =	sfence  }
0xb6: {  	s30 =	sld [smem:$0x0];
	_ =	sdelay $0x2  }
0xb7: {  	s31 =	sshll.u32 s1, $0xD;
	s1 =	sshrl.u32 s1, $0x2  }
0xb8: {  	s3 =	sand.u32 $0x4000, s31;
	s1 =	sadd.s32 s1, s30  }
0xb9: {  	s0 =	sor.u32 s3, s0;
	s1 =	sshll.u32 s1, $0x11  }
0xba: {  	s0 =	sor.u32 s1, s0  }
0xbb: {  	s0 =	sadd.s32 $0x8F2B, s0  }
0xbc: {  	[sflag:s0] =	ssyncadd.remote.s32 $0x1  }
0xbd: {  	_ =	sfence.sel $0xFFFF  }
0xbe: {  	[dreg:$0x0] =	wrdreg $0xFFFFFFFF;
	(pc) =	sbr.abs _section_cstart, $3  }
0xbf: {  	[dreg:$0x1] =	wrdreg $0xFFFFFFFF  }
0xc0: {  	_ =	task.clear_ibuf [dreg:s6], $0x2FFFF;
	_ =	strace $0x9FFFFFFF  }
0xc1: {  	(tm) =	ssettm $0x7FFFFFFF  }
tec
execute0_lowered:
.L_overlay_start_1:
0x0: {  	(tag) =	ssettag $0x1  }
0x1: {  	s6 =	rddreg [dreg:$0x0];
	s2 =	simm.s32 $0x0;
	s4 =	srdreg.scid  }
0x2: {  	s1 =	stileid.u32;
	s13 =	simm.s32 $0x10000;
	s14 =	simm.s32 $0x11000  }
0x3: {  	s17 =	simm.s32 $0x0;
	[smem:$0x7FF] =	sst s2;
	s3 =	sadd.s32 $0x7600, s6  }
0x4: {  	s5 =	sand.u32 $0x1, s4;
	s4 =	sadd.s32 $0xB600, s6;
	s10 =	sadd.s32 $0x124600, s6  }
0x5: {  	s7 =	sshll.u32 s1, $0x1;
	s12 =	sadd.s32 $0x124610, s6;
	_ =	strace $0x8000004D  }
0x6: {  	s8 =	ssub.s32 $0x2, s5;
	s7 =	sor.u32 s5, s7;
	s5 =	sadd.s32 $0xF600, s6  }
0x7: {  	s9 =	sshrl.u32 s8, $0x1;
	s15 =	sshll.u32 s7, $0x10;
	s30 =	sshll.u32 s7, $0xE  }
0x8: {  	s11 =	ssub.s32 s8, s9;
	s16 =	sor.u32 $0x200000, s15;
	s6 =	sadd.s32 s10, s30  }
0x9: {  	s8 =	sadd.s32 s30, s12;
	v0 =	vmov s15;
	s15 =	simm.s32 $0x1;
	s31 =	sshrl.u32 s16, $0x2  }
0xa: {  	v1 =	vmov s16;
	s16 =	simm.s32 $0x100;
	s7 =	sadd.s32 s10, s31;
	s9 =	sadd.s32 s31, s12  }
0xb: {  	v2 =	vimm.f32 $0.0e+00;
	s10 =	smax.u32 s11, $0x1;
	s11 =	simm.s32 $0x80;
	s12 =	simm.s32 $0x400  }
.LBB2_1:
0xc: {  	s18 =	simm.s32 $0x40;
	s19 =	simm.s32 $0x0  }
.LBB2_2:
0xd: {  	p0 =	sne.s32 s18, $0x3FFC0;
	[tilespmem:s19+$0x0] =	vst v2;
	s19 =	smov.u32 s18;
	s18 =	sadd.s32 $0x40, s18  }
.Ltmp0:
0xe: {  	(pc) =	sbr.rel @p0 .LBB2_2-.Ltmp0, $2  }
0xf: {  	_ =	sdelay $0x2  }
0x10: {  	s19 =	sshra.s32 s19, $0x2  }
0x11: {  	[tilespmem:s19+$0x0] =	vst v2  }
0x12: {  	s18 =	simm.s32 $0x1;
	_ =	strace $0x8000004E  }
0x13: {  	[tilespmem:s13], [sflag:$0x1] =	stream.strided.gather [hbm4b:s3+s11], $0x800, s12, s11, $0x200038;
	[tilespmem:$0x12000] =	vst v63  }
0x14: {  	s24 =	simm.s32 $0x0;
	s19 =	simm.s32 $0x0;
	s20 =	simm.s32 $0x1  }
0x15: {  	[tilespmem:s14], [sflag:$0x3] =	stream.strided.gather [hbm4b:s4+s11], $0x800, s12, s11, $0x200038;
	[tilespmem:$0x12000] =	vst v63  }
0x16: {  	s21 =	simm.s32 $0x0;
	s22 =	simm.s32 $0x0;
	_ =	strace $0x9000004E  }
.LBB2_4:
0x17: {  	s23 =	sadd.s32 $0x1, s24  }
0x18: {  	p0 =	seq.s32 s23, $0x40  }
0x19: {  	s23 =	simm.s32 @p0 $0x0;
	p0 =	seq.s32 s22, $0x3F  }
0x1a: {  	p1 =	seq.s32 @!p0 s24, s23  }
0x1b: {  	p2 =	por p1, p0  }
0x1c: {  	s25 =	sshll.u32 @!p2 s23, $0xB;
	s28 =	sshll.u32 @!p2 s23, $0x7  }
0x1d: {  	s29 =	sand.u32 @!p2 $0x1, s18;
	s25 =	sand.u32 @!p2 $0xFFFFC000, s25;
	s28 =	sand.u32 @!p2 $0x380, s28  }
0x1e: {  	_ =	strace @!p2 $0x8000004F;
	s31 =	simm.s32 @!p2 $0x80;
	s25 =	sor.u32 @!p2 s28, s25  }
0x1f: {  	s0 =	simm.s32 @!p2 $0x400;
	s28 =	sshll.u32 @!p2 s29, $0xB;
	s25 =	sshrl.u32 @!p2 s25, $0x3  }
0x20: {  	s29 =	sadd.s32 @!p2 $0x1, s29;
	s28 =	sor.u32 @!p2 $0x10000, s28;
	s30 =	sadd.s32 @!p2 s3, s25  }
0x21: {  	[tilespmem:s28], [sflag:s29] =	stream.strided.gather @!p2 [hbm4b:s30+s31], $0x800, s0, s31, $0x200038;
	[tilespmem:$0x12000] =	vst v63  }
0x22: {  	s28 =	sand.u32 @!p2 $0x1, s20  }
0x23: {  	s25 =	sadd.s32 @!p2 s4, s25;
	_ =	strace @!p2 $0x9000004F;
	s29 =	sshll.u32 @!p2 s28, $0xB  }
0x24: {  	s28 =	sadd.s32 @!p2 $0x3, s28;
	_ =	strace @!p2 $0x80000050;
	s29 =	sor.u32 @!p2 $0x11000, s29  }
0x25: {  	[tilespmem:s29], [sflag:s28] =	stream.strided.gather @!p2 [hbm4b:s25+s31], $0x800, s0, s31, $0x200038;
	[tilespmem:$0x12000] =	vst v63  }
0x26: {  	s30 =	sand.u32 $0x1, s21;
	_ =	strace @!p2 $0x90000050  }
0x27: {  	s0 =	sadd.s32 $0x1, s30;
	_ =	strace $0x80000051  }
0x28: {  	_ =	swait.ge [sflag:s0], $0x800  }
0x29: {  	[sflag:s0] =	ssyncset.done $0x0  }
0x2a: {  	[sflag:s0] =	ssyncadd.s32 $0xFFFFF800  }
0x2b: {  	s31 =	sand.u32 $0x1, s19;
	_ =	strace $0x90000051  }
0x2c: {  	s0 =	sadd.s32 $0x3, s31;
	_ =	strace $0x80000052  }
0x2d: {  	s29 =	sshll.u32 s21, $0xB;
	_ =	swait.ge [sflag:s0], $0x800  }
0x2e: {  	s30 =	sand.u32 $0x800, s29;
	[sflag:s0] =	ssyncset.done $0x0  }
0x2f: {  	[sflag:s0] =	ssyncadd.s32 $0xFFFFF800;
	s0 =	sor.u32 $0x10000, s30  }
0x30: {  	s26 =	smov.u32 s18;
	p1 =	por !p1, p0;
	s25 =	sadd.s32 @!p2 $0x1, s18;
	v4 =	vmov s0  }
0x31: {  	s28 =	sshll.u32 s19, $0xB;
	s18 =	smov.u32 @p1 s25;
	s25 =	simm.s32 $0x0  }
0x32: {  	s25 =	simm.s32 @p1 $0x1;
	s18 =	smov.u32 @p0 s26;
	s31 =	sand.u32 $0x800, s28  }
0x33: {  	s25 =	simm.s32 @p0 $0x0;
	s26 =	sor.u32 $0x11000, s31;
	_ =	strace $0x90000052  }
0x34: {  	s28 =	simm.s32 $0x0;
	v3 =	vmov s26;
	s26 =	simm.s32 $0x40;
	_ =	strace $0x80000053  }
.LBB2_5:
0x35: {  	p1 =	sne.s32 s26, $0x1FC0;
	v5 =	vld.idx.msk [tilespmem:v4+s28+$0x0 ss:$0x1], $0xffff;
	_ =	sdelay $0x5  }
0x36: {  	v5 =	vsub.s32 v5, v0  }
0x37: {  	vm0 =	vlt.u32 v5, $0x10000;
	v6 =	vld.idx.msk [tilespmem:v3+s28+$0x0 ss:$0x1], $0xffff  }
0x38: {  	v5 =	vnsel vm0, $0x0, v5  }
.Ltmp1:
0x39: {  	(pc) =	sbr.rel @p1 .LBB2_5-.Ltmp1, $2  }
0x3a: {  	_ =	sdelay $0x2  }
0x3b: {  	s28 =	sshra.s32 s26, $0x2;
	s26 =	sadd.s32 $0x40, s26;
	[tilespmem:v5+s2+$0x0] =	vst.idx.msk vm0, v6  }
0x3c: {  	_ =	sdelay $0x3  }
0x3d: {  	v4 =	vld.idx.msk [tilespmem:v4+s28+$0x0 ss:$0x1], $0xffff;
	_ =	sdelay $0x4  }
0x3e: {  	v4 =	vsub.s32 v4, v0  }
0x3f: {  	p1 =	sne.s32 s24, s23;
	vm0 =	vlt.u32 v4, $0x10000  }
0x40: {  	v3 =	vld.idx.msk [tilespmem:v3+s28+$0x0 ss:$0x1], $0xffff;
	s0 =	simm.s32 $0x1;
	s22 =	sadd.s32 $0x1, s22;
	p0 =	por p0, p1;
	v4 =	vnsel vm0, $0x0, v4  }
0x41: {  	s0 =	simm.s32 @!p0 $0x0;
	p0 =	sne.s32 s22, $0x40  }
.Ltmp2:
0x42: {  	_ = 	snop;
	(pc) =	sbr.rel @p0 .LBB2_4-.Ltmp2, $3  }
0x43: {  	_ =	sdelay $0x1  }
0x44: {  	s20 =	sadd.s32 s20, s25;
	s24 =	smov.u32 s23;
	[tilespmem:v4+s2+$0x0] =	vst.idx.msk vm0, v3  }
0x45: {  	s21 =	sadd.s32 s0, s21;
	s19 =	sadd.s32 s0, s19;
	_ =	strace $0x90000053  }
0x46: {  	s0 =	simm.s32 $0x0  }
0x47: {  	[hbm4b:s6+s11] =	stream.strided.scatter [tilespmem:s0], [sflag:$0x1], $0x10000, s16, s11, $0x38;
	[tilespmem:$0x12000] =	vst v63  }
0x48: {  	_ =	swait.ge [sflag:s15], $0x10000  }
0x49: {  	[sflag:s15] =	ssyncset.done $0x0  }
0x4a: {  	s18 =	simm.s32 $0x40;
	s19 =	simm.s32 $0x0;
	[sflag:s15] =	ssyncadd.s32 $0xFFFF0000  }
.LBB2_8:
0x4b: {  	p0 =	sne.s32 s18, $0x3FFC0;
	[tilespmem:s19+$0x0] =	vst v2;
	s0 =	smov.u32 s18;
	s18 =	sadd.s32 $0x40, s18  }
.Ltmp3:
0x4c: {  	(pc) =	sbr.rel @p0 .LBB2_8-.Ltmp3, $2  }
0x4d: {  	_ =	sdelay $0x2  }
0x4e: {  	s19 =	sshra.s32 s0, $0x2  }
0x4f: {  	[tilespmem:s19+$0x0] =	vst v2  }
0x50: {  	s18 =	simm.s32 $0x1;
	_ =	strace $0x80000054  }
0x51: {  	[tilespmem:s13], [sflag:$0x1] =	stream.strided.gather [hbm4b:s3+s11], $0x800, s12, s11, $0x200038;
	[tilespmem:$0x12000] =	vst v63  }
0x52: {  	s24 =	simm.s32 $0x0;
	s19 =	simm.s32 $0x0;
	s20 =	simm.s32 $0x1  }
0x53: {  	[tilespmem:s14], [sflag:$0x3] =	stream.strided.gather [hbm4b:s4+s11], $0x800, s12, s11, $0x200038;
	[tilespmem:$0x12000] =	vst v63  }
0x54: {  	s21 =	simm.s32 $0x0;
	s22 =	simm.s32 $0x0;
	_ =	strace $0x90000054  }
.LBB2_10:
0x55: {  	s23 =	sadd.s32 $0x1, s24  }
0x56: {  	p0 =	seq.s32 s23, $0x40  }
0x57: {  	s23 =	simm.s32 @p0 $0x0;
	p0 =	seq.s32 s22, $0x3F  }
0x58: {  	p1 =	seq.s32 @!p0 s24, s23  }
0x59: {  	p2 =	por p1, p0  }
0x5a: {  	s25 =	sshll.u32 @!p2 s23, $0xB;
	s26 =	sshll.u32 @!p2 s23, $0x7  }
0x5b: {  	s28 =	sand.u32 @!p2 $0x1, s18;
	s25 =	sand.u32 @!p2 $0xFFFFC000, s25;
	s26 =	sand.u32 @!p2 $0x380, s26  }
0x5c: {  	_ =	strace @!p2 $0x80000055;
	s30 =	simm.s32 @!p2 $0x80;
	s25 =	sor.u32 @!p2 s26, s25  }
0x5d: {  	s31 =	simm.s32 @!p2 $0x400;
	s26 =	sshll.u32 @!p2 s28, $0xB;
	s25 =	sshrl.u32 @!p2 s25, $0x3  }
0x5e: {  	s28 =	sadd.s32 @!p2 $0x1, s28;
	s26 =	sor.u32 @!p2 $0x10000, s26;
	s29 =	sadd.s32 @!p2 s3, s25  }
0x5f: {  	[tilespmem:s26], [sflag:s28] =	stream.strided.gather @!p2 [hbm4b:s29+s30], $0x800, s31, s30, $0x200038;
	[tilespmem:$0x12000] =	vst v63  }
0x60: {  	s26 =	sand.u32 @!p2 $0x1, s20  }
0x61: {  	s25 =	sadd.s32 @!p2 s4, s25;
	_ =	strace @!p2 $0x90000055;
	s28 =	sshll.u32 @!p2 s26, $0xB  }
0x62: {  	s26 =	sadd.s32 @!p2 $0x3, s26;
	_ =	strace @!p2 $0x80000056;
	s28 =	sor.u32 @!p2 $0x11000, s28  }
0x63: {  	[tilespmem:s28], [sflag:s26] =	stream.strided.gather @!p2 [hbm4b:s25+s30], $0x800, s31, s30, $0x200038;
	[tilespmem:$0x12000] =	vst v63  }
0x64: {  	s26 =	sand.u32 $0x1, s21;
	_ =	strace @!p2 $0x90000056  }
0x65: {  	s25 =	sadd.s32 $0x1, s26;
	_ =	strace $0x80000057  }
0x66: {  	s0 =	smov.u32 s18;
	p1 =	por !p1, p0;
	_ =	swait.ge [sflag:s25], $0x800  }
0x67: {  	s29 =	sand.u32 $0x1, s19;
	s26 =	sadd.s32 @!p2 $0x1, s18;
	[sflag:s25] =	ssyncset.done $0x0  }
0x68: {  	s30 =	sshll.u32 s21, $0xB;
	s18 =	smov.u32 @p1 s26;
	[sflag:s25] =	ssyncadd.s32 $0xFFFFF800  }
0x69: {  	s18 =	smov.u32 @p0 s0;
	s0 =	sand.u32 $0x800, s30;
	_ =	strace $0x90000057  }
0x6a: {  	s26 =	sadd.s32 $0x3, s29;
	s0 =	sor.u32 $0x10000, s0;
	_ =	strace $0x80000058  }
0x6b: {  	s28 =	sshll.u32 s19, $0xB;
	v4 =	vmov s0;
	_ =	swait.ge [sflag:s26], $0x800  }
0x6c: {  	s31 =	sand.u32 $0x800, s28;
	[sflag:s26] =	ssyncset.done $0x0  }
0x6d: {  	s28 =	simm.s32 $0x0;
	s25 =	simm.s32 $0x0;
	[sflag:s26] =	ssyncadd.s32 $0xFFFFF800  }
0x6e: {  	s25 =	simm.s32 @p1 $0x1;
	s26 =	sor.u32 $0x11000, s31;
	_ =	strace $0x90000058  }
0x6f: {  	s25 =	simm.s32 @p0 $0x0;
	v3 =	vmov s26;
	s26 =	simm.s32 $0x40;
	_ =	strace $0x80000059  }
.LBB2_11:
0x70: {  	p1 =	sne.s32 s26, $0x1FC0;
	v5 =	vld.idx.msk [tilespmem:v4+s28+$0x0 ss:$0x1], $0xffff;
	_ =	sdelay $0x5  }
0x71: {  	v5 =	vsub.s32 v5, v1  }
0x72: {  	vm0 =	vlt.u32 v5, $0x10000;
	v6 =	vld.idx.msk [tilespmem:v3+s28+$0x0 ss:$0x1], $0xffff  }
0x73: {  	v5 =	vnsel vm0, $0x0, v5  }
.Ltmp4:
0x74: {  	(pc) =	sbr.rel @p1 .LBB2_11-.Ltmp4, $2  }
0x75: {  	_ =	sdelay $0x2  }
0x76: {  	s28 =	sshra.s32 s26, $0x2;
	s26 =	sadd.s32 $0x40, s26;
	[tilespmem:v5+s2+$0x0] =	vst.idx.msk vm0, v6  }
0x77: {  	_ =	sdelay $0x3  }
0x78: {  	v4 =	vld.idx.msk [tilespmem:v4+s28+$0x0 ss:$0x1], $0xffff;
	_ =	sdelay $0x4  }
0x79: {  	v4 =	vsub.s32 v4, v1  }
0x7a: {  	p1 =	sne.s32 s24, s23;
	vm0 =	vlt.u32 v4, $0x10000  }
0x7b: {  	v3 =	vld.idx.msk [tilespmem:v3+s28+$0x0 ss:$0x1], $0xffff;
	s0 =	simm.s32 $0x1;
	s22 =	sadd.s32 $0x1, s22;
	p0 =	por p0, p1;
	v4 =	vnsel vm0, $0x0, v4  }
0x7c: {  	s0 =	simm.s32 @!p0 $0x0;
	p0 =	sne.s32 s22, $0x40  }
.Ltmp5:
0x7d: {  	_ = 	snop;
	(pc) =	sbr.rel @p0 .LBB2_10-.Ltmp5, $3  }
0x7e: {  	_ =	sdelay $0x1  }
0x7f: {  	s20 =	sadd.s32 s20, s25;
	s24 =	smov.u32 s23;
	[tilespmem:v4+s2+$0x0] =	vst.idx.msk vm0, v3  }
0x80: {  	s21 =	sadd.s32 s0, s21;
	s19 =	sadd.s32 s0, s19;
	_ =	strace $0x90000059  }
0x81: {  	s0 =	simm.s32 $0x0  }
0x82: {  	[hbm4b:s7+s11] =	stream.strided.scatter [tilespmem:s0], [sflag:$0x1], $0x10000, s16, s11, $0x38;
	[tilespmem:$0x12000] =	vst v63  }
0x83: {  	_ =	swait.ge [sflag:s15], $0x10000  }
0x84: {  	[sflag:s15] =	ssyncset.done $0x0  }
0x85: {  	s18 =	simm.s32 $0x40;
	s19 =	simm.s32 $0x0;
	[sflag:s15] =	ssyncadd.s32 $0xFFFF0000  }
.LBB2_14:
0x86: {  	p0 =	sne.s32 s18, $0x3FFC0;
	[tilespmem:s19+$0x0] =	vst v2;
	s0 =	smov.u32 s18;
	s18 =	sadd.s32 $0x40, s18  }
.Ltmp6:
0x87: {  	(pc) =	sbr.rel @p0 .LBB2_14-.Ltmp6, $2  }
0x88: {  	_ =	sdelay $0x2  }
0x89: {  	s19 =	sshra.s32 s0, $0x2  }
0x8a: {  	[tilespmem:s19+$0x0] =	vst v2  }
0x8b: {  	s18 =	simm.s32 $0x1;
	_ =	strace $0x8000005A  }
0x8c: {  	[tilespmem:s13], [sflag:$0x1] =	stream.strided.gather [hbm4b:s3+s11], $0x800, s12, s11, $0x200038;
	[tilespmem:$0x12000] =	vst v63  }
0x8d: {  	s24 =	simm.s32 $0x0;
	s19 =	simm.s32 $0x0;
	s20 =	simm.s32 $0x1  }
0x8e: {  	[tilespmem:s14], [sflag:$0x3] =	stream.strided.gather [hbm4b:s5+s11], $0x800, s12, s11, $0x200038;
	[tilespmem:$0x12000] =	vst v63  }
0x8f: {  	s21 =	simm.s32 $0x0;
	s22 =	simm.s32 $0x0;
	_ =	strace $0x9000005A  }
.LBB2_16:
0x90: {  	s23 =	sadd.s32 $0x1, s24  }
0x91: {  	p0 =	seq.s32 s23, $0x40  }
0x92: {  	s23 =	simm.s32 @p0 $0x0;
	p0 =	seq.s32 s22, $0x3F  }
0x93: {  	p1 =	seq.s32 @!p0 s24, s23  }
0x94: {  	p2 =	por p1, p0  }
0x95: {  	s25 =	sshll.u32 @!p2 s23, $0xB;
	s26 =	sshll.u32 @!p2 s23, $0x7  }
0x96: {  	s28 =	sand.u32 @!p2 $0x1, s18;
	s25 =	sand.u32 @!p2 $0xFFFFC000, s25;
	s26 =	sand.u32 @!p2 $0x380, s26  }
0x97: {  	_ =	strace @!p2 $0x8000005B;
	s30 =	simm.s32 @!p2 $0x80;
	s25 =	sor.u32 @!p2 s26, s25  }
0x98: {  	s31 =	simm.s32 @!p2 $0x400;
	s26 =	sshll.u32 @!p2 s28, $0xB;
	s25 =	sshrl.u32 @!p2 s25, $0x3  }
0x99: {  	s28 =	sadd.s32 @!p2 $0x1, s28;
	s26 =	sor.u32 @!p2 $0x10000, s26;
	s29 =	sadd.s32 @!p2 s3, s25  }
0x9a: {  	[tilespmem:s26], [sflag:s28] =	stream.strided.gather @!p2 [hbm4b:s29+s30], $0x800, s31, s30, $0x200038;
	[tilespmem:$0x12000] =	vst v63  }
0x9b: {  	s26 =	sand.u32 @!p2 $0x1, s20  }
0x9c: {  	s25 =	sadd.s32 @!p2 s5, s25;
	_ =	strace @!p2 $0x9000005B;
	s28 =	sshll.u32 @!p2 s26, $0xB  }
0x9d: {  	s26 =	sadd.s32 @!p2 $0x3, s26;
	_ =	strace @!p2 $0x8000005C;
	s28 =	sor.u32 @!p2 $0x11000, s28  }
0x9e: {  	[tilespmem:s28], [sflag:s26] =	stream.strided.gather @!p2 [hbm4b:s25+s30], $0x800, s31, s30, $0x200038;
	[tilespmem:$0x12000] =	vst v63  }
0x9f: {  	s26 =	sand.u32 $0x1, s21;
	_ =	strace @!p2 $0x9000005C  }
0xa0: {  	s25 =	sadd.s32 $0x1, s26;
	_ =	strace $0x8000005D  }
0xa1: {  	s0 =	smov.u32 s18;
	p1 =	por !p1, p0;
	_ =	swait.ge [sflag:s25], $0x800  }
0xa2: {  	s29 =	sand.u32 $0x1, s19;
	s26 =	sadd.s32 @!p2 $0x1, s18;
	[sflag:s25] =	ssyncset.done $0x0  }
0xa3: {  	s30 =	sshll.u32 s21, $0xB;
	s18 =	smov.u32 @p1 s26;
	[sflag:s25] =	ssyncadd.s32 $0xFFFFF800  }
0xa4: {  	s18 =	smov.u32 @p0 s0;
	s0 =	sand.u32 $0x800, s30;
	_ =	strace $0x9000005D  }
0xa5: {  	s26 =	sadd.s32 $0x3, s29;
	s0 =	sor.u32 $0x10000, s0;
	_ =	strace $0x8000005E  }
0xa6: {  	s28 =	sshll.u32 s19, $0xB;
	v4 =	vmov s0;
	_ =	swait.ge [sflag:s26], $0x800  }
0xa7: {  	s31 =	sand.u32 $0x800, s28;
	[sflag:s26] =	ssyncset.done $0x0  }
0xa8: {  	s28 =	simm.s32 $0x0;
	s25 =	simm.s32 $0x0;
	[sflag:s26] =	ssyncadd.s32 $0xFFFFF800  }
0xa9: {  	s25 =	simm.s32 @p1 $0x1;
	s26 =	sor.u32 $0x11000, s31;
	_ =	strace $0x9000005E  }
0xaa: {  	s25 =	simm.s32 @p0 $0x0;
	v3 =	vmov s26;
	s26 =	simm.s32 $0x40;
	_ =	strace $0x8000005F  }
.LBB2_17:
0xab: {  	p1 =	sne.s32 s26, $0x1FC0;
	v5 =	vld.idx.msk [tilespmem:v4+s28+$0x0 ss:$0x1], $0xffff;
	_ =	sdelay $0x5  }
0xac: {  	v5 =	vsub.s32 v5, v0  }
0xad: {  	vm0 =	vlt.u32 v5, $0x10000;
	v6 =	vld.idx.msk [tilespmem:v3+s28+$0x0 ss:$0x1], $0xffff  }
0xae: {  	v5 =	vnsel vm0, $0x0, v5  }
.Ltmp7:
0xaf: {  	(pc) =	sbr.rel @p1 .LBB2_17-.Ltmp7, $2  }
0xb0: {  	_ =	sdelay $0x2  }
0xb1: {  	s28 =	sshra.s32 s26, $0x2;
	s26 =	sadd.s32 $0x40, s26;
	[tilespmem:v5+s2+$0x0] =	vst.idx.msk vm0, v6  }
0xb2: {  	_ =	sdelay $0x3  }
0xb3: {  	v4 =	vld.idx.msk [tilespmem:v4+s28+$0x0 ss:$0x1], $0xffff;
	_ =	sdelay $0x4  }
0xb4: {  	v4 =	vsub.s32 v4, v0  }
0xb5: {  	p1 =	sne.s32 s24, s23;
	vm0 =	vlt.u32 v4, $0x10000  }
0xb6: {  	v3 =	vld.idx.msk [tilespmem:v3+s28+$0x0 ss:$0x1], $0xffff;
	s0 =	simm.s32 $0x1;
	s22 =	sadd.s32 $0x1, s22;
	p0 =	por p0, p1;
	v4 =	vnsel vm0, $0x0, v4  }
0xb7: {  	s0 =	simm.s32 @!p0 $0x0;
	p0 =	sne.s32 s22, $0x40  }
.Ltmp8:
0xb8: {  	_ = 	snop;
	(pc) =	sbr.rel @p0 .LBB2_16-.Ltmp8, $3  }
0xb9: {  	_ =	sdelay $0x1  }
0xba: {  	s20 =	sadd.s32 s20, s25;
	s24 =	smov.u32 s23;
	[tilespmem:v4+s2+$0x0] =	vst.idx.msk vm0, v3  }
0xbb: {  	s21 =	sadd.s32 s0, s21;
	s19 =	sadd.s32 s0, s19;
	_ =	strace $0x9000005F  }
0xbc: {  	s0 =	simm.s32 $0x0  }
0xbd: {  	[hbm4b:s8+s11] =	stream.strided.scatter [tilespmem:s0], [sflag:$0x1], $0x10000, s16, s11, $0x38;
	[tilespmem:$0x12000] =	vst v63  }
0xbe: {  	_ =	swait.ge [sflag:s15], $0x10000  }
0xbf: {  	[sflag:s15] =	ssyncset.done $0x0  }
0xc0: {  	s18 =	simm.s32 $0x40;
	s19 =	simm.s32 $0x0;
	[sflag:s15] =	ssyncadd.s32 $0xFFFF0000  }
.LBB2_20:
0xc1: {  	p0 =	sne.s32 s18, $0x3FFC0;
	[tilespmem:s19+$0x0] =	vst v2;
	s0 =	smov.u32 s18;
	s18 =	sadd.s32 $0x40, s18  }
.Ltmp9:
0xc2: {  	(pc) =	sbr.rel @p0 .LBB2_20-.Ltmp9, $2  }
0xc3: {  	_ =	sdelay $0x2  }
0xc4: {  	s19 =	sshra.s32 s0, $0x2  }
0xc5: {  	[tilespmem:s19+$0x0] =	vst v2  }
0xc6: {  	s18 =	simm.s32 $0x1;
	_ =	strace $0x80000060  }
0xc7: {  	[tilespmem:s13], [sflag:$0x1] =	stream.strided.gather [hbm4b:s3+s11], $0x800, s12, s11, $0x200038;
	[tilespmem:$0x12000] =	vst v63  }
0xc8: {  	s24 =	simm.s32 $0x0;
	s19 =	simm.s32 $0x0;
	s20 =	simm.s32 $0x1  }
0xc9: {  	[tilespmem:s14], [sflag:$0x3] =	stream.strided.gather [hbm4b:s5+s11], $0x800, s12, s11, $0x200038;
	[tilespmem:$0x12000] =	vst v63  }
0xca: {  	s21 =	simm.s32 $0x0;
	s22 =	simm.s32 $0x0;
	_ =	strace $0x90000060  }
.LBB2_22:
0xcb: {  	s23 =	sadd.s32 $0x1, s24  }
0xcc: {  	p0 =	seq.s32 s23, $0x40  }
0xcd: {  	s23 =	simm.s32 @p0 $0x0;
	p0 =	seq.s32 s22, $0x3F  }
0xce: {  	p1 =	seq.s32 @!p0 s24, s23  }
0xcf: {  	p2 =	por p1, p0  }
0xd0: {  	s25 =	sshll.u32 @!p2 s23, $0xB;
	s26 =	sshll.u32 @!p2 s23, $0x7  }
0xd1: {  	s28 =	sand.u32 @!p2 $0x1, s18;
	s25 =	sand.u32 @!p2 $0xFFFFC000, s25;
	s26 =	sand.u32 @!p2 $0x380, s26  }
0xd2: {  	_ =	strace @!p2 $0x80000061;
	s30 =	simm.s32 @!p2 $0x80;
	s25 =	sor.u32 @!p2 s26, s25  }
0xd3: {  	s31 =	simm.s32 @!p2 $0x400;
	s26 =	sshll.u32 @!p2 s28, $0xB;
	s25 =	sshrl.u32 @!p2 s25, $0x3  }
0xd4: {  	s28 =	sadd.s32 @!p2 $0x1, s28;
	s26 =	sor.u32 @!p2 $0x10000, s26;
	s29 =	sadd.s32 @!p2 s3, s25  }
0xd5: {  	[tilespmem:s26], [sflag:s28] =	stream.strided.gather @!p2 [hbm4b:s29+s30], $0x800, s31, s30, $0x200038;
	[tilespmem:$0x12000] =	vst v63  }
0xd6: {  	s26 =	sand.u32 @!p2 $0x1, s20  }
0xd7: {  	s25 =	sadd.s32 @!p2 s5, s25;
	_ =	strace @!p2 $0x90000061;
	s28 =	sshll.u32 @!p2 s26, $0xB  }
0xd8: {  	s26 =	sadd.s32 @!p2 $0x3, s26;
	_ =	strace @!p2 $0x80000062;
	s28 =	sor.u32 @!p2 $0x11000, s28  }
0xd9: {  	[tilespmem:s28], [sflag:s26] =	stream.strided.gather @!p2 [hbm4b:s25+s30], $0x800, s31, s30, $0x200038;
	[tilespmem:$0x12000] =	vst v63  }
0xda: {  	s26 =	sand.u32 $0x1, s21;
	_ =	strace @!p2 $0x90000062  }
0xdb: {  	s25 =	sadd.s32 $0x1, s26;
	_ =	strace $0x80000063  }
0xdc: {  	s0 =	smov.u32 s18;
	p1 =	por !p1, p0;
	_ =	swait.ge [sflag:s25], $0x800  }
0xdd: {  	s29 =	sand.u32 $0x1, s19;
	s26 =	sadd.s32 @!p2 $0x1, s18;
	[sflag:s25] =	ssyncset.done $0x0  }
0xde: {  	s30 =	sshll.u32 s21, $0xB;
	s18 =	smov.u32 @p1 s26;
	[sflag:s25] =	ssyncadd.s32 $0xFFFFF800  }
0xdf: {  	s18 =	smov.u32 @p0 s0;
	s0 =	sand.u32 $0x800, s30;
	_ =	strace $0x90000063  }
0xe0: {  	s26 =	sadd.s32 $0x3, s29;
	s0 =	sor.u32 $0x10000, s0;
	_ =	strace $0x80000064  }
0xe1: {  	s28 =	sshll.u32 s19, $0xB;
	v4 =	vmov s0;
	_ =	swait.ge [sflag:s26], $0x800  }
0xe2: {  	s31 =	sand.u32 $0x800, s28;
	[sflag:s26] =	ssyncset.done $0x0  }
0xe3: {  	s28 =	simm.s32 $0x0;
	s25 =	simm.s32 $0x0;
	[sflag:s26] =	ssyncadd.s32 $0xFFFFF800  }
0xe4: {  	s25 =	simm.s32 @p1 $0x1;
	s26 =	sor.u32 $0x11000, s31;
	_ =	strace $0x90000064  }
0xe5: {  	s25 =	simm.s32 @p0 $0x0;
	v3 =	vmov s26;
	s26 =	simm.s32 $0x40;
	_ =	strace $0x80000065  }
.LBB2_23:
0xe6: {  	p1 =	sne.s32 s26, $0x1FC0;
	v5 =	vld.idx.msk [tilespmem:v4+s28+$0x0 ss:$0x1], $0xffff;
	_ =	sdelay $0x5  }
0xe7: {  	v5 =	vsub.s32 v5, v1  }
0xe8: {  	vm0 =	vlt.u32 v5, $0x10000;
	v6 =	vld.idx.msk [tilespmem:v3+s28+$0x0 ss:$0x1], $0xffff  }
0xe9: {  	v5 =	vnsel vm0, $0x0, v5  }
.Ltmp10:
0xea: {  	(pc) =	sbr.rel @p1 .LBB2_23-.Ltmp10, $2  }
0xeb: {  	_ =	sdelay $0x2  }
0xec: {  	s28 =	sshra.s32 s26, $0x2;
	s26 =	sadd.s32 $0x40, s26;
	[tilespmem:v5+s2+$0x0] =	vst.idx.msk vm0, v6  }
0xed: {  	_ =	sdelay $0x3  }
0xee: {  	v4 =	vld.idx.msk [tilespmem:v4+s28+$0x0 ss:$0x1], $0xffff;
	_ =	sdelay $0x4  }
0xef: {  	v4 =	vsub.s32 v4, v1  }
0xf0: {  	p1 =	sne.s32 s24, s23;
	vm0 =	vlt.u32 v4, $0x10000  }
0xf1: {  	v3 =	vld.idx.msk [tilespmem:v3+s28+$0x0 ss:$0x1], $0xffff;
	s0 =	simm.s32 $0x1;
	s22 =	sadd.s32 $0x1, s22;
	p0 =	por p0, p1;
	v4 =	vnsel vm0, $0x0, v4  }
0xf2: {  	s0 =	simm.s32 @!p0 $0x0;
	p0 =	sne.s32 s22, $0x40  }
.Ltmp11:
0xf3: {  	_ = 	snop;
	(pc) =	sbr.rel @p0 .LBB2_22-.Ltmp11, $3  }
0xf4: {  	_ =	sdelay $0x1  }
0xf5: {  	s20 =	sadd.s32 s20, s25;
	s24 =	smov.u32 s23;
	[tilespmem:v4+s2+$0x0] =	vst.idx.msk vm0, v3  }
0xf6: {  	s21 =	sadd.s32 s0, s21;
	s19 =	sadd.s32 s0, s19;
	_ =	strace $0x90000065  }
0xf7: {  	s17 =	sadd.s32 $0x1, s17  }
0xf8: {  	p0 =	sne.s32 s17, s10  }
.Ltmp12:
0xf9: {  	_ = 	snop;
	(pc) =	sbr.rel @p0 .LBB2_1-.Ltmp12, $4  }
0xfa: {  	[hbm4b:s9+s11] =	stream.strided.scatter [tilespmem:s2], [sflag:$0x1], $0x10000, s16, s11, $0x38;
	[tilespmem:$0x12000] =	vst v63  }
0xfb: {  	_ =	swait.ge [sflag:s15], $0x10000  }
0xfc: {  	[sflag:s15] =	ssyncset.done $0x0  }
0xfd: {  	[sflag:s15] =	ssyncadd.s32 $0xFFFF0000  }
0xfe: {  	_ =	sfence.sel $0x180000  }
0xff: {  	[bflag:$0x0] =	sbarrier.arrive $0xFFFF  }
0x100: {  	_ =	strace $0x9000004D  }
0x101: {  	[bflag:$0x2] =	sbarrier.arrive $0xFFFF  }
0x102: {  	p0 =	sne.s32 s1, $0x0;
	s0 =	rddreg [dreg:$0x1]  }
0x103: {  	s0 =	sadd.s32 @!p0 $0x100000, s0  }
0x104: {  	[sflag:s0] =	ssyncadd.tile.s32 @!p0 $0x1;
	_ =	shalt  }
.Lfunc_end2:
_tile_overlayer_lowered:
.L_overlay_start_2:
0x105: {  	(tag) =	ssettag $0x2  }
0x106: {  	s0 =	rddreg [dreg:$0x0];
	s2 =	stileid.u32  }
0x107: {  	s1 =	rddreg [dreg:$0x1];
	p0 =	sne.s32 s2, $0x0  }
0x108: {  	s3 =	rddreg [dreg:$0x2];
	[bflag:$0x3] =	sbarrier.arrive $0xFFFF;
	s2 =	simm.s32 @!p0 $0x1C01  }
0x109: {  	[timem:s3], [sflag:s2] =	dma.local @!p0 [hbm:s0], s1  }
0x10a: {  	s0 =	simm.s32 @!p0 $0x1  }
0x10b: {  	_ =	swait.ge @!p0 [sflag:s0], s1  }
0x10c: {  	s1 =	ssub.s32 @!p0 $0x0, s1;
	[sflag:s0] =	ssyncset.done @!p0 $0x0  }
0x10d: {  	[sflag:s0] =	ssyncadd.s32 @!p0 s1  }
0x10e: {  	[bflag:$0x3] =	sbarrier.arrive $0xFFFF  }
0x10f: {  	_ =	shalt  }

// kernel: scatter_offload_async_start.1
scs
__scs_entry_jumppad:
0x0: {  	(pc) =	sbr.rel $0x88, $3  }
0x1: {  	(tag) =	ssettag $0x0;
	lr =	simm.s32 $0x1  }
0x2: {  	[smem:$0x3F78] =	sst lr;
	_ =	strace $0xD0000000  }
0x3: {  	_ = 	snop  }
0x4: {  	_ = 	snop  }
0x5: {  	_ = 	snop  }
0x6: {  	_ = 	snop  }
0x7: {  	_ = 	snop  }
__scs_overlays_trampoline_lowered:
0x8: {  	[smem:$0x3F87] =	sst s0  }
0x9: {  	[smem:$0x3F88] =	sst s1  }
0xa: {  	[smem:$0x3F89] =	sst s2  }
0xb: {  	[smem:$0x3F8A] =	sst s3  }
0xc: {  	[smem:$0x3F8B] =	sst s4  }
0xd: {  	[smem:$0x3F8C] =	sst s5  }
0xe: {  	[smem:$0x3F8D] =	sst s6  }
0xf: {  	[smem:$0x3F8E] =	sst s7  }
0x10: {  	[smem:$0x3F8F] =	sst s8  }
0x11: {  	[smem:$0x3F90] =	sst s9;
	s0 =	simm.s32 @!p0 $0x0  }
0x12: {  	s1 =	sld [smem:$0x3F76];
	s0 =	simm.s32 @p0 $0x1  }
0x13: {  	[smem:$0x3F91] =	sst s0;
	s0 =	simm.s32 @!p1 $0x0  }
0x14: {  	s2 =	sld [smem:$0x3F75];
	s0 =	simm.s32 @p1 $0x1  }
0x15: {  	[smem:$0x3F92] =	sst s0;
	s0 =	simm.s32 @!p2 $0x0  }
0x16: {  	s3 =	sld [smem:$0x3FDB];
	s0 =	simm.s32 @p2 $0x1  }
0x17: {  	s4 =	simm.s32 $0x1BF5;
	[smem:$0x3F94] =	sst s0  }
0x18: {  	s0 =	sld [smem:$0x3F77];
	_ =	swait.ge [sflag:s4], $0x0  }
0x19: {  	s7 =	sld [smem:$0x3F78]  }
0x1a: {  	s8 =	sadd.s32 $0xFFFFE003, lr  }
0x1b: {  	s9 =	sadd.s32 $0xFFFFFEF7, lr;
	s5 =	simm.s32 $0xFFFFFFFF;
	p2 =	slt.u32 s8, $0xFFFFF086  }
0x1c: {  	p1 =	slt.u32 s9, $0xF7A;
	s5 =	simm.s32 @!p2 $0x0  }
0x1d: {  	s5 =	simm.s32 @p1 $0x1;
	p0 =	seq.s32 s7, s2  }
0x1e: {  	s7 =	smul.u32 @!p0 $0xF7A, s2;
	p2 =	seq.s32 @!p0 s5, $0x0  }
0x1f: {  	s9 =	smul.u32 $0xF7A, s1;
	s8 =	simm.s32 @!p0 $0x1BF5;
	p2 =	por !p2, p0  }
0x20: {  	[sflag:s8] =	ssyncset.s32 @!p0 $0xFFFFF086;
	s6 =	sadd.s32 @!p0 s3, s7;
	s7 =	simm.s32 @!p0 $0x108  }
0x21: {  	s3 =	sadd.s32 s3, s9;
	s6 =	sadd.s32 @!p0 $0x88, s6;
	s7 =	simm.s32 @p2 $0x1082  }
0x22: {  	[simem:s7], [sflag:s8] =	dma.local @!p0 [hbm:s6], $0xF7A  }
0x23: {  	s9 =	sor.u32 $0xD0000000, s2;
	s6 =	simm.s32 $0x108;
	_ =	swait.ge @!p0 [sflag:s8], $0x0  }
0x24: {  	s3 =	sadd.s32 $0x88, s3;
	s6 =	simm.s32 @!p1 $0x1082;
	[sflag:s4] =	ssyncset.s32 $0xFFFFF086  }
0x25: {  	[simem:s6], [sflag:s4] =	dma.local [hbm:s3], $0xF7A  }
0x26: {  	[smem:$0x3F78] =	sst s1;
	(tag) =	ssettag s2;
	_ =	strace s9  }
0x27: {  	s1 =	sld [smem:$0x3F88]  }
0x28: {  	s2 =	sld [smem:$0x3F89]  }
0x29: {  	s4 =	sld [smem:$0x3F8B]  }
0x2a: {  	p0 =	seq.s32 s5, $0x0;
	s5 =	sld [smem:$0x3F8C]  }
0x2b: {  	s6 =	sld [smem:$0x3F8D]  }
0x2c: {  	s7 =	sld [smem:$0x3F8E]  }
0x2d: {  	s3 =	simm.s32 $0x108;
	s8 =	sld [smem:$0x3F8F]  }
0x2e: {  	s3 =	simm.s32 @!p0 $0x1082;
	s9 =	sld [smem:$0x3F90]  }
0x2f: {  	lr =	sadd.s32 s0, s3;
	s0 =	sld [smem:$0x3F87]  }
0x30: {  	s3 =	sld [smem:$0x3F8A]  }
0x31: {  	[smem:$0x3F93] =	sst s10  }
0x32: {  	s10 =	sld [smem:$0x3F91];
	_ =	sdelay $0x3  }
0x33: {  	p0 =	seq.s32 s10, $0x1;
	s10 =	sld [smem:$0x3F93];
	_ =	sdelay $0x3  }
0x34: {  	[smem:$0x3F93] =	sst s10  }
0x35: {  	s10 =	sld [smem:$0x3F92];
	_ =	sdelay $0x3  }
0x36: {  	p1 =	seq.s32 s10, $0x1;
	s10 =	sld [smem:$0x3F93];
	_ =	sdelay $0x3  }
0x37: {  	[smem:$0x3F93] =	sst s10  }
0x38: {  	s10 =	sld [smem:$0x3F94]  }
0x39: {  	_ = 	snop;
	(pc) =	sbr.ind lr, $3  }
0x3a: {  	_ = 	snop  }
0x3b: {  	_ = 	snop  }
0x3c: {  	p2 =	seq.s32 s10, $0x1;
	s10 =	sld [smem:$0x3F93]  }
0x3d: {  	_ =	shalt  }
0x3e: {  	_ =	shalt  }
0x3f: {  	_ =	shalt  }
0x40: {  	_ =	shalt  }
0x41: {  	_ =	shalt  }
0x42: {  	_ =	shalt  }
0x43: {  	_ =	shalt  }
0x44: {  	_ =	shalt  }
0x45: {  	_ =	shalt  }
0x46: {  	_ =	shalt  }
0x47: {  	_ =	shalt  }
0x48: {  	_ =	shalt  }
0x49: {  	_ =	shalt  }
0x4a: {  	_ =	shalt  }
0x4b: {  	_ =	shalt  }
0x4c: {  	_ =	shalt  }
0x4d: {  	_ =	shalt  }
0x4e: {  	_ =	shalt  }
0x4f: {  	_ =	shalt  }
0x50: {  	_ =	shalt  }
0x51: {  	_ =	shalt  }
0x52: {  	_ =	shalt  }
0x53: {  	_ =	shalt  }
0x54: {  	_ =	shalt  }
0x55: {  	_ =	shalt  }
0x56: {  	_ =	shalt  }
0x57: {  	_ =	shalt  }
0x58: {  	_ =	shalt  }
0x59: {  	_ =	shalt  }
0x5a: {  	_ =	shalt  }
0x5b: {  	_ =	shalt  }
0x5c: {  	_ =	shalt  }
0x5d: {  	_ =	shalt  }
0x5e: {  	_ =	shalt  }
0x5f: {  	_ =	shalt  }
0x60: {  	_ =	shalt  }
0x61: {  	_ =	shalt  }
0x62: {  	_ =	shalt  }
0x63: {  	_ =	shalt  }
0x64: {  	_ =	shalt  }
0x65: {  	_ =	shalt  }
0x66: {  	_ =	shalt  }
0x67: {  	_ =	shalt  }
0x68: {  	_ =	shalt  }
0x69: {  	_ =	shalt  }
0x6a: {  	_ =	shalt  }
0x6b: {  	_ =	shalt  }
0x6c: {  	_ =	shalt  }
0x6d: {  	_ =	shalt  }
0x6e: {  	_ =	shalt  }
0x6f: {  	_ =	shalt  }
0x70: {  	_ =	shalt  }
0x71: {  	_ =	shalt  }
0x72: {  	_ =	shalt  }
0x73: {  	_ =	shalt  }
0x74: {  	_ =	shalt  }
0x75: {  	_ =	shalt  }
0x76: {  	_ =	shalt  }
0x77: {  	_ =	shalt  }
0x78: {  	_ =	shalt  }
0x79: {  	_ =	shalt  }
0x7a: {  	_ =	shalt  }
0x7b: {  	_ =	shalt  }
0x7c: {  	_ =	shalt  }
0x7d: {  	_ =	shalt  }
0x7e: {  	_ =	shalt  }
0x7f: {  	_ =	shalt  }
0x80: {  	_ =	shalt  }
0x81: {  	_ =	shalt  }
0x82: {  	_ =	shalt  }
0x83: {  	_ =	shalt  }
0x84: {  	_ =	shalt  }
0x85: {  	_ =	shalt  }
0x86: {  	_ =	shalt  }
0x87: {  	_ =	shalt  }
.Lfunc_end0:
.L_simem_size_0:
called_computation.1_lowered:
.L_overlay_start_0:
0x88: {  	s2 =	sld [smem:$0x3FD9]  }
0x89: {  	s3 =	sld [smem:$0x3FFE];
	_ =	sdelay $0x1  }
0x8a: {  	s1 =	srdreg.scid  }
0x8b: {  	s0 =	sand.u32 $0x1, s1  }
0x8c: {  	s17 =	sshll.u32 s0, $0xA;
	s2 =	sadd.s32 s3, s2  }
0x8d: {  	s2 =	sadd.s32 s2, s17  }
0x8e: {  	[smem:$0x3F9F] =	sst s2  }
0x8f: {  	_ = 	snop  }
0x90: {  	(tm) =	ssettm $0x1  }
0x91: {  	s18 =	sld [smem:$0x3FFB];
	_ =	sdelay $0x3  }
0x92: {  	_ =	strace s18  }
0x93: {  	s2 =	sld [smem:$0x3FFC];
	_ =	sdelay $0x3  }
0x94: {  	_ =	strace s2  }
0x95: {  	s2 =	sld [smem:$0x3FFD];
	_ =	sdelay $0x3  }
0x96: {  	_ =	strace s2  }
0x97: {  	_ =	strace $0x8FFFFFFF  }
0x98: {  	s19 =	sld [smem:$0x3FDB];
	_ =	sdelay $0x1  }
0x99: {  	s20 =	simm.s32 $_scs_section_size  }
0x9a: {  	s4 =	simm.s32 $_size__tile_overlayer_lowered;
	s5 =	simm.s32 $_tile_overlayer_lowered  }
0x9b: {  	s6 =	simm.s32 $0x1BFF;
	s21 =	sshll.u32 s5, $0x1;
	s3 =	sadd.s32 s20, s19  }
0x9c: {  	s22 =	simm.s32 $0x0;
	s4 =	sshll.u32 s4, $0x1;
	s5 =	sadd.s32 s21, s3  }
0x9d: {  	[timem:s22], [sflag:s6] =	dma.local [hbm:s5], s4  }
0x9e: {  	_ =	swait.ge [sflag:s6], s4  }
0x9f: {  	s4 =	ssub.s32 $0x0, s4;
	[sflag:s6] =	ssyncset.done $0x0  }
0xa0: {  	[sflag:s6] =	ssyncadd.s32 s4;
	_ =	sdelay $0x1  }
0xa1: {  	s23 =	simm.s32 $0x1B8B  }
0xa2: {  	_ =	swait.ge [sflag:s23], $0x1  }
0xa3: {  	[sflag:s23] =	ssyncset.done $0x0  }
0xa4: {  	[sflag:s23] =	ssyncadd.s32 $0xFFFFFFFF  }
0xa5: {  	s4 =	sld [smem:$0x0]  }
0xa6: {  	s5 =	sand.u32 $0xFFFFFFFE, s1  }
0xa7: {  	p0 =	sne.s32 s1, s5  }
0xa8: {  	s5 =	sshll.u32 @p0 s5, $0xE  }
0xa9: {  	s5 =	sadd.s32 @p0 $0x11B8D, s5;
	s6 =	sshll.u32 @p0 s4, $0x11  }
0xaa: {  	s5 =	sor.u32 @p0 s6, s5  }
0xab: {  	[sflag:s5] =	ssyncadd.remote.s32 @p0 $0x1;
	_ =	sdelay $0x1  }
0xac: {  	s5 =	simm.s32 @p0 $0x1B8D  }
0xad: {  	_ =	swait.eq @p0 [sflag:s5], $0x1  }
0xae: {  	[sflag:s5] =	ssyncadd.s32 @p0 $0xFFFFFFFF  }
0xaf: {  	s6 =	sshll.u32 @!p0 s1, $0xE  }
0xb0: {  	s6 =	sor.u32 @!p0 $0x4000, s6;
	s5 =	simm.s32 @!p0 $0x1B8D  }
0xb1: {  	s7 =	sshll.u32 @!p0 s4, $0x11;
	s6 =	sadd.s32 @!p0 $0x11B8D, s6;
	_ =	swait.eq @!p0 [sflag:s5], $0x1  }
0xb2: {  	[sflag:s5] =	ssyncadd.s32 @!p0 $0xFFFFFFFF;
	s5 =	sor.u32 @!p0 s7, s6  }
0xb3: {  	s25 =	simm.s32 $0x1B8E;
	s24 =	sld [smem:$0x3FFE];
	[sflag:s5] =	ssyncadd.remote.s32 @!p0 $0x1  }
0xb4: {  	s26 =	simm.s32 $execute0_lowered;
	[smem:$0x3FD2] =	sst s25  }
0xb5: {  	s6 =	sshll.u32 s26, $0x1;
	_ =	strace $0x80000067;
	[dreg:$0x1] =	wrdreg $0xFFFFFFFF  }
0xb6: {  	s28 =	simm.s32 $_size_execute0_lowered;
	s3 =	sadd.s32 s3, s6;
	[dreg:$0x0] =	wrdreg $0x0  }
0xb7: {  	s6 =	sshll.u32 s28, $0x1;
	[dreg:$0x2] =	wrdreg s3  }
0xb8: {  	[dreg:$0x3] =	wrdreg s6  }
0xb9: {  	[dreg:$0x4] =	wrdreg $0xC0  }
0xba: {  	_ =	task [dreg:s22], $0x5FFFF  }
0xbb: {  	[dreg:$0x1] =	wrdreg $0xFFFFFFFF  }
0xbc: {  	[dreg:$0x0] =	wrdreg $0x60  }
0xbd: {  	[dreg:$0x2] =	wrdreg s24  }
0xbe: {  	[dreg:$0x3] =	wrdreg s1  }
0xbf: {  	[dreg:$0x4] =	wrdreg s4  }
0xc0: {  	[dreg:$0x5] =	wrdreg $0x9  }
0xc1: {  	_ =	task.clear_ibuf [dreg:s22], $0x6FFFF;
	_ =	strace $0x90000067  }
0xc2: {  	s29 =	simm.s32 $0x9;
	_ =	strace $0x80000069  }
0xc3: {  	_ =	swait.ge [sflag:s29], $0x1  }
0xc4: {  	[sflag:s29] =	ssyncadd.s32 $0xFFFFFFFF  }
0xc5: {  	_ =	strace $0x90000069  }
0xc6: {  	_ =	sfence  }
0xc7: {  	s30 =	sld [smem:$0x0];
	_ =	sdelay $0x2  }
0xc8: {  	s31 =	sshll.u32 s1, $0xD;
	s1 =	sshrl.u32 s1, $0x2  }
0xc9: {  	s4 =	sand.u32 $0x4000, s31;
	s1 =	sadd.s32 s1, s30  }
0xca: {  	s0 =	sor.u32 s4, s0;
	s1 =	sshll.u32 s1, $0x11  }
0xcb: {  	s0 =	sor.u32 s1, s0  }
0xcc: {  	s0 =	sadd.s32 $0x8F2B, s0  }
0xcd: {  	[sflag:s0] =	ssyncadd.remote.s32 $0x1  }
0xce: {  	_ =	sfence.sel $0xFFFF  }
0xcf: {  	[dreg:$0x0] =	wrdreg $0xFFFFFFFF;
	(pc) =	sbr.abs _section_cstart, $3  }
0xd0: {  	[dreg:$0x1] =	wrdreg $0xFFFFFFFF  }
0xd1: {  	_ =	task.clear_ibuf [dreg:s22], $0x2FFFF;
	_ =	strace $0x9FFFFFFF  }
0xd2: {  	(tm) =	ssettm $0x7FFFFFFF  }
0xd3: {  	_ =	shalt  }
tec
execute0_lowered:
.L_overlay_start_1:
0x0: {  	(tag) =	ssettag $0x1  }
0x1: {  	s7 =	rddreg [dreg:$0x0]  }
0x2: {  	s2 =	rddreg [dreg:$0x1];
	_ =	strace $0x80000068;
	s3 =	simm.s32 $0x1  }
0x3: {  	v0 =	vimm.s32 $0x0;
	[sflag:s3] =	ssyncpa.u1 $0x0  }
0x4: {  	[tilespmem:$0x48] =	vst v0  }
0x5: {  	[tilespmem:$0x58] =	vst v0  }
0x6: {  	[tilespmem:$0x68] =	vst v0  }
0x7: {  	[tilespmem:$0x78] =	vst v0  }
0x8: {  	[tilespmem:$0x88] =	vst v0  }
0x9: {  	[tilespmem:$0x98] =	vst v0  }
0xa: {  	[tilespmem:$0xA8] =	vst v0  }
0xb: {  	[tilespmem:$0xB8] =	vst v0  }
0xc: {  	[tilespmem:$0xC8] =	vst v0  }
0xd: {  	[tilespmem:$0xD8] =	vst v0  }
0xe: {  	[tilespmem:$0xE8] =	vst v0  }
0xf: {  	[tilespmem:$0xF8] =	vst v0  }
0x10: {  	[tilespmem:$0x108] =	vst v0  }
0x11: {  	[tilespmem:$0x118] =	vst v0  }
0x12: {  	[tilespmem:$0x128] =	vst v0  }
0x13: {  	[tilespmem:$0x138] =	vst v0  }
0x14: {  	[tilespmem:$0x148] =	vst v0  }
0x15: {  	[tilespmem:$0x158] =	vst v0  }
0x16: {  	[tilespmem:$0x168] =	vst v0  }
0x17: {  	[tilespmem:$0x178] =	vst v0  }
0x18: {  	[tilespmem:$0x188] =	vst v0  }
0x19: {  	[tilespmem:$0x198] =	vst v0  }
0x1a: {  	[tilespmem:$0x1A8] =	vst v0  }
0x1b: {  	[tilespmem:$0x1B8] =	vst v0  }
0x1c: {  	[tilespmem:$0x1C8] =	vst v0  }
0x1d: {  	[tilespmem:$0x1D8] =	vst v0  }
0x1e: {  	[tilespmem:$0x1E8] =	vst v0  }
0x1f: {  	[tilespmem:$0x1F8] =	vst v0  }
0x20: {  	[tilespmem:$0x208] =	vst v0  }
0x21: {  	[tilespmem:$0x218] =	vst v0  }
0x22: {  	[tilespmem:$0x228] =	vst v0  }
0x23: {  	[tilespmem:$0x238] =	vst v0  }
0x24: {  	[tilespmem:$0x248] =	vst v0  }
0x25: {  	[tilespmem:$0x258] =	vst v0  }
0x26: {  	[tilespmem:$0x268] =	vst v0  }
0x27: {  	[tilespmem:$0x278] =	vst v0  }
0x28: {  	[tilespmem:$0x288] =	vst v0  }
0x29: {  	[tilespmem:$0x298] =	vst v0  }
0x2a: {  	[tilespmem:$0x2A8] =	vst v0  }
0x2b: {  	[tilespmem:$0x2B8] =	vst v0  }
0x2c: {  	[tilespmem:$0x2C8] =	vst v0  }
0x2d: {  	[tilespmem:$0x2D8] =	vst v0  }
0x2e: {  	[tilespmem:$0x2E8] =	vst v0  }
0x2f: {  	[tilespmem:$0x2F8] =	vst v0  }
0x30: {  	[tilespmem:$0x308] =	vst v0  }
0x31: {  	[tilespmem:$0x318] =	vst v0  }
0x32: {  	[tilespmem:$0x328] =	vst v0  }
0x33: {  	[tilespmem:$0x338] =	vst v0  }
0x34: {  	[tilespmem:$0x348] =	vst v0  }
0x35: {  	[tilespmem:$0x358] =	vst v0  }
0x36: {  	[tilespmem:$0x368] =	vst v0  }
0x37: {  	[tilespmem:$0x378] =	vst v0  }
0x38: {  	[tilespmem:$0x388] =	vst v0  }
0x39: {  	[tilespmem:$0x398] =	vst v0  }
0x3a: {  	[tilespmem:$0x3A8] =	vst v0  }
0x3b: {  	[tilespmem:$0x3B8] =	vst v0  }
0x3c: {  	[tilespmem:$0x3C8] =	vst v0  }
0x3d: {  	[tilespmem:$0x3D8] =	vst v0  }
0x3e: {  	[tilespmem:$0x3E8] =	vst v0  }
0x3f: {  	[tilespmem:$0x3F8] =	vst v0  }
0x40: {  	[tilespmem:$0x408] =	vst v0  }
0x41: {  	[tilespmem:$0x418] =	vst v0  }
0x42: {  	[tilespmem:$0x428] =	vst v0  }
0x43: {  	[tilespmem:$0x438] =	vst v0  }
0x44: {  	[tilespmem:$0x448] =	vst v0  }
0x45: {  	[tilespmem:$0x458] =	vst v0  }
0x46: {  	[tilespmem:$0x468] =	vst v0  }
0x47: {  	[tilespmem:$0x478] =	vst v0  }
0x48: {  	[tilespmem:$0x488] =	vst v0  }
0x49: {  	[tilespmem:$0x498] =	vst v0  }
0x4a: {  	[tilespmem:$0x4A8] =	vst v0  }
0x4b: {  	[tilespmem:$0x4B8] =	vst v0  }
0x4c: {  	[tilespmem:$0x4C8] =	vst v0  }
0x4d: {  	[tilespmem:$0x4D8] =	vst v0  }
0x4e: {  	[tilespmem:$0x4E8] =	vst v0  }
0x4f: {  	[tilespmem:$0x4F8] =	vst v0  }
0x50: {  	[tilespmem:$0x508] =	vst v0  }
0x51: {  	[tilespmem:$0x518] =	vst v0  }
0x52: {  	[tilespmem:$0x528] =	vst v0  }
0x53: {  	[tilespmem:$0x538] =	vst v0  }
0x54: {  	[tilespmem:$0x548] =	vst v0  }
0x55: {  	[tilespmem:$0x558] =	vst v0  }
0x56: {  	[tilespmem:$0x568] =	vst v0  }
0x57: {  	[tilespmem:$0x578] =	vst v0  }
0x58: {  	[tilespmem:$0x588] =	vst v0  }
0x59: {  	[tilespmem:$0x598] =	vst v0  }
0x5a: {  	[tilespmem:$0x5A8] =	vst v0  }
0x5b: {  	[tilespmem:$0x5B8] =	vst v0  }
0x5c: {  	[tilespmem:$0x5C8] =	vst v0  }
0x5d: {  	[tilespmem:$0x5D8] =	vst v0  }
0x5e: {  	[tilespmem:$0x5E8] =	vst v0  }
0x5f: {  	[tilespmem:$0x5F8] =	vst v0  }
0x60: {  	[tilespmem:$0x608] =	vst v0  }
0x61: {  	[tilespmem:$0x618] =	vst v0  }
0x62: {  	[tilespmem:$0x628] =	vst v0  }
0x63: {  	[tilespmem:$0x638] =	vst v0  }
0x64: {  	[tilespmem:$0x648] =	vst v0  }
0x65: {  	[tilespmem:$0x658] =	vst v0  }
0x66: {  	[tilespmem:$0x668] =	vst v0  }
0x67: {  	[tilespmem:$0x678] =	vst v0  }
0x68: {  	[tilespmem:$0x688] =	vst v0  }
0x69: {  	[tilespmem:$0x698] =	vst v0  }
0x6a: {  	[tilespmem:$0x6A8] =	vst v0  }
0x6b: {  	[tilespmem:$0x6B8] =	vst v0  }
0x6c: {  	[tilespmem:$0x6C8] =	vst v0  }
0x6d: {  	[tilespmem:$0x6D8] =	vst v0  }
0x6e: {  	[tilespmem:$0x6E8] =	vst v0  }
0x6f: {  	[tilespmem:$0x6F8] =	vst v0  }
0x70: {  	[tilespmem:$0x708] =	vst v0  }
0x71: {  	[tilespmem:$0x718] =	vst v0  }
0x72: {  	[tilespmem:$0x728] =	vst v0  }
0x73: {  	[tilespmem:$0x738] =	vst v0  }
0x74: {  	[tilespmem:$0x748] =	vst v0  }
0x75: {  	[tilespmem:$0x758] =	vst v0  }
0x76: {  	[tilespmem:$0x768] =	vst v0  }
0x77: {  	[tilespmem:$0x778] =	vst v0  }
0x78: {  	[tilespmem:$0x788] =	vst v0  }
0x79: {  	[tilespmem:$0x798] =	vst v0  }
0x7a: {  	[tilespmem:$0x7A8] =	vst v0  }
0x7b: {  	[tilespmem:$0x7B8] =	vst v0  }
0x7c: {  	[tilespmem:$0x7C8] =	vst v0  }
0x7d: {  	[tilespmem:$0x7D8] =	vst v0  }
0x7e: {  	[tilespmem:$0x7E8] =	vst v0  }
0x7f: {  	[tilespmem:$0x7F8] =	vst v0  }
0x80: {  	[tilespmem:$0x808] =	vst v0  }
0x81: {  	[tilespmem:$0x818] =	vst v0  }
0x82: {  	[tilespmem:$0x828] =	vst v0  }
0x83: {  	[tilespmem:$0x838] =	vst v0  }
0x84: {  	[tilespmem:$0x848] =	vst v0  }
0x85: {  	[tilespmem:$0x858] =	vst v0  }
0x86: {  	[tilespmem:$0x868] =	vst v0  }
0x87: {  	[tilespmem:$0x878] =	vst v0  }
0x88: {  	[tilespmem:$0x888] =	vst v0  }
0x89: {  	[tilespmem:$0x898] =	vst v0  }
0x8a: {  	[tilespmem:$0x8A8] =	vst v0  }
0x8b: {  	[tilespmem:$0x8B8] =	vst v0  }
0x8c: {  	[tilespmem:$0x8C8] =	vst v0  }
0x8d: {  	[tilespmem:$0x8D8] =	vst v0  }
0x8e: {  	[tilespmem:$0x8E8] =	vst v0  }
0x8f: {  	[tilespmem:$0x8F8] =	vst v0  }
0x90: {  	[tilespmem:$0x908] =	vst v0  }
0x91: {  	[tilespmem:$0x918] =	vst v0  }
0x92: {  	[tilespmem:$0x928] =	vst v0  }
0x93: {  	[tilespmem:$0x938] =	vst v0  }
0x94: {  	[tilespmem:$0x948] =	vst v0  }
0x95: {  	[tilespmem:$0x958] =	vst v0  }
0x96: {  	[tilespmem:$0x968] =	vst v0  }
0x97: {  	[tilespmem:$0x978] =	vst v0  }
0x98: {  	[tilespmem:$0x988] =	vst v0  }
0x99: {  	[tilespmem:$0x998] =	vst v0  }
0x9a: {  	[tilespmem:$0x9A8] =	vst v0  }
0x9b: {  	[tilespmem:$0x9B8] =	vst v0  }
0x9c: {  	[tilespmem:$0x9C8] =	vst v0  }
0x9d: {  	[tilespmem:$0x9D8] =	vst v0  }
0x9e: {  	[tilespmem:$0x9E8] =	vst v0  }
0x9f: {  	[tilespmem:$0x9F8] =	vst v0  }
0xa0: {  	[tilespmem:$0xA08] =	vst v0  }
0xa1: {  	[tilespmem:$0xA18] =	vst v0  }
0xa2: {  	[tilespmem:$0xA28] =	vst v0  }
0xa3: {  	[tilespmem:$0xA38] =	vst v0  }
0xa4: {  	[tilespmem:$0xA48] =	vst v0  }
0xa5: {  	[tilespmem:$0xA58] =	vst v0  }
0xa6: {  	[tilespmem:$0xA68] =	vst v0  }
0xa7: {  	[tilespmem:$0xA78] =	vst v0  }
0xa8: {  	[tilespmem:$0xA88] =	vst v0  }
0xa9: {  	[tilespmem:$0xA98] =	vst v0  }
0xaa: {  	[tilespmem:$0xAA8] =	vst v0  }
0xab: {  	[tilespmem:$0xAB8] =	vst v0  }
0xac: {  	[tilespmem:$0xAC8] =	vst v0  }
0xad: {  	[tilespmem:$0xAD8] =	vst v0  }
0xae: {  	[tilespmem:$0xAE8] =	vst v0  }
0xaf: {  	[tilespmem:$0xAF8] =	vst v0  }
0xb0: {  	[tilespmem:$0xB08] =	vst v0  }
0xb1: {  	[tilespmem:$0xB18] =	vst v0  }
0xb2: {  	[tilespmem:$0xB28] =	vst v0  }
0xb3: {  	[tilespmem:$0xB38] =	vst v0  }
0xb4: {  	[tilespmem:$0xB48] =	vst v0  }
0xb5: {  	[tilespmem:$0xB58] =	vst v0  }
0xb6: {  	[tilespmem:$0xB68] =	vst v0  }
0xb7: {  	[tilespmem:$0xB78] =	vst v0  }
0xb8: {  	[tilespmem:$0xB88] =	vst v0  }
0xb9: {  	[tilespmem:$0xB98] =	vst v0  }
0xba: {  	[tilespmem:$0xBA8] =	vst v0  }
0xbb: {  	[tilespmem:$0xBB8] =	vst v0  }
0xbc: {  	[tilespmem:$0xBC8] =	vst v0  }
0xbd: {  	[tilespmem:$0xBD8] =	vst v0  }
0xbe: {  	[tilespmem:$0xBE8] =	vst v0  }
0xbf: {  	[tilespmem:$0xBF8] =	vst v0  }
0xc0: {  	[tilespmem:$0xC08] =	vst v0  }
0xc1: {  	[tilespmem:$0xC18] =	vst v0  }
0xc2: {  	[tilespmem:$0xC28] =	vst v0  }
0xc3: {  	[tilespmem:$0xC38] =	vst v0  }
0xc4: {  	[tilespmem:$0xC48] =	vst v0  }
0xc5: {  	[tilespmem:$0xC58] =	vst v0  }
0xc6: {  	[tilespmem:$0xC68] =	vst v0  }
0xc7: {  	[tilespmem:$0xC78] =	vst v0  }
0xc8: {  	[tilespmem:$0xC88] =	vst v0  }
0xc9: {  	[tilespmem:$0xC98] =	vst v0  }
0xca: {  	[tilespmem:$0xCA8] =	vst v0  }
0xcb: {  	[tilespmem:$0xCB8] =	vst v0  }
0xcc: {  	[tilespmem:$0xCC8] =	vst v0  }
0xcd: {  	[tilespmem:$0xCD8] =	vst v0  }
0xce: {  	[tilespmem:$0xCE8] =	vst v0  }
0xcf: {  	[tilespmem:$0xCF8] =	vst v0  }
0xd0: {  	[tilespmem:$0xD08] =	vst v0  }
0xd1: {  	[tilespmem:$0xD18] =	vst v0  }
0xd2: {  	[tilespmem:$0xD28] =	vst v0  }
0xd3: {  	[tilespmem:$0xD38] =	vst v0  }
0xd4: {  	[tilespmem:$0xD48] =	vst v0  }
0xd5: {  	[tilespmem:$0xD58] =	vst v0  }
0xd6: {  	[tilespmem:$0xD68] =	vst v0  }
0xd7: {  	[tilespmem:$0xD78] =	vst v0  }
0xd8: {  	[tilespmem:$0xD88] =	vst v0  }
0xd9: {  	[tilespmem:$0xD98] =	vst v0  }
0xda: {  	[tilespmem:$0xDA8] =	vst v0  }
0xdb: {  	[tilespmem:$0xDB8] =	vst v0  }
0xdc: {  	[tilespmem:$0xDC8] =	vst v0  }
0xdd: {  	[tilespmem:$0xDD8] =	vst v0  }
0xde: {  	[tilespmem:$0xDE8] =	vst v0  }
0xdf: {  	[tilespmem:$0xDF8] =	vst v0  }
0xe0: {  	[tilespmem:$0xE08] =	vst v0  }
0xe1: {  	[tilespmem:$0xE18] =	vst v0  }
0xe2: {  	[tilespmem:$0xE28] =	vst v0  }
0xe3: {  	[tilespmem:$0xE38] =	vst v0  }
0xe4: {  	[tilespmem:$0xE48] =	vst v0  }
0xe5: {  	[tilespmem:$0xE58] =	vst v0  }
0xe6: {  	[tilespmem:$0xE68] =	vst v0  }
0xe7: {  	[tilespmem:$0xE78] =	vst v0  }
0xe8: {  	[tilespmem:$0xE88] =	vst v0  }
0xe9: {  	[tilespmem:$0xE98] =	vst v0  }
0xea: {  	[tilespmem:$0xEA8] =	vst v0  }
0xeb: {  	[tilespmem:$0xEB8] =	vst v0  }
0xec: {  	[tilespmem:$0xEC8] =	vst v0  }
0xed: {  	[tilespmem:$0xED8] =	vst v0  }
0xee: {  	[tilespmem:$0xEE8] =	vst v0  }
0xef: {  	[tilespmem:$0xEF8] =	vst v0  }
0xf0: {  	[tilespmem:$0xF08] =	vst v0  }
0xf1: {  	[tilespmem:$0xF18] =	vst v0  }
0xf2: {  	[tilespmem:$0xF28] =	vst v0  }
0xf3: {  	[tilespmem:$0xF38] =	vst v0  }
0xf4: {  	[tilespmem:$0xF48] =	vst v0  }
0xf5: {  	[tilespmem:$0xF58] =	vst v0  }
0xf6: {  	[tilespmem:$0xF68] =	vst v0  }
0xf7: {  	[tilespmem:$0xF78] =	vst v0  }
0xf8: {  	[tilespmem:$0xF88] =	vst v0  }
0xf9: {  	[tilespmem:$0xF98] =	vst v0  }
0xfa: {  	[tilespmem:$0xFA8] =	vst v0  }
0xfb: {  	[tilespmem:$0xFB8] =	vst v0  }
0xfc: {  	[tilespmem:$0xFC8] =	vst v0  }
0xfd: {  	[tilespmem:$0xFD8] =	vst v0  }
0xfe: {  	[tilespmem:$0xFE8] =	vst v0  }
0xff: {  	[tilespmem:$0xFF8] =	vst v0  }
0x100: {  	[tilespmem:$0x1008] =	vst v0  }
0x101: {  	[tilespmem:$0x1018] =	vst v0  }
0x102: {  	[tilespmem:$0x1028] =	vst v0  }
0x103: {  	[tilespmem:$0x1168] =	vst v0  }
0x104: {  	[tilespmem:$0x1038] =	vst v0  }
0x105: {  	[tilespmem:$0x1048] =	vst v0  }
0x106: {  	[tilespmem:$0x1058] =	vst v0  }
0x107: {  	[tilespmem:$0x1068] =	vst v0  }
0x108: {  	[tilespmem:$0x1078] =	vst v0  }
0x109: {  	[tilespmem:$0x1088] =	vst v0  }
0x10a: {  	[tilespmem:$0x1098] =	vst v0  }
0x10b: {  	[tilespmem:$0x10A8] =	vst v0  }
0x10c: {  	[tilespmem:$0x10B8] =	vst v0  }
0x10d: {  	[tilespmem:$0x10C8] =	vst v0  }
0x10e: {  	[tilespmem:$0x10D8] =	vst v0  }
0x10f: {  	[tilespmem:$0x10E8] =	vst v0  }
0x110: {  	[tilespmem:$0x10F8] =	vst v0  }
0x111: {  	[tilespmem:$0x1108] =	vst v0  }
0x112: {  	[tilespmem:$0x1118] =	vst v0  }
0x113: {  	[tilespmem:$0x1128] =	vst v0  }
0x114: {  	[tilespmem:$0x1138] =	vst v0  }
0x115: {  	[tilespmem:$0x1148] =	vst v0  }
0x116: {  	[tilespmem:$0x1158] =	vst v0  }
0x117: {  	[tilespmem:$0x1178] =	vst v0  }
0x118: {  	[tilespmem:$0x1188] =	vst v0  }
0x119: {  	[tilespmem:$0x1198] =	vst v0  }
0x11a: {  	[tilespmem:$0x11A8] =	vst v0  }
0x11b: {  	[tilespmem:$0x11B8] =	vst v0  }
0x11c: {  	[tilespmem:$0x11C8] =	vst v0  }
0x11d: {  	[tilespmem:$0x11D8] =	vst v0  }
0x11e: {  	[tilespmem:$0x11E8] =	vst v0  }
0x11f: {  	[tilespmem:$0x11F8] =	vst v0  }
0x120: {  	[tilespmem:$0x1208] =	vst v0  }
0x121: {  	[tilespmem:$0x1218] =	vst v0  }
0x122: {  	[tilespmem:$0x1228] =	vst v0  }
0x123: {  	[tilespmem:$0x1238] =	vst v0  }
0x124: {  	[tilespmem:$0x1248] =	vst v0  }
0x125: {  	[tilespmem:$0x1258] =	vst v0  }
0x126: {  	[tilespmem:$0x1268] =	vst v0  }
0x127: {  	[tilespmem:$0x1278] =	vst v0  }
0x128: {  	[tilespmem:$0x1288] =	vst v0  }
0x129: {  	[tilespmem:$0x1298] =	vst v0  }
0x12a: {  	[tilespmem:$0x12A8] =	vst v0  }
0x12b: {  	[tilespmem:$0x12B8] =	vst v0  }
0x12c: {  	[tilespmem:$0x12C8] =	vst v0  }
0x12d: {  	[tilespmem:$0x12D8] =	vst v0  }
0x12e: {  	[tilespmem:$0x12E8] =	vst v0  }
0x12f: {  	[tilespmem:$0x12F8] =	vst v0  }
0x130: {  	[tilespmem:$0x1308] =	vst v0  }
0x131: {  	[tilespmem:$0x1318] =	vst v0  }
0x132: {  	[tilespmem:$0x1328] =	vst v0  }
0x133: {  	[tilespmem:$0x1338] =	vst v0  }
0x134: {  	[tilespmem:$0x1348] =	vst v0  }
0x135: {  	[tilespmem:$0x1358] =	vst v0  }
0x136: {  	[tilespmem:$0x1368] =	vst v0  }
0x137: {  	[tilespmem:$0x1378] =	vst v0  }
0x138: {  	[tilespmem:$0x1388] =	vst v0  }
0x139: {  	[tilespmem:$0x1398] =	vst v0  }
0x13a: {  	[tilespmem:$0x13A8] =	vst v0  }
0x13b: {  	[tilespmem:$0x13B8] =	vst v0  }
0x13c: {  	[tilespmem:$0x13C8] =	vst v0  }
0x13d: {  	[tilespmem:$0x13D8] =	vst v0  }
0x13e: {  	[tilespmem:$0x13E8] =	vst v0  }
0x13f: {  	[tilespmem:$0x13F8] =	vst v0  }
0x140: {  	[tilespmem:$0x1408] =	vst v0  }
0x141: {  	[tilespmem:$0x1418] =	vst v0  }
0x142: {  	[tilespmem:$0x1428] =	vst v0  }
0x143: {  	[tilespmem:$0x1438] =	vst v0  }
0x144: {  	[tilespmem:$0x1448] =	vst v0  }
0x145: {  	[tilespmem:$0x1458] =	vst v0  }
0x146: {  	[tilespmem:$0x1468] =	vst v0  }
0x147: {  	[tilespmem:$0x1478] =	vst v0  }
0x148: {  	[tilespmem:$0x1488] =	vst v0  }
0x149: {  	[tilespmem:$0x1498] =	vst v0  }
0x14a: {  	[tilespmem:$0x14A8] =	vst v0  }
0x14b: {  	[tilespmem:$0x14B8] =	vst v0  }
0x14c: {  	[tilespmem:$0x14C8] =	vst v0  }
0x14d: {  	[tilespmem:$0x14D8] =	vst v0  }
0x14e: {  	[tilespmem:$0x14E8] =	vst v0  }
0x14f: {  	[tilespmem:$0x14F8] =	vst v0  }
0x150: {  	[tilespmem:$0x1508] =	vst v0  }
0x151: {  	[tilespmem:$0x1518] =	vst v0  }
0x152: {  	[tilespmem:$0x1528] =	vst v0  }
0x153: {  	[tilespmem:$0x1538] =	vst v0  }
0x154: {  	[tilespmem:$0x1548] =	vst v0  }
0x155: {  	[tilespmem:$0x1558] =	vst v0  }
0x156: {  	[tilespmem:$0x1568] =	vst v0  }
0x157: {  	[tilespmem:$0x1578] =	vst v0  }
0x158: {  	[tilespmem:$0x1588] =	vst v0  }
0x159: {  	[tilespmem:$0x1598] =	vst v0  }
0x15a: {  	[tilespmem:$0x15A8] =	vst v0  }
0x15b: {  	[tilespmem:$0x15B8] =	vst v0  }
0x15c: {  	[tilespmem:$0x15C8] =	vst v0  }
0x15d: {  	[tilespmem:$0x15D8] =	vst v0  }
0x15e: {  	[tilespmem:$0x15E8] =	vst v0  }
0x15f: {  	[tilespmem:$0x15F8] =	vst v0  }
0x160: {  	[tilespmem:$0x1608] =	vst v0  }
0x161: {  	[tilespmem:$0x1618] =	vst v0  }
0x162: {  	[tilespmem:$0x1628] =	vst v0  }
0x163: {  	[tilespmem:$0x1638] =	vst v0  }
0x164: {  	[tilespmem:$0x1648] =	vst v0  }
0x165: {  	[tilespmem:$0x1658] =	vst v0  }
0x166: {  	[tilespmem:$0x1668] =	vst v0  }
0x167: {  	[tilespmem:$0x1678] =	vst v0  }
0x168: {  	[tilespmem:$0x1688] =	vst v0  }
0x169: {  	[tilespmem:$0x1698] =	vst v0  }
0x16a: {  	[tilespmem:$0x16A8] =	vst v0  }
0x16b: {  	[tilespmem:$0x16B8] =	vst v0  }
0x16c: {  	[tilespmem:$0x16C8] =	vst v0  }
0x16d: {  	[tilespmem:$0x16D8] =	vst v0  }
0x16e: {  	[tilespmem:$0x16E8] =	vst v0  }
0x16f: {  	[tilespmem:$0x16F8] =	vst v0  }
0x170: {  	[tilespmem:$0x1708] =	vst v0  }
0x171: {  	[tilespmem:$0x1718] =	vst v0  }
0x172: {  	[tilespmem:$0x1728] =	vst v0  }
0x173: {  	[tilespmem:$0x1738] =	vst v0  }
0x174: {  	[tilespmem:$0x1748] =	vst v0  }
0x175: {  	[tilespmem:$0x1758] =	vst v0  }
0x176: {  	[tilespmem:$0x1768] =	vst v0  }
0x177: {  	[tilespmem:$0x1778] =	vst v0  }
0x178: {  	[tilespmem:$0x1788] =	vst v0  }
0x179: {  	[tilespmem:$0x1798] =	vst v0  }
0x17a: {  	[tilespmem:$0x17A8] =	vst v0  }
0x17b: {  	[tilespmem:$0x17B8] =	vst v0  }
0x17c: {  	[tilespmem:$0x17C8] =	vst v0  }
0x17d: {  	[tilespmem:$0x17D8] =	vst v0  }
0x17e: {  	[tilespmem:$0x17E8] =	vst v0  }
0x17f: {  	[tilespmem:$0x17F8] =	vst v0  }
0x180: {  	[tilespmem:$0x1808] =	vst v0  }
0x181: {  	[tilespmem:$0x1818] =	vst v0  }
0x182: {  	[tilespmem:$0x1828] =	vst v0  }
0x183: {  	[tilespmem:$0x1838] =	vst v0  }
0x184: {  	[tilespmem:$0x1848] =	vst v0  }
0x185: {  	[tilespmem:$0x1858] =	vst v0  }
0x186: {  	[tilespmem:$0x1868] =	vst v0  }
0x187: {  	[tilespmem:$0x1878] =	vst v0  }
0x188: {  	[tilespmem:$0x1888] =	vst v0  }
0x189: {  	[tilespmem:$0x1898] =	vst v0  }
0x18a: {  	[tilespmem:$0x18A8] =	vst v0  }
0x18b: {  	[tilespmem:$0x18B8] =	vst v0  }
0x18c: {  	[tilespmem:$0x18C8] =	vst v0  }
0x18d: {  	[tilespmem:$0x18D8] =	vst v0  }
0x18e: {  	[tilespmem:$0x18E8] =	vst v0  }
0x18f: {  	[tilespmem:$0x18F8] =	vst v0  }
0x190: {  	[tilespmem:$0x1908] =	vst v0  }
0x191: {  	[tilespmem:$0x1918] =	vst v0  }
0x192: {  	[tilespmem:$0x1928] =	vst v0  }
0x193: {  	[tilespmem:$0x1938] =	vst v0  }
0x194: {  	[tilespmem:$0x1948] =	vst v0  }
0x195: {  	[tilespmem:$0x1958] =	vst v0  }
0x196: {  	[tilespmem:$0x1968] =	vst v0  }
0x197: {  	[tilespmem:$0x1978] =	vst v0  }
0x198: {  	[tilespmem:$0x1988] =	vst v0  }
0x199: {  	[tilespmem:$0x1998] =	vst v0  }
0x19a: {  	[tilespmem:$0x19A8] =	vst v0  }
0x19b: {  	[tilespmem:$0x19B8] =	vst v0  }
0x19c: {  	[tilespmem:$0x19C8] =	vst v0  }
0x19d: {  	[tilespmem:$0x19D8] =	vst v0  }
0x19e: {  	[tilespmem:$0x19E8] =	vst v0  }
0x19f: {  	[tilespmem:$0x19F8] =	vst v0  }
0x1a0: {  	[tilespmem:$0x1A08] =	vst v0  }
0x1a1: {  	[tilespmem:$0x1A18] =	vst v0  }
0x1a2: {  	[tilespmem:$0x1A28] =	vst v0  }
0x1a3: {  	[tilespmem:$0x1A38] =	vst v0  }
0x1a4: {  	[tilespmem:$0x1A48] =	vst v0  }
0x1a5: {  	[tilespmem:$0x1A58] =	vst v0  }
0x1a6: {  	[tilespmem:$0x1A68] =	vst v0  }
0x1a7: {  	[tilespmem:$0x1A78] =	vst v0  }
0x1a8: {  	[tilespmem:$0x1A88] =	vst v0  }
0x1a9: {  	[tilespmem:$0x1A98] =	vst v0  }
0x1aa: {  	[tilespmem:$0x1AA8] =	vst v0  }
0x1ab: {  	[tilespmem:$0x1AB8] =	vst v0  }
0x1ac: {  	[tilespmem:$0x1AC8] =	vst v0  }
0x1ad: {  	[tilespmem:$0x1AD8] =	vst v0  }
0x1ae: {  	[tilespmem:$0x1AE8] =	vst v0  }
0x1af: {  	[tilespmem:$0x1AF8] =	vst v0  }
0x1b0: {  	[tilespmem:$0x1B08] =	vst v0  }
0x1b1: {  	[tilespmem:$0x1B18] =	vst v0  }
0x1b2: {  	[tilespmem:$0x1B28] =	vst v0  }
0x1b3: {  	[tilespmem:$0x1B38] =	vst v0  }
0x1b4: {  	[tilespmem:$0x1B48] =	vst v0  }
0x1b5: {  	[tilespmem:$0x1B58] =	vst v0  }
0x1b6: {  	[tilespmem:$0x1B68] =	vst v0  }
0x1b7: {  	[tilespmem:$0x1B78] =	vst v0  }
0x1b8: {  	[tilespmem:$0x1B88] =	vst v0  }
0x1b9: {  	[tilespmem:$0x1B98] =	vst v0  }
0x1ba: {  	[tilespmem:$0x1BA8] =	vst v0  }
0x1bb: {  	[tilespmem:$0x1BB8] =	vst v0  }
0x1bc: {  	[tilespmem:$0x1BC8] =	vst v0  }
0x1bd: {  	[tilespmem:$0x1BD8] =	vst v0  }
0x1be: {  	[tilespmem:$0x1BE8] =	vst v0  }
0x1bf: {  	[tilespmem:$0x1BF8] =	vst v0  }
0x1c0: {  	[tilespmem:$0x1C08] =	vst v0  }
0x1c1: {  	[tilespmem:$0x1C18] =	vst v0  }
0x1c2: {  	[tilespmem:$0x1C28] =	vst v0  }
0x1c3: {  	[tilespmem:$0x1C38] =	vst v0  }
0x1c4: {  	[tilespmem:$0x1C48] =	vst v0  }
0x1c5: {  	[tilespmem:$0x1C58] =	vst v0  }
0x1c6: {  	[tilespmem:$0x1C68] =	vst v0  }
0x1c7: {  	[tilespmem:$0x1C78] =	vst v0  }
0x1c8: {  	[tilespmem:$0x1C88] =	vst v0  }
0x1c9: {  	[tilespmem:$0x1C98] =	vst v0  }
0x1ca: {  	[tilespmem:$0x1CA8] =	vst v0  }
0x1cb: {  	[tilespmem:$0x1CB8] =	vst v0  }
0x1cc: {  	[tilespmem:$0x1CC8] =	vst v0  }
0x1cd: {  	[tilespmem:$0x1CD8] =	vst v0  }
0x1ce: {  	[tilespmem:$0x1CE8] =	vst v0  }
0x1cf: {  	[tilespmem:$0x1CF8] =	vst v0  }
0x1d0: {  	[tilespmem:$0x1D08] =	vst v0  }
0x1d1: {  	[tilespmem:$0x1D18] =	vst v0  }
0x1d2: {  	[tilespmem:$0x1D28] =	vst v0  }
0x1d3: {  	[tilespmem:$0x1D38] =	vst v0  }
0x1d4: {  	[tilespmem:$0x1D48] =	vst v0  }
0x1d5: {  	[tilespmem:$0x1D58] =	vst v0  }
0x1d6: {  	[tilespmem:$0x1D68] =	vst v0  }
0x1d7: {  	[tilespmem:$0x1D78] =	vst v0  }
0x1d8: {  	[tilespmem:$0x1D88] =	vst v0  }
0x1d9: {  	[tilespmem:$0x1D98] =	vst v0  }
0x1da: {  	[tilespmem:$0x1DA8] =	vst v0  }
0x1db: {  	[tilespmem:$0x1DB8] =	vst v0  }
0x1dc: {  	[tilespmem:$0x1DC8] =	vst v0  }
0x1dd: {  	[tilespmem:$0x1DD8] =	vst v0  }
0x1de: {  	[tilespmem:$0x1DE8] =	vst v0  }
0x1df: {  	[tilespmem:$0x1DF8] =	vst v0  }
0x1e0: {  	[tilespmem:$0x1E08] =	vst v0  }
0x1e1: {  	[tilespmem:$0x1E18] =	vst v0  }
0x1e2: {  	[tilespmem:$0x1E28] =	vst v0  }
0x1e3: {  	[tilespmem:$0x1E38] =	vst v0  }
0x1e4: {  	[tilespmem:$0x1E48] =	vst v0  }
0x1e5: {  	[tilespmem:$0x1E58] =	vst v0  }
0x1e6: {  	[tilespmem:$0x1E68] =	vst v0  }
0x1e7: {  	[tilespmem:$0x1E78] =	vst v0  }
0x1e8: {  	[tilespmem:$0x1E88] =	vst v0  }
0x1e9: {  	[tilespmem:$0x1E98] =	vst v0  }
0x1ea: {  	[tilespmem:$0x1EA8] =	vst v0  }
0x1eb: {  	[tilespmem:$0x1EB8] =	vst v0  }
0x1ec: {  	[tilespmem:$0x1EC8] =	vst v0  }
0x1ed: {  	[tilespmem:$0x1ED8] =	vst v0  }
0x1ee: {  	[tilespmem:$0x1EE8] =	vst v0  }
0x1ef: {  	[tilespmem:$0x1EF8] =	vst v0  }
0x1f0: {  	[tilespmem:$0x1F08] =	vst v0  }
0x1f1: {  	[tilespmem:$0x1F18] =	vst v0  }
0x1f2: {  	[tilespmem:$0x1F28] =	vst v0  }
0x1f3: {  	[tilespmem:$0x1F38] =	vst v0  }
0x1f4: {  	[tilespmem:$0x1F48] =	vst v0  }
0x1f5: {  	[tilespmem:$0x1F58] =	vst v0  }
0x1f6: {  	[tilespmem:$0x1F68] =	vst v0  }
0x1f7: {  	[tilespmem:$0x1F78] =	vst v0  }
0x1f8: {  	[tilespmem:$0x1F88] =	vst v0  }
0x1f9: {  	[tilespmem:$0x1F98] =	vst v0  }
0x1fa: {  	[tilespmem:$0x1FA8] =	vst v0  }
0x1fb: {  	[tilespmem:$0x1FB8] =	vst v0  }
0x1fc: {  	[tilespmem:$0x1FC8] =	vst v0  }
0x1fd: {  	[tilespmem:$0x1FD8] =	vst v0  }
0x1fe: {  	[tilespmem:$0x1FE8] =	vst v0  }
0x1ff: {  	[tilespmem:$0x1FF8] =	vst v0  }
0x200: {  	[tilespmem:$0x2008] =	vst v0  }
0x201: {  	[tilespmem:$0x2018] =	vst v0  }
0x202: {  	[tilespmem:$0x2028] =	vst v0  }
0x203: {  	[tilespmem:$0x2038] =	vst v0  }
0x204: {  	[tilespmem:$0x2048] =	vst v0  }
0x205: {  	[tilespmem:$0x2058] =	vst v0  }
0x206: {  	[tilespmem:$0x2068] =	vst v0  }
0x207: {  	[tilespmem:$0x2078] =	vst v0  }
0x208: {  	[tilespmem:$0x2088] =	vst v0  }
0x209: {  	[tilespmem:$0x2098] =	vst v0  }
0x20a: {  	[tilespmem:$0x20A8] =	vst v0  }
0x20b: {  	[tilespmem:$0x20B8] =	vst v0  }
0x20c: {  	[tilespmem:$0x20C8] =	vst v0  }
0x20d: {  	[tilespmem:$0x20D8] =	vst v0  }
0x20e: {  	[tilespmem:$0x20E8] =	vst v0  }
0x20f: {  	[tilespmem:$0x20F8] =	vst v0  }
0x210: {  	[tilespmem:$0x2108] =	vst v0  }
0x211: {  	[tilespmem:$0x2118] =	vst v0  }
0x212: {  	[tilespmem:$0x2128] =	vst v0  }
0x213: {  	[tilespmem:$0x2138] =	vst v0  }
0x214: {  	[tilespmem:$0x2148] =	vst v0  }
0x215: {  	[tilespmem:$0x2158] =	vst v0  }
0x216: {  	[tilespmem:$0x2168] =	vst v0  }
0x217: {  	[tilespmem:$0x2218] =	vst v0  }
0x218: {  	[tilespmem:$0x3058] =	vst v0  }
0x219: {  	[tilespmem:$0x3048] =	vst v0  }
0x21a: {  	[tilespmem:$0x3038] =	vst v0  }
0x21b: {  	[tilespmem:$0x3028] =	vst v0  }
0x21c: {  	[tilespmem:$0x3018] =	vst v0  }
0x21d: {  	[tilespmem:$0x3008] =	vst v0  }
0x21e: {  	[tilespmem:$0x2FF8] =	vst v0  }
0x21f: {  	[tilespmem:$0x2FE8] =	vst v0  }
0x220: {  	[tilespmem:$0x2FD8] =	vst v0  }
0x221: {  	[tilespmem:$0x2FC8] =	vst v0  }
0x222: {  	[tilespmem:$0x2FB8] =	vst v0  }
0x223: {  	[tilespmem:$0x2FA8] =	vst v0  }
0x224: {  	[tilespmem:$0x2F98] =	vst v0  }
0x225: {  	[tilespmem:$0x2F88] =	vst v0  }
0x226: {  	[tilespmem:$0x2F78] =	vst v0  }
0x227: {  	[tilespmem:$0x2F68] =	vst v0  }
0x228: {  	[tilespmem:$0x2F58] =	vst v0  }
0x229: {  	[tilespmem:$0x2F48] =	vst v0  }
0x22a: {  	[tilespmem:$0x2F38] =	vst v0  }
0x22b: {  	[tilespmem:$0x2F28] =	vst v0  }
0x22c: {  	[tilespmem:$0x2F18] =	vst v0  }
0x22d: {  	[tilespmem:$0x2F08] =	vst v0  }
0x22e: {  	[tilespmem:$0x2EF8] =	vst v0  }
0x22f: {  	[tilespmem:$0x2EE8] =	vst v0  }
0x230: {  	[tilespmem:$0x2ED8] =	vst v0  }
0x231: {  	[tilespmem:$0x2EC8] =	vst v0  }
0x232: {  	[tilespmem:$0x2EB8] =	vst v0  }
0x233: {  	[tilespmem:$0x2EA8] =	vst v0  }
0x234: {  	[tilespmem:$0x2E98] =	vst v0  }
0x235: {  	[tilespmem:$0x2E88] =	vst v0  }
0x236: {  	[tilespmem:$0x2E78] =	vst v0  }
0x237: {  	[tilespmem:$0x2E68] =	vst v0  }
0x238: {  	[tilespmem:$0x2E58] =	vst v0  }
0x239: {  	[tilespmem:$0x2E48] =	vst v0  }
0x23a: {  	[tilespmem:$0x2E38] =	vst v0  }
0x23b: {  	[tilespmem:$0x2E28] =	vst v0  }
0x23c: {  	[tilespmem:$0x2E18] =	vst v0  }
0x23d: {  	[tilespmem:$0x2E08] =	vst v0  }
0x23e: {  	[tilespmem:$0x2DF8] =	vst v0  }
0x23f: {  	[tilespmem:$0x2DE8] =	vst v0  }
0x240: {  	[tilespmem:$0x2DD8] =	vst v0  }
0x241: {  	[tilespmem:$0x2DC8] =	vst v0  }
0x242: {  	[tilespmem:$0x2DB8] =	vst v0  }
0x243: {  	[tilespmem:$0x2DA8] =	vst v0  }
0x244: {  	[tilespmem:$0x2D98] =	vst v0  }
0x245: {  	[tilespmem:$0x2D88] =	vst v0  }
0x246: {  	[tilespmem:$0x2D78] =	vst v0  }
0x247: {  	[tilespmem:$0x2D68] =	vst v0  }
0x248: {  	[tilespmem:$0x2D58] =	vst v0  }
0x249: {  	[tilespmem:$0x2D48] =	vst v0  }
0x24a: {  	[tilespmem:$0x2D38] =	vst v0  }
0x24b: {  	[tilespmem:$0x2D28] =	vst v0  }
0x24c: {  	[tilespmem:$0x2D18] =	vst v0  }
0x24d: {  	[tilespmem:$0x2D08] =	vst v0  }
0x24e: {  	[tilespmem:$0x2CF8] =	vst v0  }
0x24f: {  	[tilespmem:$0x2CE8] =	vst v0  }
0x250: {  	[tilespmem:$0x2CD8] =	vst v0  }
0x251: {  	[tilespmem:$0x2CC8] =	vst v0  }
0x252: {  	[tilespmem:$0x2CB8] =	vst v0  }
0x253: {  	[tilespmem:$0x2CA8] =	vst v0  }
0x254: {  	[tilespmem:$0x2C98] =	vst v0  }
0x255: {  	[tilespmem:$0x2C88] =	vst v0  }
0x256: {  	[tilespmem:$0x2C78] =	vst v0  }
0x257: {  	[tilespmem:$0x2C68] =	vst v0  }
0x258: {  	[tilespmem:$0x2C58] =	vst v0  }
0x259: {  	[tilespmem:$0x2C48] =	vst v0  }
0x25a: {  	[tilespmem:$0x2C38] =	vst v0  }
0x25b: {  	[tilespmem:$0x2C28] =	vst v0  }
0x25c: {  	[tilespmem:$0x2C18] =	vst v0  }
0x25d: {  	[tilespmem:$0x2C08] =	vst v0  }
0x25e: {  	[tilespmem:$0x2BF8] =	vst v0  }
0x25f: {  	[tilespmem:$0x2BE8] =	vst v0  }
0x260: {  	[tilespmem:$0x2BD8] =	vst v0  }
0x261: {  	[tilespmem:$0x2BC8] =	vst v0  }
0x262: {  	[tilespmem:$0x2BB8] =	vst v0  }
0x263: {  	[tilespmem:$0x2BA8] =	vst v0  }
0x264: {  	[tilespmem:$0x2B98] =	vst v0  }
0x265: {  	[tilespmem:$0x2B88] =	vst v0  }
0x266: {  	[tilespmem:$0x2B78] =	vst v0  }
0x267: {  	[tilespmem:$0x2B68] =	vst v0  }
0x268: {  	[tilespmem:$0x2B58] =	vst v0  }
0x269: {  	[tilespmem:$0x2B48] =	vst v0  }
0x26a: {  	[tilespmem:$0x2B38] =	vst v0  }
0x26b: {  	[tilespmem:$0x2B28] =	vst v0  }
0x26c: {  	[tilespmem:$0x2B18] =	vst v0  }
0x26d: {  	[tilespmem:$0x2B08] =	vst v0  }
0x26e: {  	[tilespmem:$0x2AF8] =	vst v0  }
0x26f: {  	[tilespmem:$0x2AE8] =	vst v0  }
0x270: {  	[tilespmem:$0x2AD8] =	vst v0  }
0x271: {  	[tilespmem:$0x2AC8] =	vst v0  }
0x272: {  	[tilespmem:$0x2AB8] =	vst v0  }
0x273: {  	[tilespmem:$0x2AA8] =	vst v0  }
0x274: {  	[tilespmem:$0x2A98] =	vst v0  }
0x275: {  	[tilespmem:$0x2A88] =	vst v0  }
0x276: {  	[tilespmem:$0x2A78] =	vst v0  }
0x277: {  	[tilespmem:$0x2A68] =	vst v0  }
0x278: {  	[tilespmem:$0x2A58] =	vst v0  }
0x279: {  	[tilespmem:$0x2A48] =	vst v0  }
0x27a: {  	[tilespmem:$0x2A38] =	vst v0  }
0x27b: {  	[tilespmem:$0x2A28] =	vst v0  }
0x27c: {  	[tilespmem:$0x2A18] =	vst v0  }
0x27d: {  	[tilespmem:$0x2A08] =	vst v0  }
0x27e: {  	[tilespmem:$0x29F8] =	vst v0  }
0x27f: {  	[tilespmem:$0x29E8] =	vst v0  }
0x280: {  	[tilespmem:$0x29D8] =	vst v0  }
0x281: {  	[tilespmem:$0x29C8] =	vst v0  }
0x282: {  	[tilespmem:$0x29B8] =	vst v0  }
0x283: {  	[tilespmem:$0x29A8] =	vst v0  }
0x284: {  	[tilespmem:$0x2998] =	vst v0  }
0x285: {  	[tilespmem:$0x2988] =	vst v0  }
0x286: {  	[tilespmem:$0x2978] =	vst v0  }
0x287: {  	[tilespmem:$0x2968] =	vst v0  }
0x288: {  	[tilespmem:$0x2958] =	vst v0  }
0x289: {  	[tilespmem:$0x2948] =	vst v0  }
0x28a: {  	[tilespmem:$0x2938] =	vst v0  }
0x28b: {  	[tilespmem:$0x2928] =	vst v0  }
0x28c: {  	[tilespmem:$0x2918] =	vst v0  }
0x28d: {  	[tilespmem:$0x2908] =	vst v0  }
0x28e: {  	[tilespmem:$0x28F8] =	vst v0  }
0x28f: {  	[tilespmem:$0x28E8] =	vst v0  }
0x290: {  	[tilespmem:$0x28D8] =	vst v0  }
0x291: {  	[tilespmem:$0x28C8] =	vst v0  }
0x292: {  	[tilespmem:$0x28B8] =	vst v0  }
0x293: {  	[tilespmem:$0x28A8] =	vst v0  }
0x294: {  	[tilespmem:$0x2898] =	vst v0  }
0x295: {  	[tilespmem:$0x2888] =	vst v0  }
0x296: {  	[tilespmem:$0x2878] =	vst v0  }
0x297: {  	[tilespmem:$0x2868] =	vst v0  }
0x298: {  	[tilespmem:$0x2858] =	vst v0  }
0x299: {  	[tilespmem:$0x2848] =	vst v0  }
0x29a: {  	[tilespmem:$0x2838] =	vst v0  }
0x29b: {  	[tilespmem:$0x2828] =	vst v0  }
0x29c: {  	[tilespmem:$0x2818] =	vst v0  }
0x29d: {  	[tilespmem:$0x2808] =	vst v0  }
0x29e: {  	[tilespmem:$0x27F8] =	vst v0  }
0x29f: {  	[tilespmem:$0x27E8] =	vst v0  }
0x2a0: {  	[tilespmem:$0x27D8] =	vst v0  }
0x2a1: {  	[tilespmem:$0x27C8] =	vst v0  }
0x2a2: {  	[tilespmem:$0x27B8] =	vst v0  }
0x2a3: {  	[tilespmem:$0x27A8] =	vst v0  }
0x2a4: {  	[tilespmem:$0x2798] =	vst v0  }
0x2a5: {  	[tilespmem:$0x2788] =	vst v0  }
0x2a6: {  	[tilespmem:$0x2778] =	vst v0  }
0x2a7: {  	[tilespmem:$0x2768] =	vst v0  }
0x2a8: {  	[tilespmem:$0x2758] =	vst v0  }
0x2a9: {  	[tilespmem:$0x2748] =	vst v0  }
0x2aa: {  	[tilespmem:$0x2738] =	vst v0  }
0x2ab: {  	[tilespmem:$0x2728] =	vst v0  }
0x2ac: {  	[tilespmem:$0x2718] =	vst v0  }
0x2ad: {  	[tilespmem:$0x2708] =	vst v0  }
0x2ae: {  	[tilespmem:$0x26F8] =	vst v0  }
0x2af: {  	[tilespmem:$0x26E8] =	vst v0  }
0x2b0: {  	[tilespmem:$0x26D8] =	vst v0  }
0x2b1: {  	[tilespmem:$0x26C8] =	vst v0  }
0x2b2: {  	[tilespmem:$0x26B8] =	vst v0  }
0x2b3: {  	[tilespmem:$0x26A8] =	vst v0  }
0x2b4: {  	[tilespmem:$0x2698] =	vst v0  }
0x2b5: {  	[tilespmem:$0x2688] =	vst v0  }
0x2b6: {  	[tilespmem:$0x2678] =	vst v0  }
0x2b7: {  	[tilespmem:$0x2668] =	vst v0  }
0x2b8: {  	[tilespmem:$0x2658] =	vst v0  }
0x2b9: {  	[tilespmem:$0x2648] =	vst v0  }
0x2ba: {  	[tilespmem:$0x2638] =	vst v0  }
0x2bb: {  	[tilespmem:$0x2628] =	vst v0  }
0x2bc: {  	[tilespmem:$0x2618] =	vst v0  }
0x2bd: {  	[tilespmem:$0x2608] =	vst v0  }
0x2be: {  	[tilespmem:$0x25F8] =	vst v0  }
0x2bf: {  	[tilespmem:$0x25E8] =	vst v0  }
0x2c0: {  	[tilespmem:$0x25D8] =	vst v0  }
0x2c1: {  	[tilespmem:$0x25C8] =	vst v0  }
0x2c2: {  	[tilespmem:$0x25B8] =	vst v0  }
0x2c3: {  	[tilespmem:$0x25A8] =	vst v0  }
0x2c4: {  	[tilespmem:$0x2598] =	vst v0  }
0x2c5: {  	[tilespmem:$0x2588] =	vst v0  }
0x2c6: {  	[tilespmem:$0x2578] =	vst v0  }
0x2c7: {  	[tilespmem:$0x2568] =	vst v0  }
0x2c8: {  	[tilespmem:$0x2558] =	vst v0  }
0x2c9: {  	[tilespmem:$0x2548] =	vst v0  }
0x2ca: {  	[tilespmem:$0x2538] =	vst v0  }
0x2cb: {  	[tilespmem:$0x2528] =	vst v0  }
0x2cc: {  	[tilespmem:$0x2518] =	vst v0  }
0x2cd: {  	[tilespmem:$0x2508] =	vst v0  }
0x2ce: {  	[tilespmem:$0x24F8] =	vst v0  }
0x2cf: {  	[tilespmem:$0x24E8] =	vst v0  }
0x2d0: {  	[tilespmem:$0x24D8] =	vst v0  }
0x2d1: {  	[tilespmem:$0x24C8] =	vst v0  }
0x2d2: {  	[tilespmem:$0x24B8] =	vst v0  }
0x2d3: {  	[tilespmem:$0x24A8] =	vst v0  }
0x2d4: {  	[tilespmem:$0x2498] =	vst v0  }
0x2d5: {  	[tilespmem:$0x2488] =	vst v0  }
0x2d6: {  	[tilespmem:$0x2478] =	vst v0  }
0x2d7: {  	[tilespmem:$0x2468] =	vst v0  }
0x2d8: {  	[tilespmem:$0x2458] =	vst v0  }
0x2d9: {  	[tilespmem:$0x2448] =	vst v0  }
0x2da: {  	[tilespmem:$0x2438] =	vst v0  }
0x2db: {  	[tilespmem:$0x2428] =	vst v0  }
0x2dc: {  	[tilespmem:$0x2418] =	vst v0  }
0x2dd: {  	[tilespmem:$0x2408] =	vst v0  }
0x2de: {  	[tilespmem:$0x23F8] =	vst v0  }
0x2df: {  	[tilespmem:$0x23E8] =	vst v0  }
0x2e0: {  	[tilespmem:$0x23D8] =	vst v0  }
0x2e1: {  	[tilespmem:$0x23C8] =	vst v0  }
0x2e2: {  	[tilespmem:$0x23B8] =	vst v0  }
0x2e3: {  	[tilespmem:$0x23A8] =	vst v0  }
0x2e4: {  	[tilespmem:$0x2398] =	vst v0  }
0x2e5: {  	[tilespmem:$0x2388] =	vst v0  }
0x2e6: {  	[tilespmem:$0x2378] =	vst v0  }
0x2e7: {  	[tilespmem:$0x2368] =	vst v0  }
0x2e8: {  	[tilespmem:$0x2358] =	vst v0  }
0x2e9: {  	[tilespmem:$0x2348] =	vst v0  }
0x2ea: {  	[tilespmem:$0x2338] =	vst v0  }
0x2eb: {  	[tilespmem:$0x2328] =	vst v0  }
0x2ec: {  	[tilespmem:$0x2318] =	vst v0  }
0x2ed: {  	[tilespmem:$0x2308] =	vst v0  }
0x2ee: {  	[tilespmem:$0x22F8] =	vst v0  }
0x2ef: {  	[tilespmem:$0x22E8] =	vst v0  }
0x2f0: {  	[tilespmem:$0x22D8] =	vst v0  }
0x2f1: {  	[tilespmem:$0x22C8] =	vst v0  }
0x2f2: {  	[tilespmem:$0x22B8] =	vst v0  }
0x2f3: {  	[tilespmem:$0x22A8] =	vst v0  }
0x2f4: {  	[tilespmem:$0x2298] =	vst v0  }
0x2f5: {  	[tilespmem:$0x2288] =	vst v0  }
0x2f6: {  	[tilespmem:$0x2278] =	vst v0  }
0x2f7: {  	[tilespmem:$0x2268] =	vst v0  }
0x2f8: {  	s10 =	stileid.u32;
	[tilespmem:$0x2258] =	vst v0  }
0x2f9: {  	s0 =	smul.u32 $0xA, s10;
	[tilespmem:$0x2248] =	vst v0  }
0x2fa: {  	s1 =	smin.u32 s10, $0xB;
	[tilespmem:$0x2238] =	vst v0  }
0x2fb: {  	[tilespmem:$0x2228] =	vst v0;
	s0 =	sadd.s32 s1, s0  }
0x2fc: {  	p0 =	slt.u32 s10, $0xB;
	[tilespmem:$0x21F8] =	vst v0;
	s1 =	simm.s32 $0x1080;
	s8 =	smul.u32 $0x180, s0  }
0x2fd: {  	s1 =	simm.s32 @!p0 $0xF00;
	[tilespmem:$0x2208] =	vst v0  }
0x2fe: {  	[tilespmem:$0x21E8] =	vst v0;
	s0 =	sadd.s32 s1, s8  }
0x2ff: {  	s4 =	simm.s32 $0x2;
	[tilespmem:$0x2188] =	vst v0;
	s9 =	smin.u32 s0, $0x10000  }
0x300: {  	s31 =	simm.s32 $0x9;
	s5 =	simm.s32 $0xA;
	[tilespmem:$0x21D8] =	vst v0;
	s0 =	ssub.s32 s9, s8  }
0x301: {  	s12 =	simm.s32 $0xB;
	s18 =	simm.s32 $0x0;
	[tilespmem:$0x21C8] =	vst v0;
	p0 =	sgt.s32 s0, $0x0  }
0x302: {  	p1 =	por $0x0, $0x0;
	s19 =	simm.s32 $0xC;
	[tilespmem:$0x21B8] =	vst v0;
	s0 =	simm.s32 @!p0 $0x0  }
0x303: {  	s23 =	simm.s32 $0x0;
	s20 =	simm.s32 $0x0;
	[tilespmem:$0x21A8] =	vst v0;
	s30 =	smulhi.u32 $0x2AAAAAAB, s0  }
0x304: {  	s22 =	simm.s32 $0x0;
	s2 =	sand.u32 $0x1, s2;
	s16 =	sshll.u32 s10, $0x6;
	[tilespmem:$0x2198] =	vst v0  }
0x305: {  	[tilespmem:$0x2178] =	vst v0;
	[sflag:s4] =	ssyncpa.u1 $0x0;
	[dreg:$0x4] =	wrdreg s2;
	s1 =	sshrl.u32 s30, $0x6  }
0x306: {  	v0 =	vimm.s32 $0xFFFFFFFF;
	s2 =	sshll.u32 s2, $0xD;
	s4 =	sadd.s32 $0x11C600, s7;
	s6 =	smul.u32 $0x180, s1  }
.Ltmp0:
0x307: {  	[tilespmem:$0x6088] =	vst v0;
	[sflag:s31] =	ssyncpa.u1 $0x0;
	s2 =	sadd.s32 s2, s7;
	(pc) =	sbr.rel .LBB2_1-.Ltmp0, $4  }
0x308: {  	s7 =	sadd.s32 $0x224600, s7;
	p0 =	sne.s32 s0, s6;
	s0 =	simm.s32 $0x1  }
0x309: {  	[sflag:s5] =	ssyncpa.u1 $0x0;
	s14 =	sadd.s32 $0x118600, s2;
	s0 =	simm.s32 @!p0 $0x0  }
0x30a: {  	s15 =	sadd.s32 $0x114600, s2;
	[sflag:s12] =	ssyncpa.u1 $0x0;
	s13 =	sadd.s32 s0, s1  }
0x30b: {  	v0 =	vlaneseq.u32;
	s21 =	smov.u32 s8;
	p0 =	por $0x1, $0x1;
	s17 =	sadd.s32 $0x1, s13  }
.LBB2_22:
0x30c: {  	s0 =	sshrl.u32 s0, $0x2  }
.LBB2_24:
0x30d: {  	_ =	swait.ge [sflag:s19], s0  }
0x30e: {  	s30 =	ssub.s32 $0x0, s0;
	v1 =	vmov s25;
	vm0 =	veq.s32 v0, $0x0;
	[sflag:s19] =	ssyncset.done $0x0  }
0x30f: {  	vm15 =	veq.s32 v0, $0x2;
	v1 =	vsel vm0, s31, v1;
	[sflag:s19] =	ssyncadd.s32 s30  }
0x310: {  	v1 =	vsel vm15, s23, v1;
	[sflag:s19] =	ssyncpa.u1 $0x1  }
0x311: {  	[tilespmem:$0x6088] =	vst v1  }
.LBB2_25:
0x312: {  	s0 =	sadd.s32 $0x180, s21  }
0x313: {  	s1 =	smov.u32 s8;
	p2 =	slt.s32 s0, s9  }
0x314: {  	s1 =	smov.u32 @p2 s0;
	p2 =	sne.s32 s22, s17  }
.Ltmp1:
0x315: {  	_ = 	snop;
	(pc) =	sbr.rel @!p2 .LBB2_26-.Ltmp1, $4  }
0x316: {  	_ = 	snop  }
0x317: {  	s23 =	smov.u32 s20  }
0x318: {  	s31 =	sadd.s32 $0x1, s22;
	s20 =	smov.u32 s21;
	p0 =	por !p0, !p0  }
0x319: {  	p1 =	por !p1, !p1;
	s22 =	smov.u32 s31;
	s21 =	smov.u32 s1  }
.LBB2_1:
0x31a: {  	p2 =	sge.u32 s22, s13  }
0x31b: {  	s0 =	smulhi.u32 @!p2 $0xAAAAAAAB, s22  }
0x31c: {  	s1 =	smov.u32 s21;
	p3 =	sgt.s32 @!p2 s21, $0xFE80  }
0x31d: {  	s2 =	sshra.s32 @!p2 s21, $0x1F;
	p3 =	por !p3, p2;
	s0 =	sshrl.u32 @!p2 s0, $0x1  }
0x31e: {  	s2 =	sand.u32 @!p2 s2, s21;
	s1 =	simm.s32 @p3 $0xFE80;
	s0 =	smul.u32 @!p2 $0x3, s0  }
0x31f: {  	s1 =	ssub.s32 @!p2 s1, s2  }
0x320: {  	s1 =	sadd.s32 @!p2 $0xFFFF0180, s1;
	s0 =	ssub.s32 @!p2 s22, s0  }
0x321: {  	s2 =	sshll.u32 @!p2 s1, $0x2;
	p3 =	sgt.s32 @!p2 s1, $0x17F;
	s0 =	smul.u32 @!p2 $0x600, s0  }
0x322: {  	s5 =	sand.u32 @!p2 $0x7, s21;
	s1 =	ssub.s32 @!p2 $0x600, s2;
	p3 =	por !p3, p2  }
0x323: {  	s2 =	sshrl.u32 @!p2 s21, $0x3;
	s1 =	sshrl.u32 @!p2 s1, $0x2;
	s0 =	sshrl.u32 @!p2 s0, $0x2  }
0x324: {  	s2 =	sadd.s32 @!p2 s2, s14;
	s1 =	simm.s32 @!p3 $0x0;
	s0 =	sadd.s32 @!p2 $0x64C8, s0  }
0x325: {  	[tilespmem:s0], [sflag:$0xA] =	stream.linear.gather @!p2 [hbm4b:s2+s5], s1, $0x38;
	[tilespmem:$0x1EC48] =	vst v63  }
0x326: {  	s1 =	sadd.s32 $0xFFFFFFFF, s22  }
0x327: {  	p2 =	sge.u32 s1, s13  }
0x328: {  	p3 =	sgt.s32 @!p2 s20, $0xFE80  }
0x329: {  	s0 =	smov.u32 s20;
	s2 =	sshra.s32 @!p2 s20, $0x1F;
	p3 =	por !p3, p2  }
0x32a: {  	s2 =	sand.u32 @!p2 s2, s20;
	s0 =	simm.s32 @p3 $0xFE80  }
0x32b: {  	s0 =	ssub.s32 @!p2 s0, s2  }
0x32c: {  	s0 =	sadd.s32 @!p2 $0xFFFF0180, s0  }
0x32d: {  	s2 =	sshll.u32 @!p2 s0, $0x2  }
0x32e: {  	p3 =	sgt.s32 @!p2 s0, $0x17F;
	s0 =	ssub.s32 @!p2 $0x600, s2  }
0x32f: {  	p3 =	por !p3, p2;
	s0 =	sshrl.u32 @!p2 s0, $0x2  }
0x330: {  	s5 =	simm.s32 @!p2 $0xA;
	s2 =	sand.u32 @!p2 $0x1, s1;
	s0 =	simm.s32 @!p3 $0x0  }
0x331: {  	s2 =	smul.u32 @!p2 $0x600, s2;
	_ =	swait.ge @!p2 [sflag:s5], s0  }
0x332: {  	s6 =	ssub.s32 @!p2 $0x0, s0;
	[sflag:s5] =	ssyncset.done @!p2 $0x0  }
0x333: {  	s2 =	sshrl.u32 @!p2 s2, $0x2;
	[sflag:s5] =	ssyncadd.s32 @!p2 s6;
	s5 =	sshrl.u32 @!p2 s20, $0x3  }
0x334: {  	s2 =	sadd.s32 @!p2 $0x6948, s2;
	s6 =	sand.u32 @!p2 $0x7, s20;
	s5 =	sadd.s32 @!p2 s5, s15  }
0x335: {  	[tilespmem:s2], [sflag:$0xB] =	stream.linear.gather @!p2 [hbm4b:s5+s6], s0, $0x38;
	[tilespmem:$0x1EC48] =	vst v63  }
0x336: {  	s0 =	ssub.s32 @!p2 $0x10000, s20  }
0x337: {  	p3 =	slt.s32 @!p2 s0, $0x1  }
0x338: {  	p3 =	por p2, p3  }
.Ltmp2:
0x339: {  	_ = 	snop;
	(pc) =	sbr.rel @p3 .LBB2_7-.Ltmp2, $1  }
0x33a: {  	_ =	sdelay $0x3  }
0x33b: {  	s2 =	smulhi.u32 $0xAAAAAAAB, s1;
	_ =	sdelay $0x1  }
0x33c: {  	s2 =	sshrl.u32 s2, $0x1  }
0x33d: {  	s2 =	smul.u32 $0x3, s2;
	_ =	sdelay $0x1  }
0x33e: {  	s29 =	ssub.s32 s1, s2  }
0x33f: {  	s5 =	simm.s32 $0x1;
	s1 =	smul.u32 $0x600, s29  }
.Ltmp3:
0x340: {  	s5 =	simm.s32 @!p0 $0x0;
	(pc) =	sbr.rel .LBB2_4-.Ltmp3, $4  }
0x341: {  	s30 =	smul.u32 $0x30000, s5  }
0x342: {  	p3 =	slt.s32 @!p2 s0, $0x180;
	s1 =	sshrl.u32 s1, $0x2  }
0x343: {  	p2 =	por !p3, p2;
	s2 =	sshrl.u32 s30, $0x2;
	s31 =	sadd.s32 $0x64C8, s1  }
0x344: {  	s24 =	simm.s32 $0x0;
	s0 =	simm.s32 @p2 $0x180;
	s1 =	sadd.s32 $0x6C48, s2;
	v1 =	vmov s31  }
.LBB2_3:
0x345: {  	p2 =	sge.s32 s24, s0  }
.Ltmp4:
0x346: {  	_ = 	snop;
	(pc) =	sbr.rel @p2 .LBB2_7-.Ltmp4, $2  }
0x347: {  	_ =	sdelay $0x2  }
0x348: {  	s1 =	sadd.s32 $0x800, s1  }
.LBB2_4:
0x349: {  	p2 =	sle.s32 s0, s24  }
.Ltmp5:
0x34a: {  	_ = 	snop;
	(pc) =	sbr.rel @p2 .LBB2_3-.Ltmp5, $2  }
0x34b: {  	_ =	sdelay $0x2  }
0x34c: {  	s2 =	smov.u32 s24;
	s24 =	sadd.s32 $0x10, s24  }
0x34d: {  	s5 =	ssub.s32 s0, s2  }
0x34e: {  	p2 =	slt.s32 s5, $0x10  }
0x34f: {  	s5 =	simm.s32 @!p2 $0x10  }
0x350: {  	v2 =	vmov s5  }
0x351: {  	vm0 =	vgt.s32 v2, v0;
	_ =	sdelay $0x5  }
0x352: {  	v2 =	vld.idx.msk [tilespmem:v1+s2+$0x0 ss:$0x1], vm0;
	_ =	sdelay $0x2  }
0x353: {  	s6 =	smov.u32 s0;
	p2 =	slt.s32 s24, s0  }
0x354: {  	s25 =	simm.s32 $0x0;
	s6 =	smov.u32 @p2 s24;
	s5 =	smov.u32 s1  }
.LBB2_6:
0x355: {  	(v2sf) =	vpush v2, s25;
	_ =	sdelay $0xc  }
0x356: {  	s25 =	sadd.s32 $0x1, s25  }
0x357: {  	s31 =	sadd.s32 s25, s2  }
0x358: {  	p2 =	slt.s32 s31, s6;
	s10 =	spop (v2sf)  }
.Ltmp6:
0x359: {  	s10 =	sshll.u32 s10, $0x4;
	(pc) =	sbr.rel @p2 .LBB2_6-.Ltmp6, $4  }
0x35a: {  	s10 =	sand.u32 $0x1FFFFFF0, s10  }
0x35b: {  	s10 =	sadd.s32 s7, s10  }
0x35c: {  	[tilespmem:s5], [sflag:$0x9] =	stream.linear.gather [hbm4b:s10+s18], $0x20, $0x38;
	[tilespmem:$0x1EC48] =	vst v63  }
0x35d: {  	s5 =	sadd.s32 $0x80, s5  }
.Ltmp7:
0x35e: {  	_ = 	snop;
	(pc) =	sbr.rel .LBB2_3-.Ltmp7, $1  }
0x35f: {  	_ =	sdelay $0x3  }
.LBB2_7:
0x360: {  	p2 =	slt.u32 s22, $0x2  }
.Ltmp8:
0x361: {  	_ = 	snop;
	(pc) =	sbr.rel @p2 .LBB2_25-.Ltmp8, $1  }
0x362: {  	_ =	sdelay $0x3  }
0x363: {  	p2 =	sgt.s32 s23, $0xFE80  }
0x364: {  	s0 =	smov.u32 s23;
	s1 =	sshra.s32 s23, $0x1F;
	s2 =	ssub.s32 $0x10000, s23  }
0x365: {  	s0 =	simm.s32 @!p2 $0xFE80;
	s1 =	sand.u32 s1, s23;
	p2 =	slt.s32 s2, $0x180  }
0x366: {  	s0 =	ssub.s32 s0, s1;
	s2 =	simm.s32 @!p2 $0x180  }
0x367: {  	s0 =	sadd.s32 $0xFFFF0180, s0;
	s11 =	sshll.u32 s2, $0x5  }
0x368: {  	s26 =	simm.s32 $0x9;
	s24 =	sshll.u32 s0, $0x2;
	s1 =	sand.u32 $0x3FFFFFE0, s11  }
0x369: {  	p2 =	sgt.s32 s0, $0x17F;
	s25 =	ssub.s32 $0x600, s24;
	_ =	swait.ge [sflag:s26], s1  }
0x36a: {  	s1 =	ssub.s32 $0x0, s1;
	[sflag:s26] =	ssyncset.done $0x0;
	s0 =	sshrl.u32 s25, $0x2  }
0x36b: {  	[sflag:s26] =	ssyncadd.s32 s1;
	s0 =	simm.s32 @p2 $0x0  }
0x36c: {  	_ =	swait.ge [sflag:s12], s0  }
0x36d: {  	s0 =	ssub.s32 $0x0, s0;
	[sflag:s12] =	ssyncset.done $0x0  }
0x36e: {  	[sflag:s12] =	ssyncadd.s32 s0  }
0x36f: {  	v1 =	vld [tilespmem:$0x6088];
	_ =	sdelay $0x4  }
0x370: {  	(v2sf) =	vpush v1, $0x0  }
0x371: {  	(v2sf) =	vpush v1, $0x1  }
0x372: {  	(v2sf) =	vpush v1, $0x2;
	_ =	sdelay $0x3  }
0x373: {  	s0 =	sadd.s32 $0x180, s23  }
0x374: {  	s1 =	ssub.s32 $0x20000, s23;
	p2 =	slt.s32 s9, s0  }
0x375: {  	s0 =	smov.u32 @p2 s9;
	p2 =	sgt.s32 s1, $0x0  }
0x376: {  	s28 =	ssub.s32 s0, s23;
	s1 =	simm.s32 @!p2 $0x0  }
0x377: {  	p2 =	slt.s32 s1, s28  }
0x378: {  	s28 =	smov.u32 @p2 s1  }
0x379: {  	s26 =	simm.s32 $0x1;
	p2 =	slt.s32 s28, $0x1  }
.Ltmp9:
0x37a: {  	s26 =	simm.s32 @!p1 $0x0;
	(pc) =	sbr.rel @p2 .LBB2_12-.Ltmp9, $4  }
0x37b: {  	s30 =	smul.u32 $0x600, s26  }
0x37c: {  	s0 =	spop (v2sf)  }
0x37d: {  	s31 =	sshrl.u32 s30, $0x2;
	s29 =	spop (v2sf)  }
0x37e: {  	s24 =	sadd.s32 $0x6948, s31;
	s23 =	spop (v2sf)  }
0x37f: {  	s1 =	smin.u32 s28, $0x10  }
0x380: {  	v1 =	vmov s1  }
0x381: {  	p3 =	sgt.s32 s28, $0x10;
	vm1 =	vgt.u32 v1, v0  }
.Ltmp10:
0x382: {  	_ = 	snop;
	(pc) =	sbr.rel @!p3 .LBB2_11-.Ltmp10, $2  }
0x383: {  	_ =	sdelay $0x2  }
0x384: {  	s2 =	simm.s32 $0x10;
	s25 =	sadd.s32 $0xFFFFFFF0, s28;
	s1 =	smov.u32 s24;
	vm0 =	vmmov vm1  }
.LBB2_10:
0x385: {  	s5 =	smin.u32 s25, $0x10;
	s2 =	sadd.s32 $0x10, s2;
	v1 =	vld.msk [tilespmem:s1+$0x0 ss:$0x1], vm1  }
0x386: {  	v2 =	vmov s5;
	p3 =	slt.s32 s2, s28  }
0x387: {  	vm1 =	vgt.u32 v2, v0  }
.Ltmp11:
0x388: {  	(pc) =	sbr.rel @p3 .LBB2_10-.Ltmp11, $3  }
0x389: {  	_ =	sdelay $0x1  }
0x38a: {  	v1 =	vshll.u32 v1, $0x4  }
0x38b: {  	s25 =	sadd.s32 $0xFFFFFFF0, s25;
	[tilespmem:s1+$0x0] =	vst.msk vm0, v1;
	s1 =	sadd.s32 $0x10, s1;
	vm0 =	vmmov vm1  }
.LBB2_11:
0x38c: {  	_ =	sdelay $0x4  }
0x38d: {  	v1 =	vld.msk [tilespmem:s1+$0x0 ss:$0x1], vm1;
	_ =	sdelay $0x4  }
0x38e: {  	v1 =	vshll.u32 v1, $0x4  }
0x38f: {  	[tilespmem:s1+$0x0] =	vst.msk vm0, v1  }
.LBB2_12:
0x390: {  	s1 =	sand.u32 $0x1, s22  }
0x391: {  	s1 =	smul.u32 $0x180, s1  }
0x392: {  	p3 =	sne.s32 s29, $0xFFFFFFFF  }
0x393: {  	v1 =	vld.msk @!p3 [tilespmem:s1+$0x6948], $0x1;
	_ =	sdelay $0x4  }
0x394: {  	(v2sf) =	vpush @!p3 v1, $0x0;
	_ =	sdelay $0xc  }
.Ltmp12:
0x395: {  	_ = 	snop;
	(pc) =	sbr.rel @p2 .LBB2_23-.Ltmp12, $4  }
0x396: {  	_ = 	snop  }
0x397: {  	s30 =	spop @!p3 (v2sf)  }
0x398: {  	s23 =	simm.s32 @!p3 $0x0;
	s25 =	smov.u32 s30  }
0x399: {  	[sflag:s19] =	ssyncpa.u1 $0x0;
	s30 =	smov.u32 @p3 s0;
	s25 =	smov.u32 @p3 s29  }
0x39a: {  	v1 =	vld.msk [tilespmem:s24+$0x0], $0x1;
	_ =	sdelay $0x4  }
0x39b: {  	(v2sf) =	vpush v1, $0x0;
	_ =	sdelay $0xe  }
0x39c: {  	s0 =	smul.u32 $0x30000, s26;
	s1 =	spop (v2sf)  }
0x39d: {  	s28 =	ssub.s32 $0x0, s28;
	p2 =	seq.s32 s30, s1  }
0x39e: {  	s31 =	sadd.s32 $0x1, s28;
	s0 =	sshrl.u32 s0, $0x2;
	p3 =	sgt.s32 @!p2 s30, $0x0  }
0x39f: {  	s26 =	sadd.s32 $0x6C58, s0;
	s0 =	smov.u32 s30;
	p3 =	por !p3, p2  }
0x3a0: {  	s0 =	simm.s32 @p3 $0x0;
	p3 =	seq.s32 s31, $0x0  }
.Ltmp13:
0x3a1: {  	_ = 	snop;
	(pc) =	sbr.rel @p3 .LBB2_15-.Ltmp13, $4  }
0x3a2: {  	_ = 	snop  }
0x3a3: {  	s29 =	simm.s32 $0x0;
	s2 =	simm.s32 @!p2 $0x1;
	s0 =	smin.u32 @!p2 s0, $0x7FFC  }
0x3a4: {  	s6 =	simm.s32 @!p2 $0x3068;
	s2 =	smov.u32 @p2 s29;
	s10 =	sand.u32 @!p2 $0x7FF8, s0  }
0x3a5: {  	s5 =	sand.u32 @!p2 $0x7, s0;
	s0 =	sadd.s32 $0x1, s24;
	s10 =	sadd.s32 @!p2 s4, s10  }
.LBB2_14:
0x3a6: {  	s11 =	smov.u32 s2  }
0x3a7: {  	[tilespmem:s6], [sflag:$0x2] =	stream.linear.gather @!p2 [hbm4b:s10+s5], $0x20, $0x38;
	[tilespmem:$0x1EC48] =	vst v63  }
0x3a8: {  	s31 =	sadd.s32 $0x1, s31;
	s5 =	smov.u32 s1;
	v1 =	vld.msk [tilespmem:s0+$0x0], $0x1  }
0x3a9: {  	p3 =	seq.s32 s31, $0x0;
	_ =	sdelay $0x3  }
0x3aa: {  	(v2sf) =	vpush v1, $0x0;
	_ =	sdelay $0xe  }
0x3ab: {  	s1 =	spop (v2sf)  }
0x3ac: {  	p2 =	seq.s32 s5, s1  }
0x3ad: {  	p4 =	sgt.s32 @!p2 s5, $0x0;
	s6 =	sshll.u32 @!p2 s2, $0x7;
	s2 =	sadd.s32 @!p2 $0x1, s2  }
.Ltmp14:
0x3ae: {  	p4 =	por !p4, p2;
	s6 =	sshra.s32 @!p2 s6, $0x2;
	(pc) =	sbr.rel @!p3 .LBB2_14-.Ltmp14, $4  }
0x3af: {  	s2 =	smov.u32 @p2 s11;
	s5 =	simm.s32 @p4 $0x0;
	s6 =	sadd.s32 @!p2 $0x3068, s6  }
0x3b0: {  	s5 =	smin.u32 @!p2 s5, $0x7FFC  }
0x3b1: {  	s10 =	sand.u32 @!p2 $0x7FF8, s5;
	s5 =	sand.u32 @!p2 $0x7, s5  }
0x3b2: {  	s0 =	sadd.s32 $0x1, s0;
	s10 =	sadd.s32 @!p2 s4, s10  }
.LBB2_15:
0x3b3: {  	[tilespmem:s6], [sflag:$0x2] =	stream.linear.gather @!p2 [hbm4b:s10+s5], $0x20, $0x38;
	[tilespmem:$0x1EC48] =	vst v63  }
.Ltmp15:
0x3b4: {  	s0 =	sshll.u32 s2, $0x5;
	(pc) =	sbr.rel .LBB2_16-.Ltmp15, $4  }
0x3b5: {  	s1 =	simm.s32 $0x2;
	s0 =	sand.u32 $0x3FFFFFE0, s0  }
0x3b6: {  	_ =	swait.ge [sflag:s1], s0  }
0x3b7: {  	s0 =	ssub.s32 $0x0, s0;
	[sflag:s1] =	ssyncset.done $0x0  }
0x3b8: {  	[sflag:s1] =	ssyncadd.s32 s0;
	s0 =	simm.s32 $0x0  }
.LBB2_17:
0x3b9: {  	v1 =	vld [tilespmem:s26+$0xFFFFFFF0];
	_ =	sdelay $0x4  }
0x3ba: {  	[tilespmem:s1+$0x48] =	vst.add.f32.msk $0xffff, v1  }
0x3bb: {  	v1 =	vld [tilespmem:s26+$0x0];
	_ =	sdelay $0x4  }
0x3bc: {  	[tilespmem:s1+$0x58] =	vst.add.f32.msk $0xffff, v1  }
.LBB2_21:
0x3bd: {  	s28 =	sadd.s32 $0x1, s28  }
0x3be: {  	p2 =	seq.s32 s28, $0x0  }
.Ltmp16:
0x3bf: {  	_ = 	snop;
	(pc) =	sbr.rel @p2 .LBB2_22-.Ltmp16, $2  }
0x3c0: {  	_ =	sdelay $0x2  }
0x3c1: {  	s26 =	sadd.s32 $0x80, s26;
	s24 =	sadd.s32 $0x1, s24;
	s30 =	smov.u32 s31  }
.LBB2_16:
0x3c2: {  	v1 =	vld.msk [tilespmem:s24+$0x0], $0x1;
	_ =	sdelay $0x4  }
0x3c3: {  	(v2sf) =	vpush v1, $0x0;
	_ =	sdelay $0xe  }
0x3c4: {  	s31 =	spop (v2sf)  }
0x3c5: {  	p2 =	sne.s32 s30, s31  }
.Ltmp17:
0x3c6: {  	_ = 	snop;
	(pc) =	sbr.rel @!p2 .LBB2_17-.Ltmp17, $3  }
0x3c7: {  	_ =	sdelay $0x1  }
0x3c8: {  	s1 =	sshll.u32 s23, $0x7  }
0x3c9: {  	s1 =	sshra.s32 s1, $0x2  }
0x3ca: {  	p2 =	seq.s32 s30, s25  }
.Ltmp18:
0x3cb: {  	_ = 	snop;
	(pc) =	sbr.rel @!p2 .LBB2_19-.Ltmp18, $1  }
0x3cc: {  	_ =	sdelay $0x3  }
.Ltmp19:
0x3cd: {  	s1 =	sadd.s32 $0x48, s1;
	(pc) =	sbr.rel .LBB2_20-.Ltmp19, $4  }
0x3ce: {  	[spmem:s16] =	stream.linear.scatter [tilespmem:s1], [sflag:$0x1], $0x20, $0x38;
	[tilespmem:$0x1EC48] =	vst v63  }
0x3cf: {  	_ =	swait.ge [sflag:s3], $0x20  }
0x3d0: {  	[sflag:s3] =	ssyncset.done $0x0  }
0x3d1: {  	[sflag:s3] =	ssyncadd.s32 $0xFFFFFFE0  }
.LBB2_19:
0x3d2: {  	s2 =	sshll.u32 s29, $0x7  }
0x3d3: {  	s2 =	sshra.s32 s2, $0x2  }
0x3d4: {  	v1 =	vld [tilespmem:s2+$0x3068];
	_ =	sdelay $0x4  }
0x3d5: {  	[tilespmem:s1+$0x48] =	vst.add.f32.msk $0xffff, v1  }
0x3d6: {  	v1 =	vld [tilespmem:s2+$0x3078];
	_ =	sdelay $0x2  }
0x3d7: {  	p2 =	sgt.u32 s30, $0x7FFC  }
0x3d8: {  	s2 =	sand.u32 @!p2 $0x7FF8, s30  }
0x3d9: {  	s5 =	sadd.s32 $0x48, s1;
	[tilespmem:s1+$0x58] =	vst.add.f32.msk $0xffff, v1;
	s1 =	sadd.s32 @!p2 s4, s2;
	s2 =	sand.u32 @!p2 $0x7, s30  }
0x3da: {  	[hbm4b:s1+s2] =	stream.linear.scatter @!p2 [tilespmem:s5], [sflag:$0xC], $0x20, $0x38;
	[tilespmem:$0x1EC48] =	vst v63  }
0x3db: {  	s1 =	simm.s32 $0x0  }
0x3dc: {  	s1 =	simm.s32 @!p2 $0x80  }
0x3dd: {  	s0 =	sadd.s32 s1, s0  }
.LBB2_20:
0x3de: {  	s1 =	sadd.s32 $0x1, s23  }
0x3df: {  	s2 =	smulhi.u32 $0xAAAAAAAB, s1;
	_ =	sdelay $0x1  }
0x3e0: {  	v1 =	vld [tilespmem:s26+$0xFFFFFFF0];
	s2 =	sshrl.u32 s2, $0x8  }
0x3e1: {  	s2 =	smul.u32 $0x180, s2;
	_ =	sdelay $0x1  }
0x3e2: {  	s23 =	ssub.s32 s1, s2  }
0x3e3: {  	s1 =	sshll.u32 s23, $0x5  }
0x3e4: {  	[tilespmem:s1+$0x48] =	vst v1  }
0x3e5: {  	v1 =	vld [tilespmem:s26+$0x0]  }
.Ltmp20:
0x3e6: {  	_ = 	snop;
	(pc) =	sbr.rel .LBB2_21-.Ltmp20, $2  }
0x3e7: {  	_ =	sdelay $0x2  }
0x3e8: {  	s29 =	sadd.s32 $0x1, s29;
	[tilespmem:s1+$0x58] =	vst v1  }
.LBB2_23:
.Ltmp21:
0x3e9: {  	(pc) =	sbr.rel .LBB2_24-.Ltmp21, $4  }
0x3ea: {  	_ = 	snop  }
0x3eb: {  	s0 =	simm.s32 $0x2  }
0x3ec: {  	_ =	swait.ge [sflag:s0], $0x0  }
0x3ed: {  	s31 =	smov.u32 s30;
	[sflag:s0] =	ssyncset.done $0x0;
	s0 =	simm.s32 $0x0  }
.LBB2_26:
0x3ee: {  	_ =	sfence.sel $0x180000  }
0x3ef: {  	s0 =	simm.s32 $0x9;
	[bflag:$0x0] =	sbarrier.arrive $0xFFFF  }
0x3f0: {  	s24 =	simm.s32 $0xA;
	[sflag:s0] =	ssyncpa.u1 $0x1  }
0x3f1: {  	s25 =	simm.s32 $0xB;
	[sflag:s24] =	ssyncpa.u1 $0x1  }
0x3f2: {  	s26 =	simm.s32 $0x2;
	[sflag:s25] =	ssyncpa.u1 $0x1  }
0x3f3: {  	[sflag:s26] =	ssyncpa.u1 $0x1  }
0x3f4: {  	v0 =	vld [tilespmem:$0x6088];
	_ =	sdelay $0x4  }
0x3f5: {  	(v2sf) =	vpush v0, $0x0  }
0x3f6: {  	(v2sf) =	vpush v0, $0x1;
	_ =	sdelay $0x1  }
0x3f7: {  	(v2sf) =	vpush v0, $0x2;
	_ =	sdelay $0xb  }
0x3f8: {  	s0 =	spop (v2sf)  }
0x3f9: {  	s1 =	spop (v2sf)  }
0x3fa: {  	s2 =	smov.u32 s0;
	p0 =	sne.s32 s0, s1  }
0x3fb: {  	s3 =	spop (v2sf);
	s2 =	simm.s32 @!p0 $0xFFFFFFFF  }
0x3fc: {  	v2 =	vimm.s32 $0x1;
	v3 =	vlaneseq.u32;
	p0 =	seq.s32 s3, $0xFFFFFFFF;
	v1 =	vmov s2  }
0x3fd: {  	s14 =	stileid.u32;
	v0 =	vperm.xlane v0, v2;
	p1 =	sne.s32 @!p0 s0, s1;
	v1 =	vperm.xlane v1, v3  }
0x3fe: {  	vm0 =	vcmask $0x3F04;
	s6 =	simm.s32 $0x6088;
	s0 =	simm.s32 @!p0 $0x1;
	p1 =	por !p1, p0  }
0x3ff: {  	s2 =	sshll.u32 s14, $0x1;
	s1 =	sshll.u32 @!p0 s3, $0x7;
	s0 =	simm.s32 @p1 $0x0;
	v0 =	vsel vm0, v1, v0  }
0x400: {  	s5 =	sor.u32 $0x400, s2;
	s1 =	sshra.s32 @!p0 s1, $0x2;
	s0 =	sor.u32 @!p0 s0, s2;
	[tilespmem:$0x6088] =	vst v0  }
0x401: {  	[spmem:s5] =	stream.linear.scatter [tilespmem:s6], [sflag:$0x1], $0x2, $0x38;
	[tilespmem:$0x1EC48] =	vst v63  }
0x402: {  	s1 =	sadd.s32 @!p0 $0x48, s1;
	s0 =	sshll.u32 @!p0 s0, $0x5  }
0x403: {  	[spmem:s0] =	stream.linear.scatter @!p0 [tilespmem:s1], [sflag:$0x1], $0x20, $0x38;
	[tilespmem:$0x1EC48] =	vst v63  }
0x404: {  	s0 =	simm.s32 @!p0 $0x22  }
0x405: {  	s28 =	simm.s32 $0x1;
	s0 =	simm.s32 @p0 $0x2  }
0x406: {  	_ =	swait.ge [sflag:s28], s0  }
0x407: {  	s0 =	ssub.s32 $0x0, s0;
	[sflag:s28] =	ssyncset.done $0x0  }
0x408: {  	p0 =	sne.s32 s14, $0x0;
	[sflag:s28] =	ssyncadd.s32 s0  }
.Ltmp22:
0x409: {  	_ =	sfence.stream.spmem;
	(pc) =	sbr.rel @p0 .LBB2_43-.Ltmp22, $4  }
0x40a: {  	s29 =	simm.s32 $0x3;
	[bflag:$0x0] =	sbarrier.arrive $0xFFFF  }
0x40b: {  	s30 =	simm.s32 $0x4;
	[sflag:s29] =	ssyncpa.u1 $0x1  }
0x40c: {  	s31 =	simm.s32 $0x3C;
	[sflag:s30] =	ssyncpa.u1 $0x1  }
0x40d: {  	s15 =	rddreg [dreg:$0x4];
	[sflag:s31] =	ssyncpa.u1 $0x1  }
0x40e: {  	_ =	sfence.stream.spmem;
	s0 =	simm.s32 $0x5  }
0x40f: {  	s1 =	simm.s32 $0x400;
	s2 =	simm.s32 $0x6098;
	[sflag:s0] =	ssyncpa.u1 $0x0  }
0x410: {  	[tilespmem:s2], [sflag:$0x5] =	stream.linear.gather [spmem:s1], $0x20, $0x38;
	[tilespmem:$0x1EC48] =	vst v63  }
0x411: {  	s26 =	simm.s32 $0x0;
	s28 =	simm.s32 $0x60B8  }
0x412: {  	[tilespmem:s28], [sflag:$0x5] =	stream.linear.gather [spmem:s26], $0x400, $0x38;
	[tilespmem:$0x1EC48] =	vst v63  }
0x413: {  	_ =	swait.ge [sflag:s0], $0x420  }
0x414: {  	[sflag:s0] =	ssyncset.done $0x0  }
0x415: {  	s29 =	simm.s32 $0x0;
	[sflag:s0] =	ssyncadd.s32 $0xFFFFFBE0  }
0x416: {  	v0 =	vld.msk [tilespmem:s29+$0x6098], $0x1;
	_ =	sdelay $0x1  }
0x417: {  	s30 =	simm.s32 $0x1  }
0x418: {  	v1 =	vld.msk [tilespmem:s30+$0x6098], $0x1;
	_ =	sdelay $0x1  }
0x419: {  	(v2sf) =	vpush v0, $0x0;
	_ =	sdelay $0x2  }
0x41a: {  	(v2sf) =	vpush v1, $0x0;
	_ =	sdelay $0x2  }
0x41b: {  	s31 =	simm.s32 $0x2  }
0x41c: {  	v0 =	vld.msk [tilespmem:s31+$0x6098], $0x1;
	_ =	sdelay $0x2  }
0x41d: {  	s1 =	simm.s32 $0xFFFFFFFF;
	s2 =	simm.s32 $0xFFFFFFFF;
	s0 =	simm.s32 $0xC  }
.LBB2_28:
0x41e: {  	s3 =	smov.u32 s2;
	s5 =	smov.u32 s1  }
0x41f: {  	s1 =	sshra.s32 s0, $0x2;
	p1 =	sne.s32 s0, $0x7C;
	s0 =	sadd.s32 $0x4, s0;
	(v2sf) =	vpush v0, $0x0  }
0x420: {  	v0 =	vld.msk [tilespmem:s1+$0x6098], $0x1  }
.Ltmp23:
0x421: {  	(pc) =	sbr.rel @p1 .LBB2_28-.Ltmp23, $4  }
0x422: {  	s2 =	spop (v2sf)  }
0x423: {  	p2 =	sne.s32 s5, $0xFFFFFFFF;
	s1 =	smov.u32 s2  }
0x424: {  	p3 =	seq.s32 s2, $0xFFFFFFFF;
	s1 =	smov.u32 @p2 s5  }
0x425: {  	s2 =	smov.u32 @p3 s3;
	s1 =	smov.u32 @p3 s5  }
0x426: {  	(v2sf) =	vpush v0, $0x0;
	_ =	sdelay $0x8  }
0x427: {  	s0 =	spop (v2sf)  }
0x428: {  	p1 =	sne.s32 s1, $0xFFFFFFFF;
	s3 =	smov.u32 s0  }
0x429: {  	s9 =	simm.s32 $0x6;
	p2 =	seq.s32 s0, $0xFFFFFFFF;
	s3 =	smov.u32 @p1 s1  }
0x42a: {  	s10 =	simm.s32 $0x6068;
	s3 =	smov.u32 @p2 s1;
	s1 =	spop (v2sf)  }
0x42b: {  	s0 =	smov.u32 @p2 s2;
	p1 =	sne.s32 s3, $0xFFFFFFFF;
	s5 =	smov.u32 s1  }
.Ltmp24:
0x42c: {  	p2 =	seq.s32 s1, $0xFFFFFFFF;
	s5 =	smov.u32 @p1 s3;
	(pc) =	sbr.rel .LBB2_30-.Ltmp24, $4  }
0x42d: {  	s11 =	simm.s32 $0x0;
	s5 =	smov.u32 @p2 s3;
	s7 =	spop (v2sf)  }
0x42e: {  	[sflag:s9] =	ssyncpa.u1 $0x0;
	p1 =	sne.s32 s5, $0xFFFFFFFF;
	s8 =	smov.u32 s7  }
0x42f: {  	s1 =	smov.u32 @p2 s0;
	p2 =	seq.s32 s7, $0xFFFFFFFF;
	s8 =	smov.u32 @p1 s5  }
0x430: {  	s3 =	simm.s32 $0x0;
	s7 =	smov.u32 @p2 s1;
	s8 =	smov.u32 @p2 s5  }
.LBB2_36:
0x431: {  	p1 =	sgt.u32 s12, $0x7FFC  }
0x432: {  	p2 =	seq.s32 @!p1 s12, s8  }
0x433: {  	p1 =	por p1, p2  }
0x434: {  	p2 =	sne.s32 @!p1 s12, s7  }
0x435: {  	p1 =	por p1, !p2  }
0x436: {  	s0 =	sshll.u32 @p1 s11, $0x7  }
0x437: {  	s0 =	sand.u32 @!p1 $0x7FF8, s12  }
0x438: {  	s1 =	sand.u32 @!p1 $0x7, s12;
	s0 =	sadd.s32 @!p1 s4, s0  }
0x439: {  	[tilespmem:s10], [sflag:$0x6] =	stream.linear.gather @!p1 [hbm4b:s0+s1], $0x20, $0x38;
	[tilespmem:$0x1EC48] =	vst v63  }
0x43a: {  	_ =	swait.ge @!p1 [sflag:s9], $0x20  }
0x43b: {  	[sflag:s9] =	ssyncset.done @!p1 $0x0  }
0x43c: {  	[sflag:s9] =	ssyncadd.s32 @!p1 $0xFFFFFFE0  }
0x43d: {  	v1 =	vld @!p1 [tilespmem:$0x6068];
	_ =	sdelay $0x2  }
0x43e: {  	s0 =	sshll.u32 @!p1 s11, $0x7  }
0x43f: {  	s1 =	sshrl.u32 @!p1 s0, $0x2  }
0x440: {  	[tilespmem:s1+$0x60B8] =	vst.add.f32.msk @!p1 $0xffff, v1  }
0x441: {  	v1 =	vld @!p1 [tilespmem:$0x6078];
	_ =	sdelay $0x4  }
0x442: {  	[tilespmem:s1+$0x60C8] =	vst.add.f32.msk @!p1 $0xffff, v1  }
0x443: {  	s0 =	sshrl.u32 s0, $0x2;
	[tilespmem:s3+$0x6098] =	vst.msk $0x1, v0  }
0x444: {  	v0 =	vld [tilespmem:s0+$0x60B8];
	_ =	sdelay $0x2  }
0x445: {  	s31 =	sshll.u32 s3, $0x7  }
0x446: {  	s1 =	sshra.s32 s31, $0x2  }
0x447: {  	[tilespmem:s1+$0x60B8] =	vst v0  }
0x448: {  	v0 =	vld [tilespmem:s0+$0x60C8];
	_ =	sdelay $0x4  }
0x449: {  	s3 =	sadd.s32 $0x1, s3;
	[tilespmem:s1+$0x60C8] =	vst v0  }
.LBB2_37:
0x44a: {  	s11 =	sadd.s32 $0x1, s11  }
0x44b: {  	p1 =	sne.s32 s11, $0x20  }
.Ltmp25:
0x44c: {  	_ = 	snop;
	(pc) =	sbr.rel @!p1 .LBB2_38-.Ltmp25, $1  }
0x44d: {  	_ =	sdelay $0x3  }
.LBB2_30:
0x44e: {  	v0 =	vld.msk [tilespmem:s11+$0x6098], $0x1;
	_ =	sdelay $0x4  }
0x44f: {  	(v2sf) =	vpush v0, $0x0;
	_ =	sdelay $0xe  }
0x450: {  	s12 =	spop (v2sf)  }
0x451: {  	p1 =	seq.s32 s12, $0xFFFFFFFF  }
.Ltmp26:
0x452: {  	_ = 	snop;
	(pc) =	sbr.rel @p1 .LBB2_37-.Ltmp26, $1  }
0x453: {  	_ =	sdelay $0x3  }
0x454: {  	p1 =	slt.s32 s3, $0x1  }
.Ltmp27:
0x455: {  	_ = 	snop;
	(pc) =	sbr.rel @p1 .LBB2_36-.Ltmp27, $1  }
0x456: {  	_ =	sdelay $0x3  }
0x457: {  	s0 =	simm.s32 $0x6098;
	p1 =	por $0x0, $0x0  }
0x458: {  	v1 =	vld.msk @!p1 [tilespmem:s0+$0x0], $0x1;
	_ =	sdelay $0x4  }
0x459: {  	(v2sf) =	vpush @!p1 v1, $0x0;
	_ =	sdelay $0xd  }
0x45a: {  	p3 =	sne.s32 s3, $0x1  }
.Ltmp28:
0x45b: {  	s1 =	spop @!p1 (v2sf);
	(pc) =	sbr.rel @!p3 .LBB2_34-.Ltmp28, $4  }
0x45c: {  	p2 =	seq.s32 @!p1 s12, s1  }
0x45d: {  	s13 =	simm.s32 $0x0;
	p2 =	por !p2, p1  }
0x45e: {  	s2 =	simm.s32 $0xFFFFFFFF;
	s13 =	simm.s32 @p2 $0xFFFFFFFF  }
0x45f: {  	s1 =	simm.s32 $0x1;
	s13 =	smov.u32 @p1 s2  }
.LBB2_33:
0x460: {  	s2 =	smov.u32 s13;
	p1 =	sne.s32 s13, $0xFFFFFFFF  }
0x461: {  	s0 =	sadd.s32 $0x1, s0;
	s13 =	smov.u32 s1;
	s1 =	sadd.s32 $0x1, s1  }
0x462: {  	p2 =	sne.s32 s3, s1;
	v1 =	vld.msk @!p1 [tilespmem:s0+$0x0], $0x1;
	_ =	sdelay $0x4  }
0x463: {  	(v2sf) =	vpush @!p1 v1, $0x0;
	_ =	sdelay $0xe  }
.Ltmp29:
0x464: {  	s5 =	spop @!p1 (v2sf);
	(pc) =	sbr.rel @p2 .LBB2_33-.Ltmp29, $4  }
0x465: {  	p3 =	seq.s32 @!p1 s12, s5  }
0x466: {  	p3 =	por !p3, p1  }
0x467: {  	s13 =	simm.s32 @p3 $0xFFFFFFFF  }
0x468: {  	s13 =	smov.u32 @p1 s2  }
.LBB2_34:
0x469: {  	p1 =	seq.s32 s13, $0xFFFFFFFF  }
.Ltmp30:
0x46a: {  	_ = 	snop;
	(pc) =	sbr.rel @p1 .LBB2_36-.Ltmp30, $1  }
0x46b: {  	_ =	sdelay $0x3  }
0x46c: {  	s0 =	sshll.u32 s11, $0x5  }
0x46d: {  	s0 =	sand.u32 $0x3FFFFFE0, s0  }
0x46e: {  	v0 =	vld [tilespmem:s0+$0x60B8];
	_ =	sdelay $0x2  }
0x46f: {  	s1 =	sshll.u32 s13, $0x7  }
0x470: {  	s1 =	sshra.s32 s1, $0x2  }
0x471: {  	[tilespmem:s1+$0x60B8] =	vst.add.f32.msk $0xffff, v0  }
0x472: {  	v0 =	vld [tilespmem:s0+$0x60C8]  }
.Ltmp31:
0x473: {  	_ = 	snop;
	(pc) =	sbr.rel .LBB2_37-.Ltmp31, $2  }
0x474: {  	_ =	sdelay $0x2  }
0x475: {  	[tilespmem:s1+$0x60C8] =	vst.add.f32.msk $0xffff, v0  }
.LBB2_38:
0x476: {  	s0 =	simm.s32 $0x6;
	p1 =	seq.s32 s3, $0x0  }
0x477: {  	[sflag:s0] =	ssyncpa.u1 $0x1;
	v0 =	vimm.s32 @p1 $0xFFFFFFFF  }
0x478: {  	s9 =	sadd.s32 $0xFFFFFFFF, s3;
	[tilespmem:$0x64B8] =	vst @p1 v0  }
0x479: {  	v0 =	vld.msk @!p1 [tilespmem:s9+$0x6098], $0x1;
	_ =	sdelay $0x1  }
0x47a: {  	v1 =	vld.msk @!p1 [tilespmem:$0x6098], $0x1;
	_ =	sdelay $0x2  }
0x47b: {  	p2 =	seq.s32 @!p1 s9, $0x0;
	v0 =	vbroadcast @!p1 v0, $0x0  }
0x47c: {  	vm0 =	vmmov @!p1 $0x1;
	p2 =	por !p2, p1  }
0x47d: {  	v1 =	vnsel @!p1 vm0, $0xFFFFFFFF, v1;
	vm0 =	vcmask @!p1 $0x308;
	v0 =	vpsel !p2, $0xFFFFFFFF, v0  }
0x47e: {  	p2 =	sne.s32 @!p1 s8, s7;
	v0 =	vsel @!p1 vm0, v1, v0  }
0x47f: {  	s0 =	simm.s32 @!p1 $0x60B8;
	s1 =	simm.s32 @!p1 $0x0;
	p3 =	por !p2, p1;
	[tilespmem:$0x64B8] =	vst @!p1 v0  }
0x480: {  	[spmem:s1] =	stream.linear.scatter @!p1 [tilespmem:s0], [sflag:$0x1], $0x20, $0x38;
	[tilespmem:$0x1EC48] =	vst v63  }
0x481: {  	s0 =	sshll.u32 @!p3 s9, $0x7  }
0x482: {  	s0 =	sshra.s32 @!p3 s0, $0x2  }
0x483: {  	s1 =	simm.s32 @!p3 $0x20;
	s0 =	sadd.s32 @!p3 $0x60B8, s0  }
0x484: {  	[spmem:s1] =	stream.linear.scatter @!p3 [tilespmem:s0], [sflag:$0x1], $0x20, $0x38;
	[tilespmem:$0x1EC48] =	vst v63  }
0x485: {  	s0 =	simm.s32 @!p3 $0x1  }
0x486: {  	_ =	swait.ge @!p3 [sflag:s0], $0x40  }
0x487: {  	p1 =	por p2, p1;
	[sflag:s0] =	ssyncset.done @!p3 $0x0  }
0x488: {  	[sflag:s0] =	ssyncadd.s32 @!p3 $0xFFFFFFC0;
	s0 =	simm.s32 @!p1 $0x1  }
0x489: {  	_ =	swait.ge @!p1 [sflag:s0], $0x20  }
0x48a: {  	s29 =	simm.s32 $0x64B8;
	[sflag:s0] =	ssyncset.done @!p1 $0x0  }
0x48b: {  	s30 =	simm.s32 $0x400;
	s31 =	simm.s32 $0x1;
	[sflag:s0] =	ssyncadd.s32 @!p1 $0xFFFFFFE0  }
0x48c: {  	[spmem:s30] =	stream.linear.scatter [tilespmem:s29], [sflag:$0x1], $0x10, $0x38;
	[tilespmem:$0x1EC48] =	vst v63  }
0x48d: {  	_ =	swait.ge [sflag:s31], $0x10  }
0x48e: {  	[sflag:s31] =	ssyncset.done $0x0  }
0x48f: {  	p1 =	seq.s32 s15, $0x0;
	s8 =	rddreg [dreg:$0x1];
	[sflag:s31] =	ssyncadd.s32 $0xFFFFFFF0  }
0x490: {  	s1 =	sshll.u32 @p1 s8, $0xE;
	s7 =	rddreg [dreg:$0x2]  }
0x491: {  	s0 =	sadd.s32 @p1 $0x15C3C, s1;
	s1 =	sshll.u32 @p1 s7, $0x11  }
0x492: {  	_ =	sfence.stream.spmem;
	s0 =	sor.u32 @p1 s1, s0  }
0x493: {  	[sflag:s0] =	ssyncadd.remote.s32 @p1 $0x1;
	s0 =	simm.s32 @p1 $0x4  }
0x494: {  	s2 =	simm.s32 @!p1 $0x3C;
	s1 =	sand.u32 $0xFFFFFFFE, s8;
	_ =	swait.ge @p1 [sflag:s0], $0xA  }
0x495: {  	s5 =	simm.s32 @!p1 $0x0;
	s1 =	sadd.s32 @!p1 $0x4, s1;
	[sflag:s0] =	ssyncset.done @p1 $0x0  }
0x496: {  	s6 =	simm.s32 @!p1 $0x40;
	[sflag:s0] =	ssyncadd.s32 @p1 $0xFFFFFFF6;
	s0 =	sshll.u32 @!p1 s1, $0x1A  }
0x497: {  	s1 =	sshll.u32 @!p1 s1, $0xD;
	s0 =	sor.u32 @!p1 s0, s7;
	_ =	swait.eq @!p1 [sflag:s2], $0x1  }
0x498: {  	s1 =	sor.u32 @!p1 $0x1C04, s1;
	s2 =	simm.s32 @!p1 $0x1C03;
	s0 =	sor.u32 @!p1 $0x80004000, s0  }
0x499: {  	[spmem:s6], [sflag:s1] =	dma.general @!p1 [spmem:s5], [sflag:s2], length:$0x8, [dreg:$0x0], stride_count:$0x0, ici_dest:s0, dma_misc:DstOpCode:WRITE  }
0x49a: {  	p2 =	slt.s32 s9, $0x2;
	s5 =	simm.s32 @!p1 $0x80;
	s6 =	simm.s32 @!p1 $0x82  }
0x49b: {  	[spmem:s6], [sflag:s1] =	dma.general @!p1 [spmem:s5], [sflag:s2], length:$0x2, [dreg:$0x0], stride_count:$0x0, ici_dest:s0, dma_misc:DstOpCode:WRITE  }
.Ltmp32:
0x49c: {  	s0 =	simm.s32 @!p1 $0x3;
	(pc) =	sbr.rel @p2 .LBB2_42-.Ltmp32, $4  }
0x49d: {  	s1 =	sshll.u32 @!p1 s8, $0xE;
	_ =	swait.ge @!p1 [sflag:s0], $0xA  }
0x49e: {  	s2 =	sshll.u32 @!p1 s7, $0x11;
	s1 =	sadd.s32 @!p1 $0x11C3C, s1;
	[sflag:s0] =	ssyncset.done @!p1 $0x0  }
0x49f: {  	[sflag:s0] =	ssyncadd.s32 @!p1 $0xFFFFFFF6;
	s0 =	sor.u32 @!p1 s2, s1  }
0x4a0: {  	[sflag:s0] =	ssyncadd.remote.s32 @!p1 $0xFFFFFFFF;
	s0 =	simm.s32 $0x0  }
0x4a1: {  	s0 =	simm.s32 $0x6099  }
0x4a2: {  	v0 =	vld.msk [tilespmem:s0+$0x0], $0x1;
	_ =	sdelay $0x4  }
0x4a3: {  	(v2sf) =	vpush v0, $0x0;
	_ =	sdelay $0xc  }
0x4a4: {  	s1 =	sadd.s32 $0xFFFFFFFE, s3  }
0x4a5: {  	s1 =	sadd.s32 $0xFFFFFFFF, s1  }
0x4a6: {  	p2 =	sne.s32 s1, $0x0;
	s2 =	spop (v2sf)  }
.Ltmp33:
0x4a7: {  	p1 =	sgt.u32 s2, $0x7FFC;
	(pc) =	sbr.rel @!p2 .LBB2_41-.Ltmp33, $4  }
0x4a8: {  	s6 =	simm.s32 $0x0;
	s3 =	sand.u32 @!p1 $0x7FF8, s2  }
0x4a9: {  	s0 =	simm.s32 $0x60D8;
	s2 =	sand.u32 @!p1 $0x7, s2;
	s3 =	sadd.s32 @!p1 s4, s3  }
0x4aa: {  	[hbm4b:s3+s2] =	stream.linear.scatter @!p1 [tilespmem:s0], [sflag:$0x5], $0x20, $0x38;
	[tilespmem:$0x1EC48] =	vst v63  }
0x4ab: {  	s6 =	simm.s32 @!p1 $0x80;
	s2 =	simm.s32 $0x0;
	s3 =	simm.s32 $0x609A  }
.LBB2_40:
0x4ac: {  	v0 =	vld.msk [tilespmem:s3+$0x0], $0x1;
	s1 =	sadd.s32 $0xFFFFFFFF, s1;
	s2 =	sadd.s32 s2, s6  }
0x4ad: {  	p1 =	sne.s32 s1, $0x0;
	_ =	sdelay $0x3  }
0x4ae: {  	(v2sf) =	vpush v0, $0x0;
	_ =	sdelay $0xe  }
.Ltmp34:
0x4af: {  	s5 =	spop (v2sf);
	(pc) =	sbr.rel @p1 .LBB2_40-.Ltmp34, $4  }
0x4b0: {  	s6 =	simm.s32 $0x0;
	p2 =	sgt.u32 s5, $0x7FFC  }
0x4b1: {  	s0 =	sadd.s32 $0x20, s0;
	s6 =	simm.s32 @!p2 $0x80;
	s7 =	sand.u32 @!p2 $0x7FF8, s5  }
0x4b2: {  	s3 =	sadd.s32 $0x1, s3;
	s5 =	sand.u32 @!p2 $0x7, s5;
	s7 =	sadd.s32 @!p2 s4, s7  }
0x4b3: {  	[hbm4b:s7+s5] =	stream.linear.scatter @!p2 [tilespmem:s0], [sflag:$0x5], $0x20, $0x38;
	[tilespmem:$0x1EC48] =	vst v63  }
.LBB2_41:
0x4b4: {  	s0 =	sadd.s32 s2, s6  }
0x4b5: {  	s0 =	sshrl.u32 s0, $0x2  }
.LBB2_42:
0x4b6: {  	s1 =	simm.s32 $0x5  }
0x4b7: {  	_ =	swait.ge [sflag:s1], s0  }
0x4b8: {  	s31 =	ssub.s32 $0x0, s0;
	[sflag:s1] =	ssyncset.done $0x0  }
0x4b9: {  	[sflag:s1] =	ssyncadd.s32 s31  }
0x4ba: {  	[sflag:s1] =	ssyncpa.u1 $0x1  }
.LBB2_43:
0x4bb: {  	s0 =	sor.u32 s15, s14  }
0x4bc: {  	p1 =	sne.s32 s0, $0x0  }
.Ltmp35:
0x4bd: {  	_ = 	snop;
	(pc) =	sbr.rel @p1 .LBB2_58-.Ltmp35, $3  }
0x4be: {  	_ =	sdelay $0x1  }
0x4bf: {  	[bflag:$0x0] =	sbarrier.arrive $0xFFFF  }
0x4c0: {  	_ =	sfence  }
0x4c1: {  	s0 =	simm.s32 $0x7  }
0x4c2: {  	s1 =	simm.s32 $0x400;
	s2 =	simm.s32 $0x6098;
	[sflag:s0] =	ssyncpa.u1 $0x0  }
0x4c3: {  	[tilespmem:s2], [sflag:$0x7] =	stream.linear.gather [spmem:s1], $0x20, $0x38;
	[tilespmem:$0x1EC48] =	vst v63  }
0x4c4: {  	s30 =	simm.s32 $0x60B8;
	s1 =	simm.s32 $0x0  }
0x4c5: {  	[tilespmem:s30], [sflag:$0x7] =	stream.linear.gather [spmem:s1], $0x400, $0x38;
	[tilespmem:$0x1EC48] =	vst v63  }
.Ltmp36:
0x4c6: {  	_ = 	snop;
	(pc) =	sbr.rel .LBB2_45-.Ltmp36, $4  }
0x4c7: {  	_ =	swait.ge [sflag:s0], $0x420  }
0x4c8: {  	[sflag:s0] =	ssyncset.done $0x0  }
0x4c9: {  	s31 =	simm.s32 $0x8;
	[sflag:s0] =	ssyncadd.s32 $0xFFFFFBE0  }
0x4ca: {  	s2 =	simm.s32 $0x0;
	[sflag:s31] =	ssyncpa.u1 $0x0  }
.LBB2_51:
0x4cb: {  	p1 =	slt.u32 s3, $0x7FFD  }
0x4cc: {  	s0 =	sand.u32 @p1 $0x7FF8, s3  }
0x4cd: {  	s3 =	sand.u32 @p1 $0x7, s3;
	s5 =	simm.s32 @p1 $0x6068;
	s0 =	sadd.s32 @p1 s4, s0  }
0x4ce: {  	[tilespmem:s5], [sflag:$0x8] =	stream.linear.gather @p1 [hbm4b:s0+s3], $0x20, $0x38;
	[tilespmem:$0x1EC48] =	vst v63  }
0x4cf: {  	s0 =	simm.s32 @p1 $0x8  }
0x4d0: {  	_ =	swait.ge @p1 [sflag:s0], $0x20  }
0x4d1: {  	[sflag:s0] =	ssyncset.done @p1 $0x0  }
0x4d2: {  	[sflag:s0] =	ssyncadd.s32 @p1 $0xFFFFFFE0  }
0x4d3: {  	v1 =	vld @p1 [tilespmem:$0x6068];
	_ =	sdelay $0x2  }
0x4d4: {  	s0 =	sshll.u32 @p1 s2, $0x7  }
0x4d5: {  	s3 =	sshrl.u32 @p1 s0, $0x2  }
0x4d6: {  	[tilespmem:s3+$0x60B8] =	vst.add.f32.msk @p1 $0xffff, v1  }
0x4d7: {  	v1 =	vld @p1 [tilespmem:$0x6078];
	_ =	sdelay $0x3  }
0x4d8: {  	s5 =	sshll.u32 @!p1 s2, $0x7  }
0x4d9: {  	s5 =	smov.u32 @p1 s0;
	[tilespmem:s3+$0x60C8] =	vst.add.f32.msk @p1 $0xffff, v1  }
0x4da: {  	s0 =	sshrl.u32 s5, $0x2;
	[tilespmem:s1+$0x6098] =	vst.msk $0x1, v0  }
0x4db: {  	v0 =	vld [tilespmem:s0+$0x60B8];
	_ =	sdelay $0x2  }
0x4dc: {  	s31 =	sshll.u32 s1, $0x7  }
0x4dd: {  	s3 =	sshra.s32 s31, $0x2  }
0x4de: {  	[tilespmem:s3+$0x60B8] =	vst v0  }
0x4df: {  	v0 =	vld [tilespmem:s0+$0x60C8];
	_ =	sdelay $0x4  }
0x4e0: {  	s1 =	sadd.s32 $0x1, s1;
	[tilespmem:s3+$0x60C8] =	vst v0  }
.LBB2_52:
0x4e1: {  	s2 =	sadd.s32 $0x1, s2  }
0x4e2: {  	p1 =	sne.s32 s2, $0x20  }
.Ltmp37:
0x4e3: {  	_ = 	snop;
	(pc) =	sbr.rel @!p1 .LBB2_53-.Ltmp37, $1  }
0x4e4: {  	_ =	sdelay $0x3  }
.LBB2_45:
0x4e5: {  	v0 =	vld.msk [tilespmem:s2+$0x6098], $0x1;
	_ =	sdelay $0x4  }
0x4e6: {  	(v2sf) =	vpush v0, $0x0;
	_ =	sdelay $0xe  }
0x4e7: {  	s3 =	spop (v2sf)  }
0x4e8: {  	p1 =	seq.s32 s3, $0xFFFFFFFF  }
.Ltmp38:
0x4e9: {  	_ = 	snop;
	(pc) =	sbr.rel @p1 .LBB2_52-.Ltmp38, $1  }
0x4ea: {  	_ =	sdelay $0x3  }
0x4eb: {  	p1 =	slt.s32 s1, $0x1  }
.Ltmp39:
0x4ec: {  	_ = 	snop;
	(pc) =	sbr.rel @p1 .LBB2_51-.Ltmp39, $1  }
0x4ed: {  	_ =	sdelay $0x3  }
0x4ee: {  	s0 =	simm.s32 $0x6098;
	p1 =	por $0x0, $0x0  }
0x4ef: {  	v1 =	vld.msk @!p1 [tilespmem:s0+$0x0], $0x1;
	_ =	sdelay $0x4  }
0x4f0: {  	(v2sf) =	vpush @!p1 v1, $0x0;
	_ =	sdelay $0xd  }
0x4f1: {  	p3 =	sne.s32 s1, $0x1  }
.Ltmp40:
0x4f2: {  	s5 =	spop @!p1 (v2sf);
	(pc) =	sbr.rel @!p3 .LBB2_49-.Ltmp40, $4  }
0x4f3: {  	p2 =	seq.s32 @!p1 s3, s5  }
0x4f4: {  	s5 =	simm.s32 $0x0;
	p2 =	por !p2, p1  }
0x4f5: {  	s7 =	simm.s32 $0xFFFFFFFF;
	s5 =	simm.s32 @p2 $0xFFFFFFFF  }
0x4f6: {  	s6 =	simm.s32 $0x1;
	s5 =	smov.u32 @p1 s7  }
.LBB2_48:
0x4f7: {  	s7 =	smov.u32 s5;
	p1 =	sne.s32 s5, $0xFFFFFFFF  }
0x4f8: {  	s0 =	sadd.s32 $0x1, s0;
	s5 =	smov.u32 s6;
	s6 =	sadd.s32 $0x1, s6  }
0x4f9: {  	p2 =	sne.s32 s1, s6;
	v1 =	vld.msk @!p1 [tilespmem:s0+$0x0], $0x1;
	_ =	sdelay $0x4  }
0x4fa: {  	(v2sf) =	vpush @!p1 v1, $0x0;
	_ =	sdelay $0xe  }
.Ltmp41:
0x4fb: {  	s8 =	spop @!p1 (v2sf);
	(pc) =	sbr.rel @p2 .LBB2_48-.Ltmp41, $4  }
0x4fc: {  	p3 =	seq.s32 @!p1 s3, s8  }
0x4fd: {  	p3 =	por !p3, p1  }
0x4fe: {  	s5 =	simm.s32 @p3 $0xFFFFFFFF  }
0x4ff: {  	s5 =	smov.u32 @p1 s7  }
.LBB2_49:
0x500: {  	p1 =	seq.s32 s5, $0xFFFFFFFF  }
.Ltmp42:
0x501: {  	_ = 	snop;
	(pc) =	sbr.rel @p1 .LBB2_51-.Ltmp42, $1  }
0x502: {  	_ =	sdelay $0x3  }
0x503: {  	s0 =	sshll.u32 s2, $0x5  }
0x504: {  	s0 =	sand.u32 $0x3FFFFFE0, s0  }
0x505: {  	v0 =	vld [tilespmem:s0+$0x60B8];
	_ =	sdelay $0x2  }
0x506: {  	s3 =	sshll.u32 s5, $0x7  }
0x507: {  	s3 =	sshra.s32 s3, $0x2  }
0x508: {  	[tilespmem:s3+$0x60B8] =	vst.add.f32.msk $0xffff, v0  }
0x509: {  	v0 =	vld [tilespmem:s0+$0x60C8]  }
.Ltmp43:
0x50a: {  	_ = 	snop;
	(pc) =	sbr.rel .LBB2_52-.Ltmp43, $2  }
0x50b: {  	_ =	sdelay $0x2  }
0x50c: {  	[tilespmem:s3+$0x60C8] =	vst.add.f32.msk $0xffff, v0  }
.LBB2_53:
0x50d: {  	p1 =	slt.s32 s1, $0x1  }
.Ltmp44:
0x50e: {  	_ = 	snop;
	(pc) =	sbr.rel @p1 .LBB2_57-.Ltmp44, $3  }
0x50f: {  	_ =	sdelay $0x1  }
0x510: {  	s0 =	simm.s32 $0x8  }
0x511: {  	s2 =	simm.s32 $0x0;
	[sflag:s0] =	ssyncpa.u1 $0x1  }
0x512: {  	s0 =	simm.s32 $0x6098  }
0x513: {  	v0 =	vld.msk [tilespmem:s0+$0x0], $0x1;
	_ =	sdelay $0x4  }
0x514: {  	(v2sf) =	vpush v0, $0x0;
	_ =	sdelay $0xe  }
0x515: {  	s1 =	sadd.s32 $0xFFFFFFFF, s1;
	s3 =	spop (v2sf)  }
0x516: {  	p2 =	sne.s32 s1, $0x0;
	p1 =	sgt.u32 s3, $0x7FFC  }
.Ltmp45:
0x517: {  	s5 =	sand.u32 @!p1 $0x7FF8, s3;
	(pc) =	sbr.rel @!p2 .LBB2_56-.Ltmp45, $4  }
0x518: {  	s0 =	simm.s32 $0x60B8;
	s3 =	sand.u32 @!p1 $0x7, s3;
	s5 =	sadd.s32 @!p1 s4, s5  }
0x519: {  	[hbm4b:s5+s3] =	stream.linear.scatter @!p1 [tilespmem:s0], [sflag:$0x7], $0x20, $0x38;
	[tilespmem:$0x1EC48] =	vst v63  }
0x51a: {  	s5 =	simm.s32 $0x0  }
0x51b: {  	s3 =	simm.s32 $0x6099;
	s5 =	simm.s32 @!p1 $0x80  }
.LBB2_55:
0x51c: {  	v0 =	vld.msk [tilespmem:s3+$0x0], $0x1;
	s1 =	sadd.s32 $0xFFFFFFFF, s1;
	s2 =	sadd.s32 s2, s5  }
0x51d: {  	p1 =	sne.s32 s1, $0x0;
	_ =	sdelay $0x3  }
0x51e: {  	(v2sf) =	vpush v0, $0x0;
	_ =	sdelay $0xe  }
.Ltmp46:
0x51f: {  	s6 =	spop (v2sf);
	(pc) =	sbr.rel @p1 .LBB2_55-.Ltmp46, $4  }
0x520: {  	s5 =	simm.s32 $0x0;
	p2 =	sgt.u32 s6, $0x7FFC  }
0x521: {  	s0 =	sadd.s32 $0x20, s0;
	s5 =	simm.s32 @!p2 $0x80;
	s7 =	sand.u32 @!p2 $0x7FF8, s6  }
0x522: {  	s3 =	sadd.s32 $0x1, s3;
	s6 =	sand.u32 @!p2 $0x7, s6;
	s7 =	sadd.s32 @!p2 s4, s7  }
0x523: {  	[hbm4b:s7+s6] =	stream.linear.scatter @!p2 [tilespmem:s0], [sflag:$0x7], $0x20, $0x38;
	[tilespmem:$0x1EC48] =	vst v63  }
.LBB2_56:
0x524: {  	s0 =	sadd.s32 s2, s5  }
0x525: {  	s2 =	sshrl.u32 s0, $0x2  }
.LBB2_57:
0x526: {  	s0 =	simm.s32 $0x7  }
0x527: {  	_ =	swait.ge [sflag:s0], s2  }
0x528: {  	s1 =	ssub.s32 $0x0, s2;
	[sflag:s0] =	ssyncset.done $0x0  }
0x529: {  	[sflag:s0] =	ssyncadd.s32 s1  }
0x52a: {  	[sflag:s0] =	ssyncpa.u1 $0x1  }
.LBB2_58:
0x52b: {  	_ =	sfence;
	s0 =	simm.s32 $0x1  }
0x52c: {  	[sflag:s0] =	ssyncpa.u1 $0x1  }
0x52d: {  	_ =	strace $0x90000068  }
0x52e: {  	[bflag:$0x2] =	sbarrier.arrive $0xFFFF  }
0x52f: {  	s0 =	rddreg [dreg:$0x3]  }
0x530: {  	s0 =	sadd.s32 @!p0 $0x100000, s0  }
0x531: {  	[sflag:s0] =	ssyncadd.tile.s32 @!p0 $0x1;
	_ =	shalt  }
.Lfunc_end2:
_tile_overlayer_lowered:
.L_overlay_start_2:
0x532: {  	(tag) =	ssettag $0x2  }
0x533: {  	s0 =	rddreg [dreg:$0x0];
	s2 =	stileid.u32  }
0x534: {  	s1 =	rddreg [dreg:$0x1];
	p0 =	sne.s32 s2, $0x0  }
0x535: {  	s3 =	rddreg [dreg:$0x2];
	[bflag:$0x3] =	sbarrier.arrive $0xFFFF;
	s2 =	simm.s32 @!p0 $0x1C01  }
0x536: {  	[timem:s3], [sflag:s2] =	dma.local @!p0 [hbm:s0], s1  }
0x537: {  	s0 =	simm.s32 @!p0 $0x1  }
0x538: {  	_ =	swait.ge @!p0 [sflag:s0], s1  }
0x539: {  	s1 =	ssub.s32 @!p0 $0x0, s1;
	[sflag:s0] =	ssyncset.done @!p0 $0x0  }
0x53a: {  	[sflag:s0] =	ssyncadd.s32 @!p0 s1  }
0x53b: {  	[bflag:$0x3] =	sbarrier.arrive $0xFFFF  }
0x53c: {  	_ =	shalt  }

// kernel: scatter_offload_async_start
scs
__scs_entry_jumppad:
0x0: {  	(pc) =	sbr.rel $0x88, $3  }
0x1: {  	(tag) =	ssettag $0x0;
	lr =	simm.s32 $0x1  }
0x2: {  	[smem:$0x3F78] =	sst lr;
	_ =	strace $0xD0000000  }
0x3: {  	_ = 	snop  }
0x4: {  	_ = 	snop  }
0x5: {  	_ = 	snop  }
0x6: {  	_ = 	snop  }
0x7: {  	_ = 	snop  }
__scs_overlays_trampoline_lowered:
0x8: {  	[smem:$0x3F87] =	sst s0  }
0x9: {  	[smem:$0x3F88] =	sst s1  }
0xa: {  	[smem:$0x3F89] =	sst s2  }
0xb: {  	[smem:$0x3F8A] =	sst s3  }
0xc: {  	[smem:$0x3F8B] =	sst s4  }
0xd: {  	[smem:$0x3F8C] =	sst s5  }
0xe: {  	[smem:$0x3F8D] =	sst s6  }
0xf: {  	[smem:$0x3F8E] =	sst s7  }
0x10: {  	[smem:$0x3F8F] =	sst s8  }
0x11: {  	[smem:$0x3F90] =	sst s9;
	s0 =	simm.s32 @!p0 $0x0  }
0x12: {  	s1 =	sld [smem:$0x3F76];
	s0 =	simm.s32 @p0 $0x1  }
0x13: {  	[smem:$0x3F91] =	sst s0;
	s0 =	simm.s32 @!p1 $0x0  }
0x14: {  	s2 =	sld [smem:$0x3F75];
	s0 =	simm.s32 @p1 $0x1  }
0x15: {  	[smem:$0x3F92] =	sst s0;
	s0 =	simm.s32 @!p2 $0x0  }
0x16: {  	s3 =	sld [smem:$0x3FDB];
	s0 =	simm.s32 @p2 $0x1  }
0x17: {  	s4 =	simm.s32 $0x1BF5;
	[smem:$0x3F94] =	sst s0  }
0x18: {  	s0 =	sld [smem:$0x3F77];
	_ =	swait.ge [sflag:s4], $0x0  }
0x19: {  	s7 =	sld [smem:$0x3F78]  }
0x1a: {  	s8 =	sadd.s32 $0xFFFFE003, lr  }
0x1b: {  	s9 =	sadd.s32 $0xFFFFFEF7, lr;
	s5 =	simm.s32 $0xFFFFFFFF;
	p2 =	slt.u32 s8, $0xFFFFF086  }
0x1c: {  	p1 =	slt.u32 s9, $0xF7A;
	s5 =	simm.s32 @!p2 $0x0  }
0x1d: {  	s5 =	simm.s32 @p1 $0x1;
	p0 =	seq.s32 s7, s2  }
0x1e: {  	s7 =	smul.u32 @!p0 $0xF7A, s2;
	p2 =	seq.s32 @!p0 s5, $0x0  }
0x1f: {  	s9 =	smul.u32 $0xF7A, s1;
	s8 =	simm.s32 @!p0 $0x1BF5;
	p2 =	por !p2, p0  }
0x20: {  	[sflag:s8] =	ssyncset.s32 @!p0 $0xFFFFF086;
	s6 =	sadd.s32 @!p0 s3, s7;
	s7 =	simm.s32 @!p0 $0x108  }
0x21: {  	s3 =	sadd.s32 s3, s9;
	s6 =	sadd.s32 @!p0 $0x88, s6;
	s7 =	simm.s32 @p2 $0x1082  }
0x22: {  	[simem:s7], [sflag:s8] =	dma.local @!p0 [hbm:s6], $0xF7A  }
0x23: {  	s9 =	sor.u32 $0xD0000000, s2;
	s6 =	simm.s32 $0x108;
	_ =	swait.ge @!p0 [sflag:s8], $0x0  }
0x24: {  	s3 =	sadd.s32 $0x88, s3;
	s6 =	simm.s32 @!p1 $0x1082;
	[sflag:s4] =	ssyncset.s32 $0xFFFFF086  }
0x25: {  	[simem:s6], [sflag:s4] =	dma.local [hbm:s3], $0xF7A  }
0x26: {  	[smem:$0x3F78] =	sst s1;
	(tag) =	ssettag s2;
	_ =	strace s9  }
0x27: {  	s1 =	sld [smem:$0x3F88]  }
0x28: {  	s2 =	sld [smem:$0x3F89]  }
0x29: {  	s4 =	sld [smem:$0x3F8B]  }
0x2a: {  	p0 =	seq.s32 s5, $0x0;
	s5 =	sld [smem:$0x3F8C]  }
0x2b: {  	s6 =	sld [smem:$0x3F8D]  }
0x2c: {  	s7 =	sld [smem:$0x3F8E]  }
0x2d: {  	s3 =	simm.s32 $0x108;
	s8 =	sld [smem:$0x3F8F]  }
0x2e: {  	s3 =	simm.s32 @!p0 $0x1082;
	s9 =	sld [smem:$0x3F90]  }
0x2f: {  	lr =	sadd.s32 s0, s3;
	s0 =	sld [smem:$0x3F87]  }
0x30: {  	s3 =	sld [smem:$0x3F8A]  }
0x31: {  	[smem:$0x3F93] =	sst s10  }
0x32: {  	s10 =	sld [smem:$0x3F91];
	_ =	sdelay $0x3  }
0x33: {  	p0 =	seq.s32 s10, $0x1;
	s10 =	sld [smem:$0x3F93];
	_ =	sdelay $0x3  }
0x34: {  	[smem:$0x3F93] =	sst s10  }
0x35: {  	s10 =	sld [smem:$0x3F92];
	_ =	sdelay $0x3  }
0x36: {  	p1 =	seq.s32 s10, $0x1;
	s10 =	sld [smem:$0x3F93];
	_ =	sdelay $0x3  }
0x37: {  	[smem:$0x3F93] =	sst s10  }
0x38: {  	s10 =	sld [smem:$0x3F94]  }
0x39: {  	_ = 	snop;
	(pc) =	sbr.ind lr, $3  }
0x3a: {  	_ = 	snop  }
0x3b: {  	_ = 	snop  }
0x3c: {  	p2 =	seq.s32 s10, $0x1;
	s10 =	sld [smem:$0x3F93]  }
0x3d: {  	_ =	shalt  }
0x3e: {  	_ =	shalt  }
0x3f: {  	_ =	shalt  }
0x40: {  	_ =	shalt  }
0x41: {  	_ =	shalt  }
0x42: {  	_ =	shalt  }
0x43: {  	_ =	shalt  }
0x44: {  	_ =	shalt  }
0x45: {  	_ =	shalt  }
0x46: {  	_ =	shalt  }
0x47: {  	_ =	shalt  }
0x48: {  	_ =	shalt  }
0x49: {  	_ =	shalt  }
0x4a: {  	_ =	shalt  }
0x4b: {  	_ =	shalt  }
0x4c: {  	_ =	shalt  }
0x4d: {  	_ =	shalt  }
0x4e: {  	_ =	shalt  }
0x4f: {  	_ =	shalt  }
0x50: {  	_ =	shalt  }
0x51: {  	_ =	shalt  }
0x52: {  	_ =	shalt  }
0x53: {  	_ =	shalt  }
0x54: {  	_ =	shalt  }
0x55: {  	_ =	shalt  }
0x56: {  	_ =	shalt  }
0x57: {  	_ =	shalt  }
0x58: {  	_ =	shalt  }
0x59: {  	_ =	shalt  }
0x5a: {  	_ =	shalt  }
0x5b: {  	_ =	shalt  }
0x5c: {  	_ =	shalt  }
0x5d: {  	_ =	shalt  }
0x5e: {  	_ =	shalt  }
0x5f: {  	_ =	shalt  }
0x60: {  	_ =	shalt  }
0x61: {  	_ =	shalt  }
0x62: {  	_ =	shalt  }
0x63: {  	_ =	shalt  }
0x64: {  	_ =	shalt  }
0x65: {  	_ =	shalt  }
0x66: {  	_ =	shalt  }
0x67: {  	_ =	shalt  }
0x68: {  	_ =	shalt  }
0x69: {  	_ =	shalt  }
0x6a: {  	_ =	shalt  }
0x6b: {  	_ =	shalt  }
0x6c: {  	_ =	shalt  }
0x6d: {  	_ =	shalt  }
0x6e: {  	_ =	shalt  }
0x6f: {  	_ =	shalt  }
0x70: {  	_ =	shalt  }
0x71: {  	_ =	shalt  }
0x72: {  	_ =	shalt  }
0x73: {  	_ =	shalt  }
0x74: {  	_ =	shalt  }
0x75: {  	_ =	shalt  }
0x76: {  	_ =	shalt  }
0x77: {  	_ =	shalt  }
0x78: {  	_ =	shalt  }
0x79: {  	_ =	shalt  }
0x7a: {  	_ =	shalt  }
0x7b: {  	_ =	shalt  }
0x7c: {  	_ =	shalt  }
0x7d: {  	_ =	shalt  }
0x7e: {  	_ =	shalt  }
0x7f: {  	_ =	shalt  }
0x80: {  	_ =	shalt  }
0x81: {  	_ =	shalt  }
0x82: {  	_ =	shalt  }
0x83: {  	_ =	shalt  }
0x84: {  	_ =	shalt  }
0x85: {  	_ =	shalt  }
0x86: {  	_ =	shalt  }
0x87: {  	_ =	shalt  }
.Lfunc_end0:
.L_simem_size_0:
called_computation_lowered:
.L_overlay_start_0:
0x88: {  	s2 =	sld [smem:$0x3FD9]  }
0x89: {  	s3 =	sld [smem:$0x3FFE];
	_ =	sdelay $0x1  }
0x8a: {  	s1 =	srdreg.scid  }
0x8b: {  	s0 =	sand.u32 $0x1, s1  }
0x8c: {  	s15 =	sshll.u32 s0, $0xA;
	s2 =	sadd.s32 s3, s2  }
0x8d: {  	s2 =	sadd.s32 s2, s15  }
0x8e: {  	[smem:$0x3F9F] =	sst s2  }
0x8f: {  	_ = 	snop  }
0x90: {  	(tm) =	ssettm $0x1  }
0x91: {  	s16 =	sld [smem:$0x3FFB];
	_ =	sdelay $0x3  }
0x92: {  	_ =	strace s16  }
0x93: {  	s2 =	sld [smem:$0x3FFC];
	_ =	sdelay $0x3  }
0x94: {  	_ =	strace s2  }
0x95: {  	s2 =	sld [smem:$0x3FFD];
	_ =	sdelay $0x3  }
0x96: {  	_ =	strace s2  }
0x97: {  	_ =	strace $0x8FFFFFFF  }
0x98: {  	s17 =	sld [smem:$0x3FDB];
	_ =	sdelay $0x1  }
0x99: {  	s18 =	simm.s32 $_scs_section_size  }
0x9a: {  	s4 =	simm.s32 $_size__tile_overlayer_lowered;
	s5 =	simm.s32 $_tile_overlayer_lowered  }
0x9b: {  	s6 =	simm.s32 $0x1BFF;
	s19 =	sshll.u32 s5, $0x1;
	s3 =	sadd.s32 s18, s17  }
0x9c: {  	s20 =	simm.s32 $0x0;
	s4 =	sshll.u32 s4, $0x1;
	s5 =	sadd.s32 s19, s3  }
0x9d: {  	[timem:s20], [sflag:s6] =	dma.local [hbm:s5], s4  }
0x9e: {  	_ =	swait.ge [sflag:s6], s4  }
0x9f: {  	s4 =	ssub.s32 $0x0, s4;
	[sflag:s6] =	ssyncset.done $0x0  }
0xa0: {  	[sflag:s6] =	ssyncadd.s32 s4;
	_ =	sdelay $0x1  }
0xa1: {  	s21 =	simm.s32 $0x1B8B  }
0xa2: {  	_ =	swait.ge [sflag:s21], $0x1  }
0xa3: {  	[sflag:s21] =	ssyncset.done $0x0  }
0xa4: {  	s22 =	sld [smem:$0x3FFE];
	[sflag:s21] =	ssyncadd.s32 $0xFFFFFFFF  }
0xa5: {  	s24 =	simm.s32 $0x1B8E;
	s23 =	sld [smem:$0x0]  }
0xa6: {  	s25 =	simm.s32 $execute0_lowered;
	[smem:$0x3FD2] =	sst s24  }
0xa7: {  	s6 =	sshll.u32 s25, $0x1;
	_ =	strace $0x80000046;
	[dreg:$0x1] =	wrdreg $0xFFFFFFFF  }
0xa8: {  	s7 =	simm.s32 $_size_execute0_lowered;
	s6 =	sadd.s32 s3, s6;
	[dreg:$0x0] =	wrdreg $0x0  }
0xa9: {  	s7 =	sshll.u32 s7, $0x1;
	[dreg:$0x2] =	wrdreg s6  }
0xaa: {  	[dreg:$0x3] =	wrdreg s7  }
0xab: {  	[dreg:$0x4] =	wrdreg $0xC0  }
0xac: {  	s26 =	simm.s32 $execute1_lowered;
	_ =	task [dreg:s20], $0x5FFFF  }
0xad: {  	s6 =	sshll.u32 s26, $0x1;
	[dreg:$0x1] =	wrdreg $0xFFFFFFFF  }
0xae: {  	s3 =	sadd.s32 s3, s6;
	[dreg:$0x0] =	wrdreg $0x60  }
0xaf: {  	[dreg:$0x2] =	wrdreg s3  }
0xb0: {  	[dreg:$0x3] =	wrdreg s22  }
0xb1: {  	[dreg:$0x4] =	wrdreg $0x9  }
0xb2: {  	_ =	task.clear_ibuf [dreg:s20], $0x5FFFF;
	_ =	strace $0x90000046  }
0xb3: {  	s28 =	simm.s32 $0x9;
	_ =	strace $0x80000048  }
0xb4: {  	_ =	swait.ge [sflag:s28], $0x1  }
0xb5: {  	[sflag:s28] =	ssyncadd.s32 $0xFFFFFFFF  }
0xb6: {  	_ =	strace $0x90000048  }
0xb7: {  	s3 =	sld [smem:$0x0]  }
0xb8: {  	s6 =	sand.u32 $0xFFFFFFFE, s1  }
0xb9: {  	p0 =	sne.s32 s1, s6  }
0xba: {  	s6 =	sshll.u32 @p0 s6, $0xE  }
0xbb: {  	s6 =	sadd.s32 @p0 $0x11BF3, s6;
	s7 =	sshll.u32 @p0 s3, $0x11  }
0xbc: {  	s6 =	sor.u32 @p0 s7, s6  }
0xbd: {  	[sflag:s6] =	ssyncadd.remote.s32 @p0 $0x1;
	_ =	sdelay $0x1  }
0xbe: {  	s6 =	simm.s32 @p0 $0x1BF3  }
0xbf: {  	_ =	swait.eq @p0 [sflag:s6], $0x1  }
0xc0: {  	[sflag:s6] =	ssyncadd.s32 @p0 $0xFFFFFFFF  }
0xc1: {  	s7 =	sshll.u32 @!p0 s1, $0xE  }
0xc2: {  	s7 =	sor.u32 @!p0 $0x4000, s7;
	s6 =	simm.s32 @!p0 $0x1BF3  }
0xc3: {  	s3 =	sshll.u32 @!p0 s3, $0x11;
	s7 =	sadd.s32 @!p0 $0x11BF3, s7;
	_ =	swait.eq @!p0 [sflag:s6], $0x1  }
0xc4: {  	s3 =	sor.u32 @!p0 s3, s7;
	[sflag:s6] =	ssyncadd.s32 @!p0 $0xFFFFFFFF  }
0xc5: {  	[sflag:s3] =	ssyncadd.remote.s32 @!p0 $0x1  }
0xc6: {  	_ =	strace $0x80000049;
	[dreg:$0x1] =	wrdreg $0xFFFFFFFF  }
0xc7: {  	[dreg:$0x0] =	wrdreg $0x2030  }
0xc8: {  	[dreg:$0x2] =	wrdreg s22  }
0xc9: {  	[dreg:$0x3] =	wrdreg s1  }
0xca: {  	[dreg:$0x4] =	wrdreg s23  }
0xcb: {  	[dreg:$0x5] =	wrdreg $0xA  }
0xcc: {  	_ =	task.clear_ibuf [dreg:s20], $0x6FFFF;
	_ =	strace $0x90000049  }
0xcd: {  	s29 =	simm.s32 $0xA;
	_ =	strace $0x8000004B  }
0xce: {  	_ =	swait.ge [sflag:s29], $0x1  }
0xcf: {  	[sflag:s29] =	ssyncadd.s32 $0xFFFFFFFF  }
0xd0: {  	_ =	strace $0x9000004B  }
0xd1: {  	_ =	sfence  }
0xd2: {  	s30 =	sld [smem:$0x0];
	_ =	sdelay $0x2  }
0xd3: {  	s31 =	sshll.u32 s1, $0xD;
	s1 =	sshrl.u32 s1, $0x2  }
0xd4: {  	s4 =	sand.u32 $0x4000, s31;
	s1 =	sadd.s32 s1, s30  }
0xd5: {  	s0 =	sor.u32 s4, s0;
	s1 =	sshll.u32 s1, $0x11  }
0xd6: {  	s0 =	sor.u32 s1, s0  }
0xd7: {  	s0 =	sadd.s32 $0x8F2B, s0  }
0xd8: {  	[sflag:s0] =	ssyncadd.remote.s32 $0x1  }
0xd9: {  	_ =	sfence.sel $0xFFFF  }
0xda: {  	[dreg:$0x0] =	wrdreg $0xFFFFFFFF;
	(pc) =	sbr.abs _section_cstart, $3  }
0xdb: {  	[dreg:$0x1] =	wrdreg $0xFFFFFFFF  }
0xdc: {  	_ =	task.clear_ibuf [dreg:s20], $0x2FFFF;
	_ =	strace $0x9FFFFFFF  }
0xdd: {  	(tm) =	ssettm $0x7FFFFFFF  }
tec
execute0_lowered:
.L_overlay_start_1:
0x0: {  	(tag) =	ssettag $0x1  }
0x1: {  	s2 =	rddreg [dreg:$0x0]  }
0x2: {  	s3 =	rddreg [dreg:$0x1]  }
0x3: {  	s0 =	rddreg [dreg:$0x2];
	s4 =	stileid.u32;
	[bflag:$0x3] =	sbarrier.arrive $0xFFFF  }
0x4: {  	s1 =	simm.s32 $_size_execute1_lowered;
	s29 =	srdreg.scid;
	p0 =	sne.s32 s4, $0x0  }
0x5: {  	s1 =	sshll.u32 s1, $0x1;
	s5 =	simm.s32 @!p0 $0x1C3F;
	s6 =	simm.s32 @!p0 $0x4060  }
0x6: {  	[timem:s6], [sflag:s5] =	dma.local @!p0 [hbm:s2], s1  }
0x7: {  	s8 =	simm.s32 $0x2;
	s12 =	simm.s32 $0x0;
	s2 =	sshll.u32 s29, $0x6  }
0x8: {  	s9 =	simm.s32 $0x80;
	s4 =	sshll.u32 s4, $0x7;
	s2 =	sand.u32 $0x40, s2  }
0x9: {  	s10 =	simm.s32 $0x0;
	s11 =	simm.s32 $0x0;
	s2 =	sor.u32 s4, s2  }
0xa: {  	_ =	strace $0x80000047;
	s4 =	sshll.u32 s2, $0x4;
	s31 =	ssub.s32 $0x800, s2  }
.Ltmp0:
0xb: {  	s30 =	sadd.s32 s4, s3;
	s7 =	sand.u32 $0x7C0, s31;
	(pc) =	sbr.rel .LBB2_1-.Ltmp0, $4  }
0xc: {  	s3 =	sadd.s32 $0x124600, s3;
	p1 =	sne.s32 s7, $0x0;
	s7 =	simm.s32 $0x1  }
0xd: {  	s4 =	simm.s32 $0x1;
	s5 =	sshrl.u32 s31, $0xB;
	s7 =	simm.s32 @!p1 $0x0  }
0xe: {  	[sflag:s4] =	ssyncpa.u1 $0x0;
	s6 =	sadd.s32 $0x11C600, s30;
	s5 =	sadd.s32 s7, s5  }
0xf: {  	[sflag:s8] =	ssyncpa.u1 $0x0;
	s8 =	simm.s32 $0x20;
	s7 =	sadd.s32 $0x1, s5  }
.LBB2_4:
0x10: {  	_ =	sdelay $0x2  }
0x11: {  	s12 =	sshll.u32 s12, $0x4  }
0x12: {  	[tilespmem:v1+s13+$0x0 ss:$0x1] =	vst.idx.msk $0xffff, v2;
	s12 =	sand.u32 $0x7FF0, s12  }
0x13: {  	[tilespmem:v1+s13+$0xFFFFFFF0 ss:$0x1] =	vst.idx.msk $0xffff, v3;
	s12 =	sadd.s32 s3, s12  }
0x14: {  	[hbm4b:s12+s8] =	stream.strided.scatter [tilespmem:s14], [sflag:$0x2], $0x800, s9, s8, $0x38;
	[tilespmem:$0x2000] =	vst v63  }
.LBB2_5:
0x15: {  	p2 =	sne.s32 s11, s7  }
.Ltmp1:
0x16: {  	p1 =	slt.u32 s11, $0x2;
	(pc) =	sbr.rel @!p2 .LBB2_6-.Ltmp1, $4  }
0x17: {  	s12 =	simm.s32 @!p1 $0x2  }
0x18: {  	_ =	swait.ge @!p1 [sflag:s12], $0x800  }
0x19: {  	s13 =	sadd.s32 $0x1, s11;
	s10 =	sadd.s32 $0x800, s10;
	[sflag:s12] =	ssyncset.done @!p1 $0x0  }
0x1a: {  	s11 =	smov.u32 s13;
	[sflag:s12] =	ssyncadd.s32 @!p1 $0xFFFFF800;
	s12 =	smov.u32 s2  }
.LBB2_1:
0x1b: {  	p1 =	sge.u32 s11, s5  }
0x1c: {  	s13 =	sxor.u32 @!p1 $0xFFFFFFFF, s11  }
0x1d: {  	s31 =	sadd.s32 $0xFFFFFFFF, s11;
	s13 =	sshll.u32 @!p1 s13, $0xB  }
0x1e: {  	s14 =	simm.s32 @!p1 $0x20;
	s15 =	simm.s32 @!p1 $0x80;
	s13 =	sand.u32 @!p1 $0x800, s13  }
0x1f: {  	[tilespmem:s13], [sflag:$0x1] =	stream.strided.gather @!p1 [hbm4b:s6+s14], $0x800, s15, s14, $0x38;
	[tilespmem:$0x2000] =	vst v63  }
0x20: {  	p1 =	sge.u32 s31, s5  }
.Ltmp2:
0x21: {  	_ = 	snop;
	(pc) =	sbr.rel @p1 .LBB2_5-.Ltmp2, $1  }
0x22: {  	_ =	sdelay $0x3  }
0x23: {  	s14 =	sand.u32 $0x800, s10  }
0x24: {  	s13 =	sor.u32 $0x10, s14  }
0x25: {  	v0 =	vmov s13;
	_ =	sdelay $0x1  }
0x26: {  	_ =	swait.ge [sflag:s4], $0x800  }
0x27: {  	[sflag:s4] =	ssyncset.done $0x0  }
0x28: {  	s15 =	sshll.u32 s11, $0xB;
	[sflag:s4] =	ssyncadd.s32 $0xFFFFF800;
	s13 =	simm.s32 $0x0  }
0x29: {  	s16 =	sor.u32 $0x1010, s14;
	s31 =	sand.u32 $0x800, s15;
	v2 =	vld.idx.msk [tilespmem:v0+s13+$0x0 ss:$0x1], $0xffff  }
0x2a: {  	s15 =	simm.s32 $0x80;
	s14 =	sor.u32 $0x1000, s31;
	v1 =	vmov s16;
	v3 =	vld.idx.msk [tilespmem:v0+s13+$0xFFFFFFF0 ss:$0x1], $0xffff  }
.LBB2_3:
0x2b: {  	p1 =	sne.s32 s15, $0x1F80  }
.Ltmp3:
0x2c: {  	_ = 	snop;
	(pc) =	sbr.rel @p1 .LBB2_3-.Ltmp3, $4  }
0x2d: {  	_ = 	snop  }
0x2e: {  	s16 =	sshra.s32 s15, $0x2;
	s15 =	sadd.s32 $0x80, s15  }
0x2f: {  	[tilespmem:v1+s13+$0x0 ss:$0x1] =	vst.idx.msk $0xffff, v2;
	v2 =	vld.idx.msk [tilespmem:v0+s16+$0x0 ss:$0x1], $0xffff  }
0x30: {  	[tilespmem:v1+s13+$0xFFFFFFF0 ss:$0x1] =	vst.idx.msk $0xffff, v3;
	v3 =	vld.idx.msk [tilespmem:v0+s16+$0xFFFFFFF0 ss:$0x1], $0xffff;
	s13 =	smov.u32 s16  }
.Ltmp4:
0x31: {  	_ = 	snop;
	(pc) =	sbr.rel .LBB2_4-.Ltmp4, $1  }
0x32: {  	_ =	sdelay $0x3  }
.LBB2_6:
0x33: {  	_ =	sfence.sel $0x180000  }
0x34: {  	s2 =	simm.s32 $0x1;
	[bflag:$0x0] =	sbarrier.arrive $0xFFFF  }
0x35: {  	s31 =	simm.s32 $0x2;
	[sflag:s2] =	ssyncpa.u1 $0x1  }
0x36: {  	[sflag:s31] =	ssyncpa.u1 $0x1  }
0x37: {  	_ =	strace $0x90000047  }
0x38: {  	s0 =	sadd.s32 @!p0 $0x100000, s0;
	[bflag:$0x2] =	sbarrier.arrive $0xFFFF  }
0x39: {  	[sflag:s0] =	ssyncadd.tile.s32 @!p0 $0x1;
	s0 =	simm.s32 @!p0 $0x3F  }
0x3a: {  	_ =	swait.ge @!p0 [sflag:s0], s1  }
0x3b: {  	s1 =	ssub.s32 @!p0 $0x0, s1;
	[sflag:s0] =	ssyncset.done @!p0 $0x0  }
0x3c: {  	[sflag:s0] =	ssyncadd.s32 @!p0 s1  }
0x3d: {  	[bflag:$0x3] =	sbarrier.arrive $0xFFFF  }
0x3e: {  	_ =	shalt  }
.Lfunc_end2:
execute1_lowered:
.L_overlay_start_2:
0x3f: {  	(tag) =	ssettag $0x2  }
0x40: {  	s7 =	rddreg [dreg:$0x0]  }
0x41: {  	s2 =	rddreg [dreg:$0x1];
	_ =	strace $0x8000004A;
	s3 =	simm.s32 $0x1  }
0x42: {  	v0 =	vimm.s32 $0x0;
	[sflag:s3] =	ssyncpa.u1 $0x0  }
0x43: {  	[tilespmem:$0x48] =	vst v0  }
0x44: {  	[tilespmem:$0x58] =	vst v0  }
0x45: {  	[tilespmem:$0x68] =	vst v0  }
0x46: {  	[tilespmem:$0x78] =	vst v0  }
0x47: {  	[tilespmem:$0x88] =	vst v0  }
0x48: {  	[tilespmem:$0x98] =	vst v0  }
0x49: {  	[tilespmem:$0xA8] =	vst v0  }
0x4a: {  	[tilespmem:$0xB8] =	vst v0  }
0x4b: {  	[tilespmem:$0xC8] =	vst v0  }
0x4c: {  	[tilespmem:$0xD8] =	vst v0  }
0x4d: {  	[tilespmem:$0xE8] =	vst v0  }
0x4e: {  	[tilespmem:$0xF8] =	vst v0  }
0x4f: {  	[tilespmem:$0x108] =	vst v0  }
0x50: {  	[tilespmem:$0x118] =	vst v0  }
0x51: {  	[tilespmem:$0x128] =	vst v0  }
0x52: {  	[tilespmem:$0x138] =	vst v0  }
0x53: {  	[tilespmem:$0x148] =	vst v0  }
0x54: {  	[tilespmem:$0x158] =	vst v0  }
0x55: {  	[tilespmem:$0x168] =	vst v0  }
0x56: {  	[tilespmem:$0x178] =	vst v0  }
0x57: {  	[tilespmem:$0x188] =	vst v0  }
0x58: {  	[tilespmem:$0x198] =	vst v0  }
0x59: {  	[tilespmem:$0x1A8] =	vst v0  }
0x5a: {  	[tilespmem:$0x1B8] =	vst v0  }
0x5b: {  	[tilespmem:$0x1C8] =	vst v0  }
0x5c: {  	[tilespmem:$0x1D8] =	vst v0  }
0x5d: {  	[tilespmem:$0x1E8] =	vst v0  }
0x5e: {  	[tilespmem:$0x1F8] =	vst v0  }
0x5f: {  	[tilespmem:$0x208] =	vst v0  }
0x60: {  	[tilespmem:$0x218] =	vst v0  }
0x61: {  	[tilespmem:$0x228] =	vst v0  }
0x62: {  	[tilespmem:$0x238] =	vst v0  }
0x63: {  	[tilespmem:$0x248] =	vst v0  }
0x64: {  	[tilespmem:$0x258] =	vst v0  }
0x65: {  	[tilespmem:$0x268] =	vst v0  }
0x66: {  	[tilespmem:$0x278] =	vst v0  }
0x67: {  	[tilespmem:$0x288] =	vst v0  }
0x68: {  	[tilespmem:$0x298] =	vst v0  }
0x69: {  	[tilespmem:$0x2A8] =	vst v0  }
0x6a: {  	[tilespmem:$0x2B8] =	vst v0  }
0x6b: {  	[tilespmem:$0x2C8] =	vst v0  }
0x6c: {  	[tilespmem:$0x2D8] =	vst v0  }
0x6d: {  	[tilespmem:$0x2E8] =	vst v0  }
0x6e: {  	[tilespmem:$0x2F8] =	vst v0  }
0x6f: {  	[tilespmem:$0x308] =	vst v0  }
0x70: {  	[tilespmem:$0x318] =	vst v0  }
0x71: {  	[tilespmem:$0x328] =	vst v0  }
0x72: {  	[tilespmem:$0x338] =	vst v0  }
0x73: {  	[tilespmem:$0x348] =	vst v0  }
0x74: {  	[tilespmem:$0x358] =	vst v0  }
0x75: {  	[tilespmem:$0x368] =	vst v0  }
0x76: {  	[tilespmem:$0x378] =	vst v0  }
0x77: {  	[tilespmem:$0x388] =	vst v0  }
0x78: {  	[tilespmem:$0x398] =	vst v0  }
0x79: {  	[tilespmem:$0x3A8] =	vst v0  }
0x7a: {  	[tilespmem:$0x3B8] =	vst v0  }
0x7b: {  	[tilespmem:$0x3C8] =	vst v0  }
0x7c: {  	[tilespmem:$0x3D8] =	vst v0  }
0x7d: {  	[tilespmem:$0x3E8] =	vst v0  }
0x7e: {  	[tilespmem:$0x3F8] =	vst v0  }
0x7f: {  	[tilespmem:$0x408] =	vst v0  }
0x80: {  	[tilespmem:$0x418] =	vst v0  }
0x81: {  	[tilespmem:$0x428] =	vst v0  }
0x82: {  	[tilespmem:$0x438] =	vst v0  }
0x83: {  	[tilespmem:$0x448] =	vst v0  }
0x84: {  	[tilespmem:$0x458] =	vst v0  }
0x85: {  	[tilespmem:$0x468] =	vst v0  }
0x86: {  	[tilespmem:$0x478] =	vst v0  }
0x87: {  	[tilespmem:$0x488] =	vst v0  }
0x88: {  	[tilespmem:$0x498] =	vst v0  }
0x89: {  	[tilespmem:$0x4A8] =	vst v0  }
0x8a: {  	[tilespmem:$0x4B8] =	vst v0  }
0x8b: {  	[tilespmem:$0x4C8] =	vst v0  }
0x8c: {  	[tilespmem:$0x4D8] =	vst v0  }
0x8d: {  	[tilespmem:$0x4E8] =	vst v0  }
0x8e: {  	[tilespmem:$0x4F8] =	vst v0  }
0x8f: {  	[tilespmem:$0x508] =	vst v0  }
0x90: {  	[tilespmem:$0x518] =	vst v0  }
0x91: {  	[tilespmem:$0x528] =	vst v0  }
0x92: {  	[tilespmem:$0x538] =	vst v0  }
0x93: {  	[tilespmem:$0x548] =	vst v0  }
0x94: {  	[tilespmem:$0x558] =	vst v0  }
0x95: {  	[tilespmem:$0x568] =	vst v0  }
0x96: {  	[tilespmem:$0x578] =	vst v0  }
0x97: {  	[tilespmem:$0x588] =	vst v0  }
0x98: {  	[tilespmem:$0x598] =	vst v0  }
0x99: {  	[tilespmem:$0x5A8] =	vst v0  }
0x9a: {  	[tilespmem:$0x5B8] =	vst v0  }
0x9b: {  	[tilespmem:$0x5C8] =	vst v0  }
0x9c: {  	[tilespmem:$0x5D8] =	vst v0  }
0x9d: {  	[tilespmem:$0x5E8] =	vst v0  }
0x9e: {  	[tilespmem:$0x5F8] =	vst v0  }
0x9f: {  	[tilespmem:$0x608] =	vst v0  }
0xa0: {  	[tilespmem:$0x618] =	vst v0  }
0xa1: {  	[tilespmem:$0x628] =	vst v0  }
0xa2: {  	[tilespmem:$0x638] =	vst v0  }
0xa3: {  	[tilespmem:$0x648] =	vst v0  }
0xa4: {  	[tilespmem:$0x658] =	vst v0  }
0xa5: {  	[tilespmem:$0x668] =	vst v0  }
0xa6: {  	[tilespmem:$0x678] =	vst v0  }
0xa7: {  	[tilespmem:$0x688] =	vst v0  }
0xa8: {  	[tilespmem:$0x698] =	vst v0  }
0xa9: {  	[tilespmem:$0x6A8] =	vst v0  }
0xaa: {  	[tilespmem:$0x6B8] =	vst v0  }
0xab: {  	[tilespmem:$0x6C8] =	vst v0  }
0xac: {  	[tilespmem:$0x6D8] =	vst v0  }
0xad: {  	[tilespmem:$0x6E8] =	vst v0  }
0xae: {  	[tilespmem:$0x6F8] =	vst v0  }
0xaf: {  	[tilespmem:$0x708] =	vst v0  }
0xb0: {  	[tilespmem:$0x718] =	vst v0  }
0xb1: {  	[tilespmem:$0x728] =	vst v0  }
0xb2: {  	[tilespmem:$0x738] =	vst v0  }
0xb3: {  	[tilespmem:$0x748] =	vst v0  }
0xb4: {  	[tilespmem:$0x758] =	vst v0  }
0xb5: {  	[tilespmem:$0x768] =	vst v0  }
0xb6: {  	[tilespmem:$0x778] =	vst v0  }
0xb7: {  	[tilespmem:$0x788] =	vst v0  }
0xb8: {  	[tilespmem:$0x798] =	vst v0  }
0xb9: {  	[tilespmem:$0x7A8] =	vst v0  }
0xba: {  	[tilespmem:$0x7B8] =	vst v0  }
0xbb: {  	[tilespmem:$0x7C8] =	vst v0  }
0xbc: {  	[tilespmem:$0x7D8] =	vst v0  }
0xbd: {  	[tilespmem:$0x7E8] =	vst v0  }
0xbe: {  	[tilespmem:$0x7F8] =	vst v0  }
0xbf: {  	[tilespmem:$0x808] =	vst v0  }
0xc0: {  	[tilespmem:$0x818] =	vst v0  }
0xc1: {  	[tilespmem:$0x828] =	vst v0  }
0xc2: {  	[tilespmem:$0x838] =	vst v0  }
0xc3: {  	[tilespmem:$0x848] =	vst v0  }
0xc4: {  	[tilespmem:$0x858] =	vst v0  }
0xc5: {  	[tilespmem:$0x868] =	vst v0  }
0xc6: {  	[tilespmem:$0x878] =	vst v0  }
0xc7: {  	[tilespmem:$0x888] =	vst v0  }
0xc8: {  	[tilespmem:$0x898] =	vst v0  }
0xc9: {  	[tilespmem:$0x8A8] =	vst v0  }
0xca: {  	[tilespmem:$0x8B8] =	vst v0  }
0xcb: {  	[tilespmem:$0x8C8] =	vst v0  }
0xcc: {  	[tilespmem:$0x8D8] =	vst v0  }
0xcd: {  	[tilespmem:$0x8E8] =	vst v0  }
0xce: {  	[tilespmem:$0x8F8] =	vst v0  }
0xcf: {  	[tilespmem:$0x908] =	vst v0  }
0xd0: {  	[tilespmem:$0x918] =	vst v0  }
0xd1: {  	[tilespmem:$0x928] =	vst v0  }
0xd2: {  	[tilespmem:$0x938] =	vst v0  }
0xd3: {  	[tilespmem:$0x948] =	vst v0  }
0xd4: {  	[tilespmem:$0x958] =	vst v0  }
0xd5: {  	[tilespmem:$0x968] =	vst v0  }
0xd6: {  	[tilespmem:$0x978] =	vst v0  }
0xd7: {  	[tilespmem:$0x988] =	vst v0  }
0xd8: {  	[tilespmem:$0x998] =	vst v0  }
0xd9: {  	[tilespmem:$0x9A8] =	vst v0  }
0xda: {  	[tilespmem:$0x9B8] =	vst v0  }
0xdb: {  	[tilespmem:$0x9C8] =	vst v0  }
0xdc: {  	[tilespmem:$0x9D8] =	vst v0  }
0xdd: {  	[tilespmem:$0x9E8] =	vst v0  }
0xde: {  	[tilespmem:$0x9F8] =	vst v0  }
0xdf: {  	[tilespmem:$0xA08] =	vst v0  }
0xe0: {  	[tilespmem:$0xA18] =	vst v0  }
0xe1: {  	[tilespmem:$0xA28] =	vst v0  }
0xe2: {  	[tilespmem:$0xA38] =	vst v0  }
0xe3: {  	[tilespmem:$0xA48] =	vst v0  }
0xe4: {  	[tilespmem:$0xA58] =	vst v0  }
0xe5: {  	[tilespmem:$0xA68] =	vst v0  }
0xe6: {  	[tilespmem:$0xA78] =	vst v0  }
0xe7: {  	[tilespmem:$0xA88] =	vst v0  }
0xe8: {  	[tilespmem:$0xA98] =	vst v0  }
0xe9: {  	[tilespmem:$0xAA8] =	vst v0  }
0xea: {  	[tilespmem:$0xAB8] =	vst v0  }
0xeb: {  	[tilespmem:$0xAC8] =	vst v0  }
0xec: {  	[tilespmem:$0xAD8] =	vst v0  }
0xed: {  	[tilespmem:$0xAE8] =	vst v0  }
0xee: {  	[tilespmem:$0xAF8] =	vst v0  }
0xef: {  	[tilespmem:$0xB08] =	vst v0  }
0xf0: {  	[tilespmem:$0xB18] =	vst v0  }
0xf1: {  	[tilespmem:$0xB28] =	vst v0  }
0xf2: {  	[tilespmem:$0xB38] =	vst v0  }
0xf3: {  	[tilespmem:$0xB48] =	vst v0  }
0xf4: {  	[tilespmem:$0xB58] =	vst v0  }
0xf5: {  	[tilespmem:$0xB68] =	vst v0  }
0xf6: {  	[tilespmem:$0xB78] =	vst v0  }
0xf7: {  	[tilespmem:$0xB88] =	vst v0  }
0xf8: {  	[tilespmem:$0xB98] =	vst v0  }
0xf9: {  	[tilespmem:$0xBA8] =	vst v0  }
0xfa: {  	[tilespmem:$0xBB8] =	vst v0  }
0xfb: {  	[tilespmem:$0xBC8] =	vst v0  }
0xfc: {  	[tilespmem:$0xBD8] =	vst v0  }
0xfd: {  	[tilespmem:$0xBE8] =	vst v0  }
0xfe: {  	[tilespmem:$0xBF8] =	vst v0  }
0xff: {  	[tilespmem:$0xC08] =	vst v0  }
0x100: {  	[tilespmem:$0xC18] =	vst v0  }
0x101: {  	[tilespmem:$0xC28] =	vst v0  }
0x102: {  	[tilespmem:$0xC38] =	vst v0  }
0x103: {  	[tilespmem:$0xC48] =	vst v0  }
0x104: {  	[tilespmem:$0xC58] =	vst v0  }
0x105: {  	[tilespmem:$0xC68] =	vst v0  }
0x106: {  	[tilespmem:$0xC78] =	vst v0  }
0x107: {  	[tilespmem:$0xC88] =	vst v0  }
0x108: {  	[tilespmem:$0xC98] =	vst v0  }
0x109: {  	[tilespmem:$0xCA8] =	vst v0  }
0x10a: {  	[tilespmem:$0xCB8] =	vst v0  }
0x10b: {  	[tilespmem:$0xCC8] =	vst v0  }
0x10c: {  	[tilespmem:$0xCD8] =	vst v0  }
0x10d: {  	[tilespmem:$0xCE8] =	vst v0  }
0x10e: {  	[tilespmem:$0xCF8] =	vst v0  }
0x10f: {  	[tilespmem:$0xD08] =	vst v0  }
0x110: {  	[tilespmem:$0xD18] =	vst v0  }
0x111: {  	[tilespmem:$0xD28] =	vst v0  }
0x112: {  	[tilespmem:$0xD38] =	vst v0  }
0x113: {  	[tilespmem:$0xD48] =	vst v0  }
0x114: {  	[tilespmem:$0xD58] =	vst v0  }
0x115: {  	[tilespmem:$0xD68] =	vst v0  }
0x116: {  	[tilespmem:$0xD78] =	vst v0  }
0x117: {  	[tilespmem:$0xD88] =	vst v0  }
0x118: {  	[tilespmem:$0xD98] =	vst v0  }
0x119: {  	[tilespmem:$0xDA8] =	vst v0  }
0x11a: {  	[tilespmem:$0xDB8] =	vst v0  }
0x11b: {  	[tilespmem:$0xDC8] =	vst v0  }
0x11c: {  	[tilespmem:$0xDD8] =	vst v0  }
0x11d: {  	[tilespmem:$0xDE8] =	vst v0  }
0x11e: {  	[tilespmem:$0xDF8] =	vst v0  }
0x11f: {  	[tilespmem:$0xE08] =	vst v0  }
0x120: {  	[tilespmem:$0xE18] =	vst v0  }
0x121: {  	[tilespmem:$0xE28] =	vst v0  }
0x122: {  	[tilespmem:$0xE38] =	vst v0  }
0x123: {  	[tilespmem:$0xE48] =	vst v0  }
0x124: {  	[tilespmem:$0xE58] =	vst v0  }
0x125: {  	[tilespmem:$0xE68] =	vst v0  }
0x126: {  	[tilespmem:$0xE78] =	vst v0  }
0x127: {  	[tilespmem:$0xE88] =	vst v0  }
0x128: {  	[tilespmem:$0xE98] =	vst v0  }
0x129: {  	[tilespmem:$0xEA8] =	vst v0  }
0x12a: {  	[tilespmem:$0xEB8] =	vst v0  }
0x12b: {  	[tilespmem:$0xEC8] =	vst v0  }
0x12c: {  	[tilespmem:$0xED8] =	vst v0  }
0x12d: {  	[tilespmem:$0xEE8] =	vst v0  }
0x12e: {  	[tilespmem:$0xEF8] =	vst v0  }
0x12f: {  	[tilespmem:$0xF08] =	vst v0  }
0x130: {  	[tilespmem:$0xF18] =	vst v0  }
0x131: {  	[tilespmem:$0xF28] =	vst v0  }
0x132: {  	[tilespmem:$0xF38] =	vst v0  }
0x133: {  	[tilespmem:$0xF48] =	vst v0  }
0x134: {  	[tilespmem:$0xF58] =	vst v0  }
0x135: {  	[tilespmem:$0xF68] =	vst v0  }
0x136: {  	[tilespmem:$0xF78] =	vst v0  }
0x137: {  	[tilespmem:$0xF88] =	vst v0  }
0x138: {  	[tilespmem:$0xF98] =	vst v0  }
0x139: {  	[tilespmem:$0xFA8] =	vst v0  }
0x13a: {  	[tilespmem:$0xFB8] =	vst v0  }
0x13b: {  	[tilespmem:$0xFC8] =	vst v0  }
0x13c: {  	[tilespmem:$0xFD8] =	vst v0  }
0x13d: {  	[tilespmem:$0xFE8] =	vst v0  }
0x13e: {  	[tilespmem:$0xFF8] =	vst v0  }
0x13f: {  	[tilespmem:$0x1008] =	vst v0  }
0x140: {  	[tilespmem:$0x1018] =	vst v0  }
0x141: {  	[tilespmem:$0x1028] =	vst v0  }
0x142: {  	[tilespmem:$0x1168] =	vst v0  }
0x143: {  	[tilespmem:$0x1038] =	vst v0  }
0x144: {  	[tilespmem:$0x1048] =	vst v0  }
0x145: {  	[tilespmem:$0x1058] =	vst v0  }
0x146: {  	[tilespmem:$0x1068] =	vst v0  }
0x147: {  	[tilespmem:$0x1078] =	vst v0  }
0x148: {  	[tilespmem:$0x1088] =	vst v0  }
0x149: {  	[tilespmem:$0x1098] =	vst v0  }
0x14a: {  	[tilespmem:$0x10A8] =	vst v0  }
0x14b: {  	[tilespmem:$0x10B8] =	vst v0  }
0x14c: {  	[tilespmem:$0x10C8] =	vst v0  }
0x14d: {  	[tilespmem:$0x10D8] =	vst v0  }
0x14e: {  	[tilespmem:$0x10E8] =	vst v0  }
0x14f: {  	[tilespmem:$0x10F8] =	vst v0  }
0x150: {  	[tilespmem:$0x1108] =	vst v0  }
0x151: {  	[tilespmem:$0x1118] =	vst v0  }
0x152: {  	[tilespmem:$0x1128] =	vst v0  }
0x153: {  	[tilespmem:$0x1138] =	vst v0  }
0x154: {  	[tilespmem:$0x1148] =	vst v0  }
0x155: {  	[tilespmem:$0x1158] =	vst v0  }
0x156: {  	[tilespmem:$0x1178] =	vst v0  }
0x157: {  	[tilespmem:$0x1188] =	vst v0  }
0x158: {  	[tilespmem:$0x1198] =	vst v0  }
0x159: {  	[tilespmem:$0x11A8] =	vst v0  }
0x15a: {  	[tilespmem:$0x11B8] =	vst v0  }
0x15b: {  	[tilespmem:$0x11C8] =	vst v0  }
0x15c: {  	[tilespmem:$0x11D8] =	vst v0  }
0x15d: {  	[tilespmem:$0x11E8] =	vst v0  }
0x15e: {  	[tilespmem:$0x11F8] =	vst v0  }
0x15f: {  	[tilespmem:$0x1208] =	vst v0  }
0x160: {  	[tilespmem:$0x1218] =	vst v0  }
0x161: {  	[tilespmem:$0x1228] =	vst v0  }
0x162: {  	[tilespmem:$0x1238] =	vst v0  }
0x163: {  	[tilespmem:$0x1248] =	vst v0  }
0x164: {  	[tilespmem:$0x1258] =	vst v0  }
0x165: {  	[tilespmem:$0x1268] =	vst v0  }
0x166: {  	[tilespmem:$0x1278] =	vst v0  }
0x167: {  	[tilespmem:$0x1288] =	vst v0  }
0x168: {  	[tilespmem:$0x1298] =	vst v0  }
0x169: {  	[tilespmem:$0x12A8] =	vst v0  }
0x16a: {  	[tilespmem:$0x12B8] =	vst v0  }
0x16b: {  	[tilespmem:$0x12C8] =	vst v0  }
0x16c: {  	[tilespmem:$0x12D8] =	vst v0  }
0x16d: {  	[tilespmem:$0x12E8] =	vst v0  }
0x16e: {  	[tilespmem:$0x12F8] =	vst v0  }
0x16f: {  	[tilespmem:$0x1308] =	vst v0  }
0x170: {  	[tilespmem:$0x1318] =	vst v0  }
0x171: {  	[tilespmem:$0x1328] =	vst v0  }
0x172: {  	[tilespmem:$0x1338] =	vst v0  }
0x173: {  	[tilespmem:$0x1348] =	vst v0  }
0x174: {  	[tilespmem:$0x1358] =	vst v0  }
0x175: {  	[tilespmem:$0x1368] =	vst v0  }
0x176: {  	[tilespmem:$0x1378] =	vst v0  }
0x177: {  	[tilespmem:$0x1388] =	vst v0  }
0x178: {  	[tilespmem:$0x1398] =	vst v0  }
0x179: {  	[tilespmem:$0x13A8] =	vst v0  }
0x17a: {  	[tilespmem:$0x13B8] =	vst v0  }
0x17b: {  	[tilespmem:$0x13C8] =	vst v0  }
0x17c: {  	[tilespmem:$0x13D8] =	vst v0  }
0x17d: {  	[tilespmem:$0x13E8] =	vst v0  }
0x17e: {  	[tilespmem:$0x13F8] =	vst v0  }
0x17f: {  	[tilespmem:$0x1408] =	vst v0  }
0x180: {  	[tilespmem:$0x1418] =	vst v0  }
0x181: {  	[tilespmem:$0x1428] =	vst v0  }
0x182: {  	[tilespmem:$0x1438] =	vst v0  }
0x183: {  	[tilespmem:$0x1448] =	vst v0  }
0x184: {  	[tilespmem:$0x1458] =	vst v0  }
0x185: {  	[tilespmem:$0x1468] =	vst v0  }
0x186: {  	[tilespmem:$0x1478] =	vst v0  }
0x187: {  	[tilespmem:$0x1488] =	vst v0  }
0x188: {  	[tilespmem:$0x1498] =	vst v0  }
0x189: {  	[tilespmem:$0x14A8] =	vst v0  }
0x18a: {  	[tilespmem:$0x14B8] =	vst v0  }
0x18b: {  	[tilespmem:$0x14C8] =	vst v0  }
0x18c: {  	[tilespmem:$0x14D8] =	vst v0  }
0x18d: {  	[tilespmem:$0x14E8] =	vst v0  }
0x18e: {  	[tilespmem:$0x14F8] =	vst v0  }
0x18f: {  	[tilespmem:$0x1508] =	vst v0  }
0x190: {  	[tilespmem:$0x1518] =	vst v0  }
0x191: {  	[tilespmem:$0x1528] =	vst v0  }
0x192: {  	[tilespmem:$0x1538] =	vst v0  }
0x193: {  	[tilespmem:$0x1548] =	vst v0  }
0x194: {  	[tilespmem:$0x1558] =	vst v0  }
0x195: {  	[tilespmem:$0x1568] =	vst v0  }
0x196: {  	[tilespmem:$0x1578] =	vst v0  }
0x197: {  	[tilespmem:$0x1588] =	vst v0  }
0x198: {  	[tilespmem:$0x1598] =	vst v0  }
0x199: {  	[tilespmem:$0x15A8] =	vst v0  }
0x19a: {  	[tilespmem:$0x15B8] =	vst v0  }
0x19b: {  	[tilespmem:$0x15C8] =	vst v0  }
0x19c: {  	[tilespmem:$0x15D8] =	vst v0  }
0x19d: {  	[tilespmem:$0x15E8] =	vst v0  }
0x19e: {  	[tilespmem:$0x15F8] =	vst v0  }
0x19f: {  	[tilespmem:$0x1608] =	vst v0  }
0x1a0: {  	[tilespmem:$0x1618] =	vst v0  }
0x1a1: {  	[tilespmem:$0x1628] =	vst v0  }
0x1a2: {  	[tilespmem:$0x1638] =	vst v0  }
0x1a3: {  	[tilespmem:$0x1648] =	vst v0  }
0x1a4: {  	[tilespmem:$0x1658] =	vst v0  }
0x1a5: {  	[tilespmem:$0x1668] =	vst v0  }
0x1a6: {  	[tilespmem:$0x1678] =	vst v0  }
0x1a7: {  	[tilespmem:$0x1688] =	vst v0  }
0x1a8: {  	[tilespmem:$0x1698] =	vst v0  }
0x1a9: {  	[tilespmem:$0x16A8] =	vst v0  }
0x1aa: {  	[tilespmem:$0x16B8] =	vst v0  }
0x1ab: {  	[tilespmem:$0x16C8] =	vst v0  }
0x1ac: {  	[tilespmem:$0x16D8] =	vst v0  }
0x1ad: {  	[tilespmem:$0x16E8] =	vst v0  }
0x1ae: {  	[tilespmem:$0x16F8] =	vst v0  }
0x1af: {  	[tilespmem:$0x1708] =	vst v0  }
0x1b0: {  	[tilespmem:$0x1718] =	vst v0  }
0x1b1: {  	[tilespmem:$0x1728] =	vst v0  }
0x1b2: {  	[tilespmem:$0x1738] =	vst v0  }
0x1b3: {  	[tilespmem:$0x1748] =	vst v0  }
0x1b4: {  	[tilespmem:$0x1758] =	vst v0  }
0x1b5: {  	[tilespmem:$0x1768] =	vst v0  }
0x1b6: {  	[tilespmem:$0x1778] =	vst v0  }
0x1b7: {  	[tilespmem:$0x1788] =	vst v0  }
0x1b8: {  	[tilespmem:$0x1798] =	vst v0  }
0x1b9: {  	[tilespmem:$0x17A8] =	vst v0  }
0x1ba: {  	[tilespmem:$0x17B8] =	vst v0  }
0x1bb: {  	[tilespmem:$0x17C8] =	vst v0  }
0x1bc: {  	[tilespmem:$0x17D8] =	vst v0  }
0x1bd: {  	[tilespmem:$0x17E8] =	vst v0  }
0x1be: {  	[tilespmem:$0x17F8] =	vst v0  }
0x1bf: {  	[tilespmem:$0x1808] =	vst v0  }
0x1c0: {  	[tilespmem:$0x1818] =	vst v0  }
0x1c1: {  	[tilespmem:$0x1828] =	vst v0  }
0x1c2: {  	[tilespmem:$0x1838] =	vst v0  }
0x1c3: {  	[tilespmem:$0x1848] =	vst v0  }
0x1c4: {  	[tilespmem:$0x1858] =	vst v0  }
0x1c5: {  	[tilespmem:$0x1868] =	vst v0  }
0x1c6: {  	[tilespmem:$0x1878] =	vst v0  }
0x1c7: {  	[tilespmem:$0x1888] =	vst v0  }
0x1c8: {  	[tilespmem:$0x1898] =	vst v0  }
0x1c9: {  	[tilespmem:$0x18A8] =	vst v0  }
0x1ca: {  	[tilespmem:$0x18B8] =	vst v0  }
0x1cb: {  	[tilespmem:$0x18C8] =	vst v0  }
0x1cc: {  	[tilespmem:$0x18D8] =	vst v0  }
0x1cd: {  	[tilespmem:$0x18E8] =	vst v0  }
0x1ce: {  	[tilespmem:$0x18F8] =	vst v0  }
0x1cf: {  	[tilespmem:$0x1908] =	vst v0  }
0x1d0: {  	[tilespmem:$0x1918] =	vst v0  }
0x1d1: {  	[tilespmem:$0x1928] =	vst v0  }
0x1d2: {  	[tilespmem:$0x1938] =	vst v0  }
0x1d3: {  	[tilespmem:$0x1948] =	vst v0  }
0x1d4: {  	[tilespmem:$0x1958] =	vst v0  }
0x1d5: {  	[tilespmem:$0x1968] =	vst v0  }
0x1d6: {  	[tilespmem:$0x1978] =	vst v0  }
0x1d7: {  	[tilespmem:$0x1988] =	vst v0  }
0x1d8: {  	[tilespmem:$0x1998] =	vst v0  }
0x1d9: {  	[tilespmem:$0x19A8] =	vst v0  }
0x1da: {  	[tilespmem:$0x19B8] =	vst v0  }
0x1db: {  	[tilespmem:$0x19C8] =	vst v0  }
0x1dc: {  	[tilespmem:$0x19D8] =	vst v0  }
0x1dd: {  	[tilespmem:$0x19E8] =	vst v0  }
0x1de: {  	[tilespmem:$0x19F8] =	vst v0  }
0x1df: {  	[tilespmem:$0x1A08] =	vst v0  }
0x1e0: {  	[tilespmem:$0x1A18] =	vst v0  }
0x1e1: {  	[tilespmem:$0x1A28] =	vst v0  }
0x1e2: {  	[tilespmem:$0x1A38] =	vst v0  }
0x1e3: {  	[tilespmem:$0x1A48] =	vst v0  }
0x1e4: {  	[tilespmem:$0x1A58] =	vst v0  }
0x1e5: {  	[tilespmem:$0x1A68] =	vst v0  }
0x1e6: {  	[tilespmem:$0x1A78] =	vst v0  }
0x1e7: {  	[tilespmem:$0x1A88] =	vst v0  }
0x1e8: {  	[tilespmem:$0x1A98] =	vst v0  }
0x1e9: {  	[tilespmem:$0x1AA8] =	vst v0  }
0x1ea: {  	[tilespmem:$0x1AB8] =	vst v0  }
0x1eb: {  	[tilespmem:$0x1AC8] =	vst v0  }
0x1ec: {  	[tilespmem:$0x1AD8] =	vst v0  }
0x1ed: {  	[tilespmem:$0x1AE8] =	vst v0  }
0x1ee: {  	[tilespmem:$0x1AF8] =	vst v0  }
0x1ef: {  	[tilespmem:$0x1B08] =	vst v0  }
0x1f0: {  	[tilespmem:$0x1B18] =	vst v0  }
0x1f1: {  	[tilespmem:$0x1B28] =	vst v0  }
0x1f2: {  	[tilespmem:$0x1B38] =	vst v0  }
0x1f3: {  	[tilespmem:$0x1B48] =	vst v0  }
0x1f4: {  	[tilespmem:$0x1B58] =	vst v0  }
0x1f5: {  	[tilespmem:$0x1B68] =	vst v0  }
0x1f6: {  	[tilespmem:$0x1B78] =	vst v0  }
0x1f7: {  	[tilespmem:$0x1B88] =	vst v0  }
0x1f8: {  	[tilespmem:$0x1B98] =	vst v0  }
0x1f9: {  	[tilespmem:$0x1BA8] =	vst v0  }
0x1fa: {  	[tilespmem:$0x1BB8] =	vst v0  }
0x1fb: {  	[tilespmem:$0x1BC8] =	vst v0  }
0x1fc: {  	[tilespmem:$0x1BD8] =	vst v0  }
0x1fd: {  	[tilespmem:$0x1BE8] =	vst v0  }
0x1fe: {  	[tilespmem:$0x1BF8] =	vst v0  }
0x1ff: {  	[tilespmem:$0x1C08] =	vst v0  }
0x200: {  	[tilespmem:$0x1C18] =	vst v0  }
0x201: {  	[tilespmem:$0x1C28] =	vst v0  }
0x202: {  	[tilespmem:$0x1C38] =	vst v0  }
0x203: {  	[tilespmem:$0x1C48] =	vst v0  }
0x204: {  	[tilespmem:$0x1C58] =	vst v0  }
0x205: {  	[tilespmem:$0x1C68] =	vst v0  }
0x206: {  	[tilespmem:$0x1C78] =	vst v0  }
0x207: {  	[tilespmem:$0x1C88] =	vst v0  }
0x208: {  	[tilespmem:$0x1C98] =	vst v0  }
0x209: {  	[tilespmem:$0x1CA8] =	vst v0  }
0x20a: {  	[tilespmem:$0x1CB8] =	vst v0  }
0x20b: {  	[tilespmem:$0x1CC8] =	vst v0  }
0x20c: {  	[tilespmem:$0x1CD8] =	vst v0  }
0x20d: {  	[tilespmem:$0x1CE8] =	vst v0  }
0x20e: {  	[tilespmem:$0x1CF8] =	vst v0  }
0x20f: {  	[tilespmem:$0x1D08] =	vst v0  }
0x210: {  	[tilespmem:$0x1D18] =	vst v0  }
0x211: {  	[tilespmem:$0x1D28] =	vst v0  }
0x212: {  	[tilespmem:$0x1D38] =	vst v0  }
0x213: {  	[tilespmem:$0x1D48] =	vst v0  }
0x214: {  	[tilespmem:$0x1D58] =	vst v0  }
0x215: {  	[tilespmem:$0x1D68] =	vst v0  }
0x216: {  	[tilespmem:$0x1D78] =	vst v0  }
0x217: {  	[tilespmem:$0x1D88] =	vst v0  }
0x218: {  	[tilespmem:$0x1D98] =	vst v0  }
0x219: {  	[tilespmem:$0x1DA8] =	vst v0  }
0x21a: {  	[tilespmem:$0x1DB8] =	vst v0  }
0x21b: {  	[tilespmem:$0x1DC8] =	vst v0  }
0x21c: {  	[tilespmem:$0x1DD8] =	vst v0  }
0x21d: {  	[tilespmem:$0x1DE8] =	vst v0  }
0x21e: {  	[tilespmem:$0x1DF8] =	vst v0  }
0x21f: {  	[tilespmem:$0x1E08] =	vst v0  }
0x220: {  	[tilespmem:$0x1E18] =	vst v0  }
0x221: {  	[tilespmem:$0x1E28] =	vst v0  }
0x222: {  	[tilespmem:$0x1E38] =	vst v0  }
0x223: {  	[tilespmem:$0x1E48] =	vst v0  }
0x224: {  	[tilespmem:$0x1E58] =	vst v0  }
0x225: {  	[tilespmem:$0x1E68] =	vst v0  }
0x226: {  	[tilespmem:$0x1E78] =	vst v0  }
0x227: {  	[tilespmem:$0x1E88] =	vst v0  }
0x228: {  	[tilespmem:$0x1E98] =	vst v0  }
0x229: {  	[tilespmem:$0x1EA8] =	vst v0  }
0x22a: {  	[tilespmem:$0x1EB8] =	vst v0  }
0x22b: {  	[tilespmem:$0x1EC8] =	vst v0  }
0x22c: {  	[tilespmem:$0x1ED8] =	vst v0  }
0x22d: {  	[tilespmem:$0x1EE8] =	vst v0  }
0x22e: {  	[tilespmem:$0x1EF8] =	vst v0  }
0x22f: {  	[tilespmem:$0x1F08] =	vst v0  }
0x230: {  	[tilespmem:$0x1F18] =	vst v0  }
0x231: {  	[tilespmem:$0x1F28] =	vst v0  }
0x232: {  	[tilespmem:$0x1F38] =	vst v0  }
0x233: {  	[tilespmem:$0x1F48] =	vst v0  }
0x234: {  	[tilespmem:$0x1F58] =	vst v0  }
0x235: {  	[tilespmem:$0x1F68] =	vst v0  }
0x236: {  	[tilespmem:$0x1F78] =	vst v0  }
0x237: {  	[tilespmem:$0x1F88] =	vst v0  }
0x238: {  	[tilespmem:$0x1F98] =	vst v0  }
0x239: {  	[tilespmem:$0x1FA8] =	vst v0  }
0x23a: {  	[tilespmem:$0x1FB8] =	vst v0  }
0x23b: {  	[tilespmem:$0x1FC8] =	vst v0  }
0x23c: {  	[tilespmem:$0x1FD8] =	vst v0  }
0x23d: {  	[tilespmem:$0x1FE8] =	vst v0  }
0x23e: {  	[tilespmem:$0x1FF8] =	vst v0  }
0x23f: {  	[tilespmem:$0x2008] =	vst v0  }
0x240: {  	[tilespmem:$0x2018] =	vst v0  }
0x241: {  	[tilespmem:$0x2028] =	vst v0  }
0x242: {  	[tilespmem:$0x2038] =	vst v0  }
0x243: {  	[tilespmem:$0x2048] =	vst v0  }
0x244: {  	[tilespmem:$0x2058] =	vst v0  }
0x245: {  	[tilespmem:$0x2068] =	vst v0  }
0x246: {  	[tilespmem:$0x2078] =	vst v0  }
0x247: {  	[tilespmem:$0x2088] =	vst v0  }
0x248: {  	[tilespmem:$0x2098] =	vst v0  }
0x249: {  	[tilespmem:$0x20A8] =	vst v0  }
0x24a: {  	[tilespmem:$0x20B8] =	vst v0  }
0x24b: {  	[tilespmem:$0x20C8] =	vst v0  }
0x24c: {  	[tilespmem:$0x20D8] =	vst v0  }
0x24d: {  	[tilespmem:$0x20E8] =	vst v0  }
0x24e: {  	[tilespmem:$0x20F8] =	vst v0  }
0x24f: {  	[tilespmem:$0x2108] =	vst v0  }
0x250: {  	[tilespmem:$0x2118] =	vst v0  }
0x251: {  	[tilespmem:$0x2128] =	vst v0  }
0x252: {  	[tilespmem:$0x2138] =	vst v0  }
0x253: {  	[tilespmem:$0x2148] =	vst v0  }
0x254: {  	[tilespmem:$0x2158] =	vst v0  }
0x255: {  	[tilespmem:$0x2168] =	vst v0  }
0x256: {  	[tilespmem:$0x2218] =	vst v0  }
0x257: {  	[tilespmem:$0x3058] =	vst v0  }
0x258: {  	[tilespmem:$0x3048] =	vst v0  }
0x259: {  	[tilespmem:$0x3038] =	vst v0  }
0x25a: {  	[tilespmem:$0x3028] =	vst v0  }
0x25b: {  	[tilespmem:$0x3018] =	vst v0  }
0x25c: {  	[tilespmem:$0x3008] =	vst v0  }
0x25d: {  	[tilespmem:$0x2FF8] =	vst v0  }
0x25e: {  	[tilespmem:$0x2FE8] =	vst v0  }
0x25f: {  	[tilespmem:$0x2FD8] =	vst v0  }
0x260: {  	[tilespmem:$0x2FC8] =	vst v0  }
0x261: {  	[tilespmem:$0x2FB8] =	vst v0  }
0x262: {  	[tilespmem:$0x2FA8] =	vst v0  }
0x263: {  	[tilespmem:$0x2F98] =	vst v0  }
0x264: {  	[tilespmem:$0x2F88] =	vst v0  }
0x265: {  	[tilespmem:$0x2F78] =	vst v0  }
0x266: {  	[tilespmem:$0x2F68] =	vst v0  }
0x267: {  	[tilespmem:$0x2F58] =	vst v0  }
0x268: {  	[tilespmem:$0x2F48] =	vst v0  }
0x269: {  	[tilespmem:$0x2F38] =	vst v0  }
0x26a: {  	[tilespmem:$0x2F28] =	vst v0  }
0x26b: {  	[tilespmem:$0x2F18] =	vst v0  }
0x26c: {  	[tilespmem:$0x2F08] =	vst v0  }
0x26d: {  	[tilespmem:$0x2EF8] =	vst v0  }
0x26e: {  	[tilespmem:$0x2EE8] =	vst v0  }
0x26f: {  	[tilespmem:$0x2ED8] =	vst v0  }
0x270: {  	[tilespmem:$0x2EC8] =	vst v0  }
0x271: {  	[tilespmem:$0x2EB8] =	vst v0  }
0x272: {  	[tilespmem:$0x2EA8] =	vst v0  }
0x273: {  	[tilespmem:$0x2E98] =	vst v0  }
0x274: {  	[tilespmem:$0x2E88] =	vst v0  }
0x275: {  	[tilespmem:$0x2E78] =	vst v0  }
0x276: {  	[tilespmem:$0x2E68] =	vst v0  }
0x277: {  	[tilespmem:$0x2E58] =	vst v0  }
0x278: {  	[tilespmem:$0x2E48] =	vst v0  }
0x279: {  	[tilespmem:$0x2E38] =	vst v0  }
0x27a: {  	[tilespmem:$0x2E28] =	vst v0  }
0x27b: {  	[tilespmem:$0x2E18] =	vst v0  }
0x27c: {  	[tilespmem:$0x2E08] =	vst v0  }
0x27d: {  	[tilespmem:$0x2DF8] =	vst v0  }
0x27e: {  	[tilespmem:$0x2DE8] =	vst v0  }
0x27f: {  	[tilespmem:$0x2DD8] =	vst v0  }
0x280: {  	[tilespmem:$0x2DC8] =	vst v0  }
0x281: {  	[tilespmem:$0x2DB8] =	vst v0  }
0x282: {  	[tilespmem:$0x2DA8] =	vst v0  }
0x283: {  	[tilespmem:$0x2D98] =	vst v0  }
0x284: {  	[tilespmem:$0x2D88] =	vst v0  }
0x285: {  	[tilespmem:$0x2D78] =	vst v0  }
0x286: {  	[tilespmem:$0x2D68] =	vst v0  }
0x287: {  	[tilespmem:$0x2D58] =	vst v0  }
0x288: {  	[tilespmem:$0x2D48] =	vst v0  }
0x289: {  	[tilespmem:$0x2D38] =	vst v0  }
0x28a: {  	[tilespmem:$0x2D28] =	vst v0  }
0x28b: {  	[tilespmem:$0x2D18] =	vst v0  }
0x28c: {  	[tilespmem:$0x2D08] =	vst v0  }
0x28d: {  	[tilespmem:$0x2CF8] =	vst v0  }
0x28e: {  	[tilespmem:$0x2CE8] =	vst v0  }
0x28f: {  	[tilespmem:$0x2CD8] =	vst v0  }
0x290: {  	[tilespmem:$0x2CC8] =	vst v0  }
0x291: {  	[tilespmem:$0x2CB8] =	vst v0  }
0x292: {  	[tilespmem:$0x2CA8] =	vst v0  }
0x293: {  	[tilespmem:$0x2C98] =	vst v0  }
0x294: {  	[tilespmem:$0x2C88] =	vst v0  }
0x295: {  	[tilespmem:$0x2C78] =	vst v0  }
0x296: {  	[tilespmem:$0x2C68] =	vst v0  }
0x297: {  	[tilespmem:$0x2C58] =	vst v0  }
0x298: {  	[tilespmem:$0x2C48] =	vst v0  }
0x299: {  	[tilespmem:$0x2C38] =	vst v0  }
0x29a: {  	[tilespmem:$0x2C28] =	vst v0  }
0x29b: {  	[tilespmem:$0x2C18] =	vst v0  }
0x29c: {  	[tilespmem:$0x2C08] =	vst v0  }
0x29d: {  	[tilespmem:$0x2BF8] =	vst v0  }
0x29e: {  	[tilespmem:$0x2BE8] =	vst v0  }
0x29f: {  	[tilespmem:$0x2BD8] =	vst v0  }
0x2a0: {  	[tilespmem:$0x2BC8] =	vst v0  }
0x2a1: {  	[tilespmem:$0x2BB8] =	vst v0  }
0x2a2: {  	[tilespmem:$0x2BA8] =	vst v0  }
0x2a3: {  	[tilespmem:$0x2B98] =	vst v0  }
0x2a4: {  	[tilespmem:$0x2B88] =	vst v0  }
0x2a5: {  	[tilespmem:$0x2B78] =	vst v0  }
0x2a6: {  	[tilespmem:$0x2B68] =	vst v0  }
0x2a7: {  	[tilespmem:$0x2B58] =	vst v0  }
0x2a8: {  	[tilespmem:$0x2B48] =	vst v0  }
0x2a9: {  	[tilespmem:$0x2B38] =	vst v0  }
0x2aa: {  	[tilespmem:$0x2B28] =	vst v0  }
0x2ab: {  	[tilespmem:$0x2B18] =	vst v0  }
0x2ac: {  	[tilespmem:$0x2B08] =	vst v0  }
0x2ad: {  	[tilespmem:$0x2AF8] =	vst v0  }
0x2ae: {  	[tilespmem:$0x2AE8] =	vst v0  }
0x2af: {  	[tilespmem:$0x2AD8] =	vst v0  }
0x2b0: {  	[tilespmem:$0x2AC8] =	vst v0  }
0x2b1: {  	[tilespmem:$0x2AB8] =	vst v0  }
0x2b2: {  	[tilespmem:$0x2AA8] =	vst v0  }
0x2b3: {  	[tilespmem:$0x2A98] =	vst v0  }
0x2b4: {  	[tilespmem:$0x2A88] =	vst v0  }
0x2b5: {  	[tilespmem:$0x2A78] =	vst v0  }
0x2b6: {  	[tilespmem:$0x2A68] =	vst v0  }
0x2b7: {  	[tilespmem:$0x2A58] =	vst v0  }
0x2b8: {  	[tilespmem:$0x2A48] =	vst v0  }
0x2b9: {  	[tilespmem:$0x2A38] =	vst v0  }
0x2ba: {  	[tilespmem:$0x2A28] =	vst v0  }
0x2bb: {  	[tilespmem:$0x2A18] =	vst v0  }
0x2bc: {  	[tilespmem:$0x2A08] =	vst v0  }
0x2bd: {  	[tilespmem:$0x29F8] =	vst v0  }
0x2be: {  	[tilespmem:$0x29E8] =	vst v0  }
0x2bf: {  	[tilespmem:$0x29D8] =	vst v0  }
0x2c0: {  	[tilespmem:$0x29C8] =	vst v0  }
0x2c1: {  	[tilespmem:$0x29B8] =	vst v0  }
0x2c2: {  	[tilespmem:$0x29A8] =	vst v0  }
0x2c3: {  	[tilespmem:$0x2998] =	vst v0  }
0x2c4: {  	[tilespmem:$0x2988] =	vst v0  }
0x2c5: {  	[tilespmem:$0x2978] =	vst v0  }
0x2c6: {  	[tilespmem:$0x2968] =	vst v0  }
0x2c7: {  	[tilespmem:$0x2958] =	vst v0  }
0x2c8: {  	[tilespmem:$0x2948] =	vst v0  }
0x2c9: {  	[tilespmem:$0x2938] =	vst v0  }
0x2ca: {  	[tilespmem:$0x2928] =	vst v0  }
0x2cb: {  	[tilespmem:$0x2918] =	vst v0  }
0x2cc: {  	[tilespmem:$0x2908] =	vst v0  }
0x2cd: {  	[tilespmem:$0x28F8] =	vst v0  }
0x2ce: {  	[tilespmem:$0x28E8] =	vst v0  }
0x2cf: {  	[tilespmem:$0x28D8] =	vst v0  }
0x2d0: {  	[tilespmem:$0x28C8] =	vst v0  }
0x2d1: {  	[tilespmem:$0x28B8] =	vst v0  }
0x2d2: {  	[tilespmem:$0x28A8] =	vst v0  }
0x2d3: {  	[tilespmem:$0x2898] =	vst v0  }
0x2d4: {  	[tilespmem:$0x2888] =	vst v0  }
0x2d5: {  	[tilespmem:$0x2878] =	vst v0  }
0x2d6: {  	[tilespmem:$0x2868] =	vst v0  }
0x2d7: {  	[tilespmem:$0x2858] =	vst v0  }
0x2d8: {  	[tilespmem:$0x2848] =	vst v0  }
0x2d9: {  	[tilespmem:$0x2838] =	vst v0  }
0x2da: {  	[tilespmem:$0x2828] =	vst v0  }
0x2db: {  	[tilespmem:$0x2818] =	vst v0  }
0x2dc: {  	[tilespmem:$0x2808] =	vst v0  }
0x2dd: {  	[tilespmem:$0x27F8] =	vst v0  }
0x2de: {  	[tilespmem:$0x27E8] =	vst v0  }
0x2df: {  	[tilespmem:$0x27D8] =	vst v0  }
0x2e0: {  	[tilespmem:$0x27C8] =	vst v0  }
0x2e1: {  	[tilespmem:$0x27B8] =	vst v0  }
0x2e2: {  	[tilespmem:$0x27A8] =	vst v0  }
0x2e3: {  	[tilespmem:$0x2798] =	vst v0  }
0x2e4: {  	[tilespmem:$0x2788] =	vst v0  }
0x2e5: {  	[tilespmem:$0x2778] =	vst v0  }
0x2e6: {  	[tilespmem:$0x2768] =	vst v0  }
0x2e7: {  	[tilespmem:$0x2758] =	vst v0  }
0x2e8: {  	[tilespmem:$0x2748] =	vst v0  }
0x2e9: {  	[tilespmem:$0x2738] =	vst v0  }
0x2ea: {  	[tilespmem:$0x2728] =	vst v0  }
0x2eb: {  	[tilespmem:$0x2718] =	vst v0  }
0x2ec: {  	[tilespmem:$0x2708] =	vst v0  }
0x2ed: {  	[tilespmem:$0x26F8] =	vst v0  }
0x2ee: {  	[tilespmem:$0x26E8] =	vst v0  }
0x2ef: {  	[tilespmem:$0x26D8] =	vst v0  }
0x2f0: {  	[tilespmem:$0x26C8] =	vst v0  }
0x2f1: {  	[tilespmem:$0x26B8] =	vst v0  }
0x2f2: {  	[tilespmem:$0x26A8] =	vst v0  }
0x2f3: {  	[tilespmem:$0x2698] =	vst v0  }
0x2f4: {  	[tilespmem:$0x2688] =	vst v0  }
0x2f5: {  	[tilespmem:$0x2678] =	vst v0  }
0x2f6: {  	[tilespmem:$0x2668] =	vst v0  }
0x2f7: {  	[tilespmem:$0x2658] =	vst v0  }
0x2f8: {  	[tilespmem:$0x2648] =	vst v0  }
0x2f9: {  	[tilespmem:$0x2638] =	vst v0  }
0x2fa: {  	[tilespmem:$0x2628] =	vst v0  }
0x2fb: {  	[tilespmem:$0x2618] =	vst v0  }
0x2fc: {  	[tilespmem:$0x2608] =	vst v0  }
0x2fd: {  	[tilespmem:$0x25F8] =	vst v0  }
0x2fe: {  	[tilespmem:$0x25E8] =	vst v0  }
0x2ff: {  	[tilespmem:$0x25D8] =	vst v0  }
0x300: {  	[tilespmem:$0x25C8] =	vst v0  }
0x301: {  	[tilespmem:$0x25B8] =	vst v0  }
0x302: {  	[tilespmem:$0x25A8] =	vst v0  }
0x303: {  	[tilespmem:$0x2598] =	vst v0  }
0x304: {  	[tilespmem:$0x2588] =	vst v0  }
0x305: {  	[tilespmem:$0x2578] =	vst v0  }
0x306: {  	[tilespmem:$0x2568] =	vst v0  }
0x307: {  	[tilespmem:$0x2558] =	vst v0  }
0x308: {  	[tilespmem:$0x2548] =	vst v0  }
0x309: {  	[tilespmem:$0x2538] =	vst v0  }
0x30a: {  	[tilespmem:$0x2528] =	vst v0  }
0x30b: {  	[tilespmem:$0x2518] =	vst v0  }
0x30c: {  	[tilespmem:$0x2508] =	vst v0  }
0x30d: {  	[tilespmem:$0x24F8] =	vst v0  }
0x30e: {  	[tilespmem:$0x24E8] =	vst v0  }
0x30f: {  	[tilespmem:$0x24D8] =	vst v0  }
0x310: {  	[tilespmem:$0x24C8] =	vst v0  }
0x311: {  	[tilespmem:$0x24B8] =	vst v0  }
0x312: {  	[tilespmem:$0x24A8] =	vst v0  }
0x313: {  	[tilespmem:$0x2498] =	vst v0  }
0x314: {  	[tilespmem:$0x2488] =	vst v0  }
0x315: {  	[tilespmem:$0x2478] =	vst v0  }
0x316: {  	[tilespmem:$0x2468] =	vst v0  }
0x317: {  	[tilespmem:$0x2458] =	vst v0  }
0x318: {  	[tilespmem:$0x2448] =	vst v0  }
0x319: {  	[tilespmem:$0x2438] =	vst v0  }
0x31a: {  	[tilespmem:$0x2428] =	vst v0  }
0x31b: {  	[tilespmem:$0x2418] =	vst v0  }
0x31c: {  	[tilespmem:$0x2408] =	vst v0  }
0x31d: {  	[tilespmem:$0x23F8] =	vst v0  }
0x31e: {  	[tilespmem:$0x23E8] =	vst v0  }
0x31f: {  	[tilespmem:$0x23D8] =	vst v0  }
0x320: {  	[tilespmem:$0x23C8] =	vst v0  }
0x321: {  	[tilespmem:$0x23B8] =	vst v0  }
0x322: {  	[tilespmem:$0x23A8] =	vst v0  }
0x323: {  	[tilespmem:$0x2398] =	vst v0  }
0x324: {  	[tilespmem:$0x2388] =	vst v0  }
0x325: {  	[tilespmem:$0x2378] =	vst v0  }
0x326: {  	[tilespmem:$0x2368] =	vst v0  }
0x327: {  	[tilespmem:$0x2358] =	vst v0  }
0x328: {  	[tilespmem:$0x2348] =	vst v0  }
0x329: {  	[tilespmem:$0x2338] =	vst v0  }
0x32a: {  	[tilespmem:$0x2328] =	vst v0  }
0x32b: {  	[tilespmem:$0x2318] =	vst v0  }
0x32c: {  	[tilespmem:$0x2308] =	vst v0  }
0x32d: {  	[tilespmem:$0x22F8] =	vst v0  }
0x32e: {  	[tilespmem:$0x22E8] =	vst v0  }
0x32f: {  	[tilespmem:$0x22D8] =	vst v0  }
0x330: {  	[tilespmem:$0x22C8] =	vst v0  }
0x331: {  	[tilespmem:$0x22B8] =	vst v0  }
0x332: {  	[tilespmem:$0x22A8] =	vst v0  }
0x333: {  	[tilespmem:$0x2298] =	vst v0  }
0x334: {  	[tilespmem:$0x2288] =	vst v0  }
0x335: {  	[tilespmem:$0x2278] =	vst v0  }
0x336: {  	[tilespmem:$0x2268] =	vst v0  }
0x337: {  	s10 =	stileid.u32;
	[tilespmem:$0x2258] =	vst v0  }
0x338: {  	s0 =	smul.u32 $0xA, s10;
	[tilespmem:$0x2248] =	vst v0  }
0x339: {  	s1 =	smin.u32 s10, $0xB;
	[tilespmem:$0x2238] =	vst v0  }
0x33a: {  	[tilespmem:$0x2228] =	vst v0;
	s0 =	sadd.s32 s1, s0  }
0x33b: {  	p0 =	slt.u32 s10, $0xB;
	[tilespmem:$0x21F8] =	vst v0;
	s1 =	simm.s32 $0x1080;
	s8 =	smul.u32 $0x180, s0  }
0x33c: {  	s1 =	simm.s32 @!p0 $0xF00;
	[tilespmem:$0x2208] =	vst v0  }
0x33d: {  	[tilespmem:$0x21E8] =	vst v0;
	s0 =	sadd.s32 s1, s8  }
0x33e: {  	s4 =	simm.s32 $0x2;
	[tilespmem:$0x2188] =	vst v0;
	s9 =	smin.u32 s0, $0x10000  }
0x33f: {  	s31 =	simm.s32 $0x9;
	s5 =	simm.s32 $0xA;
	[tilespmem:$0x21D8] =	vst v0;
	s0 =	ssub.s32 s9, s8  }
0x340: {  	s12 =	simm.s32 $0xB;
	s18 =	simm.s32 $0x0;
	[tilespmem:$0x21C8] =	vst v0;
	p0 =	sgt.s32 s0, $0x0  }
0x341: {  	p1 =	por $0x0, $0x0;
	s19 =	simm.s32 $0xC;
	[tilespmem:$0x21B8] =	vst v0;
	s0 =	simm.s32 @!p0 $0x0  }
0x342: {  	s23 =	simm.s32 $0x0;
	s20 =	simm.s32 $0x0;
	[tilespmem:$0x21A8] =	vst v0;
	s30 =	smulhi.u32 $0x2AAAAAAB, s0  }
0x343: {  	s22 =	simm.s32 $0x0;
	s2 =	sand.u32 $0x1, s2;
	s16 =	sshll.u32 s10, $0x6;
	[tilespmem:$0x2198] =	vst v0  }
0x344: {  	[tilespmem:$0x2178] =	vst v0;
	[sflag:s4] =	ssyncpa.u1 $0x0;
	[dreg:$0x4] =	wrdreg s2;
	s1 =	sshrl.u32 s30, $0x6  }
0x345: {  	v0 =	vimm.s32 $0xFFFFFFFF;
	s2 =	sshll.u32 s2, $0xD;
	s4 =	sadd.s32 $0x124600, s7;
	s6 =	smul.u32 $0x180, s1  }
.Ltmp5:
0x346: {  	[tilespmem:$0x6088] =	vst v0;
	[sflag:s31] =	ssyncpa.u1 $0x0;
	s2 =	sadd.s32 s2, s7;
	(pc) =	sbr.rel .LBB3_1-.Ltmp5, $4  }
0x347: {  	s7 =	sadd.s32 $0x414600, s7;
	p0 =	sne.s32 s0, s6;
	s0 =	simm.s32 $0x1  }
0x348: {  	[sflag:s5] =	ssyncpa.u1 $0x0;
	s14 =	sadd.s32 $0x118600, s2;
	s0 =	simm.s32 @!p0 $0x0  }
0x349: {  	s15 =	sadd.s32 $0x114600, s2;
	[sflag:s12] =	ssyncpa.u1 $0x0;
	s13 =	sadd.s32 s0, s1  }
0x34a: {  	v0 =	vlaneseq.u32;
	s21 =	smov.u32 s8;
	p0 =	por $0x1, $0x1;
	s17 =	sadd.s32 $0x1, s13  }
.LBB3_22:
0x34b: {  	s0 =	sshrl.u32 s0, $0x2  }
.LBB3_24:
0x34c: {  	_ =	swait.ge [sflag:s19], s0  }
0x34d: {  	s30 =	ssub.s32 $0x0, s0;
	v1 =	vmov s25;
	vm0 =	veq.s32 v0, $0x0;
	[sflag:s19] =	ssyncset.done $0x0  }
0x34e: {  	vm15 =	veq.s32 v0, $0x2;
	v1 =	vsel vm0, s31, v1;
	[sflag:s19] =	ssyncadd.s32 s30  }
0x34f: {  	v1 =	vsel vm15, s23, v1;
	[sflag:s19] =	ssyncpa.u1 $0x1  }
0x350: {  	[tilespmem:$0x6088] =	vst v1  }
.LBB3_25:
0x351: {  	s0 =	sadd.s32 $0x180, s21  }
0x352: {  	s1 =	smov.u32 s8;
	p2 =	slt.s32 s0, s9  }
0x353: {  	s1 =	smov.u32 @p2 s0;
	p2 =	sne.s32 s22, s17  }
.Ltmp6:
0x354: {  	_ = 	snop;
	(pc) =	sbr.rel @!p2 .LBB3_26-.Ltmp6, $4  }
0x355: {  	_ = 	snop  }
0x356: {  	s23 =	smov.u32 s20  }
0x357: {  	s31 =	sadd.s32 $0x1, s22;
	s20 =	smov.u32 s21;
	p0 =	por !p0, !p0  }
0x358: {  	p1 =	por !p1, !p1;
	s22 =	smov.u32 s31;
	s21 =	smov.u32 s1  }
.LBB3_1:
0x359: {  	p2 =	sge.u32 s22, s13  }
0x35a: {  	s0 =	smulhi.u32 @!p2 $0xAAAAAAAB, s22  }
0x35b: {  	s1 =	smov.u32 s21;
	p3 =	sgt.s32 @!p2 s21, $0xFE80  }
0x35c: {  	s2 =	sshra.s32 @!p2 s21, $0x1F;
	p3 =	por !p3, p2;
	s0 =	sshrl.u32 @!p2 s0, $0x1  }
0x35d: {  	s2 =	sand.u32 @!p2 s2, s21;
	s1 =	simm.s32 @p3 $0xFE80;
	s0 =	smul.u32 @!p2 $0x3, s0  }
0x35e: {  	s1 =	ssub.s32 @!p2 s1, s2  }
0x35f: {  	s1 =	sadd.s32 @!p2 $0xFFFF0180, s1;
	s0 =	ssub.s32 @!p2 s22, s0  }
0x360: {  	s2 =	sshll.u32 @!p2 s1, $0x2;
	p3 =	sgt.s32 @!p2 s1, $0x17F;
	s0 =	smul.u32 @!p2 $0x600, s0  }
0x361: {  	s5 =	sand.u32 @!p2 $0x7, s21;
	s1 =	ssub.s32 @!p2 $0x600, s2;
	p3 =	por !p3, p2  }
0x362: {  	s2 =	sshrl.u32 @!p2 s21, $0x3;
	s1 =	sshrl.u32 @!p2 s1, $0x2;
	s0 =	sshrl.u32 @!p2 s0, $0x2  }
0x363: {  	s2 =	sadd.s32 @!p2 s2, s14;
	s1 =	simm.s32 @!p3 $0x0;
	s0 =	sadd.s32 @!p2 $0x64C8, s0  }
0x364: {  	[tilespmem:s0], [sflag:$0xA] =	stream.linear.gather @!p2 [hbm4b:s2+s5], s1, $0x38;
	[tilespmem:$0x1EC48] =	vst v63  }
0x365: {  	s1 =	sadd.s32 $0xFFFFFFFF, s22  }
0x366: {  	p2 =	sge.u32 s1, s13  }
0x367: {  	p3 =	sgt.s32 @!p2 s20, $0xFE80  }
0x368: {  	s0 =	smov.u32 s20;
	s2 =	sshra.s32 @!p2 s20, $0x1F;
	p3 =	por !p3, p2  }
0x369: {  	s2 =	sand.u32 @!p2 s2, s20;
	s0 =	simm.s32 @p3 $0xFE80  }
0x36a: {  	s0 =	ssub.s32 @!p2 s0, s2  }
0x36b: {  	s0 =	sadd.s32 @!p2 $0xFFFF0180, s0  }
0x36c: {  	s2 =	sshll.u32 @!p2 s0, $0x2  }
0x36d: {  	p3 =	sgt.s32 @!p2 s0, $0x17F;
	s0 =	ssub.s32 @!p2 $0x600, s2  }
0x36e: {  	p3 =	por !p3, p2;
	s0 =	sshrl.u32 @!p2 s0, $0x2  }
0x36f: {  	s5 =	simm.s32 @!p2 $0xA;
	s2 =	sand.u32 @!p2 $0x1, s1;
	s0 =	simm.s32 @!p3 $0x0  }
0x370: {  	s2 =	smul.u32 @!p2 $0x600, s2;
	_ =	swait.ge @!p2 [sflag:s5], s0  }
0x371: {  	s6 =	ssub.s32 @!p2 $0x0, s0;
	[sflag:s5] =	ssyncset.done @!p2 $0x0  }
0x372: {  	s2 =	sshrl.u32 @!p2 s2, $0x2;
	[sflag:s5] =	ssyncadd.s32 @!p2 s6;
	s5 =	sshrl.u32 @!p2 s20, $0x3  }
0x373: {  	s2 =	sadd.s32 @!p2 $0x6948, s2;
	s6 =	sand.u32 @!p2 $0x7, s20;
	s5 =	sadd.s32 @!p2 s5, s15  }
0x374: {  	[tilespmem:s2], [sflag:$0xB] =	stream.linear.gather @!p2 [hbm4b:s5+s6], s0, $0x38;
	[tilespmem:$0x1EC48] =	vst v63  }
0x375: {  	s0 =	ssub.s32 @!p2 $0x10000, s20  }
0x376: {  	p3 =	slt.s32 @!p2 s0, $0x1  }
0x377: {  	p3 =	por p2, p3  }
.Ltmp7:
0x378: {  	_ = 	snop;
	(pc) =	sbr.rel @p3 .LBB3_7-.Ltmp7, $1  }
0x379: {  	_ =	sdelay $0x3  }
0x37a: {  	s2 =	smulhi.u32 $0xAAAAAAAB, s1;
	_ =	sdelay $0x1  }
0x37b: {  	s2 =	sshrl.u32 s2, $0x1  }
0x37c: {  	s2 =	smul.u32 $0x3, s2;
	_ =	sdelay $0x1  }
0x37d: {  	s29 =	ssub.s32 s1, s2  }
0x37e: {  	s5 =	simm.s32 $0x1;
	s1 =	smul.u32 $0x600, s29  }
.Ltmp8:
0x37f: {  	s5 =	simm.s32 @!p0 $0x0;
	(pc) =	sbr.rel .LBB3_4-.Ltmp8, $4  }
0x380: {  	s30 =	smul.u32 $0x30000, s5  }
0x381: {  	p3 =	slt.s32 @!p2 s0, $0x180;
	s1 =	sshrl.u32 s1, $0x2  }
0x382: {  	p2 =	por !p3, p2;
	s2 =	sshrl.u32 s30, $0x2;
	s31 =	sadd.s32 $0x64C8, s1  }
0x383: {  	s24 =	simm.s32 $0x0;
	s0 =	simm.s32 @p2 $0x180;
	s1 =	sadd.s32 $0x6C48, s2;
	v1 =	vmov s31  }
.LBB3_3:
0x384: {  	p2 =	sge.s32 s24, s0  }
.Ltmp9:
0x385: {  	_ = 	snop;
	(pc) =	sbr.rel @p2 .LBB3_7-.Ltmp9, $2  }
0x386: {  	_ =	sdelay $0x2  }
0x387: {  	s1 =	sadd.s32 $0x800, s1  }
.LBB3_4:
0x388: {  	p2 =	sle.s32 s0, s24  }
.Ltmp10:
0x389: {  	_ = 	snop;
	(pc) =	sbr.rel @p2 .LBB3_3-.Ltmp10, $2  }
0x38a: {  	_ =	sdelay $0x2  }
0x38b: {  	s2 =	smov.u32 s24;
	s24 =	sadd.s32 $0x10, s24  }
0x38c: {  	s5 =	ssub.s32 s0, s2  }
0x38d: {  	p2 =	slt.s32 s5, $0x10  }
0x38e: {  	s5 =	simm.s32 @!p2 $0x10  }
0x38f: {  	v2 =	vmov s5  }
0x390: {  	vm0 =	vgt.s32 v2, v0;
	_ =	sdelay $0x5  }
0x391: {  	v2 =	vld.idx.msk [tilespmem:v1+s2+$0x0 ss:$0x1], vm0;
	_ =	sdelay $0x2  }
0x392: {  	s6 =	smov.u32 s0;
	p2 =	slt.s32 s24, s0  }
0x393: {  	s25 =	simm.s32 $0x0;
	s6 =	smov.u32 @p2 s24;
	s5 =	smov.u32 s1  }
.LBB3_6:
0x394: {  	(v2sf) =	vpush v2, s25;
	_ =	sdelay $0xc  }
0x395: {  	s25 =	sadd.s32 $0x1, s25  }
0x396: {  	s31 =	sadd.s32 s25, s2  }
0x397: {  	p2 =	slt.s32 s31, s6;
	s10 =	spop (v2sf)  }
.Ltmp11:
0x398: {  	s10 =	sshll.u32 s10, $0x4;
	(pc) =	sbr.rel @p2 .LBB3_6-.Ltmp11, $4  }
0x399: {  	s10 =	sand.u32 $0x1FFFFFF0, s10  }
0x39a: {  	s10 =	sadd.s32 s7, s10  }
0x39b: {  	[tilespmem:s5], [sflag:$0x9] =	stream.linear.gather [hbm4b:s10+s18], $0x20, $0x38;
	[tilespmem:$0x1EC48] =	vst v63  }
0x39c: {  	s5 =	sadd.s32 $0x80, s5  }
.Ltmp12:
0x39d: {  	_ = 	snop;
	(pc) =	sbr.rel .LBB3_3-.Ltmp12, $1  }
0x39e: {  	_ =	sdelay $0x3  }
.LBB3_7:
0x39f: {  	p2 =	slt.u32 s22, $0x2  }
.Ltmp13:
0x3a0: {  	_ = 	snop;
	(pc) =	sbr.rel @p2 .LBB3_25-.Ltmp13, $1  }
0x3a1: {  	_ =	sdelay $0x3  }
0x3a2: {  	p2 =	sgt.s32 s23, $0xFE80  }
0x3a3: {  	s0 =	smov.u32 s23;
	s1 =	sshra.s32 s23, $0x1F;
	s2 =	ssub.s32 $0x10000, s23  }
0x3a4: {  	s0 =	simm.s32 @!p2 $0xFE80;
	s1 =	sand.u32 s1, s23;
	p2 =	slt.s32 s2, $0x180  }
0x3a5: {  	s0 =	ssub.s32 s0, s1;
	s2 =	simm.s32 @!p2 $0x180  }
0x3a6: {  	s0 =	sadd.s32 $0xFFFF0180, s0;
	s11 =	sshll.u32 s2, $0x5  }
0x3a7: {  	s26 =	simm.s32 $0x9;
	s24 =	sshll.u32 s0, $0x2;
	s1 =	sand.u32 $0x3FFFFFE0, s11  }
0x3a8: {  	p2 =	sgt.s32 s0, $0x17F;
	s25 =	ssub.s32 $0x600, s24;
	_ =	swait.ge [sflag:s26], s1  }
0x3a9: {  	s1 =	ssub.s32 $0x0, s1;
	[sflag:s26] =	ssyncset.done $0x0;
	s0 =	sshrl.u32 s25, $0x2  }
0x3aa: {  	[sflag:s26] =	ssyncadd.s32 s1;
	s0 =	simm.s32 @p2 $0x0  }
0x3ab: {  	_ =	swait.ge [sflag:s12], s0  }
0x3ac: {  	s0 =	ssub.s32 $0x0, s0;
	[sflag:s12] =	ssyncset.done $0x0  }
0x3ad: {  	[sflag:s12] =	ssyncadd.s32 s0  }
0x3ae: {  	v1 =	vld [tilespmem:$0x6088];
	_ =	sdelay $0x4  }
0x3af: {  	(v2sf) =	vpush v1, $0x0  }
0x3b0: {  	(v2sf) =	vpush v1, $0x1  }
0x3b1: {  	(v2sf) =	vpush v1, $0x2;
	_ =	sdelay $0x3  }
0x3b2: {  	s0 =	sadd.s32 $0x180, s23  }
0x3b3: {  	s1 =	ssub.s32 $0x20000, s23;
	p2 =	slt.s32 s9, s0  }
0x3b4: {  	s0 =	smov.u32 @p2 s9;
	p2 =	sgt.s32 s1, $0x0  }
0x3b5: {  	s28 =	ssub.s32 s0, s23;
	s1 =	simm.s32 @!p2 $0x0  }
0x3b6: {  	p2 =	slt.s32 s1, s28  }
0x3b7: {  	s28 =	smov.u32 @p2 s1  }
0x3b8: {  	s26 =	simm.s32 $0x1;
	p2 =	slt.s32 s28, $0x1  }
.Ltmp14:
0x3b9: {  	s26 =	simm.s32 @!p1 $0x0;
	(pc) =	sbr.rel @p2 .LBB3_12-.Ltmp14, $4  }
0x3ba: {  	s30 =	smul.u32 $0x600, s26  }
0x3bb: {  	s0 =	spop (v2sf)  }
0x3bc: {  	s31 =	sshrl.u32 s30, $0x2;
	s29 =	spop (v2sf)  }
0x3bd: {  	s24 =	sadd.s32 $0x6948, s31;
	s23 =	spop (v2sf)  }
0x3be: {  	s1 =	smin.u32 s28, $0x10  }
0x3bf: {  	v1 =	vmov s1  }
0x3c0: {  	p3 =	sgt.s32 s28, $0x10;
	vm1 =	vgt.u32 v1, v0  }
.Ltmp15:
0x3c1: {  	_ = 	snop;
	(pc) =	sbr.rel @!p3 .LBB3_11-.Ltmp15, $2  }
0x3c2: {  	_ =	sdelay $0x2  }
0x3c3: {  	s2 =	simm.s32 $0x10;
	s25 =	sadd.s32 $0xFFFFFFF0, s28;
	s1 =	smov.u32 s24;
	vm0 =	vmmov vm1  }
.LBB3_10:
0x3c4: {  	s5 =	smin.u32 s25, $0x10;
	s2 =	sadd.s32 $0x10, s2;
	v1 =	vld.msk [tilespmem:s1+$0x0 ss:$0x1], vm1  }
0x3c5: {  	v2 =	vmov s5;
	p3 =	slt.s32 s2, s28  }
0x3c6: {  	vm1 =	vgt.u32 v2, v0  }
.Ltmp16:
0x3c7: {  	(pc) =	sbr.rel @p3 .LBB3_10-.Ltmp16, $3  }
0x3c8: {  	_ =	sdelay $0x1  }
0x3c9: {  	v1 =	vshll.u32 v1, $0x4  }
0x3ca: {  	s25 =	sadd.s32 $0xFFFFFFF0, s25;
	[tilespmem:s1+$0x0] =	vst.msk vm0, v1;
	s1 =	sadd.s32 $0x10, s1;
	vm0 =	vmmov vm1  }
.LBB3_11:
0x3cb: {  	_ =	sdelay $0x4  }
0x3cc: {  	v1 =	vld.msk [tilespmem:s1+$0x0 ss:$0x1], vm1;
	_ =	sdelay $0x4  }
0x3cd: {  	v1 =	vshll.u32 v1, $0x4  }
0x3ce: {  	[tilespmem:s1+$0x0] =	vst.msk vm0, v1  }
.LBB3_12:
0x3cf: {  	s1 =	sand.u32 $0x1, s22  }
0x3d0: {  	s1 =	smul.u32 $0x180, s1  }
0x3d1: {  	p3 =	sne.s32 s29, $0xFFFFFFFF  }
0x3d2: {  	v1 =	vld.msk @!p3 [tilespmem:s1+$0x6948], $0x1;
	_ =	sdelay $0x4  }
0x3d3: {  	(v2sf) =	vpush @!p3 v1, $0x0;
	_ =	sdelay $0xc  }
.Ltmp17:
0x3d4: {  	_ = 	snop;
	(pc) =	sbr.rel @p2 .LBB3_23-.Ltmp17, $4  }
0x3d5: {  	_ = 	snop  }
0x3d6: {  	s30 =	spop @!p3 (v2sf)  }
0x3d7: {  	s23 =	simm.s32 @!p3 $0x0;
	s25 =	smov.u32 s30  }
0x3d8: {  	[sflag:s19] =	ssyncpa.u1 $0x0;
	s30 =	smov.u32 @p3 s0;
	s25 =	smov.u32 @p3 s29  }
0x3d9: {  	v1 =	vld.msk [tilespmem:s24+$0x0], $0x1;
	_ =	sdelay $0x4  }
0x3da: {  	(v2sf) =	vpush v1, $0x0;
	_ =	sdelay $0xe  }
0x3db: {  	s0 =	smul.u32 $0x30000, s26;
	s1 =	spop (v2sf)  }
0x3dc: {  	s28 =	ssub.s32 $0x0, s28;
	p2 =	seq.s32 s30, s1  }
0x3dd: {  	s31 =	sadd.s32 $0x1, s28;
	s0 =	sshrl.u32 s0, $0x2;
	p3 =	sgt.s32 @!p2 s30, $0x0  }
0x3de: {  	s26 =	sadd.s32 $0x6C58, s0;
	s0 =	smov.u32 s30;
	p3 =	por !p3, p2  }
0x3df: {  	s0 =	simm.s32 @p3 $0x0;
	p3 =	seq.s32 s31, $0x0  }
.Ltmp18:
0x3e0: {  	_ = 	snop;
	(pc) =	sbr.rel @p3 .LBB3_15-.Ltmp18, $4  }
0x3e1: {  	_ = 	snop  }
0x3e2: {  	s29 =	simm.s32 $0x0;
	s2 =	simm.s32 @!p2 $0x1;
	s0 =	smin.u32 @!p2 s0, $0x7FFC  }
0x3e3: {  	s6 =	simm.s32 @!p2 $0x3068;
	s2 =	smov.u32 @p2 s29;
	s10 =	sand.u32 @!p2 $0x7FF8, s0  }
0x3e4: {  	s5 =	sand.u32 @!p2 $0x7, s0;
	s0 =	sadd.s32 $0x1, s24;
	s10 =	sadd.s32 @!p2 s4, s10  }
.LBB3_14:
0x3e5: {  	s11 =	smov.u32 s2  }
0x3e6: {  	[tilespmem:s6], [sflag:$0x2] =	stream.linear.gather @!p2 [hbm4b:s10+s5], $0x20, $0x38;
	[tilespmem:$0x1EC48] =	vst v63  }
0x3e7: {  	s31 =	sadd.s32 $0x1, s31;
	s5 =	smov.u32 s1;
	v1 =	vld.msk [tilespmem:s0+$0x0], $0x1  }
0x3e8: {  	p3 =	seq.s32 s31, $0x0;
	_ =	sdelay $0x3  }
0x3e9: {  	(v2sf) =	vpush v1, $0x0;
	_ =	sdelay $0xe  }
0x3ea: {  	s1 =	spop (v2sf)  }
0x3eb: {  	p2 =	seq.s32 s5, s1  }
0x3ec: {  	p4 =	sgt.s32 @!p2 s5, $0x0;
	s6 =	sshll.u32 @!p2 s2, $0x7;
	s2 =	sadd.s32 @!p2 $0x1, s2  }
.Ltmp19:
0x3ed: {  	p4 =	por !p4, p2;
	s6 =	sshra.s32 @!p2 s6, $0x2;
	(pc) =	sbr.rel @!p3 .LBB3_14-.Ltmp19, $4  }
0x3ee: {  	s2 =	smov.u32 @p2 s11;
	s5 =	simm.s32 @p4 $0x0;
	s6 =	sadd.s32 @!p2 $0x3068, s6  }
0x3ef: {  	s5 =	smin.u32 @!p2 s5, $0x7FFC  }
0x3f0: {  	s10 =	sand.u32 @!p2 $0x7FF8, s5;
	s5 =	sand.u32 @!p2 $0x7, s5  }
0x3f1: {  	s0 =	sadd.s32 $0x1, s0;
	s10 =	sadd.s32 @!p2 s4, s10  }
.LBB3_15:
0x3f2: {  	[tilespmem:s6], [sflag:$0x2] =	stream.linear.gather @!p2 [hbm4b:s10+s5], $0x20, $0x38;
	[tilespmem:$0x1EC48] =	vst v63  }
.Ltmp20:
0x3f3: {  	s0 =	sshll.u32 s2, $0x5;
	(pc) =	sbr.rel .LBB3_16-.Ltmp20, $4  }
0x3f4: {  	s1 =	simm.s32 $0x2;
	s0 =	sand.u32 $0x3FFFFFE0, s0  }
0x3f5: {  	_ =	swait.ge [sflag:s1], s0  }
0x3f6: {  	s0 =	ssub.s32 $0x0, s0;
	[sflag:s1] =	ssyncset.done $0x0  }
0x3f7: {  	[sflag:s1] =	ssyncadd.s32 s0;
	s0 =	simm.s32 $0x0  }
.LBB3_17:
0x3f8: {  	v1 =	vld [tilespmem:s26+$0xFFFFFFF0];
	_ =	sdelay $0x4  }
0x3f9: {  	[tilespmem:s1+$0x48] =	vst.add.f32.msk $0xffff, v1  }
0x3fa: {  	v1 =	vld [tilespmem:s26+$0x0];
	_ =	sdelay $0x4  }
0x3fb: {  	[tilespmem:s1+$0x58] =	vst.add.f32.msk $0xffff, v1  }
.LBB3_21:
0x3fc: {  	s28 =	sadd.s32 $0x1, s28  }
0x3fd: {  	p2 =	seq.s32 s28, $0x0  }
.Ltmp21:
0x3fe: {  	_ = 	snop;
	(pc) =	sbr.rel @p2 .LBB3_22-.Ltmp21, $2  }
0x3ff: {  	_ =	sdelay $0x2  }
0x400: {  	s26 =	sadd.s32 $0x80, s26;
	s24 =	sadd.s32 $0x1, s24;
	s30 =	smov.u32 s31  }
.LBB3_16:
0x401: {  	v1 =	vld.msk [tilespmem:s24+$0x0], $0x1;
	_ =	sdelay $0x4  }
0x402: {  	(v2sf) =	vpush v1, $0x0;
	_ =	sdelay $0xe  }
0x403: {  	s31 =	spop (v2sf)  }
0x404: {  	p2 =	sne.s32 s30, s31  }
.Ltmp22:
0x405: {  	_ = 	snop;
	(pc) =	sbr.rel @!p2 .LBB3_17-.Ltmp22, $3  }
0x406: {  	_ =	sdelay $0x1  }
0x407: {  	s1 =	sshll.u32 s23, $0x7  }
0x408: {  	s1 =	sshra.s32 s1, $0x2  }
0x409: {  	p2 =	seq.s32 s30, s25  }
.Ltmp23:
0x40a: {  	_ = 	snop;
	(pc) =	sbr.rel @!p2 .LBB3_19-.Ltmp23, $1  }
0x40b: {  	_ =	sdelay $0x3  }
.Ltmp24:
0x40c: {  	s1 =	sadd.s32 $0x48, s1;
	(pc) =	sbr.rel .LBB3_20-.Ltmp24, $4  }
0x40d: {  	[spmem:s16] =	stream.linear.scatter [tilespmem:s1], [sflag:$0x1], $0x20, $0x38;
	[tilespmem:$0x1EC48] =	vst v63  }
0x40e: {  	_ =	swait.ge [sflag:s3], $0x20  }
0x40f: {  	[sflag:s3] =	ssyncset.done $0x0  }
0x410: {  	[sflag:s3] =	ssyncadd.s32 $0xFFFFFFE0  }
.LBB3_19:
0x411: {  	s2 =	sshll.u32 s29, $0x7  }
0x412: {  	s2 =	sshra.s32 s2, $0x2  }
0x413: {  	v1 =	vld [tilespmem:s2+$0x3068];
	_ =	sdelay $0x4  }
0x414: {  	[tilespmem:s1+$0x48] =	vst.add.f32.msk $0xffff, v1  }
0x415: {  	v1 =	vld [tilespmem:s2+$0x3078];
	_ =	sdelay $0x2  }
0x416: {  	p2 =	sgt.u32 s30, $0x7FFC  }
0x417: {  	s2 =	sand.u32 @!p2 $0x7FF8, s30  }
0x418: {  	s5 =	sadd.s32 $0x48, s1;
	[tilespmem:s1+$0x58] =	vst.add.f32.msk $0xffff, v1;
	s1 =	sadd.s32 @!p2 s4, s2;
	s2 =	sand.u32 @!p2 $0x7, s30  }
0x419: {  	[hbm4b:s1+s2] =	stream.linear.scatter @!p2 [tilespmem:s5], [sflag:$0xC], $0x20, $0x38;
	[tilespmem:$0x1EC48] =	vst v63  }
0x41a: {  	s1 =	simm.s32 $0x0  }
0x41b: {  	s1 =	simm.s32 @!p2 $0x80  }
0x41c: {  	s0 =	sadd.s32 s1, s0  }
.LBB3_20:
0x41d: {  	s1 =	sadd.s32 $0x1, s23  }
0x41e: {  	s2 =	smulhi.u32 $0xAAAAAAAB, s1;
	_ =	sdelay $0x1  }
0x41f: {  	v1 =	vld [tilespmem:s26+$0xFFFFFFF0];
	s2 =	sshrl.u32 s2, $0x8  }
0x420: {  	s2 =	smul.u32 $0x180, s2;
	_ =	sdelay $0x1  }
0x421: {  	s23 =	ssub.s32 s1, s2  }
0x422: {  	s1 =	sshll.u32 s23, $0x5  }
0x423: {  	[tilespmem:s1+$0x48] =	vst v1  }
0x424: {  	v1 =	vld [tilespmem:s26+$0x0]  }
.Ltmp25:
0x425: {  	_ = 	snop;
	(pc) =	sbr.rel .LBB3_21-.Ltmp25, $2  }
0x426: {  	_ =	sdelay $0x2  }
0x427: {  	s29 =	sadd.s32 $0x1, s29;
	[tilespmem:s1+$0x58] =	vst v1  }
.LBB3_23:
.Ltmp26:
0x428: {  	(pc) =	sbr.rel .LBB3_24-.Ltmp26, $4  }
0x429: {  	_ = 	snop  }
0x42a: {  	s0 =	simm.s32 $0x2  }
0x42b: {  	_ =	swait.ge [sflag:s0], $0x0  }
0x42c: {  	s31 =	smov.u32 s30;
	[sflag:s0] =	ssyncset.done $0x0;
	s0 =	simm.s32 $0x0  }
.LBB3_26:
0x42d: {  	_ =	sfence.sel $0x180000  }
0x42e: {  	s0 =	simm.s32 $0x9;
	[bflag:$0x0] =	sbarrier.arrive $0xFFFF  }
0x42f: {  	s24 =	simm.s32 $0xA;
	[sflag:s0] =	ssyncpa.u1 $0x1  }
0x430: {  	s25 =	simm.s32 $0xB;
	[sflag:s24] =	ssyncpa.u1 $0x1  }
0x431: {  	s26 =	simm.s32 $0x2;
	[sflag:s25] =	ssyncpa.u1 $0x1  }
0x432: {  	[sflag:s26] =	ssyncpa.u1 $0x1  }
0x433: {  	v0 =	vld [tilespmem:$0x6088];
	_ =	sdelay $0x4  }
0x434: {  	(v2sf) =	vpush v0, $0x0  }
0x435: {  	(v2sf) =	vpush v0, $0x1;
	_ =	sdelay $0x1  }
0x436: {  	(v2sf) =	vpush v0, $0x2;
	_ =	sdelay $0xb  }
0x437: {  	s0 =	spop (v2sf)  }
0x438: {  	s1 =	spop (v2sf)  }
0x439: {  	s2 =	smov.u32 s0;
	p0 =	sne.s32 s0, s1  }
0x43a: {  	s3 =	spop (v2sf);
	s2 =	simm.s32 @!p0 $0xFFFFFFFF  }
0x43b: {  	v2 =	vimm.s32 $0x1;
	v3 =	vlaneseq.u32;
	p0 =	seq.s32 s3, $0xFFFFFFFF;
	v1 =	vmov s2  }
0x43c: {  	s14 =	stileid.u32;
	v0 =	vperm.xlane v0, v2;
	p1 =	sne.s32 @!p0 s0, s1;
	v1 =	vperm.xlane v1, v3  }
0x43d: {  	vm0 =	vcmask $0x3F04;
	s6 =	simm.s32 $0x6088;
	s0 =	simm.s32 @!p0 $0x1;
	p1 =	por !p1, p0  }
0x43e: {  	s2 =	sshll.u32 s14, $0x1;
	s1 =	sshll.u32 @!p0 s3, $0x7;
	s0 =	simm.s32 @p1 $0x0;
	v0 =	vsel vm0, v1, v0  }
0x43f: {  	s5 =	sor.u32 $0x400, s2;
	s1 =	sshra.s32 @!p0 s1, $0x2;
	s0 =	sor.u32 @!p0 s0, s2;
	[tilespmem:$0x6088] =	vst v0  }
0x440: {  	[spmem:s5] =	stream.linear.scatter [tilespmem:s6], [sflag:$0x1], $0x2, $0x38;
	[tilespmem:$0x1EC48] =	vst v63  }
0x441: {  	s1 =	sadd.s32 @!p0 $0x48, s1;
	s0 =	sshll.u32 @!p0 s0, $0x5  }
0x442: {  	[spmem:s0] =	stream.linear.scatter @!p0 [tilespmem:s1], [sflag:$0x1], $0x20, $0x38;
	[tilespmem:$0x1EC48] =	vst v63  }
0x443: {  	s0 =	simm.s32 @!p0 $0x22  }
0x444: {  	s28 =	simm.s32 $0x1;
	s0 =	simm.s32 @p0 $0x2  }
0x445: {  	_ =	swait.ge [sflag:s28], s0  }
0x446: {  	s0 =	ssub.s32 $0x0, s0;
	[sflag:s28] =	ssyncset.done $0x0  }
0x447: {  	p0 =	sne.s32 s14, $0x0;
	[sflag:s28] =	ssyncadd.s32 s0  }
.Ltmp27:
0x448: {  	_ =	sfence.stream.spmem;
	(pc) =	sbr.rel @p0 .LBB3_43-.Ltmp27, $4  }
0x449: {  	s29 =	simm.s32 $0x3;
	[bflag:$0x0] =	sbarrier.arrive $0xFFFF  }
0x44a: {  	s30 =	simm.s32 $0x4;
	[sflag:s29] =	ssyncpa.u1 $0x1  }
0x44b: {  	s31 =	simm.s32 $0x3C;
	[sflag:s30] =	ssyncpa.u1 $0x1  }
0x44c: {  	s15 =	rddreg [dreg:$0x4];
	[sflag:s31] =	ssyncpa.u1 $0x1  }
0x44d: {  	_ =	sfence.stream.spmem;
	s0 =	simm.s32 $0x5  }
0x44e: {  	s1 =	simm.s32 $0x400;
	s2 =	simm.s32 $0x6098;
	[sflag:s0] =	ssyncpa.u1 $0x0  }
0x44f: {  	[tilespmem:s2], [sflag:$0x5] =	stream.linear.gather [spmem:s1], $0x20, $0x38;
	[tilespmem:$0x1EC48] =	vst v63  }
0x450: {  	s26 =	simm.s32 $0x0;
	s28 =	simm.s32 $0x60B8  }
0x451: {  	[tilespmem:s28], [sflag:$0x5] =	stream.linear.gather [spmem:s26], $0x400, $0x38;
	[tilespmem:$0x1EC48] =	vst v63  }
0x452: {  	_ =	swait.ge [sflag:s0], $0x420  }
0x453: {  	[sflag:s0] =	ssyncset.done $0x0  }
0x454: {  	s29 =	simm.s32 $0x0;
	[sflag:s0] =	ssyncadd.s32 $0xFFFFFBE0  }
0x455: {  	v0 =	vld.msk [tilespmem:s29+$0x6098], $0x1;
	_ =	sdelay $0x1  }
0x456: {  	s30 =	simm.s32 $0x1  }
0x457: {  	v1 =	vld.msk [tilespmem:s30+$0x6098], $0x1;
	_ =	sdelay $0x1  }
0x458: {  	(v2sf) =	vpush v0, $0x0;
	_ =	sdelay $0x2  }
0x459: {  	(v2sf) =	vpush v1, $0x0;
	_ =	sdelay $0x2  }
0x45a: {  	s31 =	simm.s32 $0x2  }
0x45b: {  	v0 =	vld.msk [tilespmem:s31+$0x6098], $0x1;
	_ =	sdelay $0x2  }
0x45c: {  	s1 =	simm.s32 $0xFFFFFFFF;
	s2 =	simm.s32 $0xFFFFFFFF;
	s0 =	simm.s32 $0xC  }
.LBB3_28:
0x45d: {  	s3 =	smov.u32 s2;
	s5 =	smov.u32 s1  }
0x45e: {  	s1 =	sshra.s32 s0, $0x2;
	p1 =	sne.s32 s0, $0x7C;
	s0 =	sadd.s32 $0x4, s0;
	(v2sf) =	vpush v0, $0x0  }
0x45f: {  	v0 =	vld.msk [tilespmem:s1+$0x6098], $0x1  }
.Ltmp28:
0x460: {  	(pc) =	sbr.rel @p1 .LBB3_28-.Ltmp28, $4  }
0x461: {  	s2 =	spop (v2sf)  }
0x462: {  	p2 =	sne.s32 s5, $0xFFFFFFFF;
	s1 =	smov.u32 s2  }
0x463: {  	p3 =	seq.s32 s2, $0xFFFFFFFF;
	s1 =	smov.u32 @p2 s5  }
0x464: {  	s2 =	smov.u32 @p3 s3;
	s1 =	smov.u32 @p3 s5  }
0x465: {  	(v2sf) =	vpush v0, $0x0;
	_ =	sdelay $0x8  }
0x466: {  	s0 =	spop (v2sf)  }
0x467: {  	p1 =	sne.s32 s1, $0xFFFFFFFF;
	s3 =	smov.u32 s0  }
0x468: {  	s9 =	simm.s32 $0x6;
	p2 =	seq.s32 s0, $0xFFFFFFFF;
	s3 =	smov.u32 @p1 s1  }
0x469: {  	s10 =	simm.s32 $0x6068;
	s3 =	smov.u32 @p2 s1;
	s1 =	spop (v2sf)  }
0x46a: {  	s0 =	smov.u32 @p2 s2;
	p1 =	sne.s32 s3, $0xFFFFFFFF;
	s5 =	smov.u32 s1  }
.Ltmp29:
0x46b: {  	p2 =	seq.s32 s1, $0xFFFFFFFF;
	s5 =	smov.u32 @p1 s3;
	(pc) =	sbr.rel .LBB3_30-.Ltmp29, $4  }
0x46c: {  	s11 =	simm.s32 $0x0;
	s5 =	smov.u32 @p2 s3;
	s7 =	spop (v2sf)  }
0x46d: {  	[sflag:s9] =	ssyncpa.u1 $0x0;
	p1 =	sne.s32 s5, $0xFFFFFFFF;
	s8 =	smov.u32 s7  }
0x46e: {  	s1 =	smov.u32 @p2 s0;
	p2 =	seq.s32 s7, $0xFFFFFFFF;
	s8 =	smov.u32 @p1 s5  }
0x46f: {  	s3 =	simm.s32 $0x0;
	s7 =	smov.u32 @p2 s1;
	s8 =	smov.u32 @p2 s5  }
.LBB3_36:
0x470: {  	p1 =	sgt.u32 s12, $0x7FFC  }
0x471: {  	p2 =	seq.s32 @!p1 s12, s8  }
0x472: {  	p1 =	por p1, p2  }
0x473: {  	p2 =	sne.s32 @!p1 s12, s7  }
0x474: {  	p1 =	por p1, !p2  }
0x475: {  	s0 =	sshll.u32 @p1 s11, $0x7  }
0x476: {  	s0 =	sand.u32 @!p1 $0x7FF8, s12  }
0x477: {  	s1 =	sand.u32 @!p1 $0x7, s12;
	s0 =	sadd.s32 @!p1 s4, s0  }
0x478: {  	[tilespmem:s10], [sflag:$0x6] =	stream.linear.gather @!p1 [hbm4b:s0+s1], $0x20, $0x38;
	[tilespmem:$0x1EC48] =	vst v63  }
0x479: {  	_ =	swait.ge @!p1 [sflag:s9], $0x20  }
0x47a: {  	[sflag:s9] =	ssyncset.done @!p1 $0x0  }
0x47b: {  	[sflag:s9] =	ssyncadd.s32 @!p1 $0xFFFFFFE0  }
0x47c: {  	v1 =	vld @!p1 [tilespmem:$0x6068];
	_ =	sdelay $0x2  }
0x47d: {  	s0 =	sshll.u32 @!p1 s11, $0x7  }
0x47e: {  	s1 =	sshrl.u32 @!p1 s0, $0x2  }
0x47f: {  	[tilespmem:s1+$0x60B8] =	vst.add.f32.msk @!p1 $0xffff, v1  }
0x480: {  	v1 =	vld @!p1 [tilespmem:$0x6078];
	_ =	sdelay $0x4  }
0x481: {  	[tilespmem:s1+$0x60C8] =	vst.add.f32.msk @!p1 $0xffff, v1  }
0x482: {  	s0 =	sshrl.u32 s0, $0x2;
	[tilespmem:s3+$0x6098] =	vst.msk $0x1, v0  }
0x483: {  	v0 =	vld [tilespmem:s0+$0x60B8];
	_ =	sdelay $0x2  }
0x484: {  	s31 =	sshll.u32 s3, $0x7  }
0x485: {  	s1 =	sshra.s32 s31, $0x2  }
0x486: {  	[tilespmem:s1+$0x60B8] =	vst v0  }
0x487: {  	v0 =	vld [tilespmem:s0+$0x60C8];
	_ =	sdelay $0x4  }
0x488: {  	s3 =	sadd.s32 $0x1, s3;
	[tilespmem:s1+$0x60C8] =	vst v0  }
.LBB3_37:
0x489: {  	s11 =	sadd.s32 $0x1, s11  }
0x48a: {  	p1 =	sne.s32 s11, $0x20  }
.Ltmp30:
0x48b: {  	_ = 	snop;
	(pc) =	sbr.rel @!p1 .LBB3_38-.Ltmp30, $1  }
0x48c: {  	_ =	sdelay $0x3  }
.LBB3_30:
0x48d: {  	v0 =	vld.msk [tilespmem:s11+$0x6098], $0x1;
	_ =	sdelay $0x4  }
0x48e: {  	(v2sf) =	vpush v0, $0x0;
	_ =	sdelay $0xe  }
0x48f: {  	s12 =	spop (v2sf)  }
0x490: {  	p1 =	seq.s32 s12, $0xFFFFFFFF  }
.Ltmp31:
0x491: {  	_ = 	snop;
	(pc) =	sbr.rel @p1 .LBB3_37-.Ltmp31, $1  }
0x492: {  	_ =	sdelay $0x3  }
0x493: {  	p1 =	slt.s32 s3, $0x1  }
.Ltmp32:
0x494: {  	_ = 	snop;
	(pc) =	sbr.rel @p1 .LBB3_36-.Ltmp32, $1  }
0x495: {  	_ =	sdelay $0x3  }
0x496: {  	s0 =	simm.s32 $0x6098;
	p1 =	por $0x0, $0x0  }
0x497: {  	v1 =	vld.msk @!p1 [tilespmem:s0+$0x0], $0x1;
	_ =	sdelay $0x4  }
0x498: {  	(v2sf) =	vpush @!p1 v1, $0x0;
	_ =	sdelay $0xd  }
0x499: {  	p3 =	sne.s32 s3, $0x1  }
.Ltmp33:
0x49a: {  	s1 =	spop @!p1 (v2sf);
	(pc) =	sbr.rel @!p3 .LBB3_34-.Ltmp33, $4  }
0x49b: {  	p2 =	seq.s32 @!p1 s12, s1  }
0x49c: {  	s13 =	simm.s32 $0x0;
	p2 =	por !p2, p1  }
0x49d: {  	s2 =	simm.s32 $0xFFFFFFFF;
	s13 =	simm.s32 @p2 $0xFFFFFFFF  }
0x49e: {  	s1 =	simm.s32 $0x1;
	s13 =	smov.u32 @p1 s2  }
.LBB3_33:
0x49f: {  	s2 =	smov.u32 s13;
	p1 =	sne.s32 s13, $0xFFFFFFFF  }
0x4a0: {  	s0 =	sadd.s32 $0x1, s0;
	s13 =	smov.u32 s1;
	s1 =	sadd.s32 $0x1, s1  }
0x4a1: {  	p2 =	sne.s32 s3, s1;
	v1 =	vld.msk @!p1 [tilespmem:s0+$0x0], $0x1;
	_ =	sdelay $0x4  }
0x4a2: {  	(v2sf) =	vpush @!p1 v1, $0x0;
	_ =	sdelay $0xe  }
.Ltmp34:
0x4a3: {  	s5 =	spop @!p1 (v2sf);
	(pc) =	sbr.rel @p2 .LBB3_33-.Ltmp34, $4  }
0x4a4: {  	p3 =	seq.s32 @!p1 s12, s5  }
0x4a5: {  	p3 =	por !p3, p1  }
0x4a6: {  	s13 =	simm.s32 @p3 $0xFFFFFFFF  }
0x4a7: {  	s13 =	smov.u32 @p1 s2  }
.LBB3_34:
0x4a8: {  	p1 =	seq.s32 s13, $0xFFFFFFFF  }
.Ltmp35:
0x4a9: {  	_ = 	snop;
	(pc) =	sbr.rel @p1 .LBB3_36-.Ltmp35, $1  }
0x4aa: {  	_ =	sdelay $0x3  }
0x4ab: {  	s0 =	sshll.u32 s11, $0x5  }
0x4ac: {  	s0 =	sand.u32 $0x3FFFFFE0, s0  }
0x4ad: {  	v0 =	vld [tilespmem:s0+$0x60B8];
	_ =	sdelay $0x2  }
0x4ae: {  	s1 =	sshll.u32 s13, $0x7  }
0x4af: {  	s1 =	sshra.s32 s1, $0x2  }
0x4b0: {  	[tilespmem:s1+$0x60B8] =	vst.add.f32.msk $0xffff, v0  }
0x4b1: {  	v0 =	vld [tilespmem:s0+$0x60C8]  }
.Ltmp36:
0x4b2: {  	_ = 	snop;
	(pc) =	sbr.rel .LBB3_37-.Ltmp36, $2  }
0x4b3: {  	_ =	sdelay $0x2  }
0x4b4: {  	[tilespmem:s1+$0x60C8] =	vst.add.f32.msk $0xffff, v0  }
.LBB3_38:
0x4b5: {  	s0 =	simm.s32 $0x6;
	p1 =	seq.s32 s3, $0x0  }
0x4b6: {  	[sflag:s0] =	ssyncpa.u1 $0x1;
	v0 =	vimm.s32 @p1 $0xFFFFFFFF  }
0x4b7: {  	s9 =	sadd.s32 $0xFFFFFFFF, s3;
	[tilespmem:$0x64B8] =	vst @p1 v0  }
0x4b8: {  	v0 =	vld.msk @!p1 [tilespmem:s9+$0x6098], $0x1;
	_ =	sdelay $0x1  }
0x4b9: {  	v1 =	vld.msk @!p1 [tilespmem:$0x6098], $0x1;
	_ =	sdelay $0x2  }
0x4ba: {  	p2 =	seq.s32 @!p1 s9, $0x0;
	v0 =	vbroadcast @!p1 v0, $0x0  }
0x4bb: {  	vm0 =	vmmov @!p1 $0x1;
	p2 =	por !p2, p1  }
0x4bc: {  	v1 =	vnsel @!p1 vm0, $0xFFFFFFFF, v1;
	vm0 =	vcmask @!p1 $0x308;
	v0 =	vpsel !p2, $0xFFFFFFFF, v0  }
0x4bd: {  	p2 =	sne.s32 @!p1 s8, s7;
	v0 =	vsel @!p1 vm0, v1, v0  }
0x4be: {  	s0 =	simm.s32 @!p1 $0x60B8;
	s1 =	simm.s32 @!p1 $0x0;
	p3 =	por !p2, p1;
	[tilespmem:$0x64B8] =	vst @!p1 v0  }
0x4bf: {  	[spmem:s1] =	stream.linear.scatter @!p1 [tilespmem:s0], [sflag:$0x1], $0x20, $0x38;
	[tilespmem:$0x1EC48] =	vst v63  }
0x4c0: {  	s0 =	sshll.u32 @!p3 s9, $0x7  }
0x4c1: {  	s0 =	sshra.s32 @!p3 s0, $0x2  }
0x4c2: {  	s1 =	simm.s32 @!p3 $0x20;
	s0 =	sadd.s32 @!p3 $0x60B8, s0  }
0x4c3: {  	[spmem:s1] =	stream.linear.scatter @!p3 [tilespmem:s0], [sflag:$0x1], $0x20, $0x38;
	[tilespmem:$0x1EC48] =	vst v63  }
0x4c4: {  	s0 =	simm.s32 @!p3 $0x1  }
0x4c5: {  	_ =	swait.ge @!p3 [sflag:s0], $0x40  }
0x4c6: {  	p1 =	por p2, p1;
	[sflag:s0] =	ssyncset.done @!p3 $0x0  }
0x4c7: {  	[sflag:s0] =	ssyncadd.s32 @!p3 $0xFFFFFFC0;
	s0 =	simm.s32 @!p1 $0x1  }
0x4c8: {  	_ =	swait.ge @!p1 [sflag:s0], $0x20  }
0x4c9: {  	s29 =	simm.s32 $0x64B8;
	[sflag:s0] =	ssyncset.done @!p1 $0x0  }
0x4ca: {  	s30 =	simm.s32 $0x400;
	s31 =	simm.s32 $0x1;
	[sflag:s0] =	ssyncadd.s32 @!p1 $0xFFFFFFE0  }
0x4cb: {  	[spmem:s30] =	stream.linear.scatter [tilespmem:s29], [sflag:$0x1], $0x10, $0x38;
	[tilespmem:$0x1EC48] =	vst v63  }
0x4cc: {  	_ =	swait.ge [sflag:s31], $0x10  }
0x4cd: {  	[sflag:s31] =	ssyncset.done $0x0  }
0x4ce: {  	p1 =	seq.s32 s15, $0x0;
	s8 =	rddreg [dreg:$0x1];
	[sflag:s31] =	ssyncadd.s32 $0xFFFFFFF0  }
0x4cf: {  	s1 =	sshll.u32 @p1 s8, $0xE;
	s7 =	rddreg [dreg:$0x2]  }
0x4d0: {  	s0 =	sadd.s32 @p1 $0x15C3C, s1;
	s1 =	sshll.u32 @p1 s7, $0x11  }
0x4d1: {  	_ =	sfence.stream.spmem;
	s0 =	sor.u32 @p1 s1, s0  }
0x4d2: {  	[sflag:s0] =	ssyncadd.remote.s32 @p1 $0x1;
	s0 =	simm.s32 @p1 $0x4  }
0x4d3: {  	s2 =	simm.s32 @!p1 $0x3C;
	s1 =	sand.u32 $0xFFFFFFFE, s8;
	_ =	swait.ge @p1 [sflag:s0], $0xA  }
0x4d4: {  	s5 =	simm.s32 @!p1 $0x0;
	s1 =	sadd.s32 @!p1 $0x4, s1;
	[sflag:s0] =	ssyncset.done @p1 $0x0  }
0x4d5: {  	s6 =	simm.s32 @!p1 $0x40;
	[sflag:s0] =	ssyncadd.s32 @p1 $0xFFFFFFF6;
	s0 =	sshll.u32 @!p1 s1, $0x1A  }
0x4d6: {  	s1 =	sshll.u32 @!p1 s1, $0xD;
	s0 =	sor.u32 @!p1 s0, s7;
	_ =	swait.eq @!p1 [sflag:s2], $0x1  }
0x4d7: {  	s1 =	sor.u32 @!p1 $0x1C04, s1;
	s2 =	simm.s32 @!p1 $0x1C03;
	s0 =	sor.u32 @!p1 $0x80004000, s0  }
0x4d8: {  	[spmem:s6], [sflag:s1] =	dma.general @!p1 [spmem:s5], [sflag:s2], length:$0x8, [dreg:$0x0], stride_count:$0x0, ici_dest:s0, dma_misc:DstOpCode:WRITE  }
0x4d9: {  	p2 =	slt.s32 s9, $0x2;
	s5 =	simm.s32 @!p1 $0x80;
	s6 =	simm.s32 @!p1 $0x82  }
0x4da: {  	[spmem:s6], [sflag:s1] =	dma.general @!p1 [spmem:s5], [sflag:s2], length:$0x2, [dreg:$0x0], stride_count:$0x0, ici_dest:s0, dma_misc:DstOpCode:WRITE  }
.Ltmp37:
0x4db: {  	s0 =	simm.s32 @!p1 $0x3;
	(pc) =	sbr.rel @p2 .LBB3_42-.Ltmp37, $4  }
0x4dc: {  	s1 =	sshll.u32 @!p1 s8, $0xE;
	_ =	swait.ge @!p1 [sflag:s0], $0xA  }
0x4dd: {  	s2 =	sshll.u32 @!p1 s7, $0x11;
	s1 =	sadd.s32 @!p1 $0x11C3C, s1;
	[sflag:s0] =	ssyncset.done @!p1 $0x0  }
0x4de: {  	[sflag:s0] =	ssyncadd.s32 @!p1 $0xFFFFFFF6;
	s0 =	sor.u32 @!p1 s2, s1  }
0x4df: {  	[sflag:s0] =	ssyncadd.remote.s32 @!p1 $0xFFFFFFFF;
	s0 =	simm.s32 $0x0  }
0x4e0: {  	s0 =	simm.s32 $0x6099  }
0x4e1: {  	v0 =	vld.msk [tilespmem:s0+$0x0], $0x1;
	_ =	sdelay $0x4  }
0x4e2: {  	(v2sf) =	vpush v0, $0x0;
	_ =	sdelay $0xc  }
0x4e3: {  	s1 =	sadd.s32 $0xFFFFFFFE, s3  }
0x4e4: {  	s1 =	sadd.s32 $0xFFFFFFFF, s1  }
0x4e5: {  	p2 =	sne.s32 s1, $0x0;
	s2 =	spop (v2sf)  }
.Ltmp38:
0x4e6: {  	p1 =	sgt.u32 s2, $0x7FFC;
	(pc) =	sbr.rel @!p2 .LBB3_41-.Ltmp38, $4  }
0x4e7: {  	s6 =	simm.s32 $0x0;
	s3 =	sand.u32 @!p1 $0x7FF8, s2  }
0x4e8: {  	s0 =	simm.s32 $0x60D8;
	s2 =	sand.u32 @!p1 $0x7, s2;
	s3 =	sadd.s32 @!p1 s4, s3  }
0x4e9: {  	[hbm4b:s3+s2] =	stream.linear.scatter @!p1 [tilespmem:s0], [sflag:$0x5], $0x20, $0x38;
	[tilespmem:$0x1EC48] =	vst v63  }
0x4ea: {  	s6 =	simm.s32 @!p1 $0x80;
	s2 =	simm.s32 $0x0;
	s3 =	simm.s32 $0x609A  }
.LBB3_40:
0x4eb: {  	v0 =	vld.msk [tilespmem:s3+$0x0], $0x1;
	s1 =	sadd.s32 $0xFFFFFFFF, s1;
	s2 =	sadd.s32 s2, s6  }
0x4ec: {  	p1 =	sne.s32 s1, $0x0;
	_ =	sdelay $0x3  }
0x4ed: {  	(v2sf) =	vpush v0, $0x0;
	_ =	sdelay $0xe  }
.Ltmp39:
0x4ee: {  	s5 =	spop (v2sf);
	(pc) =	sbr.rel @p1 .LBB3_40-.Ltmp39, $4  }
0x4ef: {  	s6 =	simm.s32 $0x0;
	p2 =	sgt.u32 s5, $0x7FFC  }
0x4f0: {  	s0 =	sadd.s32 $0x20, s0;
	s6 =	simm.s32 @!p2 $0x80;
	s7 =	sand.u32 @!p2 $0x7FF8, s5  }
0x4f1: {  	s3 =	sadd.s32 $0x1, s3;
	s5 =	sand.u32 @!p2 $0x7, s5;
	s7 =	sadd.s32 @!p2 s4, s7  }
0x4f2: {  	[hbm4b:s7+s5] =	stream.linear.scatter @!p2 [tilespmem:s0], [sflag:$0x5], $0x20, $0x38;
	[tilespmem:$0x1EC48] =	vst v63  }
.LBB3_41:
0x4f3: {  	s0 =	sadd.s32 s2, s6  }
0x4f4: {  	s0 =	sshrl.u32 s0, $0x2  }
.LBB3_42:
0x4f5: {  	s1 =	simm.s32 $0x5  }
0x4f6: {  	_ =	swait.ge [sflag:s1], s0  }
0x4f7: {  	s31 =	ssub.s32 $0x0, s0;
	[sflag:s1] =	ssyncset.done $0x0  }
0x4f8: {  	[sflag:s1] =	ssyncadd.s32 s31  }
0x4f9: {  	[sflag:s1] =	ssyncpa.u1 $0x1  }
.LBB3_43:
0x4fa: {  	s0 =	sor.u32 s15, s14  }
0x4fb: {  	p1 =	sne.s32 s0, $0x0  }
.Ltmp40:
0x4fc: {  	_ = 	snop;
	(pc) =	sbr.rel @p1 .LBB3_58-.Ltmp40, $3  }
0x4fd: {  	_ =	sdelay $0x1  }
0x4fe: {  	[bflag:$0x0] =	sbarrier.arrive $0xFFFF  }
0x4ff: {  	_ =	sfence  }
0x500: {  	s0 =	simm.s32 $0x7  }
0x501: {  	s1 =	simm.s32 $0x400;
	s2 =	simm.s32 $0x6098;
	[sflag:s0] =	ssyncpa.u1 $0x0  }
0x502: {  	[tilespmem:s2], [sflag:$0x7] =	stream.linear.gather [spmem:s1], $0x20, $0x38;
	[tilespmem:$0x1EC48] =	vst v63  }
0x503: {  	s30 =	simm.s32 $0x60B8;
	s1 =	simm.s32 $0x0  }
0x504: {  	[tilespmem:s30], [sflag:$0x7] =	stream.linear.gather [spmem:s1], $0x400, $0x38;
	[tilespmem:$0x1EC48] =	vst v63  }
.Ltmp41:
0x505: {  	_ = 	snop;
	(pc) =	sbr.rel .LBB3_45-.Ltmp41, $4  }
0x506: {  	_ =	swait.ge [sflag:s0], $0x420  }
0x507: {  	[sflag:s0] =	ssyncset.done $0x0  }
0x508: {  	s31 =	simm.s32 $0x8;
	[sflag:s0] =	ssyncadd.s32 $0xFFFFFBE0  }
0x509: {  	s2 =	simm.s32 $0x0;
	[sflag:s31] =	ssyncpa.u1 $0x0  }
.LBB3_51:
0x50a: {  	p1 =	slt.u32 s3, $0x7FFD  }
0x50b: {  	s0 =	sand.u32 @p1 $0x7FF8, s3  }
0x50c: {  	s3 =	sand.u32 @p1 $0x7, s3;
	s5 =	simm.s32 @p1 $0x6068;
	s0 =	sadd.s32 @p1 s4, s0  }
0x50d: {  	[tilespmem:s5], [sflag:$0x8] =	stream.linear.gather @p1 [hbm4b:s0+s3], $0x20, $0x38;
	[tilespmem:$0x1EC48] =	vst v63  }
0x50e: {  	s0 =	simm.s32 @p1 $0x8  }
0x50f: {  	_ =	swait.ge @p1 [sflag:s0], $0x20  }
0x510: {  	[sflag:s0] =	ssyncset.done @p1 $0x0  }
0x511: {  	[sflag:s0] =	ssyncadd.s32 @p1 $0xFFFFFFE0  }
0x512: {  	v1 =	vld @p1 [tilespmem:$0x6068];
	_ =	sdelay $0x2  }
0x513: {  	s0 =	sshll.u32 @p1 s2, $0x7  }
0x514: {  	s3 =	sshrl.u32 @p1 s0, $0x2  }
0x515: {  	[tilespmem:s3+$0x60B8] =	vst.add.f32.msk @p1 $0xffff, v1  }
0x516: {  	v1 =	vld @p1 [tilespmem:$0x6078];
	_ =	sdelay $0x3  }
0x517: {  	s5 =	sshll.u32 @!p1 s2, $0x7  }
0x518: {  	s5 =	smov.u32 @p1 s0;
	[tilespmem:s3+$0x60C8] =	vst.add.f32.msk @p1 $0xffff, v1  }
0x519: {  	s0 =	sshrl.u32 s5, $0x2;
	[tilespmem:s1+$0x6098] =	vst.msk $0x1, v0  }
0x51a: {  	v0 =	vld [tilespmem:s0+$0x60B8];
	_ =	sdelay $0x2  }
0x51b: {  	s31 =	sshll.u32 s1, $0x7  }
0x51c: {  	s3 =	sshra.s32 s31, $0x2  }
0x51d: {  	[tilespmem:s3+$0x60B8] =	vst v0  }
0x51e: {  	v0 =	vld [tilespmem:s0+$0x60C8];
	_ =	sdelay $0x4  }
0x51f: {  	s1 =	sadd.s32 $0x1, s1;
	[tilespmem:s3+$0x60C8] =	vst v0  }
.LBB3_52:
0x520: {  	s2 =	sadd.s32 $0x1, s2  }
0x521: {  	p1 =	sne.s32 s2, $0x20  }
.Ltmp42:
0x522: {  	_ = 	snop;
	(pc) =	sbr.rel @!p1 .LBB3_53-.Ltmp42, $1  }
0x523: {  	_ =	sdelay $0x3  }
.LBB3_45:
0x524: {  	v0 =	vld.msk [tilespmem:s2+$0x6098], $0x1;
	_ =	sdelay $0x4  }
0x525: {  	(v2sf) =	vpush v0, $0x0;
	_ =	sdelay $0xe  }
0x526: {  	s3 =	spop (v2sf)  }
0x527: {  	p1 =	seq.s32 s3, $0xFFFFFFFF  }
.Ltmp43:
0x528: {  	_ = 	snop;
	(pc) =	sbr.rel @p1 .LBB3_52-.Ltmp43, $1  }
0x529: {  	_ =	sdelay $0x3  }
0x52a: {  	p1 =	slt.s32 s1, $0x1  }
.Ltmp44:
0x52b: {  	_ = 	snop;
	(pc) =	sbr.rel @p1 .LBB3_51-.Ltmp44, $1  }
0x52c: {  	_ =	sdelay $0x3  }
0x52d: {  	s0 =	simm.s32 $0x6098;
	p1 =	por $0x0, $0x0  }
0x52e: {  	v1 =	vld.msk @!p1 [tilespmem:s0+$0x0], $0x1;
	_ =	sdelay $0x4  }
0x52f: {  	(v2sf) =	vpush @!p1 v1, $0x0;
	_ =	sdelay $0xd  }
0x530: {  	p3 =	sne.s32 s1, $0x1  }
.Ltmp45:
0x531: {  	s5 =	spop @!p1 (v2sf);
	(pc) =	sbr.rel @!p3 .LBB3_49-.Ltmp45, $4  }
0x532: {  	p2 =	seq.s32 @!p1 s3, s5  }
0x533: {  	s5 =	simm.s32 $0x0;
	p2 =	por !p2, p1  }
0x534: {  	s7 =	simm.s32 $0xFFFFFFFF;
	s5 =	simm.s32 @p2 $0xFFFFFFFF  }
0x535: {  	s6 =	simm.s32 $0x1;
	s5 =	smov.u32 @p1 s7  }
.LBB3_48:
0x536: {  	s7 =	smov.u32 s5;
	p1 =	sne.s32 s5, $0xFFFFFFFF  }
0x537: {  	s0 =	sadd.s32 $0x1, s0;
	s5 =	smov.u32 s6;
	s6 =	sadd.s32 $0x1, s6  }
0x538: {  	p2 =	sne.s32 s1, s6;
	v1 =	vld.msk @!p1 [tilespmem:s0+$0x0], $0x1;
	_ =	sdelay $0x4  }
0x539: {  	(v2sf) =	vpush @!p1 v1, $0x0;
	_ =	sdelay $0xe  }
.Ltmp46:
0x53a: {  	s8 =	spop @!p1 (v2sf);
	(pc) =	sbr.rel @p2 .LBB3_48-.Ltmp46, $4  }
0x53b: {  	p3 =	seq.s32 @!p1 s3, s8  }
0x53c: {  	p3 =	por !p3, p1  }
0x53d: {  	s5 =	simm.s32 @p3 $0xFFFFFFFF  }
0x53e: {  	s5 =	smov.u32 @p1 s7  }
.LBB3_49:
0x53f: {  	p1 =	seq.s32 s5, $0xFFFFFFFF  }
.Ltmp47:
0x540: {  	_ = 	snop;
	(pc) =	sbr.rel @p1 .LBB3_51-.Ltmp47, $1  }
0x541: {  	_ =	sdelay $0x3  }
0x542: {  	s0 =	sshll.u32 s2, $0x5  }
0x543: {  	s0 =	sand.u32 $0x3FFFFFE0, s0  }
0x544: {  	v0 =	vld [tilespmem:s0+$0x60B8];
	_ =	sdelay $0x2  }
0x545: {  	s3 =	sshll.u32 s5, $0x7  }
0x546: {  	s3 =	sshra.s32 s3, $0x2  }
0x547: {  	[tilespmem:s3+$0x60B8] =	vst.add.f32.msk $0xffff, v0  }
0x548: {  	v0 =	vld [tilespmem:s0+$0x60C8]  }
.Ltmp48:
0x549: {  	_ = 	snop;
	(pc) =	sbr.rel .LBB3_52-.Ltmp48, $2  }
0x54a: {  	_ =	sdelay $0x2  }
0x54b: {  	[tilespmem:s3+$0x60C8] =	vst.add.f32.msk $0xffff, v0  }
.LBB3_53:
0x54c: {  	p1 =	slt.s32 s1, $0x1  }
.Ltmp49:
0x54d: {  	_ = 	snop;
	(pc) =	sbr.rel @p1 .LBB3_57-.Ltmp49, $3  }
0x54e: {  	_ =	sdelay $0x1  }
0x54f: {  	s0 =	simm.s32 $0x8  }
0x550: {  	s2 =	simm.s32 $0x0;
	[sflag:s0] =	ssyncpa.u1 $0x1  }
0x551: {  	s0 =	simm.s32 $0x6098  }
0x552: {  	v0 =	vld.msk [tilespmem:s0+$0x0], $0x1;
	_ =	sdelay $0x4  }
0x553: {  	(v2sf) =	vpush v0, $0x0;
	_ =	sdelay $0xe  }
0x554: {  	s1 =	sadd.s32 $0xFFFFFFFF, s1;
	s3 =	spop (v2sf)  }
0x555: {  	p2 =	sne.s32 s1, $0x0;
	p1 =	sgt.u32 s3, $0x7FFC  }
.Ltmp50:
0x556: {  	s5 =	sand.u32 @!p1 $0x7FF8, s3;
	(pc) =	sbr.rel @!p2 .LBB3_56-.Ltmp50, $4  }
0x557: {  	s0 =	simm.s32 $0x60B8;
	s3 =	sand.u32 @!p1 $0x7, s3;
	s5 =	sadd.s32 @!p1 s4, s5  }
0x558: {  	[hbm4b:s5+s3] =	stream.linear.scatter @!p1 [tilespmem:s0], [sflag:$0x7], $0x20, $0x38;
	[tilespmem:$0x1EC48] =	vst v63  }
0x559: {  	s5 =	simm.s32 $0x0  }
0x55a: {  	s3 =	simm.s32 $0x6099;
	s5 =	simm.s32 @!p1 $0x80  }
.LBB3_55:
0x55b: {  	v0 =	vld.msk [tilespmem:s3+$0x0], $0x1;
	s1 =	sadd.s32 $0xFFFFFFFF, s1;
	s2 =	sadd.s32 s2, s5  }
0x55c: {  	p1 =	sne.s32 s1, $0x0;
	_ =	sdelay $0x3  }
0x55d: {  	(v2sf) =	vpush v0, $0x0;
	_ =	sdelay $0xe  }
.Ltmp51:
0x55e: {  	s6 =	spop (v2sf);
	(pc) =	sbr.rel @p1 .LBB3_55-.Ltmp51, $4  }
0x55f: {  	s5 =	simm.s32 $0x0;
	p2 =	sgt.u32 s6, $0x7FFC  }
0x560: {  	s0 =	sadd.s32 $0x20, s0;
	s5 =	simm.s32 @!p2 $0x80;
	s7 =	sand.u32 @!p2 $0x7FF8, s6  }
0x561: {  	s3 =	sadd.s32 $0x1, s3;
	s6 =	sand.u32 @!p2 $0x7, s6;
	s7 =	sadd.s32 @!p2 s4, s7  }
0x562: {  	[hbm4b:s7+s6] =	stream.linear.scatter @!p2 [tilespmem:s0], [sflag:$0x7], $0x20, $0x38;
	[tilespmem:$0x1EC48] =	vst v63  }
.LBB3_56:
0x563: {  	s0 =	sadd.s32 s2, s5  }
0x564: {  	s2 =	sshrl.u32 s0, $0x2  }
.LBB3_57:
0x565: {  	s0 =	simm.s32 $0x7  }
0x566: {  	_ =	swait.ge [sflag:s0], s2  }
0x567: {  	s1 =	ssub.s32 $0x0, s2;
	[sflag:s0] =	ssyncset.done $0x0  }
0x568: {  	[sflag:s0] =	ssyncadd.s32 s1  }
0x569: {  	[sflag:s0] =	ssyncpa.u1 $0x1  }
.LBB3_58:
0x56a: {  	_ =	sfence;
	s0 =	simm.s32 $0x1  }
0x56b: {  	[sflag:s0] =	ssyncpa.u1 $0x1  }
0x56c: {  	_ =	strace $0x9000004A  }
0x56d: {  	[bflag:$0x2] =	sbarrier.arrive $0xFFFF  }
0x56e: {  	s0 =	rddreg [dreg:$0x3]  }
0x56f: {  	s0 =	sadd.s32 @!p0 $0x100000, s0  }
0x570: {  	[sflag:s0] =	ssyncadd.tile.s32 @!p0 $0x1;
	_ =	shalt  }
.Lfunc_end3:
_tile_overlayer_lowered:
.L_overlay_start_3:
0x571: {  	(tag) =	ssettag $0x3  }
0x572: {  	s0 =	rddreg [dreg:$0x0];
	s2 =	stileid.u32  }
0x573: {  	s1 =	rddreg [dreg:$0x1];
	p0 =	sne.s32 s2, $0x0  }
0x574: {  	s3 =	rddreg [dreg:$0x2];
	[bflag:$0x3] =	sbarrier.arrive $0xFFFF;
	s2 =	simm.s32 @!p0 $0x1C01  }
0x575: {  	[timem:s3], [sflag:s2] =	dma.local @!p0 [hbm:s0], s1  }
0x576: {  	s0 =	simm.s32 @!p0 $0x1  }
0x577: {  	_ =	swait.ge @!p0 [sflag:s0], s1  }
0x578: {  	s1 =	ssub.s32 @!p0 $0x0, s1;
	[sflag:s0] =	ssyncset.done @!p0 $0x0  }
0x579: {  	[sflag:s0] =	ssyncadd.s32 @!p0 s1  }
0x57a: {  	[bflag:$0x3] =	sbarrier.arrive $0xFFFF  }
0x57b: {  	_ =	shalt  }

// kernel: sparse-core-data-format-call.cloned.1.call-start
scs
called_computation.2_lowered:
.L_overlay_start_0:
0x0: {  	s2 =	sld [smem:$0x3FD9]  }
0x1: {  	s3 =	sld [smem:$0x3FFE];
	_ =	sdelay $0x1  }
0x2: {  	s1 =	srdreg.scid  }
0x3: {  	s0 =	sand.u32 $0x1, s1  }
0x4: {  	s16 =	sshll.u32 s0, $0xA;
	s2 =	sadd.s32 s3, s2  }
0x5: {  	s2 =	sadd.s32 s2, s16  }
0x6: {  	[smem:$0x3F9F] =	sst s2  }
0x7: {  	_ = 	snop  }
0x8: {  	s2 =	sld [smem:$0x3FD0];
	_ =	sdelay $0x2  }
0x9: {  	s17 =	simm.s32 $0xB;
	s4 =	simm.s32 $0x10  }
0xa: {  	[smem:s4], [sflag:s17] =	dma.local [hbm:s2], $0x1  }
0xb: {  	_ =	swait.eq [sflag:s17], $0x1  }
0xc: {  	[sflag:s17] =	ssyncset.done $0x0  }
0xd: {  	[sflag:s17] =	ssyncadd.s32 $0xFFFFFFFF  }
0xe: {  	s18 =	sld [smem:$0x10];
	(tm) =	ssettm $0x1  }
0xf: {  	s19 =	sld [smem:$0x3FFB];
	_ =	sdelay $0x3  }
0x10: {  	_ =	strace s19  }
0x11: {  	s2 =	sld [smem:$0x3FFC];
	_ =	sdelay $0x3  }
0x12: {  	_ =	strace s2  }
0x13: {  	s2 =	sld [smem:$0x3FFD];
	_ =	sdelay $0x3  }
0x14: {  	_ =	strace s2  }
0x15: {  	_ =	strace $0x8FFFFFFF  }
0x16: {  	s20 =	sld [smem:$0x3FDB];
	_ =	sdelay $0x1  }
0x17: {  	s21 =	simm.s32 $_scs_section_size  }
0x18: {  	s5 =	simm.s32 $_size__tile_overlayer_lowered;
	s6 =	simm.s32 $_tile_overlayer_lowered  }
0x19: {  	s7 =	simm.s32 $0x1BFF;
	s22 =	sshll.u32 s6, $0x1;
	s4 =	sadd.s32 s21, s20  }
0x1a: {  	s23 =	simm.s32 $0x0;
	s5 =	sshll.u32 s5, $0x1;
	s6 =	sadd.s32 s22, s4  }
0x1b: {  	[timem:s23], [sflag:s7] =	dma.local [hbm:s6], s5  }
0x1c: {  	_ =	swait.ge [sflag:s7], s5  }
0x1d: {  	s5 =	ssub.s32 $0x0, s5;
	[sflag:s7] =	ssyncset.done $0x0  }
0x1e: {  	[sflag:s7] =	ssyncadd.s32 s5;
	_ =	sdelay $0x1  }
0x1f: {  	s24 =	simm.s32 $0x1B8B  }
0x20: {  	_ =	swait.ge [sflag:s24], $0x1  }
0x21: {  	[sflag:s24] =	ssyncset.done $0x0  }
0x22: {  	[sflag:s24] =	ssyncadd.s32 $0xFFFFFFFF  }
0x23: {  	s5 =	sld [smem:$0x0]  }
0x24: {  	s6 =	sand.u32 $0xFFFFFFFE, s1  }
0x25: {  	p0 =	sne.s32 s1, s6  }
0x26: {  	s6 =	sshll.u32 @p0 s6, $0xE  }
0x27: {  	s6 =	sadd.s32 @p0 $0x11B8D, s6;
	s7 =	sshll.u32 @p0 s5, $0x11  }
0x28: {  	s6 =	sor.u32 @p0 s7, s6  }
0x29: {  	[sflag:s6] =	ssyncadd.remote.s32 @p0 $0x1;
	_ =	sdelay $0x1  }
0x2a: {  	s6 =	simm.s32 @p0 $0x1B8D  }
0x2b: {  	_ =	swait.eq @p0 [sflag:s6], $0x1  }
0x2c: {  	[sflag:s6] =	ssyncadd.s32 @p0 $0xFFFFFFFF  }
0x2d: {  	s7 =	sshll.u32 @!p0 s1, $0xE  }
0x2e: {  	s7 =	sor.u32 @!p0 $0x4000, s7;
	s6 =	simm.s32 @!p0 $0x1B8D  }
0x2f: {  	s5 =	sshll.u32 @!p0 s5, $0x11;
	s7 =	sadd.s32 @!p0 $0x11B8D, s7;
	_ =	swait.eq @!p0 [sflag:s6], $0x1  }
0x30: {  	s5 =	sor.u32 @!p0 s5, s7;
	[sflag:s6] =	ssyncadd.s32 @!p0 $0xFFFFFFFF  }
0x31: {  	s26 =	simm.s32 $0x1B8E;
	s25 =	sld [smem:$0x3FFE];
	[sflag:s5] =	ssyncadd.remote.s32 @!p0 $0x1  }
0x32: {  	s27 =	simm.s32 $execute0_lowered;
	[smem:$0x3FD2] =	sst s26  }
0x33: {  	s6 =	sshll.u32 s27, $0x1;
	_ =	strace $0x8000006A;
	[dreg:$0x1] =	wrdreg $0xFFFFFFFF  }
0x34: {  	s28 =	simm.s32 $_size_execute0_lowered;
	s4 =	sadd.s32 s4, s6;
	[dreg:$0x0] =	wrdreg $0x0  }
0x35: {  	s6 =	sshll.u32 s28, $0x1;
	[dreg:$0x2] =	wrdreg s4  }
0x36: {  	[dreg:$0x3] =	wrdreg s6  }
0x37: {  	[dreg:$0x4] =	wrdreg $0xC0  }
0x38: {  	_ =	task [dreg:s23], $0x5FFFF  }
0x39: {  	[dreg:$0x1] =	wrdreg $0xFFFFFFFF  }
0x3a: {  	[dreg:$0x0] =	wrdreg $0x60  }
0x3b: {  	[dreg:$0x2] =	wrdreg s25  }
0x3c: {  	[dreg:$0x3] =	wrdreg s18  }
0x3d: {  	[dreg:$0x4] =	wrdreg $0xA  }
0x3e: {  	_ =	task.clear_ibuf [dreg:s23], $0x5FFFF;
	_ =	strace $0x9000006A  }
0x3f: {  	s29 =	simm.s32 $0xA;
	_ =	strace $0x8000006C  }
0x40: {  	_ =	swait.ge [sflag:s29], $0x1  }
0x41: {  	[sflag:s29] =	ssyncadd.s32 $0xFFFFFFFF  }
0x42: {  	_ =	strace $0x9000006C  }
0x43: {  	_ =	sfence  }
0x44: {  	s30 =	sld [smem:$0x0];
	_ =	sdelay $0x2  }
0x45: {  	s31 =	sshll.u32 s1, $0xD;
	s1 =	sshrl.u32 s1, $0x2  }
0x46: {  	s4 =	sand.u32 $0x4000, s31;
	s1 =	sadd.s32 s1, s30  }
0x47: {  	s0 =	sor.u32 s4, s0;
	s1 =	sshll.u32 s1, $0x11  }
0x48: {  	s0 =	sor.u32 s1, s0  }
0x49: {  	s0 =	sadd.s32 $0x8F2B, s0  }
0x4a: {  	[sflag:s0] =	ssyncadd.remote.s32 $0x1  }
0x4b: {  	_ =	sfence.sel $0xFFFF  }
0x4c: {  	[dreg:$0x0] =	wrdreg $0xFFFFFFFF;
	(pc) =	sbr.abs _section_cstart, $3  }
0x4d: {  	[dreg:$0x1] =	wrdreg $0xFFFFFFFF  }
0x4e: {  	_ =	task.clear_ibuf [dreg:s23], $0x2FFFF;
	_ =	strace $0x9FFFFFFF  }
0x4f: {  	(tm) =	ssettm $0x7FFFFFFF  }
tec
execute0_lowered:
.L_overlay_start_1:
0x0: {  	(tag) =	ssettag $0x1  }
0x1: {  	s5 =	rddreg [dreg:$0x0]  }
0x2: {  	s0 =	srdreg.scid;
	s2 =	rddreg [dreg:$0x1]  }
0x3: {  	s4 =	simm.s32 $0x1;
	s8 =	simm.s32 $0x2;
	s1 =	sshll.u32 s0, $0x4  }
0x4: {  	s13 =	simm.s32 $0x0;
	s0 =	stileid.u32;
	s1 =	sand.u32 $0x10, s1  }
0x5: {  	s14 =	simm.s32 $0x0;
	s15 =	simm.s32 $0x0;
	s1 =	sor.u32 s0, s1  }
0x6: {  	s9 =	simm.s32 $0x0;
	s10 =	simm.s32 $0x0;
	s3 =	sshll.u32 s1, $0x3  }
0x7: {  	s12 =	simm.s32 $0x0;
	s5 =	sadd.s32 $0x124600, s5;
	s6 =	ssub.s32 $0x800, s3  }
.Ltmp0:
0x8: {  	s1 =	rddreg [dreg:$0x2];
	s7 =	sand.u32 $0xF8, s6;
	(pc) =	sbr.rel .LBB1_1-.Ltmp0, $4  }
0x9: {  	_ =	strace $0x8000006B;
	p0 =	sne.s32 s7, $0x0;
	s7 =	simm.s32 $0x1  }
0xa: {  	[sflag:s4] =	ssyncpa.u1 $0x0;
	s6 =	sshrl.u32 s6, $0x8;
	s7 =	simm.s32 @!p0 $0x0  }
0xb: {  	s11 =	smov.u32 s3;
	[sflag:s8] =	ssyncpa.u1 $0x0;
	s7 =	sadd.s32 s7, s6  }
0xc: {  	s8 =	simm.s32 $0x400000;
	s6 =	sshll.u32 s7, $0x1;
	s7 =	sshllo.u32 s7, $0x1  }
.LBB1_9:
0xd: {  	s16 =	sadd.s32 $0x400, s9  }
0xe: {  	s13 =	sadd.s32 $0x2, s10;
	s17 =	smov.u32 s10;
	p1 =	sgt.s32 s16, $0x7FF  }
0xf: {  	s17 =	smov.u32 @p1 s13  }
0x10: {  	s19 =	smov.u32 s11;
	s13 =	sadd.s32 $0x100, s11;
	p2 =	sgt.s32 s17, $0x1  }
0x11: {  	s19 =	smov.u32 @p2 s13  }
0x12: {  	s16 =	simm.s32 @p1 $0x0;
	p1 =	sgt.s32 s19, $0x7FF  }
0x13: {  	p0 =	slt.u32 s12, $0x2;
	s19 =	smov.u32 @p1 s3;
	p1 =	sne.s32 s12, s7  }
.Ltmp1:
0x14: {  	s18 =	simm.s32 @!p0 $0x2;
	(pc) =	sbr.rel @!p1 .LBB1_10-.Ltmp1, $4  }
0x15: {  	s14 =	smov.u32 s10;
	_ =	swait.ge @!p0 [sflag:s18], $0x4000  }
0x16: {  	s15 =	smov.u32 s11;
	[sflag:s18] =	ssyncset.done @!p0 $0x0;
	s17 =	simm.s32 @p2 $0x0  }
0x17: {  	s13 =	smov.u32 s9;
	[sflag:s18] =	ssyncadd.s32 @!p0 $0xFFFFC000;
	s9 =	smov.u32 s16  }
0x18: {  	s10 =	smov.u32 s17;
	s12 =	sadd.s32 $0x1, s12;
	s11 =	smov.u32 s19  }
.LBB1_1:
0x19: {  	p0 =	sge.u32 s12, s6  }
0x1a: {  	s16 =	sshll.u32 @!p0 s10, $0x7  }
0x1b: {  	s17 =	sand.u32 @!p0 $0x78, s9;
	s18 =	sshll.u32 @!p0 s9, $0x1;
	s16 =	sand.u32 @!p0 $0x80, s16  }
0x1c: {  	s31 =	sadd.s32 $0xFFFFFFFF, s12;
	s18 =	sand.u32 @!p0 $0x700, s18;
	s16 =	sor.u32 @!p0 s16, s17  }
0x1d: {  	s17 =	sshll.u32 @!p0 s11, $0x9;
	s16 =	sor.u32 @!p0 s18, s16;
	s18 =	sshrl.u32 @!p0 s9, $0x2  }
0x1e: {  	s19 =	sxor.u32 @!p0 $0xFFFFFFFF, s12;
	s17 =	sadd.s32 @!p0 s5, s17;
	s18 =	sand.u32 @!p0 $0x100, s18  }
0x1f: {  	s19 =	sshll.u32 @!p0 s19, $0xE;
	s17 =	sadd.s32 @!p0 s18, s17;
	s18 =	sand.u32 @!p0 $0x7, s9  }
0x20: {  	s19 =	sand.u32 @!p0 $0x4000, s19;
	s16 =	sshrl.u32 @!p0 s16, $0x3;
	s18 =	sshll.u32 @!p0 s18, $0x12  }
0x21: {  	s16 =	sadd.s32 @!p0 s16, s17;
	s17 =	sor.u32 @!p0 $0x800, s18;
	s18 =	simm.s32 @!p0 $0x1000  }
0x22: {  	[tilespmem:s19], [sflag:$0x1] =	stream.strided.gather @!p0 [hbm4b:s16+s17], $0x4000, s18, s17, $0x38;
	[tilespmem:$0x10000] =	vst v63  }
0x23: {  	p0 =	sge.u32 s31, s6  }
.Ltmp2:
0x24: {  	_ = 	snop;
	(pc) =	sbr.rel @p0 .LBB1_9-.Ltmp2, $1  }
0x25: {  	_ =	sdelay $0x3  }
0x26: {  	_ =	swait.ge [sflag:s4], $0x4000;
	s16 =	sshll.u32 s12, $0xE  }
0x27: {  	[sflag:s4] =	ssyncset.done $0x0;
	s17 =	sand.u32 $0x4000, s16  }
0x28: {  	s18 =	simm.s32 $0x0;
	[sflag:s4] =	ssyncadd.s32 $0xFFFFC000;
	s16 =	sor.u32 $0x8000, s17  }
.LBB1_3:
0x29: {  	s21 =	sshll.u32 s18, $0xB  }
0x2a: {  	s22 =	sshll.u32 s18, $0x7;
	p1 =	por $0x1, $0x1;
	v1 =	vmov s21  }
0x2b: {  	s19 =	sadd.s32 s21, s17;
	s20 =	sadd.s32 s22, s16;
	v0 =	vmov s22;
	s21 =	simm.s32 $0x0  }
.LBB1_4:
0x2c: {  	s22 =	sshll.u32 s21, $0x7  }
0x2d: {  	s25 =	sadd.s32 s22, s19  }
0x2e: {  	v2 =	vmov s25  }
0x2f: {  	s24 =	sshll.u32 s21, $0xD;
	p0 =	por p1, p1;
	s23 =	simm.s32 $0x0  }
0x30: {  	p1 =	por $0x1, $0x1;
	s21 =	sadd.s32 s24, s16;
	s22 =	sadd.s32 s22, s17;
	v3 =	vmov s24  }
.LBB1_5:
0x31: {  	s23 =	sshll.u32 s23, $0x3  }
0x32: {  	s24 =	sshra.s32 s23, $0x2  }
0x33: {  	v4 =	vld.idx.msk [tilespmem:v2+s24+$0x0 ss:$0x1], $0xffff;
	s24 =	sadd.s32 s24, s22  }
0x34: {  	v5 =	vld.idx.msk [tilespmem:v1+s24+$0x10 ss:$0x1], $0xffff  }
0x35: {  	v6 =	vld.idx.msk [tilespmem:v1+s24+$0x20 ss:$0x1], $0xffff  }
0x36: {  	s23 =	sand.u32 $0x3FFFFFF8, s23;
	v7 =	vld.idx.msk [tilespmem:v1+s24+$0x30 ss:$0x1], $0xffff  }
0x37: {  	s25 =	sadd.s32 s23, s21;
	v8 =	vld.idx.msk [tilespmem:v1+s24+$0x40 ss:$0x1], $0xffff  }
0x38: {  	s23 =	sadd.s32 s23, s20;
	[tilespmem:v0+s25+$0x0 ss:$0x1] =	vst.idx.msk $0xffff, v4;
	v4 =	vld.idx.msk [tilespmem:v1+s24+$0x50 ss:$0x1], $0xffff  }
0x39: {  	[tilespmem:v3+s23+$0x10 ss:$0x1] =	vst.idx.msk $0xffff, v5;
	v5 =	vld.idx.msk [tilespmem:v1+s24+$0x60 ss:$0x1], $0xffff  }
0x3a: {  	v49 =	vld.idx.msk [tilespmem:v1+s24+$0x70 ss:$0x1], $0xffff;
	[tilespmem:v3+s23+$0x20 ss:$0x1] =	vst.idx.msk $0xffff, v6  }
0x3b: {  	v50 =	vld.idx.msk [tilespmem:v1+s24+$0x100 ss:$0x1], $0xffff;
	[tilespmem:v3+s23+$0x30 ss:$0x1] =	vst.idx.msk $0xffff, v7  }
0x3c: {  	v51 =	vld.idx.msk [tilespmem:v1+s24+$0x110 ss:$0x1], $0xffff;
	[tilespmem:v3+s23+$0x40 ss:$0x1] =	vst.idx.msk $0xffff, v8  }
0x3d: {  	[tilespmem:v3+s23+$0x50 ss:$0x1] =	vst.idx.msk $0xffff, v4;
	v4 =	vld.idx.msk [tilespmem:v1+s24+$0x120 ss:$0x1], $0xffff  }
0x3e: {  	[tilespmem:v3+s23+$0x60 ss:$0x1] =	vst.idx.msk $0xffff, v5;
	v5 =	vld.idx.msk [tilespmem:v1+s24+$0x130 ss:$0x1], $0xffff  }
0x3f: {  	v52 =	vld.idx.msk [tilespmem:v1+s24+$0x140 ss:$0x1], $0xffff;
	[tilespmem:v3+s23+$0x70 ss:$0x1] =	vst.idx.msk $0xffff, v49  }
0x40: {  	v53 =	vld.idx.msk [tilespmem:v1+s24+$0x150 ss:$0x1], $0xffff;
	[tilespmem:v0+s25+$0x400 ss:$0x1] =	vst.idx.msk $0xffff, v50  }
0x41: {  	v54 =	vld.idx.msk [tilespmem:v1+s24+$0x160 ss:$0x1], $0xffff;
	[tilespmem:v3+s23+$0x410 ss:$0x1] =	vst.idx.msk $0xffff, v51  }
0x42: {  	[tilespmem:v3+s23+$0x420 ss:$0x1] =	vst.idx.msk $0xffff, v4;
	v4 =	vld.idx.msk [tilespmem:v1+s24+$0x170 ss:$0x1], $0xffff  }
0x43: {  	[tilespmem:v3+s23+$0x430 ss:$0x1] =	vst.idx.msk $0xffff, v5;
	v5 =	vld.idx.msk [tilespmem:v1+s24+$0x200 ss:$0x1], $0xffff  }
0x44: {  	v55 =	vld.idx.msk [tilespmem:v1+s24+$0x210 ss:$0x1], $0xffff;
	[tilespmem:v3+s23+$0x440 ss:$0x1] =	vst.idx.msk $0xffff, v52  }
0x45: {  	v56 =	vld.idx.msk [tilespmem:v1+s24+$0x220 ss:$0x1], $0xffff;
	[tilespmem:v3+s23+$0x450 ss:$0x1] =	vst.idx.msk $0xffff, v53  }
0x46: {  	v57 =	vld.idx.msk [tilespmem:v1+s24+$0x230 ss:$0x1], $0xffff;
	[tilespmem:v3+s23+$0x460 ss:$0x1] =	vst.idx.msk $0xffff, v54  }
0x47: {  	[tilespmem:v3+s23+$0x470 ss:$0x1] =	vst.idx.msk $0xffff, v4;
	v4 =	vld.idx.msk [tilespmem:v1+s24+$0x240 ss:$0x1], $0xffff  }
0x48: {  	[tilespmem:v0+s25+$0x800 ss:$0x1] =	vst.idx.msk $0xffff, v5;
	v5 =	vld.idx.msk [tilespmem:v1+s24+$0x250 ss:$0x1], $0xffff  }
0x49: {  	v58 =	vld.idx.msk [tilespmem:v1+s24+$0x260 ss:$0x1], $0xffff;
	[tilespmem:v3+s23+$0x810 ss:$0x1] =	vst.idx.msk $0xffff, v55  }
0x4a: {  	v59 =	vld.idx.msk [tilespmem:v1+s24+$0x270 ss:$0x1], $0xffff;
	[tilespmem:v3+s23+$0x820 ss:$0x1] =	vst.idx.msk $0xffff, v56  }
0x4b: {  	v60 =	vld.idx.msk [tilespmem:v1+s24+$0x300 ss:$0x1], $0xffff;
	[tilespmem:v3+s23+$0x830 ss:$0x1] =	vst.idx.msk $0xffff, v57  }
0x4c: {  	[tilespmem:v3+s23+$0x840 ss:$0x1] =	vst.idx.msk $0xffff, v4;
	v4 =	vld.idx.msk [tilespmem:v1+s24+$0x310 ss:$0x1], $0xffff  }
0x4d: {  	[tilespmem:v3+s23+$0x850 ss:$0x1] =	vst.idx.msk $0xffff, v5;
	v5 =	vld.idx.msk [tilespmem:v1+s24+$0x320 ss:$0x1], $0xffff  }
0x4e: {  	v61 =	vld.idx.msk [tilespmem:v1+s24+$0x330 ss:$0x1], $0xffff;
	[tilespmem:v3+s23+$0x860 ss:$0x1] =	vst.idx.msk $0xffff, v58  }
0x4f: {  	v62 =	vld.idx.msk [tilespmem:v1+s24+$0x340 ss:$0x1], $0xffff;
	[tilespmem:v3+s23+$0x870 ss:$0x1] =	vst.idx.msk $0xffff, v59  }
0x50: {  	v63 =	vld.idx.msk [tilespmem:v1+s24+$0x350 ss:$0x1], $0xffff;
	[tilespmem:v0+s25+$0xC00 ss:$0x1] =	vst.idx.msk $0xffff, v60  }
0x51: {  	[tilespmem:v3+s23+$0xC10 ss:$0x1] =	vst.idx.msk $0xffff, v4;
	v4 =	vld.idx.msk [tilespmem:v1+s24+$0x360 ss:$0x1], $0xffff  }
0x52: {  	p2 =	por p1, p1;
	[tilespmem:v3+s23+$0xC20 ss:$0x1] =	vst.idx.msk $0xffff, v5;
	v5 =	vld.idx.msk [tilespmem:v1+s24+$0x370 ss:$0x1], $0xffff  }
.Ltmp3:
0x53: {  	[tilespmem:v3+s23+$0xC30 ss:$0x1] =	vst.idx.msk $0xffff, v61;
	(pc) =	sbr.rel @p2 .LBB1_5-.Ltmp3, $4  }
0x54: {  	[tilespmem:v3+s23+$0xC40 ss:$0x1] =	vst.idx.msk $0xffff, v62  }
0x55: {  	[tilespmem:v3+s23+$0xC50 ss:$0x1] =	vst.idx.msk $0xffff, v63  }
0x56: {  	[tilespmem:v3+s23+$0xC60 ss:$0x1] =	vst.idx.msk $0xffff, v4  }
0x57: {  	p1 =	por $0x0, $0x0;
	[tilespmem:v3+s23+$0xC70 ss:$0x1] =	vst.idx.msk $0xffff, v5;
	s23 =	simm.s32 $0x200  }
.Ltmp4:
0x58: {  	(pc) =	sbr.rel @p0 .LBB1_4-.Ltmp4, $2  }
0x59: {  	_ =	sdelay $0x2  }
0x5a: {  	s21 =	simm.s32 $0x1;
	p1 =	por $0x0, $0x0  }
0x5b: {  	s18 =	sadd.s32 $0x1, s18  }
0x5c: {  	p0 =	sne.s32 s18, $0x8  }
.Ltmp5:
0x5d: {  	_ = 	snop;
	(pc) =	sbr.rel @p0 .LBB1_3-.Ltmp5, $1  }
0x5e: {  	_ =	sdelay $0x3  }
0x5f: {  	s17 =	sand.u32 $0x78, s13  }
0x60: {  	s18 =	sshll.u32 s15, $0xB;
	s29 =	sshll.u32 s15, $0x7;
	s19 =	sshll.u32 s13, $0x3  }
0x61: {  	s14 =	sshll.u32 s14, $0x13;
	s31 =	sand.u32 $0x7, s13;
	s18 =	sand.u32 $0x3FC000, s18  }
0x62: {  	s15 =	sand.u32 $0x380, s29;
	s18 =	sadd.s32 s18, s19;
	s19 =	sand.u32 $0x400, s19  }
.Ltmp6:
0x63: {  	s15 =	sor.u32 s15, s17;
	s30 =	sshrl.u32 s18, $0x3;
	(pc) =	sbr.rel .LBB1_9-.Ltmp6, $4  }
0x64: {  	s14 =	sadd.s32 s2, s14;
	s15 =	sor.u32 s19, s15;
	s17 =	sand.u32 $0x7FF00, s30  }
0x65: {  	s13 =	sshll.u32 s31, $0x12;
	s15 =	sshrl.u32 s15, $0x3;
	s14 =	sadd.s32 s17, s14  }
0x66: {  	s13 =	sor.u32 $0x2000, s13;
	s14 =	sadd.s32 s15, s14  }
0x67: {  	[hbm4b:s14+s13] =	stream.strided.scatter [tilespmem:s16], [sflag:$0x2], $0x4000, s8, s13, $0x38;
	[tilespmem:$0x10000] =	vst v63  }
.LBB1_10:
0x68: {  	_ =	sfence.sel $0x180000  }
0x69: {  	s2 =	simm.s32 $0x1;
	[bflag:$0x0] =	sbarrier.arrive $0xFFFF  }
0x6a: {  	s31 =	simm.s32 $0x2;
	[sflag:s2] =	ssyncpa.u1 $0x1  }
0x6b: {  	[sflag:s31] =	ssyncpa.u1 $0x1  }
0x6c: {  	p0 =	sne.s32 s0, $0x0;
	_ =	strace $0x9000006B  }
0x6d: {  	s0 =	sadd.s32 @!p0 $0x100000, s1;
	[bflag:$0x2] =	sbarrier.arrive $0xFFFF  }
0x6e: {  	[sflag:s0] =	ssyncadd.tile.s32 @!p0 $0x1;
	_ =	shalt  }
.Lfunc_end1:
_tile_overlayer_lowered:
.L_overlay_start_2:
0x6f: {  	(tag) =	ssettag $0x2  }
0x70: {  	s0 =	rddreg [dreg:$0x0];
	s2 =	stileid.u32  }
0x71: {  	s1 =	rddreg [dreg:$0x1];
	p0 =	sne.s32 s2, $0x0  }
0x72: {  	s3 =	rddreg [dreg:$0x2];
	[bflag:$0x3] =	sbarrier.arrive $0xFFFF;
	s2 =	simm.s32 @!p0 $0x1C01  }
0x73: {  	[timem:s3], [sflag:s2] =	dma.local @!p0 [hbm:s0], s1  }
0x74: {  	s0 =	simm.s32 @!p0 $0x1  }
0x75: {  	_ =	swait.ge @!p0 [sflag:s0], s1  }
0x76: {  	s1 =	ssub.s32 @!p0 $0x0, s1;
	[sflag:s0] =	ssyncset.done @!p0 $0x0  }
0x77: {  	[sflag:s0] =	ssyncadd.s32 @!p0 s1  }
0x78: {  	[bflag:$0x3] =	sbarrier.arrive $0xFFFF  }
0x79: {  	_ =	shalt  }

</sc_bundles>
